<compile_context>
chip_gen: v7x
topology: tpu7x:2x2x1
jax: 0.10.2.dev20260603
libtpu: 0.0.44.dev20260713+nightly
codegen_flags: <defaults>
</compile_context>

<pallas_src>
import jax
import jax.numpy as jnp
from jax import lax
from jax.experimental import pallas as pl
from jax.experimental.pallas import tpu as pltpu
from jax.experimental.pallas import tpu_sc as plsc

N = 10000
C = 128
H = 32
G = 8
CpG = 16

NC = 2
NS = 16
NW = NC * NS

QC = 4
QPW = 320
NCHUNK = QPW // QC
NTAB = 10240


def _mm_body(x_ref, wt_ref, b_ref, o_ref):
    o_ref[...] = (
        jnp.dot(x_ref[...], wt_ref[...], preferred_element_type=jnp.float32)
        + b_ref[...]
    )


def _attention_mm(x, wt, b2):
    m = x.shape[0]
    bm = 1000
    return pl.pallas_call(
        _mm_body,
        grid=(m // bm,),
        in_specs=[
            pl.BlockSpec((bm, C), lambda i: (i, 0)),
            pl.BlockSpec((C, H * CpG), lambda i: (0, 0)),
            pl.BlockSpec((1, H * CpG), lambda i: (0, 0)),
        ],
        out_specs=pl.BlockSpec((bm, H * CpG), lambda i: (i, 0)),
        out_shape=jax.ShapeDtypeStruct((m, H * CpG), jnp.float32),
    )(x, wt, b2)


def _sc_body(sf_hbm, aw_hbm, idx_hbm, out_hbm,
             sf_spm, idx_v, rows_v, aw_v, out_v,
             isem0, isem1, gsem0, gsem1, asem0, asem1, osem0, osem1):
    sid = lax.axis_index("s")
    wid = sid * NC + lax.axis_index("c")

    rows_per = NTAB // NS
    pltpu.sync_copy(
        sf_hbm.at[pl.ds(sid * rows_per, rows_per)],
        sf_spm.at[pl.ds(sid * rows_per, rows_per)],
    )
    plsc.subcore_barrier()
    qbase = wid * QPW
    isems = (isem0, isem1)
    gsems = (gsem0, gsem1)
    asems = (asem0, asem1)
    osems = (osem0, osem1)

    def q0_of(i):
        return jnp.minimum(qbase + i * QC, N - QC)

    def edge_off(i):
        return pl.multiple_of(q0_of(i) * H, QC * H)

    def idx_pair(i, s):
        return idx_hbm.at[pl.ds(edge_off(i), QC * H)], idx_v.at[s]

    def aw_pair(i, s):
        return aw_hbm.at[pl.ds(q0_of(i), QC)], aw_v.at[s]

    def gather_pair(s):
        return sf_spm.at[idx_v.at[s]], rows_v.at[s]

    def out_pair(i, s):
        return out_v.at[s], out_hbm.at[pl.ds(q0_of(i), QC)]

    def compute(s):
        def hbody(h, acc):
            new = []
            for q in range(QC):
                r = q * H + h
                w = aw_v[s, q, pl.ds(h * CpG, CpG)]
                for j in range(G // 2):
                    packed = rows_v[s, r, pl.ds(j * CpG, CpG)]
                    a = lax.bitcast_convert_type(packed << 16, jnp.float32)
                    b2 = lax.bitcast_convert_type(packed, jnp.float32)
                    new.append(acc[q * G + 2 * j] + a * w)
                    new.append(acc[q * G + 2 * j + 1] + b2 * w)
            return tuple(new)

        acc = lax.fori_loop(
            0, H, hbody, (jnp.zeros((CpG,), jnp.float32),) * (QC * G)
        )
        for q in range(QC):
            for j in range(G):
                out_v[s, q, pl.ds(j * CpG, CpG)] = acc[q * G + j]

    def chunk(i, b, pf_next, pf_idx, w_out):
        pltpu.make_async_copy(*gather_pair(b), gsems[b]).wait()
        pltpu.make_async_copy(*aw_pair(i, b), asems[b]).wait()
        if pf_next:
            pltpu.make_async_copy(*idx_pair(i + 1, 1 - b), isems[1 - b]).wait()
            pltpu.async_copy(*gather_pair(1 - b), gsems[1 - b])
            pltpu.async_copy(*aw_pair(i + 1, 1 - b), asems[1 - b])
        if pf_idx:
            pltpu.async_copy(*idx_pair(i + 2, b), isems[b])
        if w_out:
            pltpu.make_async_copy(*out_pair(i, b), osems[b]).wait()
        compute(b)
        pltpu.async_copy(*out_pair(i, b), osems[b])

    pltpu.async_copy(*idx_pair(0, 0), isems[0])
    pltpu.async_copy(*idx_pair(1, 1), isems[1])
    pltpu.make_async_copy(*idx_pair(0, 0), isems[0]).wait()
    pltpu.async_copy(*gather_pair(0), gsems[0])
    pltpu.async_copy(*aw_pair(0, 0), asems[0])

    chunk(0, 0, True, True, False)
    chunk(1, 1, True, True, False)

    def steady(g, carry):
        i = 2 * g
        chunk(i, 0, True, True, True)
        chunk(i + 1, 1, True, True, True)
        return carry

    lax.fori_loop(1, NCHUNK // 2 - 1, steady, 0)

    chunk(NCHUNK - 2, 0, True, False, True)
    chunk(NCHUNK - 1, 1, False, False, True)
    pltpu.make_async_copy(*out_pair(NCHUNK - 2, 0), osems[0]).wait()
    pltpu.make_async_copy(*out_pair(NCHUNK - 1, 1), osems[1]).wait()


_sc_call = pl.kernel(
    _sc_body,
    out_type=jax.ShapeDtypeStruct((N, C), jnp.float32),
    mesh=plsc.VectorSubcoreMesh(
        core_axis_name="c", subcore_axis_name="s", num_cores=NC, num_subcores=NS
    ),
    scratch_types=[
        pltpu.VMEM_SHARED((NTAB, C // 2), jnp.int32),
        pltpu.VMEM((2, QC * H), jnp.int32),
        pltpu.VMEM((2, QC * H, C // 2), jnp.int32),
        pltpu.VMEM((2, QC, H * CpG), jnp.float32),
        pltpu.VMEM((2, QC, C), jnp.float32),
        pltpu.SemaphoreType.DMA,
        pltpu.SemaphoreType.DMA,
        pltpu.SemaphoreType.DMA,
        pltpu.SemaphoreType.DMA,
        pltpu.SemaphoreType.DMA,
        pltpu.SemaphoreType.DMA,
        pltpu.SemaphoreType.DMA,
        pltpu.SemaphoreType.DMA,
    ],
    compiler_params=pltpu.CompilerParams(use_tc_tiling_on_sc=False),
)


def kernel(q_pts, s_pts, s_feats, neighb_inds, W, b):
    sf_pair = (
        s_feats.reshape(N, CpG, G // 2, 2)
        .transpose(0, 2, 1, 3)
        .astype(jnp.bfloat16)
    )
    sf_t = jnp.pad(
        jax.lax.bitcast_convert_type(sf_pair, jnp.int32).reshape(N, C // 2),
        ((0, NTAB - N), (0, 0)),
    )
    aw = _attention_mm(s_feats, W.T, b.reshape(1, H * CpG))
    idx_flat = neighb_inds.reshape(N * H)
    out_t = _sc_call(sf_t, aw, idx_flat)
    return out_t.reshape(N, G, CpG).transpose(0, 2, 1).reshape(N, C)

# --- scband reference (transcript-rebuilt; emitter-appended) ---
"""Pipeline reference for scband-point-involution-v1-23278722744989 (READ-ONLY COPY).

The authoritative reference and input builder live on the scoring server;
editing this copy changes nothing except your own understanding.
"""

import jax, jax.numpy as jnp
import numpy as np

N = 10000
C = 128
H = 32
G = 8
CpG = C // G  # 16

def setup_inputs(seed: int = 0) -> dict:
    key = jax.random.key(seed)
    ks = jax.random.split(key, 6)
    q_pts = jax.random.normal(ks[0], (N, 3), dtype=jnp.float32)
    s_pts = jax.random.normal(ks[1], (N, 3), dtype=jnp.float32)
    s_feats = jax.random.normal(ks[2], (N, C), dtype=jnp.float32)
    neighb_inds = jax.random.randint(ks[3], (N, H), 0, N, dtype=jnp.int32)
    # alpha_layers=1 -> alpha_mlp is a single nn.Linear(C, H*CpG)
    bound = 1.0 / np.sqrt(C)
    W = jax.random.uniform(ks[4], (H * CpG, C), minval=-bound, maxval=bound, dtype=jnp.float32)
    b = jax.random.uniform(ks[5], (H * CpG,), minval=-bound, maxval=bound, dtype=jnp.float32)
    return {"q_pts": q_pts, "s_pts": s_pts, "s_feats": s_feats,
            "neighb_inds": neighb_inds, "W": W, "b": b}

def reference(q_pts, s_pts, s_feats, neighb_inds, W, b):
    # pad support features with a zero row (index N acts as 'no neighbor')
    padded_s_feats = jnp.concatenate([s_feats, jnp.zeros_like(s_feats[:1, :])], axis=0)
    # gather neighbor features: (M, H, C)
    neighbor_feats = jnp.take(padded_s_feats, neighb_inds, axis=0)
    # q_pts.shape[0] == s_pts.shape[0] -> same-resolution branch
    pooled_feats = s_feats
    # alpha_mlp: single linear layer (alpha_layers=1)
    attention_weights = pooled_feats @ W.T + b  # (M, H*CpG)
    nf = neighbor_feats.reshape(-1, H, CpG, G)
    aw = attention_weights.reshape(-1, H, CpG)
    output_feats = jnp.sum(nf * aw[..., None], axis=1)  # (M, CpG, G)
    return output_feats.reshape(-1, C)

if __name__ == "__main__":
    import jax
    _d = setup_inputs()
    print(jax.jit(kernel)(*tuple(_d.values())))

</pallas_src>

<mosaic_0001>
#map = affine_map<(d0, d1) -> (0, 0)>
#map1 = affine_map<(d0, d1) -> (0)>
module attributes {stable_mosaic.version = 14 : i64} {
  func.func @_sc_body(%arg0: i32, %arg1: i32, %arg2: memref<10240x64xi32, #tpu.memory_space<hbm>>, %arg3: memref<10000x512xf32, #tpu.memory_space<hbm>>, %arg4: memref<320000xi32, #tpu.memory_space<hbm>>, %arg5: memref<10000x128xf32, #tpu.memory_space<hbm>>, %arg6: memref<10240x64xi32, #tpu.memory_space<vmem_shared>>, %arg7: memref<2x128xi32, #tpu.memory_space<vmem>>, %arg8: memref<2x128x64xi32, #tpu.memory_space<vmem>>, %arg9: memref<2x4x512xf32, #tpu.memory_space<vmem>>, %arg10: memref<2x4x128xf32, #tpu.memory_space<vmem>>, %arg11: memref<!tpu.dma_semaphore, #tpu.memory_space<semaphore_mem>>, %arg12: memref<!tpu.dma_semaphore, #tpu.memory_space<semaphore_mem>>, %arg13: memref<!tpu.dma_semaphore, #tpu.memory_space<semaphore_mem>>, %arg14: memref<!tpu.dma_semaphore, #tpu.memory_space<semaphore_mem>>, %arg15: memref<!tpu.dma_semaphore, #tpu.memory_space<semaphore_mem>>, %arg16: memref<!tpu.dma_semaphore, #tpu.memory_space<semaphore_mem>>, %arg17: memref<!tpu.dma_semaphore, #tpu.memory_space<semaphore_mem>>, %arg18: memref<!tpu.dma_semaphore, #tpu.memory_space<semaphore_mem>>) attributes {dimension_semantics = [#tpu.dimension_semantics<core_parallel>, #tpu.dimension_semantics<subcore_parallel>], iteration_bounds = array<i64: 2, 16>, scalar_prefetch = 0 : i64, scratch_operands = 13 : i64, tpu.core_type = #tpu.core_type<sc_vector_subcore>, window_params = [{transform_indices = #map}, {transform_indices = #map}, {transform_indices = #map1}, {transform_indices = #map}]} {
    %mul3A = arith.constant 2 : i32
    %mul3A_0 = arith.muli %arg1, %mul3A : i32
    %add3A = arith.addi %mul3A_0, %arg0 : i32
    %mul3A_1 = arith.constant 640 : i32
    %mul3A_2 = arith.muli %arg1, %mul3A_1 : i32
    %mul3A_3 = arith.constant 640 : i32
    %mul3A_4 = arith.muli %arg1, %mul3A_3 : i32
    "tpu.region"() ({
      %run_scoped3A = tpu.sem_alloc : memref<!tpu.dma_semaphore, #tpu.memory_space<semaphore_mem>>
      %dma_start3A_1558 = arith.constant 0 : i32
      %dma_start3A_1559 = tpu.memref_slice %arg6[%mul3A_4, %dma_start3A_1558] : memref<10240x64xi32, #tpu.memory_space<vmem_shared>> -> memref<640x64xi32, #tpu.memory_space<vmem_shared>>
      %dma_start3A_1560 = arith.constant 0 : i32
      %dma_start3A_1561 = tpu.memref_slice %arg2[%mul3A_2, %dma_start3A_1560] : memref<10240x64xi32, #tpu.memory_space<hbm>> -> memref<640x64xi32, #tpu.memory_space<hbm>>
      tpu.enqueue_dma source(%dma_start3A_1561 : memref<640x64xi32, #tpu.memory_space<hbm>>) target(%dma_start3A_1559 : memref<640x64xi32, #tpu.memory_space<vmem_shared>>) target_semaphore(%run_scoped3A : memref<!tpu.dma_semaphore, #tpu.memory_space<semaphore_mem>>)
      %dma_wait3A_1562 = arith.constant 0 : i32
      %dma_wait3A_1563 = tpu.memref_slice %arg6[%mul3A_4, %dma_wait3A_1562] : memref<10240x64xi32, #tpu.memory_space<vmem_shared>> -> memref<640x64xi32, #tpu.memory_space<vmem_shared>>
      %dma_wait3A_1564 = arith.constant 0 : i32
      %dma_wait3A_1565 = tpu.memref_slice %arg2[%mul3A_2, %dma_wait3A_1564] : memref<10240x64xi32, #tpu.memory_space<hbm>> -> memref<640x64xi32, #tpu.memory_space<hbm>>
      tpu.wait_dma2 semaphore(%run_scoped3A : memref<!tpu.dma_semaphore, #tpu.memory_space<semaphore_mem>>) src(%dma_wait3A_1565 : memref<640x64xi32, #tpu.memory_space<hbm>>) dst(%dma_wait3A_1563 : memref<640x64xi32, #tpu.memory_space<vmem_shared>>)
      tpu.yield
    }) : () -> ()
    %barrier3A = arith.constant 0 : index
    tpu.barrier barrier_id(%barrier3A)
    %mul3A_5 = arith.constant 320 : i32
    %mul3A_6 = arith.muli %add3A, %mul3A_5 : i32
    %add3A_7 = arith.constant 0 : i32
    %add3A_8 = arith.addi %mul3A_6, %add3A_7 : i32
    %min3A = arith.constant 9996 : i32
    %min3A_9 = arith.minsi %add3A_8, %min3A : i32
    %mul3A_10 = arith.constant 32 : i32
    %mul3A_11 = arith.muli %min3A_9, %mul3A_10 : i32
    %multiple_of3A = tpu.assume_multiple %mul3A_11, 128 : i32
    %dma_start3A = arith.constant 0 : i32
    %dma_start3A_12 = arith.constant 0 : i32
    %dma_start3A_13 = tpu.memref_slice %arg7[%dma_start3A, %dma_start3A_12] : memref<2x128xi32, #tpu.memory_space<vmem>> -> memref<1x128xi32, #tpu.memory_space<vmem>>
    %dma_start3A_14 = tpu.memref_squeeze %dma_start3A_13 : memref<1x128xi32, #tpu.memory_space<vmem>> -> memref<128xi32, #tpu.memory_space<vmem>>
    %dma_start3A_15 = tpu.memref_slice %arg4[%multiple_of3A] : memref<320000xi32, #tpu.memory_space<hbm>> -> memref<128xi32, #tpu.memory_space<hbm>>
    %dma_start3A_16 = arith.constant 0 : i32
    %dma_start3A_17 = tpu.memref_slice %arg7[%dma_start3A, %dma_start3A_16] : memref<2x128xi32, #tpu.memory_space<vmem>> -> memref<1x128xi32, #tpu.memory_space<vmem>>
    %dma_start3A_18 = tpu.memref_squeeze %dma_start3A_17 : memref<1x128xi32, #tpu.memory_space<vmem>> -> memref<128xi32, #tpu.memory_space<vmem>>
    %dma_start3A_19 = tpu.memref_slice %arg4[%multiple_of3A] : memref<320000xi32, #tpu.memory_space<hbm>> -> memref<128xi32, #tpu.memory_space<hbm>>
    tpu.enqueue_dma source(%dma_start3A_19 : memref<128xi32, #tpu.memory_space<hbm>>) target(%dma_start3A_18 : memref<128xi32, #tpu.memory_space<vmem>>) target_semaphore(%arg11 : memref<!tpu.dma_semaphore, #tpu.memory_space<semaphore_mem>>)
    %add3A_20 = arith.constant 4 : i32
    %add3A_21 = arith.addi %mul3A_6, %add3A_20 : i32
    %min3A_22 = arith.constant 9996 : i32
    %min3A_23 = arith.minsi %add3A_21, %min3A_22 : i32
    %mul3A_24 = arith.constant 32 : i32
    %mul3A_25 = arith.muli %min3A_23, %mul3A_24 : i32
    %multiple_of3A_26 = tpu.assume_multiple %mul3A_25, 128 : i32
    %dma_start3A_27 = arith.constant 1 : i32
    %dma_start3A_28 = arith.constant 0 : i32
    %dma_start3A_29 = tpu.memref_slice %arg7[%dma_start3A_27, %dma_start3A_28] : memref<2x128xi32, #tpu.memory_space<vmem>> -> memref<1x128xi32, #tpu.memory_space<vmem>>
    %dma_start3A_30 = tpu.memref_squeeze %dma_start3A_29 : memref<1x128xi32, #tpu.memory_space<vmem>> -> memref<128xi32, #tpu.memory_space<vmem>>
    %dma_start3A_31 = tpu.memref_slice %arg4[%multiple_of3A_26] : memref<320000xi32, #tpu.memory_space<hbm>> -> memref<128xi32, #tpu.memory_space<hbm>>
    %dma_start3A_32 = arith.constant 0 : i32
    %dma_start3A_33 = tpu.memref_slice %arg7[%dma_start3A_27, %dma_start3A_32] : memref<2x128xi32, #tpu.memory_space<vmem>> -> memref<1x128xi32, #tpu.memory_space<vmem>>
    %dma_start3A_34 = tpu.memref_squeeze %dma_start3A_33 : memref<1x128xi32, #tpu.memory_space<vmem>> -> memref<128xi32, #tpu.memory_space<vmem>>
    %dma_start3A_35 = tpu.memref_slice %arg4[%multiple_of3A_26] : memref<320000xi32, #tpu.memory_space<hbm>> -> memref<128xi32, #tpu.memory_space<hbm>>
    tpu.enqueue_dma source(%dma_start3A_35 : memref<128xi32, #tpu.memory_space<hbm>>) target(%dma_start3A_34 : memref<128xi32, #tpu.memory_space<vmem>>) target_semaphore(%arg12 : memref<!tpu.dma_semaphore, #tpu.memory_space<semaphore_mem>>)
    %add3A_36 = arith.constant 0 : i32
    %add3A_37 = arith.addi %mul3A_6, %add3A_36 : i32
    %min3A_38 = arith.constant 9996 : i32
    %min3A_39 = arith.minsi %add3A_37, %min3A_38 : i32
    %mul3A_40 = arith.constant 32 : i32
    %mul3A_41 = arith.muli %min3A_39, %mul3A_40 : i32
    %multiple_of3A_42 = tpu.assume_multiple %mul3A_41, 128 : i32
    %dma_wait3A = arith.constant 0 : i32
    %dma_wait3A_43 = arith.constant 0 : i32
    %dma_wait3A_44 = tpu.memref_slice %arg7[%dma_wait3A, %dma_wait3A_43] : memref<2x128xi32, #tpu.memory_space<vmem>> -> memref<1x128xi32, #tpu.memory_space<vmem>>
    %dma_wait3A_45 = tpu.memref_squeeze %dma_wait3A_44 : memref<1x128xi32, #tpu.memory_space<vmem>> -> memref<128xi32, #tpu.memory_space<vmem>>
    %dma_wait3A_46 = tpu.memref_slice %arg4[%multiple_of3A_42] : memref<320000xi32, #tpu.memory_space<hbm>> -> memref<128xi32, #tpu.memory_space<hbm>>
    %dma_wait3A_47 = arith.constant 0 : i32
    %dma_wait3A_48 = tpu.memref_slice %arg7[%dma_wait3A, %dma_wait3A_47] : memref<2x128xi32, #tpu.memory_space<vmem>> -> memref<1x128xi32, #tpu.memory_space<vmem>>
    %dma_wait3A_49 = tpu.memref_squeeze %dma_wait3A_48 : memref<1x128xi32, #tpu.memory_space<vmem>> -> memref<128xi32, #tpu.memory_space<vmem>>
    %dma_wait3A_50 = tpu.memref_slice %arg4[%multiple_of3A_42] : memref<320000xi32, #tpu.memory_space<hbm>> -> memref<128xi32, #tpu.memory_space<hbm>>
    tpu.wait_dma2 semaphore(%arg11 : memref<!tpu.dma_semaphore, #tpu.memory_space<semaphore_mem>>) src(%dma_wait3A_50 : memref<128xi32, #tpu.memory_space<hbm>>) dst(%dma_wait3A_49 : memref<128xi32, #tpu.memory_space<vmem>>)
    %dma_start3A_51 = arith.constant 0 : i32
    %dma_start3A_52 = arith.constant 0 : i32
    %dma_start3A_53 = arith.constant 0 : i32
    %dma_start3A_54 = arith.constant 0 : i32
    %dma_start3A_55 = tpu.memref_slice %arg8[%dma_start3A_52, %dma_start3A_53, %dma_start3A_54] : memref<2x128x64xi32, #tpu.memory_space<vmem>> -> memref<1x128x64xi32, #tpu.memory_space<vmem>>
    %dma_start3A_56 = tpu.memref_squeeze %dma_start3A_55 : memref<1x128x64xi32, #tpu.memory_space<vmem>> -> memref<128x64xi32, #tpu.memory_space<vmem>>
    %dma_start3A_57 = arith.constant 0 : i32
    %dma_start3A_58 = tpu.memref_slice %arg7[%dma_start3A_51, %dma_start3A_57] : memref<2x128xi32, #tpu.memory_space<vmem>> -> memref<1x128xi32, #tpu.memory_space<vmem>>
    %dma_start3A_59 = tpu.memref_squeeze %dma_start3A_58 : memref<1x128xi32, #tpu.memory_space<vmem>> -> memref<128xi32, #tpu.memory_space<vmem>>
    %dma_start3A_60 = arith.constant 0 : i32
    %dma_start3A_61 = arith.constant 0 : i32
    %dma_start3A_62 = tpu.memref_slice %arg6[%dma_start3A_60, %dma_start3A_61] : memref<10240x64xi32, #tpu.memory_space<vmem_shared>> -> memref<10240x64xi32, #tpu.memory_space<vmem_shared>>
    tpu.enqueue_indirect_dma source(%dma_start3A_62 : memref<10240x64xi32, #tpu.memory_space<vmem_shared>>) target(%dma_start3A_56 : memref<128x64xi32, #tpu.memory_space<vmem>>) offsets(%dma_start3A_59 : memref<128xi32, #tpu.memory_space<vmem>>) semaphore(%arg13 : memref<!tpu.dma_semaphore, #tpu.memory_space<semaphore_mem>>)
    %add3A_63 = arith.constant 0 : i32
    %add3A_64 = arith.addi %mul3A_6, %add3A_63 : i32
    %min3A_65 = arith.constant 9996 : i32
    %min3A_66 = arith.minsi %add3A_64, %min3A_65 : i32
    %dma_start3A_67 = arith.constant 0 : i32
    %dma_start3A_68 = arith.constant 0 : i32
    %dma_start3A_69 = arith.constant 0 : i32
    %dma_start3A_70 = tpu.memref_slice %arg9[%dma_start3A_67, %dma_start3A_68, %dma_start3A_69] : memref<2x4x512xf32, #tpu.memory_space<vmem>> -> memref<1x4x512xf32, #tpu.memory_space<vmem>>
    %dma_start3A_71 = tpu.memref_squeeze %dma_start3A_70 : memref<1x4x512xf32, #tpu.memory_space<vmem>> -> memref<4x512xf32, #tpu.memory_space<vmem>>
    %dma_start3A_72 = arith.constant 0 : i32
    %dma_start3A_73 = tpu.memref_slice %arg3[%min3A_66, %dma_start3A_72] : memref<10000x512xf32, #tpu.memory_space<hbm>> -> memref<4x512xf32, #tpu.memory_space<hbm>>
    %dma_start3A_74 = arith.constant 0 : i32
    %dma_start3A_75 = arith.constant 0 : i32
    %dma_start3A_76 = tpu.memref_slice %arg9[%dma_start3A_67, %dma_start3A_74, %dma_start3A_75] : memref<2x4x512xf32, #tpu.memory_space<vmem>> -> memref<1x4x512xf32, #tpu.memory_space<vmem>>
    %dma_start3A_77 = tpu.memref_squeeze %dma_start3A_76 : memref<1x4x512xf32, #tpu.memory_space<vmem>> -> memref<4x512xf32, #tpu.memory_space<vmem>>
    %dma_start3A_78 = arith.constant 0 : i32
    %dma_start3A_79 = tpu.memref_slice %arg3[%min3A_66, %dma_start3A_78] : memref<10000x512xf32, #tpu.memory_space<hbm>> -> memref<4x512xf32, #tpu.memory_space<hbm>>
    tpu.enqueue_dma source(%dma_start3A_79 : memref<4x512xf32, #tpu.memory_space<hbm>>) target(%dma_start3A_77 : memref<4x512xf32, #tpu.memory_space<vmem>>) target_semaphore(%arg15 : memref<!tpu.dma_semaphore, #tpu.memory_space<semaphore_mem>>)
    %dma_wait3A_80 = arith.constant 0 : i32
    %dma_wait3A_81 = arith.constant 0 : i32
    %dma_wait3A_82 = arith.constant 0 : i32
    %dma_wait3A_83 = arith.constant 0 : i32
    %dma_wait3A_84 = tpu.memref_slice %arg8[%dma_wait3A_81, %dma_wait3A_82, %dma_wait3A_83] : memref<2x128x64xi32, #tpu.memory_space<vmem>> -> memref<1x128x64xi32, #tpu.memory_space<vmem>>
    %dma_wait3A_85 = tpu.memref_squeeze %dma_wait3A_84 : memref<1x128x64xi32, #tpu.memory_space<vmem>> -> memref<128x64xi32, #tpu.memory_space<vmem>>
    %dma_wait3A_86 = arith.constant 0 : i32
    %dma_wait3A_87 = tpu.memref_slice %arg7[%dma_wait3A_80, %dma_wait3A_86] : memref<2x128xi32, #tpu.memory_space<vmem>> -> memref<1x128xi32, #tpu.memory_space<vmem>>
    %dma_wait3A_88 = tpu.memref_squeeze %dma_wait3A_87 : memref<1x128xi32, #tpu.memory_space<vmem>> -> memref<128xi32, #tpu.memory_space<vmem>>
    %dma_wait3A_89 = arith.constant 0 : i32
    %dma_wait3A_90 = arith.constant 0 : i32
    %dma_wait3A_91 = tpu.memref_slice %arg6[%dma_wait3A_89, %dma_wait3A_90] : memref<10240x64xi32, #tpu.memory_space<vmem_shared>> -> memref<10240x64xi32, #tpu.memory_space<vmem_shared>>
    tpu.wait_indirect_dma semaphore(%arg13 : memref<!tpu.dma_semaphore, #tpu.memory_space<semaphore_mem>>) src(%dma_wait3A_91 : memref<10240x64xi32, #tpu.memory_space<vmem_shared>>) dst(%dma_wait3A_85 : memref<128x64xi32, #tpu.memory_space<vmem>>)
    %add3A_92 = arith.constant 0 : i32
    %add3A_93 = arith.addi %mul3A_6, %add3A_92 : i32
    %min3A_94 = arith.constant 9996 : i32
    %min3A_95 = arith.minsi %add3A_93, %min3A_94 : i32
    %dma_wait3A_96 = arith.constant 0 : i32
    %dma_wait3A_97 = arith.constant 0 : i32
    %dma_wait3A_98 = arith.constant 0 : i32
    %dma_wait3A_99 = tpu.memref_slice %arg9[%dma_wait3A_96, %dma_wait3A_97, %dma_wait3A_98] : memref<2x4x512xf32, #tpu.memory_space<vmem>> -> memref<1x4x512xf32, #tpu.memory_space<vmem>>
    %dma_wait3A_100 = tpu.memref_squeeze %dma_wait3A_99 : memref<1x4x512xf32, #tpu.memory_space<vmem>> -> memref<4x512xf32, #tpu.memory_space<vmem>>
    %dma_wait3A_101 = arith.constant 0 : i32
    %dma_wait3A_102 = tpu.memref_slice %arg3[%min3A_95, %dma_wait3A_101] : memref<10000x512xf32, #tpu.memory_space<hbm>> -> memref<4x512xf32, #tpu.memory_space<hbm>>
    %dma_wait3A_103 = arith.constant 0 : i32
    %dma_wait3A_104 = arith.constant 0 : i32
    %dma_wait3A_105 = tpu.memref_slice %arg9[%dma_wait3A_96, %dma_wait3A_103, %dma_wait3A_104] : memref<2x4x512xf32, #tpu.memory_space<vmem>> -> memref<1x4x512xf32, #tpu.memory_space<vmem>>
    %dma_wait3A_106 = tpu.memref_squeeze %dma_wait3A_105 : memref<1x4x512xf32, #tpu.memory_space<vmem>> -> memref<4x512xf32, #tpu.memory_space<vmem>>
    %dma_wait3A_107 = arith.constant 0 : i32
    %dma_wait3A_108 = tpu.memref_slice %arg3[%min3A_95, %dma_wait3A_107] : memref<10000x512xf32, #tpu.memory_space<hbm>> -> memref<4x512xf32, #tpu.memory_space<hbm>>
    tpu.wait_dma2 semaphore(%arg15 : memref<!tpu.dma_semaphore, #tpu.memory_space<semaphore_mem>>) src(%dma_wait3A_108 : memref<4x512xf32, #tpu.memory_space<hbm>>) dst(%dma_wait3A_106 : memref<4x512xf32, #tpu.memory_space<vmem>>)
    %add3A_109 = arith.constant 4 : i32
    %add3A_110 = arith.addi %mul3A_6, %add3A_109 : i32
    %min3A_111 = arith.constant 9996 : i32
    %min3A_112 = arith.minsi %add3A_110, %min3A_111 : i32
    %mul3A_113 = arith.constant 32 : i32
    %mul3A_114 = arith.muli %min3A_112, %mul3A_113 : i32
    %multiple_of3A_115 = tpu.assume_multiple %mul3A_114, 128 : i32
    %dma_wait3A_116 = arith.constant 1 : i32
    %dma_wait3A_117 = arith.constant 0 : i32
    %dma_wait3A_118 = tpu.memref_slice %arg7[%dma_wait3A_116, %dma_wait3A_117] : memref<2x128xi32, #tpu.memory_space<vmem>> -> memref<1x128xi32, #tpu.memory_space<vmem>>
    %dma_wait3A_119 = tpu.memref_squeeze %dma_wait3A_118 : memref<1x128xi32, #tpu.memory_space<vmem>> -> memref<128xi32, #tpu.memory_space<vmem>>
    %dma_wait3A_120 = tpu.memref_slice %arg4[%multiple_of3A_115] : memref<320000xi32, #tpu.memory_space<hbm>> -> memref<128xi32, #tpu.memory_space<hbm>>
    %dma_wait3A_121 = arith.constant 0 : i32
    %dma_wait3A_122 = tpu.memref_slice %arg7[%dma_wait3A_116, %dma_wait3A_121] : memref<2x128xi32, #tpu.memory_space<vmem>> -> memref<1x128xi32, #tpu.memory_space<vmem>>
    %dma_wait3A_123 = tpu.memref_squeeze %dma_wait3A_122 : memref<1x128xi32, #tpu.memory_space<vmem>> -> memref<128xi32, #tpu.memory_space<vmem>>
    %dma_wait3A_124 = tpu.memref_slice %arg4[%multiple_of3A_115] : memref<320000xi32, #tpu.memory_space<hbm>> -> memref<128xi32, #tpu.memory_space<hbm>>
    tpu.wait_dma2 semaphore(%arg12 : memref<!tpu.dma_semaphore, #tpu.memory_space<semaphore_mem>>) src(%dma_wait3A_124 : memref<128xi32, #tpu.memory_space<hbm>>) dst(%dma_wait3A_123 : memref<128xi32, #tpu.memory_space<vmem>>)
    %dma_start3A_125 = arith.constant 1 : i32
    %dma_start3A_126 = arith.constant 1 : i32
    %dma_start3A_127 = arith.constant 0 : i32
    %dma_start3A_128 = arith.constant 0 : i32
    %dma_start3A_129 = tpu.memref_slice %arg8[%dma_start3A_126, %dma_start3A_127, %dma_start3A_128] : memref<2x128x64xi32, #tpu.memory_space<vmem>> -> memref<1x128x64xi32, #tpu.memory_space<vmem>>
    %dma_start3A_130 = tpu.memref_squeeze %dma_start3A_129 : memref<1x128x64xi32, #tpu.memory_space<vmem>> -> memref<128x64xi32, #tpu.memory_space<vmem>>
    %dma_start3A_131 = arith.constant 0 : i32
    %dma_start3A_132 = tpu.memref_slice %arg7[%dma_start3A_125, %dma_start3A_131] : memref<2x128xi32, #tpu.memory_space<vmem>> -> memref<1x128xi32, #tpu.memory_space<vmem>>
    %dma_start3A_133 = tpu.memref_squeeze %dma_start3A_132 : memref<1x128xi32, #tpu.memory_space<vmem>> -> memref<128xi32, #tpu.memory_space<vmem>>
    %dma_start3A_134 = arith.constant 0 : i32
    %dma_start3A_135 = arith.constant 0 : i32
    %dma_start3A_136 = tpu.memref_slice %arg6[%dma_start3A_134, %dma_start3A_135] : memref<10240x64xi32, #tpu.memory_space<vmem_shared>> -> memref<10240x64xi32, #tpu.memory_space<vmem_shared>>
    tpu.enqueue_indirect_dma source(%dma_start3A_136 : memref<10240x64xi32, #tpu.memory_space<vmem_shared>>) target(%dma_start3A_130 : memref<128x64xi32, #tpu.memory_space<vmem>>) offsets(%dma_start3A_133 : memref<128xi32, #tpu.memory_space<vmem>>) semaphore(%arg14 : memref<!tpu.dma_semaphore, #tpu.memory_space<semaphore_mem>>)
    %add3A_137 = arith.constant 4 : i32
    %add3A_138 = arith.addi %mul3A_6, %add3A_137 : i32
    %min3A_139 = arith.constant 9996 : i32
    %min3A_140 = arith.minsi %add3A_138, %min3A_139 : i32
    %dma_start3A_141 = arith.constant 1 : i32
    %dma_start3A_142 = arith.constant 0 : i32
    %dma_start3A_143 = arith.constant 0 : i32
    %dma_start3A_144 = tpu.memref_slice %arg9[%dma_start3A_141, %dma_start3A_142, %dma_start3A_143] : memref<2x4x512xf32, #tpu.memory_space<vmem>> -> memref<1x4x512xf32, #tpu.memory_space<vmem>>
    %dma_start3A_145 = tpu.memref_squeeze %dma_start3A_144 : memref<1x4x512xf32, #tpu.memory_space<vmem>> -> memref<4x512xf32, #tpu.memory_space<vmem>>
    %dma_start3A_146 = arith.constant 0 : i32
    %dma_start3A_147 = tpu.memref_slice %arg3[%min3A_140, %dma_start3A_146] : memref<10000x512xf32, #tpu.memory_space<hbm>> -> memref<4x512xf32, #tpu.memory_space<hbm>>
    %dma_start3A_148 = arith.constant 0 : i32
    %dma_start3A_149 = arith.constant 0 : i32
    %dma_start3A_150 = tpu.memref_slice %arg9[%dma_start3A_141, %dma_start3A_148, %dma_start3A_149] : memref<2x4x512xf32, #tpu.memory_space<vmem>> -> memref<1x4x512xf32, #tpu.memory_space<vmem>>
    %dma_start3A_151 = tpu.memref_squeeze %dma_start3A_150 : memref<1x4x512xf32, #tpu.memory_space<vmem>> -> memref<4x512xf32, #tpu.memory_space<vmem>>
    %dma_start3A_152 = arith.constant 0 : i32
    %dma_start3A_153 = tpu.memref_slice %arg3[%min3A_140, %dma_start3A_152] : memref<10000x512xf32, #tpu.memory_space<hbm>> -> memref<4x512xf32, #tpu.memory_space<hbm>>
    tpu.enqueue_dma source(%dma_start3A_153 : memref<4x512xf32, #tpu.memory_space<hbm>>) target(%dma_start3A_151 : memref<4x512xf32, #tpu.memory_space<vmem>>) target_semaphore(%arg16 : memref<!tpu.dma_semaphore, #tpu.memory_space<semaphore_mem>>)
    %add3A_154 = arith.constant 8 : i32
    %add3A_155 = arith.addi %mul3A_6, %add3A_154 : i32
    %min3A_156 = arith.constant 9996 : i32
    %min3A_157 = arith.minsi %add3A_155, %min3A_156 : i32
    %mul3A_158 = arith.constant 32 : i32
    %mul3A_159 = arith.muli %min3A_157, %mul3A_158 : i32
    %multiple_of3A_160 = tpu.assume_multiple %mul3A_159, 128 : i32
    %dma_start3A_161 = arith.constant 0 : i32
    %dma_start3A_162 = arith.constant 0 : i32
    %dma_start3A_163 = tpu.memref_slice %arg7[%dma_start3A_161, %dma_start3A_162] : memref<2x128xi32, #tpu.memory_space<vmem>> -> memref<1x128xi32, #tpu.memory_space<vmem>>
    %dma_start3A_164 = tpu.memref_squeeze %dma_start3A_163 : memref<1x128xi32, #tpu.memory_space<vmem>> -> memref<128xi32, #tpu.memory_space<vmem>>
    %dma_start3A_165 = tpu.memref_slice %arg4[%multiple_of3A_160] : memref<320000xi32, #tpu.memory_space<hbm>> -> memref<128xi32, #tpu.memory_space<hbm>>
    %dma_start3A_166 = arith.constant 0 : i32
    %dma_start3A_167 = tpu.memref_slice %arg7[%dma_start3A_161, %dma_start3A_166] : memref<2x128xi32, #tpu.memory_space<vmem>> -> memref<1x128xi32, #tpu.memory_space<vmem>>
    %dma_start3A_168 = tpu.memref_squeeze %dma_start3A_167 : memref<1x128xi32, #tpu.memory_space<vmem>> -> memref<128xi32, #tpu.memory_space<vmem>>
    %dma_start3A_169 = tpu.memref_slice %arg4[%multiple_of3A_160] : memref<320000xi32, #tpu.memory_space<hbm>> -> memref<128xi32, #tpu.memory_space<hbm>>
    tpu.enqueue_dma source(%dma_start3A_169 : memref<128xi32, #tpu.memory_space<hbm>>) target(%dma_start3A_168 : memref<128xi32, #tpu.memory_space<vmem>>) target_semaphore(%arg11 : memref<!tpu.dma_semaphore, #tpu.memory_space<semaphore_mem>>)
    %broadcast_in_dim3A = arith.constant 0.000000e+00 : f32
    %broadcast_in_dim3A_170 = vector.broadcast %broadcast_in_dim3A : f32 to vector<16xf32>
    %scan3A = arith.constant 0 : i32
    %scan3A_171 = arith.constant 32 : i32
    %scan3A_172 = arith.addi %scan3A, %scan3A_171 : i32
    %scan3A_173 = arith.constant 1 : i32
    %scan3A_174:32 = scf.for %scan3A_1558 = %scan3A to %scan3A_172 step %scan3A_173 iter_args(%scan3A_1559 = %broadcast_in_dim3A_170, %scan3A_1560 = %broadcast_in_dim3A_170, %scan3A_1561 = %broadcast_in_dim3A_170, %scan3A_1562 = %broadcast_in_dim3A_170, %scan3A_1563 = %broadcast_in_dim3A_170, %scan3A_1564 = %broadcast_in_dim3A_170, %scan3A_1565 = %broadcast_in_dim3A_170, %scan3A_1566 = %broadcast_in_dim3A_170, %scan3A_1567 = %broadcast_in_dim3A_170, %scan3A_1568 = %broadcast_in_dim3A_170, %scan3A_1569 = %broadcast_in_dim3A_170, %scan3A_1570 = %broadcast_in_dim3A_170, %scan3A_1571 = %broadcast_in_dim3A_170, %scan3A_1572 = %broadcast_in_dim3A_170, %scan3A_1573 = %broadcast_in_dim3A_170, %scan3A_1574 = %broadcast_in_dim3A_170, %scan3A_1575 = %broadcast_in_dim3A_170, %scan3A_1576 = %broadcast_in_dim3A_170, %scan3A_1577 = %broadcast_in_dim3A_170, %scan3A_1578 = %broadcast_in_dim3A_170, %scan3A_1579 = %broadcast_in_dim3A_170, %scan3A_1580 = %broadcast_in_dim3A_170, %scan3A_1581 = %broadcast_in_dim3A_170, %scan3A_1582 = %broadcast_in_dim3A_170, %scan3A_1583 = %broadcast_in_dim3A_170, %scan3A_1584 = %broadcast_in_dim3A_170, %scan3A_1585 = %broadcast_in_dim3A_170, %scan3A_1586 = %broadcast_in_dim3A_170, %scan3A_1587 = %broadcast_in_dim3A_170, %scan3A_1588 = %broadcast_in_dim3A_170, %scan3A_1589 = %broadcast_in_dim3A_170, %scan3A_1590 = %broadcast_in_dim3A_170) -> (vector<16xf32>, vector<16xf32>, vector<16xf32>, vector<16xf32>, vector<16xf32>, vector<16xf32>, vector<16xf32>, vector<16xf32>, vector<16xf32>, vector<16xf32>, vector<16xf32>, vector<16xf32>, vector<16xf32>, vector<16xf32>, vector<16xf32>, vector<16xf32>, vector<16xf32>, vector<16xf32>, vector<16xf32>, vector<16xf32>, vector<16xf32>, vector<16xf32>, vector<16xf32>, vector<16xf32>, vector<16xf32>, vector<16xf32>, vector<16xf32>, vector<16xf32>, vector<16xf32>, vector<16xf32>, vector<16xf32>, vector<16xf32>)  : i32 {
      %add3A_1591 = arith.constant 0 : i32
      %add3A_1592 = arith.addi %add3A_1591, %scan3A_1558 : i32
      %mul3A_1593 = arith.constant 16 : i32
      %mul3A_1594 = arith.muli %scan3A_1558, %mul3A_1593 : i32
      %get3A = arith.constant 0 : i32
      %get3A_1595 = arith.constant 0 : i32
      %get3A_1596 = arith.index_cast %get3A : i32 to index
      %get3A_1597 = arith.index_cast %get3A_1595 : i32 to index
      %get3A_1598 = arith.index_cast %mul3A_1594 : i32 to index
      %get3A_1599 = tpu.vector_load %arg9[%get3A_1596, %get3A_1597, %get3A_1598] {strides = array<i32>} : memref<2x4x512xf32, #tpu.memory_space<vmem>>, vector<1x1x16xf32>,
      %get3A_1600 = vector.shape_cast %get3A_1599 : vector<1x1x16xf32> to vector<16xf32>
      %get3A_1601 = arith.constant 0 : i32
      %get3A_1602 = arith.index_cast %get3A_1601 : i32 to index
      %get3A_1603 = arith.index_cast %add3A_1592 : i32 to index
      %get3A_1604 = arith.constant 0 : index
      %get3A_1605 = tpu.vector_load %arg8[%get3A_1602, %get3A_1603, %get3A_1604] {strides = array<i32>} : memref<2x128x64xi32, #tpu.memory_space<vmem>>, vector<1x1x16xi32>,
      %get3A_1606 = vector.shape_cast %get3A_1605 : vector<1x1x16xi32> to vector<16xi32>
      %shift_left3A = arith.constant 16 : i32
      %shift_left3A_1607 = vector.broadcast %shift_left3A : i32 to vector<16xi32>
      %shift_left3A_1608 = arith.shli %get3A_1606, %shift_left3A_1607 : vector<16xi32>
      %bitcast_convert_type3A = tpu.bitcast %shift_left3A_1608 : vector<16xi32> -> vector<16xf32>
      %bitcast_convert_type3A_1609 = tpu.bitcast %get3A_1606 : vector<16xi32> -> vector<16xf32>
      %mul3A_1610 = arith.mulf %bitcast_convert_type3A, %get3A_1600 : vector<16xf32>
      %add3A_1611 = arith.addf %scan3A_1559, %mul3A_1610 : vector<16xf32>
      %mul3A_1612 = arith.mulf %bitcast_convert_type3A_1609, %get3A_1600 : vector<16xf32>
      %add3A_1613 = arith.addf %scan3A_1560, %mul3A_1612 : vector<16xf32>
      %get3A_1614 = arith.constant 0 : i32
      %get3A_1615 = arith.index_cast %get3A_1614 : i32 to index
      %get3A_1616 = arith.index_cast %add3A_1592 : i32 to index
      %get3A_1617 = arith.constant 16 : index
      %get3A_1618 = tpu.vector_load %arg8[%get3A_1615, %get3A_1616, %get3A_1617] {strides = array<i32>} : memref<2x128x64xi32, #tpu.memory_space<vmem>>, vector<1x1x16xi32>,
      %get3A_1619 = vector.shape_cast %get3A_1618 : vector<1x1x16xi32> to vector<16xi32>
      %shift_left3A_1620 = arith.constant 16 : i32
      %shift_left3A_1621 = vector.broadcast %shift_left3A_1620 : i32 to vector<16xi32>
      %shift_left3A_1622 = arith.shli %get3A_1619, %shift_left3A_1621 : vector<16xi32>
      %bitcast_convert_type3A_1623 = tpu.bitcast %shift_left3A_1622 : vector<16xi32> -> vector<16xf32>
      %bitcast_convert_type3A_1624 = tpu.bitcast %get3A_1619 : vector<16xi32> -> vector<16xf32>
      %mul3A_1625 = arith.mulf %bitcast_convert_type3A_1623, %get3A_1600 : vector<16xf32>
      %add3A_1626 = arith.addf %scan3A_1561, %mul3A_1625 : vector<16xf32>
      %mul3A_1627 = arith.mulf %bitcast_convert_type3A_1624, %get3A_1600 : vector<16xf32>
      %add3A_1628 = arith.addf %scan3A_1562, %mul3A_1627 : vector<16xf32>
      %get3A_1629 = arith.constant 0 : i32
      %get3A_1630 = arith.index_cast %get3A_1629 : i32 to index
      %get3A_1631 = arith.index_cast %add3A_1592 : i32 to index
      %get3A_1632 = arith.constant 32 : index
      %get3A_1633 = tpu.vector_load %arg8[%get3A_1630, %get3A_1631, %get3A_1632] {strides = array<i32>} : memref<2x128x64xi32, #tpu.memory_space<vmem>>, vector<1x1x16xi32>,
      %get3A_1634 = vector.shape_cast %get3A_1633 : vector<1x1x16xi32> to vector<16xi32>
      %shift_left3A_1635 = arith.constant 16 : i32
      %shift_left3A_1636 = vector.broadcast %shift_left3A_1635 : i32 to vector<16xi32>
      %shift_left3A_1637 = arith.shli %get3A_1634, %shift_left3A_1636 : vector<16xi32>
      %bitcast_convert_type3A_1638 = tpu.bitcast %shift_left3A_1637 : vector<16xi32> -> vector<16xf32>
      %bitcast_convert_type3A_1639 = tpu.bitcast %get3A_1634 : vector<16xi32> -> vector<16xf32>
      %mul3A_1640 = arith.mulf %bitcast_convert_type3A_1638, %get3A_1600 : vector<16xf32>
      %add3A_1641 = arith.addf %scan3A_1563, %mul3A_1640 : vector<16xf32>
      %mul3A_1642 = arith.mulf %bitcast_convert_type3A_1639, %get3A_1600 : vector<16xf32>
      %add3A_1643 = arith.addf %scan3A_1564, %mul3A_1642 : vector<16xf32>
      %get3A_1644 = arith.constant 0 : i32
      %get3A_1645 = arith.index_cast %get3A_1644 : i32 to index
      %get3A_1646 = arith.index_cast %add3A_1592 : i32 to index
      %get3A_1647 = arith.constant 48 : index
      %get3A_1648 = tpu.vector_load %arg8[%get3A_1645, %get3A_1646, %get3A_1647] {strides = array<i32>} : memref<2x128x64xi32, #tpu.memory_space<vmem>>, vector<1x1x16xi32>,
      %get3A_1649 = vector.shape_cast %get3A_1648 : vector<1x1x16xi32> to vector<16xi32>
      %shift_left3A_1650 = arith.constant 16 : i32
      %shift_left3A_1651 = vector.broadcast %shift_left3A_1650 : i32 to vector<16xi32>
      %shift_left3A_1652 = arith.shli %get3A_1649, %shift_left3A_1651 : vector<16xi32>
      %bitcast_convert_type3A_1653 = tpu.bitcast %shift_left3A_1652 : vector<16xi32> -> vector<16xf32>
      %bitcast_convert_type3A_1654 = tpu.bitcast %get3A_1649 : vector<16xi32> -> vector<16xf32>
      %mul3A_1655 = arith.mulf %bitcast_convert_type3A_1653, %get3A_1600 : vector<16xf32>
      %add3A_1656 = arith.addf %scan3A_1565, %mul3A_1655 : vector<16xf32>
      %mul3A_1657 = arith.mulf %bitcast_convert_type3A_1654, %get3A_1600 : vector<16xf32>
      %add3A_1658 = arith.addf %scan3A_1566, %mul3A_1657 : vector<16xf32>
      %add3A_1659 = arith.constant 32 : i32
      %add3A_1660 = arith.addi %add3A_1659, %scan3A_1558 : i32
      %mul3A_1661 = arith.constant 16 : i32
      %mul3A_1662 = arith.muli %scan3A_1558, %mul3A_1661 : i32
      %get3A_1663 = arith.constant 0 : i32
      %get3A_1664 = arith.constant 1 : i32
      %get3A_1665 = arith.index_cast %get3A_1663 : i32 to index
      %get3A_1666 = arith.index_cast %get3A_1664 : i32 to index
      %get3A_1667 = arith.index_cast %mul3A_1662 : i32 to index
      %get3A_1668 = tpu.vector_load %arg9[%get3A_1665, %get3A_1666, %get3A_1667] {strides = array<i32>} : memref<2x4x512xf32, #tpu.memory_space<vmem>>, vector<1x1x16xf32>,
      %get3A_1669 = vector.shape_cast %get3A_1668 : vector<1x1x16xf32> to vector<16xf32>
      %get3A_1670 = arith.constant 0 : i32
      %get3A_1671 = arith.index_cast %get3A_1670 : i32 to index
      %get3A_1672 = arith.index_cast %add3A_1660 : i32 to index
      %get3A_1673 = arith.constant 0 : index
      %get3A_1674 = tpu.vector_load %arg8[%get3A_1671, %get3A_1672, %get3A_1673] {strides = array<i32>} : memref<2x128x64xi32, #tpu.memory_space<vmem>>, vector<1x1x16xi32>,
      %get3A_1675 = vector.shape_cast %get3A_1674 : vector<1x1x16xi32> to vector<16xi32>
      %shift_left3A_1676 = arith.constant 16 : i32
      %shift_left3A_1677 = vector.broadcast %shift_left3A_1676 : i32 to vector<16xi32>
      %shift_left3A_1678 = arith.shli %get3A_1675, %shift_left3A_1677 : vector<16xi32>
      %bitcast_convert_type3A_1679 = tpu.bitcast %shift_left3A_1678 : vector<16xi32> -> vector<16xf32>
      %bitcast_convert_type3A_1680 = tpu.bitcast %get3A_1675 : vector<16xi32> -> vector<16xf32>
      %mul3A_1681 = arith.mulf %bitcast_convert_type3A_1679, %get3A_1669 : vector<16xf32>
      %add3A_1682 = arith.addf %scan3A_1567, %mul3A_1681 : vector<16xf32>
      %mul3A_1683 = arith.mulf %bitcast_convert_type3A_1680, %get3A_1669 : vector<16xf32>
      %add3A_1684 = arith.addf %scan3A_1568, %mul3A_1683 : vector<16xf32>
      %get3A_1685 = arith.constant 0 : i32
      %get3A_1686 = arith.index_cast %get3A_1685 : i32 to index
      %get3A_1687 = arith.index_cast %add3A_1660 : i32 to index
      %get3A_1688 = arith.constant 16 : index
      %get3A_1689 = tpu.vector_load %arg8[%get3A_1686, %get3A_1687, %get3A_1688] {strides = array<i32>} : memref<2x128x64xi32, #tpu.memory_space<vmem>>, vector<1x1x16xi32>,
      %get3A_1690 = vector.shape_cast %get3A_1689 : vector<1x1x16xi32> to vector<16xi32>
      %shift_left3A_1691 = arith.constant 16 : i32
      %shift_left3A_1692 = vector.broadcast %shift_left3A_1691 : i32 to vector<16xi32>
      %shift_left3A_1693 = arith.shli %get3A_1690, %shift_left3A_1692 : vector<16xi32>
      %bitcast_convert_type3A_1694 = tpu.bitcast %shift_left3A_1693 : vector<16xi32> -> vector<16xf32>
      %bitcast_convert_type3A_1695 = tpu.bitcast %get3A_1690 : vector<16xi32> -> vector<16xf32>
      %mul3A_1696 = arith.mulf %bitcast_convert_type3A_1694, %get3A_1669 : vector<16xf32>
      %add3A_1697 = arith.addf %scan3A_1569, %mul3A_1696 : vector<16xf32>
      %mul3A_1698 = arith.mulf %bitcast_convert_type3A_1695, %get3A_1669 : vector<16xf32>
      %add3A_1699 = arith.addf %scan3A_1570, %mul3A_1698 : vector<16xf32>
      %get3A_1700 = arith.constant 0 : i32
      %get3A_1701 = arith.index_cast %get3A_1700 : i32 to index
      %get3A_1702 = arith.index_cast %add3A_1660 : i32 to index
      %get3A_1703 = arith.constant 32 : index
      %get3A_1704 = tpu.vector_load %arg8[%get3A_1701, %get3A_1702, %get3A_1703] {strides = array<i32>} : memref<2x128x64xi32, #tpu.memory_space<vmem>>, vector<1x1x16xi32>,
      %get3A_1705 = vector.shape_cast %get3A_1704 : vector<1x1x16xi32> to vector<16xi32>
      %shift_left3A_1706 = arith.constant 16 : i32
      %shift_left3A_1707 = vector.broadcast %shift_left3A_1706 : i32 to vector<16xi32>
      %shift_left3A_1708 = arith.shli %get3A_1705, %shift_left3A_1707 : vector<16xi32>
      %bitcast_convert_type3A_1709 = tpu.bitcast %shift_left3A_1708 : vector<16xi32> -> vector<16xf32>
      %bitcast_convert_type3A_1710 = tpu.bitcast %get3A_1705 : vector<16xi32> -> vector<16xf32>
      %mul3A_1711 = arith.mulf %bitcast_convert_type3A_1709, %get3A_1669 : vector<16xf32>
      %add3A_1712 = arith.addf %scan3A_1571, %mul3A_1711 : vector<16xf32>
      %mul3A_1713 = arith.mulf %bitcast_convert_type3A_1710, %get3A_1669 : vector<16xf32>
      %add3A_1714 = arith.addf %scan3A_1572, %mul3A_1713 : vector<16xf32>
      %get3A_1715 = arith.constant 0 : i32
      %get3A_1716 = arith.index_cast %get3A_1715 : i32 to index
      %get3A_1717 = arith.index_cast %add3A_1660 : i32 to index
      %get3A_1718 = arith.constant 48 : index
      %get3A_1719 = tpu.vector_load %arg8[%get3A_1716, %get3A_1717, %get3A_1718] {strides = array<i32>} : memref<2x128x64xi32, #tpu.memory_space<vmem>>, vector<1x1x16xi32>,
      %get3A_1720 = vector.shape_cast %get3A_1719 : vector<1x1x16xi32> to vector<16xi32>
      %shift_left3A_1721 = arith.constant 16 : i32
      %shift_left3A_1722 = vector.broadcast %shift_left3A_1721 : i32 to vector<16xi32>
      %shift_left3A_1723 = arith.shli %get3A_1720, %shift_left3A_1722 : vector<16xi32>
      %bitcast_convert_type3A_1724 = tpu.bitcast %shift_left3A_1723 : vector<16xi32> -> vector<16xf32>
      %bitcast_convert_type3A_1725 = tpu.bitcast %get3A_1720 : vector<16xi32> -> vector<16xf32>
      %mul3A_1726 = arith.mulf %bitcast_convert_type3A_1724, %get3A_1669 : vector<16xf32>
      %add3A_1727 = arith.addf %scan3A_1573, %mul3A_1726 : vector<16xf32>
      %mul3A_1728 = arith.mulf %bitcast_convert_type3A_1725, %get3A_1669 : vector<16xf32>
      %add3A_1729 = arith.addf %scan3A_1574, %mul3A_1728 : vector<16xf32>
      %add3A_1730 = arith.constant 64 : i32
      %add3A_1731 = arith.addi %add3A_1730, %scan3A_1558 : i32
      %mul3A_1732 = arith.constant 16 : i32
      %mul3A_1733 = arith.muli %scan3A_1558, %mul3A_1732 : i32
      %get3A_1734 = arith.constant 0 : i32
      %get3A_1735 = arith.constant 2 : i32
      %get3A_1736 = arith.index_cast %get3A_1734 : i32 to index
      %get3A_1737 = arith.index_cast %get3A_1735 : i32 to index
      %get3A_1738 = arith.index_cast %mul3A_1733 : i32 to index
      %get3A_1739 = tpu.vector_load %arg9[%get3A_1736, %get3A_1737, %get3A_1738] {strides = array<i32>} : memref<2x4x512xf32, #tpu.memory_space<vmem>>, vector<1x1x16xf32>,
      %get3A_1740 = vector.shape_cast %get3A_1739 : vector<1x1x16xf32> to vector<16xf32>
      %get3A_1741 = arith.constant 0 : i32
      %get3A_1742 = arith.index_cast %get3A_1741 : i32 to index
      %get3A_1743 = arith.index_cast %add3A_1731 : i32 to index
      %get3A_1744 = arith.constant 0 : index
      %get3A_1745 = tpu.vector_load %arg8[%get3A_1742, %get3A_1743, %get3A_1744] {strides = array<i32>} : memref<2x128x64xi32, #tpu.memory_space<vmem>>, vector<1x1x16xi32>,
      %get3A_1746 = vector.shape_cast %get3A_1745 : vector<1x1x16xi32> to vector<16xi32>
      %shift_left3A_1747 = arith.constant 16 : i32
      %shift_left3A_1748 = vector.broadcast %shift_left3A_1747 : i32 to vector<16xi32>
      %shift_left3A_1749 = arith.shli %get3A_1746, %shift_left3A_1748 : vector<16xi32>
      %bitcast_convert_type3A_1750 = tpu.bitcast %shift_left3A_1749 : vector<16xi32> -> vector<16xf32>
      %bitcast_convert_type3A_1751 = tpu.bitcast %get3A_1746 : vector<16xi32> -> vector<16xf32>
      %mul3A_1752 = arith.mulf %bitcast_convert_type3A_1750, %get3A_1740 : vector<16xf32>
      %add3A_1753 = arith.addf %scan3A_1575, %mul3A_1752 : vector<16xf32>
      %mul3A_1754 = arith.mulf %bitcast_convert_type3A_1751, %get3A_1740 : vector<16xf32>
      %add3A_1755 = arith.addf %scan3A_1576, %mul3A_1754 : vector<16xf32>
      %get3A_1756 = arith.constant 0 : i32
      %get3A_1757 = arith.index_cast %get3A_1756 : i32 to index
      %get3A_1758 = arith.index_cast %add3A_1731 : i32 to index
      %get3A_1759 = arith.constant 16 : index
      %get3A_1760 = tpu.vector_load %arg8[%get3A_1757, %get3A_1758, %get3A_1759] {strides = array<i32>} : memref<2x128x64xi32, #tpu.memory_space<vmem>>, vector<1x1x16xi32>,
      %get3A_1761 = vector.shape_cast %get3A_1760 : vector<1x1x16xi32> to vector<16xi32>
      %shift_left3A_1762 = arith.constant 16 : i32
      %shift_left3A_1763 = vector.broadcast %shift_left3A_1762 : i32 to vector<16xi32>
      %shift_left3A_1764 = arith.shli %get3A_1761, %shift_left3A_1763 : vector<16xi32>
      %bitcast_convert_type3A_1765 = tpu.bitcast %shift_left3A_1764 : vector<16xi32> -> vector<16xf32>
      %bitcast_convert_type3A_1766 = tpu.bitcast %get3A_1761 : vector<16xi32> -> vector<16xf32>
      %mul3A_1767 = arith.mulf %bitcast_convert_type3A_1765, %get3A_1740 : vector<16xf32>
      %add3A_1768 = arith.addf %scan3A_1577, %mul3A_1767 : vector<16xf32>
      %mul3A_1769 = arith.mulf %bitcast_convert_type3A_1766, %get3A_1740 : vector<16xf32>
      %add3A_1770 = arith.addf %scan3A_1578, %mul3A_1769 : vector<16xf32>
      %get3A_1771 = arith.constant 0 : i32
      %get3A_1772 = arith.index_cast %get3A_1771 : i32 to index
      %get3A_1773 = arith.index_cast %add3A_1731 : i32 to index
      %get3A_1774 = arith.constant 32 : index
      %get3A_1775 = tpu.vector_load %arg8[%get3A_1772, %get3A_1773, %get3A_1774] {strides = array<i32>} : memref<2x128x64xi32, #tpu.memory_space<vmem>>, vector<1x1x16xi32>,
      %get3A_1776 = vector.shape_cast %get3A_1775 : vector<1x1x16xi32> to vector<16xi32>
      %shift_left3A_1777 = arith.constant 16 : i32
      %shift_left3A_1778 = vector.broadcast %shift_left3A_1777 : i32 to vector<16xi32>
      %shift_left3A_1779 = arith.shli %get3A_1776, %shift_left3A_1778 : vector<16xi32>
      %bitcast_convert_type3A_1780 = tpu.bitcast %shift_left3A_1779 : vector<16xi32> -> vector<16xf32>
      %bitcast_convert_type3A_1781 = tpu.bitcast %get3A_1776 : vector<16xi32> -> vector<16xf32>
      %mul3A_1782 = arith.mulf %bitcast_convert_type3A_1780, %get3A_1740 : vector<16xf32>
      %add3A_1783 = arith.addf %scan3A_1579, %mul3A_1782 : vector<16xf32>
      %mul3A_1784 = arith.mulf %bitcast_convert_type3A_1781, %get3A_1740 : vector<16xf32>
      %add3A_1785 = arith.addf %scan3A_1580, %mul3A_1784 : vector<16xf32>
      %get3A_1786 = arith.constant 0 : i32
      %get3A_1787 = arith.index_cast %get3A_1786 : i32 to index
      %get3A_1788 = arith.index_cast %add3A_1731 : i32 to index
      %get3A_1789 = arith.constant 48 : index
      %get3A_1790 = tpu.vector_load %arg8[%get3A_1787, %get3A_1788, %get3A_1789] {strides = array<i32>} : memref<2x128x64xi32, #tpu.memory_space<vmem>>, vector<1x1x16xi32>,
      %get3A_1791 = vector.shape_cast %get3A_1790 : vector<1x1x16xi32> to vector<16xi32>
      %shift_left3A_1792 = arith.constant 16 : i32
      %shift_left3A_1793 = vector.broadcast %shift_left3A_1792 : i32 to vector<16xi32>
      %shift_left3A_1794 = arith.shli %get3A_1791, %shift_left3A_1793 : vector<16xi32>
      %bitcast_convert_type3A_1795 = tpu.bitcast %shift_left3A_1794 : vector<16xi32> -> vector<16xf32>
      %bitcast_convert_type3A_1796 = tpu.bitcast %get3A_1791 : vector<16xi32> -> vector<16xf32>
      %mul3A_1797 = arith.mulf %bitcast_convert_type3A_1795, %get3A_1740 : vector<16xf32>
      %add3A_1798 = arith.addf %scan3A_1581, %mul3A_1797 : vector<16xf32>
      %mul3A_1799 = arith.mulf %bitcast_convert_type3A_1796, %get3A_1740 : vector<16xf32>
      %add3A_1800 = arith.addf %scan3A_1582, %mul3A_1799 : vector<16xf32>
      %add3A_1801 = arith.constant 96 : i32
      %add3A_1802 = arith.addi %add3A_1801, %scan3A_1558 : i32
      %mul3A_1803 = arith.constant 16 : i32
      %mul3A_1804 = arith.muli %scan3A_1558, %mul3A_1803 : i32
      %get3A_1805 = arith.constant 0 : i32
      %get3A_1806 = arith.constant 3 : i32
      %get3A_1807 = arith.index_cast %get3A_1805 : i32 to index
      %get3A_1808 = arith.index_cast %get3A_1806 : i32 to index
      %get3A_1809 = arith.index_cast %mul3A_1804 : i32 to index
      %get3A_1810 = tpu.vector_load %arg9[%get3A_1807, %get3A_1808, %get3A_1809] {strides = array<i32>} : memref<2x4x512xf32, #tpu.memory_space<vmem>>, vector<1x1x16xf32>,
      %get3A_1811 = vector.shape_cast %get3A_1810 : vector<1x1x16xf32> to vector<16xf32>
      %get3A_1812 = arith.constant 0 : i32
      %get3A_1813 = arith.index_cast %get3A_1812 : i32 to index
      %get3A_1814 = arith.index_cast %add3A_1802 : i32 to index
      %get3A_1815 = arith.constant 0 : index
      %get3A_1816 = tpu.vector_load %arg8[%get3A_1813, %get3A_1814, %get3A_1815] {strides = array<i32>} : memref<2x128x64xi32, #tpu.memory_space<vmem>>, vector<1x1x16xi32>,
      %get3A_1817 = vector.shape_cast %get3A_1816 : vector<1x1x16xi32> to vector<16xi32>
      %shift_left3A_1818 = arith.constant 16 : i32
      %shift_left3A_1819 = vector.broadcast %shift_left3A_1818 : i32 to vector<16xi32>
      %shift_left3A_1820 = arith.shli %get3A_1817, %shift_left3A_1819 : vector<16xi32>
      %bitcast_convert_type3A_1821 = tpu.bitcast %shift_left3A_1820 : vector<16xi32> -> vector<16xf32>
      %bitcast_convert_type3A_1822 = tpu.bitcast %get3A_1817 : vector<16xi32> -> vector<16xf32>
      %mul3A_1823 = arith.mulf %bitcast_convert_type3A_1821, %get3A_1811 : vector<16xf32>
      %add3A_1824 = arith.addf %scan3A_1583, %mul3A_1823 : vector<16xf32>
      %mul3A_1825 = arith.mulf %bitcast_convert_type3A_1822, %get3A_1811 : vector<16xf32>
      %add3A_1826 = arith.addf %scan3A_1584, %mul3A_1825 : vector<16xf32>
      %get3A_1827 = arith.constant 0 : i32
      %get3A_1828 = arith.index_cast %get3A_1827 : i32 to index
      %get3A_1829 = arith.index_cast %add3A_1802 : i32 to index
      %get3A_1830 = arith.constant 16 : index
      %get3A_1831 = tpu.vector_load %arg8[%get3A_1828, %get3A_1829, %get3A_1830] {strides = array<i32>} : memref<2x128x64xi32, #tpu.memory_space<vmem>>, vector<1x1x16xi32>,
      %get3A_1832 = vector.shape_cast %get3A_1831 : vector<1x1x16xi32> to vector<16xi32>
      %shift_left3A_1833 = arith.constant 16 : i32
      %shift_left3A_1834 = vector.broadcast %shift_left3A_1833 : i32 to vector<16xi32>
      %shift_left3A_1835 = arith.shli %get3A_1832, %shift_left3A_1834 : vector<16xi32>
      %bitcast_convert_type3A_1836 = tpu.bitcast %shift_left3A_1835 : vector<16xi32> -> vector<16xf32>
      %bitcast_convert_type3A_1837 = tpu.bitcast %get3A_1832 : vector<16xi32> -> vector<16xf32>
      %mul3A_1838 = arith.mulf %bitcast_convert_type3A_1836, %get3A_1811 : vector<16xf32>
      %add3A_1839 = arith.addf %scan3A_1585, %mul3A_1838 : vector<16xf32>
      %mul3A_1840 = arith.mulf %bitcast_convert_type3A_1837, %get3A_1811 : vector<16xf32>
      %add3A_1841 = arith.addf %scan3A_1586, %mul3A_1840 : vector<16xf32>
      %get3A_1842 = arith.constant 0 : i32
      %get3A_1843 = arith.index_cast %get3A_1842 : i32 to index
      %get3A_1844 = arith.index_cast %add3A_1802 : i32 to index
      %get3A_1845 = arith.constant 32 : index
      %get3A_1846 = tpu.vector_load %arg8[%get3A_1843, %get3A_1844, %get3A_1845] {strides = array<i32>} : memref<2x128x64xi32, #tpu.memory_space<vmem>>, vector<1x1x16xi32>,
      %get3A_1847 = vector.shape_cast %get3A_1846 : vector<1x1x16xi32> to vector<16xi32>
      %shift_left3A_1848 = arith.constant 16 : i32
      %shift_left3A_1849 = vector.broadcast %shift_left3A_1848 : i32 to vector<16xi32>
      %shift_left3A_1850 = arith.shli %get3A_1847, %shift_left3A_1849 : vector<16xi32>
      %bitcast_convert_type3A_1851 = tpu.bitcast %shift_left3A_1850 : vector<16xi32> -> vector<16xf32>
      %bitcast_convert_type3A_1852 = tpu.bitcast %get3A_1847 : vector<16xi32> -> vector<16xf32>
      %mul3A_1853 = arith.mulf %bitcast_convert_type3A_1851, %get3A_1811 : vector<16xf32>
      %add3A_1854 = arith.addf %scan3A_1587, %mul3A_1853 : vector<16xf32>
      %mul3A_1855 = arith.mulf %bitcast_convert_type3A_1852, %get3A_1811 : vector<16xf32>
      %add3A_1856 = arith.addf %scan3A_1588, %mul3A_1855 : vector<16xf32>
      %get3A_1857 = arith.constant 0 : i32
      %get3A_1858 = arith.index_cast %get3A_1857 : i32 to index
      %get3A_1859 = arith.index_cast %add3A_1802 : i32 to index
      %get3A_1860 = arith.constant 48 : index
      %get3A_1861 = tpu.vector_load %arg8[%get3A_1858, %get3A_1859, %get3A_1860] {strides = array<i32>} : memref<2x128x64xi32, #tpu.memory_space<vmem>>, vector<1x1x16xi32>,
      %get3A_1862 = vector.shape_cast %get3A_1861 : vector<1x1x16xi32> to vector<16xi32>
      %shift_left3A_1863 = arith.constant 16 : i32
      %shift_left3A_1864 = vector.broadcast %shift_left3A_1863 : i32 to vector<16xi32>
      %shift_left3A_1865 = arith.shli %get3A_1862, %shift_left3A_1864 : vector<16xi32>
      %bitcast_convert_type3A_1866 = tpu.bitcast %shift_left3A_1865 : vector<16xi32> -> vector<16xf32>
      %bitcast_convert_type3A_1867 = tpu.bitcast %get3A_1862 : vector<16xi32> -> vector<16xf32>
      %mul3A_1868 = arith.mulf %bitcast_convert_type3A_1866, %get3A_1811 : vector<16xf32>
      %add3A_1869 = arith.addf %scan3A_1589, %mul3A_1868 : vector<16xf32>
      %mul3A_1870 = arith.mulf %bitcast_convert_type3A_1867, %get3A_1811 : vector<16xf32>
      %add3A_1871 = arith.addf %scan3A_1590, %mul3A_1870 : vector<16xf32>
      scf.yield %add3A_1611, %add3A_1613, %add3A_1626, %add3A_1628, %add3A_1641, %add3A_1643, %add3A_1656, %add3A_1658, %add3A_1682, %add3A_1684, %add3A_1697, %add3A_1699, %add3A_1712, %add3A_1714, %add3A_1727, %add3A_1729, %add3A_1753, %add3A_1755, %add3A_1768, %add3A_1770, %add3A_1783, %add3A_1785, %add3A_1798, %add3A_1800, %add3A_1824, %add3A_1826, %add3A_1839, %add3A_1841, %add3A_1854, %add3A_1856, %add3A_1869, %add3A_1871 : vector<16xf32>, vector<16xf32>, vector<16xf32>, vector<16xf32>, vector<16xf32>, vector<16xf32>, vector<16xf32>, vector<16xf32>, vector<16xf32>, vector<16xf32>, vector<16xf32>, vector<16xf32>, vector<16xf32>, vector<16xf32>, vector<16xf32>, vector<16xf32>, vector<16xf32>, vector<16xf32>, vector<16xf32>, vector<16xf32>, vector<16xf32>, vector<16xf32>, vector<16xf32>, vector<16xf32>, vector<16xf32>, vector<16xf32>, vector<16xf32>, vector<16xf32>, vector<16xf32>, vector<16xf32>, vector<16xf32>, vector<16xf32>
    }
    %scan3A_175 = arith.constant 32 : i32
    %swap3A = arith.constant 0 : i32
    %swap3A_176 = arith.constant 0 : i32
    %swap3A_177 = arith.index_cast %swap3A : i32 to index
    %swap3A_178 = arith.index_cast %swap3A_176 : i32 to index
    %swap3A_179 = arith.constant 0 : index
    %swap3A_180 = tpu.vector_load %arg10[%swap3A_177, %swap3A_178, %swap3A_179] {strides = array<i32>} : memref<2x4x128xf32, #tpu.memory_space<vmem>>, vector<1x1x16xf32>,
    %swap3A_181 = vector.shape_cast %swap3A_180 : vector<1x1x16xf32> to vector<16xf32>
    %swap3A_182 = vector.shape_cast %scan3A_174#0 : vector<16xf32> to vector<1x1x16xf32>
    tpu.vector_store %arg10[%swap3A_177, %swap3A_178, %swap3A_179], %swap3A_182 {strides = array<i32>} : memref<2x4x128xf32, #tpu.memory_space<vmem>>, vector<1x1x16xf32>,
    %swap3A_183 = arith.constant 0 : i32
    %swap3A_184 = arith.constant 0 : i32
    %swap3A_185 = arith.index_cast %swap3A_183 : i32 to index
    %swap3A_186 = arith.index_cast %swap3A_184 : i32 to index
    %swap3A_187 = arith.constant 16 : index
    %swap3A_188 = tpu.vector_load %arg10[%swap3A_185, %swap3A_186, %swap3A_187] {strides = array<i32>} : memref<2x4x128xf32, #tpu.memory_space<vmem>>, vector<1x1x16xf32>,
    %swap3A_189 = vector.shape_cast %swap3A_188 : vector<1x1x16xf32> to vector<16xf32>
    %swap3A_190 = vector.shape_cast %scan3A_174#1 : vector<16xf32> to vector<1x1x16xf32>
    tpu.vector_store %arg10[%swap3A_185, %swap3A_186, %swap3A_187], %swap3A_190 {strides = array<i32>} : memref<2x4x128xf32, #tpu.memory_space<vmem>>, vector<1x1x16xf32>,
    %swap3A_191 = arith.constant 0 : i32
    %swap3A_192 = arith.constant 0 : i32
    %swap3A_193 = arith.index_cast %swap3A_191 : i32 to index
    %swap3A_194 = arith.index_cast %swap3A_192 : i32 to index
    %swap3A_195 = arith.constant 32 : index
    %swap3A_196 = tpu.vector_load %arg10[%swap3A_193, %swap3A_194, %swap3A_195] {strides = array<i32>} : memref<2x4x128xf32, #tpu.memory_space<vmem>>, vector<1x1x16xf32>,
    %swap3A_197 = vector.shape_cast %swap3A_196 : vector<1x1x16xf32> to vector<16xf32>
    %swap3A_198 = vector.shape_cast %scan3A_174#2 : vector<16xf32> to vector<1x1x16xf32>
    tpu.vector_store %arg10[%swap3A_193, %swap3A_194, %swap3A_195], %swap3A_198 {strides = array<i32>} : memref<2x4x128xf32, #tpu.memory_space<vmem>>, vector<1x1x16xf32>,
    %swap3A_199 = arith.constant 0 : i32
    %swap3A_200 = arith.constant 0 : i32
    %swap3A_201 = arith.index_cast %swap3A_199 : i32 to index
    %swap3A_202 = arith.index_cast %swap3A_200 : i32 to index
    %swap3A_203 = arith.constant 48 : index
    %swap3A_204 = tpu.vector_load %arg10[%swap3A_201, %swap3A_202, %swap3A_203] {strides = array<i32>} : memref<2x4x128xf32, #tpu.memory_space<vmem>>, vector<1x1x16xf32>,
    %swap3A_205 = vector.shape_cast %swap3A_204 : vector<1x1x16xf32> to vector<16xf32>
    %swap3A_206 = vector.shape_cast %scan3A_174#3 : vector<16xf32> to vector<1x1x16xf32>
    tpu.vector_store %arg10[%swap3A_201, %swap3A_202, %swap3A_203], %swap3A_206 {strides = array<i32>} : memref<2x4x128xf32, #tpu.memory_space<vmem>>, vector<1x1x16xf32>,
    %swap3A_207 = arith.constant 0 : i32
    %swap3A_208 = arith.constant 0 : i32
    %swap3A_209 = arith.index_cast %swap3A_207 : i32 to index
    %swap3A_210 = arith.index_cast %swap3A_208 : i32 to index
    %swap3A_211 = arith.constant 64 : index
    %swap3A_212 = tpu.vector_load %arg10[%swap3A_209, %swap3A_210, %swap3A_211] {strides = array<i32>} : memref<2x4x128xf32, #tpu.memory_space<vmem>>, vector<1x1x16xf32>,
    %swap3A_213 = vector.shape_cast %swap3A_212 : vector<1x1x16xf32> to vector<16xf32>
    %swap3A_214 = vector.shape_cast %scan3A_174#4 : vector<16xf32> to vector<1x1x16xf32>
    tpu.vector_store %arg10[%swap3A_209, %swap3A_210, %swap3A_211], %swap3A_214 {strides = array<i32>} : memref<2x4x128xf32, #tpu.memory_space<vmem>>, vector<1x1x16xf32>,
    %swap3A_215 = arith.constant 0 : i32
    %swap3A_216 = arith.constant 0 : i32
    %swap3A_217 = arith.index_cast %swap3A_215 : i32 to index
    %swap3A_218 = arith.index_cast %swap3A_216 : i32 to index
    %swap3A_219 = arith.constant 80 : index
    %swap3A_220 = tpu.vector_load %arg10[%swap3A_217, %swap3A_218, %swap3A_219] {strides = array<i32>} : memref<2x4x128xf32, #tpu.memory_space<vmem>>, vector<1x1x16xf32>,
    %swap3A_221 = vector.shape_cast %swap3A_220 : vector<1x1x16xf32> to vector<16xf32>
    %swap3A_222 = vector.shape_cast %scan3A_174#5 : vector<16xf32> to vector<1x1x16xf32>
    tpu.vector_store %arg10[%swap3A_217, %swap3A_218, %swap3A_219], %swap3A_222 {strides = array<i32>} : memref<2x4x128xf32, #tpu.memory_space<vmem>>, vector<1x1x16xf32>,
    %swap3A_223 = arith.constant 0 : i32
    %swap3A_224 = arith.constant 0 : i32
    %swap3A_225 = arith.index_cast %swap3A_223 : i32 to index
    %swap3A_226 = arith.index_cast %swap3A_224 : i32 to index
    %swap3A_227 = arith.constant 96 : index
    %swap3A_228 = tpu.vector_load %arg10[%swap3A_225, %swap3A_226, %swap3A_227] {strides = array<i32>} : memref<2x4x128xf32, #tpu.memory_space<vmem>>, vector<1x1x16xf32>,
    %swap3A_229 = vector.shape_cast %swap3A_228 : vector<1x1x16xf32> to vector<16xf32>
    %swap3A_230 = vector.shape_cast %scan3A_174#6 : vector<16xf32> to vector<1x1x16xf32>
    tpu.vector_store %arg10[%swap3A_225, %swap3A_226, %swap3A_227], %swap3A_230 {strides = array<i32>} : memref<2x4x128xf32, #tpu.memory_space<vmem>>, vector<1x1x16xf32>,
    %swap3A_231 = arith.constant 0 : i32
    %swap3A_232 = arith.constant 0 : i32
    %swap3A_233 = arith.index_cast %swap3A_231 : i32 to index
    %swap3A_234 = arith.index_cast %swap3A_232 : i32 to index
    %swap3A_235 = arith.constant 112 : index
    %swap3A_236 = tpu.vector_load %arg10[%swap3A_233, %swap3A_234, %swap3A_235] {strides = array<i32>} : memref<2x4x128xf32, #tpu.memory_space<vmem>>, vector<1x1x16xf32>,
    %swap3A_237 = vector.shape_cast %swap3A_236 : vector<1x1x16xf32> to vector<16xf32>
    %swap3A_238 = vector.shape_cast %scan3A_174#7 : vector<16xf32> to vector<1x1x16xf32>
    tpu.vector_store %arg10[%swap3A_233, %swap3A_234, %swap3A_235], %swap3A_238 {strides = array<i32>} : memref<2x4x128xf32, #tpu.memory_space<vmem>>, vector<1x1x16xf32>,
    %swap3A_239 = arith.constant 0 : i32
    %swap3A_240 = arith.constant 1 : i32
    %swap3A_241 = arith.index_cast %swap3A_239 : i32 to index
    %swap3A_242 = arith.index_cast %swap3A_240 : i32 to index
    %swap3A_243 = arith.constant 0 : index
    %swap3A_244 = tpu.vector_load %arg10[%swap3A_241, %swap3A_242, %swap3A_243] {strides = array<i32>} : memref<2x4x128xf32, #tpu.memory_space<vmem>>, vector<1x1x16xf32>,
    %swap3A_245 = vector.shape_cast %swap3A_244 : vector<1x1x16xf32> to vector<16xf32>
    %swap3A_246 = vector.shape_cast %scan3A_174#8 : vector<16xf32> to vector<1x1x16xf32>
    tpu.vector_store %arg10[%swap3A_241, %swap3A_242, %swap3A_243], %swap3A_246 {strides = array<i32>} : memref<2x4x128xf32, #tpu.memory_space<vmem>>, vector<1x1x16xf32>,
    %swap3A_247 = arith.constant 0 : i32
    %swap3A_248 = arith.constant 1 : i32
    %swap3A_249 = arith.index_cast %swap3A_247 : i32 to index
    %swap3A_250 = arith.index_cast %swap3A_248 : i32 to index
    %swap3A_251 = arith.constant 16 : index
    %swap3A_252 = tpu.vector_load %arg10[%swap3A_249, %swap3A_250, %swap3A_251] {strides = array<i32>} : memref<2x4x128xf32, #tpu.memory_space<vmem>>, vector<1x1x16xf32>,
    %swap3A_253 = vector.shape_cast %swap3A_252 : vector<1x1x16xf32> to vector<16xf32>
    %swap3A_254 = vector.shape_cast %scan3A_174#9 : vector<16xf32> to vector<1x1x16xf32>
    tpu.vector_store %arg10[%swap3A_249, %swap3A_250, %swap3A_251], %swap3A_254 {strides = array<i32>} : memref<2x4x128xf32, #tpu.memory_space<vmem>>, vector<1x1x16xf32>,
    %swap3A_255 = arith.constant 0 : i32
    %swap3A_256 = arith.constant 1 : i32
    %swap3A_257 = arith.index_cast %swap3A_255 : i32 to index
    %swap3A_258 = arith.index_cast %swap3A_256 : i32 to index
    %swap3A_259 = arith.constant 32 : index
    %swap3A_260 = tpu.vector_load %arg10[%swap3A_257, %swap3A_258, %swap3A_259] {strides = array<i32>} : memref<2x4x128xf32, #tpu.memory_space<vmem>>, vector<1x1x16xf32>,
    %swap3A_261 = vector.shape_cast %swap3A_260 : vector<1x1x16xf32> to vector<16xf32>
    %swap3A_262 = vector.shape_cast %scan3A_174#10 : vector<16xf32> to vector<1x1x16xf32>
    tpu.vector_store %arg10[%swap3A_257, %swap3A_258, %swap3A_259], %swap3A_262 {strides = array<i32>} : memref<2x4x128xf32, #tpu.memory_space<vmem>>, vector<1x1x16xf32>,
    %swap3A_263 = arith.constant 0 : i32
    %swap3A_264 = arith.constant 1 : i32
    %swap3A_265 = arith.index_cast %swap3A_263 : i32 to index
    %swap3A_266 = arith.index_cast %swap3A_264 : i32 to index
    %swap3A_267 = arith.constant 48 : index
    %swap3A_268 = tpu.vector_load %arg10[%swap3A_265, %swap3A_266, %swap3A_267] {strides = array<i32>} : memref<2x4x128xf32, #tpu.memory_space<vmem>>, vector<1x1x16xf32>,
    %swap3A_269 = vector.shape_cast %swap3A_268 : vector<1x1x16xf32> to vector<16xf32>
    %swap3A_270 = vector.shape_cast %scan3A_174#11 : vector<16xf32> to vector<1x1x16xf32>
    tpu.vector_store %arg10[%swap3A_265, %swap3A_266, %swap3A_267], %swap3A_270 {strides = array<i32>} : memref<2x4x128xf32, #tpu.memory_space<vmem>>, vector<1x1x16xf32>,
    %swap3A_271 = arith.constant 0 : i32
    %swap3A_272 = arith.constant 1 : i32
    %swap3A_273 = arith.index_cast %swap3A_271 : i32 to index
    %swap3A_274 = arith.index_cast %swap3A_272 : i32 to index
    %swap3A_275 = arith.constant 64 : index
    %swap3A_276 = tpu.vector_load %arg10[%swap3A_273, %swap3A_274, %swap3A_275] {strides = array<i32>} : memref<2x4x128xf32, #tpu.memory_space<vmem>>, vector<1x1x16xf32>,
    %swap3A_277 = vector.shape_cast %swap3A_276 : vector<1x1x16xf32> to vector<16xf32>
    %swap3A_278 = vector.shape_cast %scan3A_174#12 : vector<16xf32> to vector<1x1x16xf32>
    tpu.vector_store %arg10[%swap3A_273, %swap3A_274, %swap3A_275], %swap3A_278 {strides = array<i32>} : memref<2x4x128xf32, #tpu.memory_space<vmem>>, vector<1x1x16xf32>,
    %swap3A_279 = arith.constant 0 : i32
    %swap3A_280 = arith.constant 1 : i32
    %swap3A_281 = arith.index_cast %swap3A_279 : i32 to index
    %swap3A_282 = arith.index_cast %swap3A_280 : i32 to index
    %swap3A_283 = arith.constant 80 : index
    %swap3A_284 = tpu.vector_load %arg10[%swap3A_281, %swap3A_282, %swap3A_283] {strides = array<i32>} : memref<2x4x128xf32, #tpu.memory_space<vmem>>, vector<1x1x16xf32>,
    %swap3A_285 = vector.shape_cast %swap3A_284 : vector<1x1x16xf32> to vector<16xf32>
    %swap3A_286 = vector.shape_cast %scan3A_174#13 : vector<16xf32> to vector<1x1x16xf32>
    tpu.vector_store %arg10[%swap3A_281, %swap3A_282, %swap3A_283], %swap3A_286 {strides = array<i32>} : memref<2x4x128xf32, #tpu.memory_space<vmem>>, vector<1x1x16xf32>,
    %swap3A_287 = arith.constant 0 : i32
    %swap3A_288 = arith.constant 1 : i32
    %swap3A_289 = arith.index_cast %swap3A_287 : i32 to index
    %swap3A_290 = arith.index_cast %swap3A_288 : i32 to index
    %swap3A_291 = arith.constant 96 : index
    %swap3A_292 = tpu.vector_load %arg10[%swap3A_289, %swap3A_290, %swap3A_291] {strides = array<i32>} : memref<2x4x128xf32, #tpu.memory_space<vmem>>, vector<1x1x16xf32>,
    %swap3A_293 = vector.shape_cast %swap3A_292 : vector<1x1x16xf32> to vector<16xf32>
    %swap3A_294 = vector.shape_cast %scan3A_174#14 : vector<16xf32> to vector<1x1x16xf32>
    tpu.vector_store %arg10[%swap3A_289, %swap3A_290, %swap3A_291], %swap3A_294 {strides = array<i32>} : memref<2x4x128xf32, #tpu.memory_space<vmem>>, vector<1x1x16xf32>,
    %swap3A_295 = arith.constant 0 : i32
    %swap3A_296 = arith.constant 1 : i32
    %swap3A_297 = arith.index_cast %swap3A_295 : i32 to index
    %swap3A_298 = arith.index_cast %swap3A_296 : i32 to index
    %swap3A_299 = arith.constant 112 : index
    %swap3A_300 = tpu.vector_load %arg10[%swap3A_297, %swap3A_298, %swap3A_299] {strides = array<i32>} : memref<2x4x128xf32, #tpu.memory_space<vmem>>, vector<1x1x16xf32>,
    %swap3A_301 = vector.shape_cast %swap3A_300 : vector<1x1x16xf32> to vector<16xf32>
    %swap3A_302 = vector.shape_cast %scan3A_174#15 : vector<16xf32> to vector<1x1x16xf32>
    tpu.vector_store %arg10[%swap3A_297, %swap3A_298, %swap3A_299], %swap3A_302 {strides = array<i32>} : memref<2x4x128xf32, #tpu.memory_space<vmem>>, vector<1x1x16xf32>,
    %swap3A_303 = arith.constant 0 : i32
    %swap3A_304 = arith.constant 2 : i32
    %swap3A_305 = arith.index_cast %swap3A_303 : i32 to index
    %swap3A_306 = arith.index_cast %swap3A_304 : i32 to index
    %swap3A_307 = arith.constant 0 : index
    %swap3A_308 = tpu.vector_load %arg10[%swap3A_305, %swap3A_306, %swap3A_307] {strides = array<i32>} : memref<2x4x128xf32, #tpu.memory_space<vmem>>, vector<1x1x16xf32>,
    %swap3A_309 = vector.shape_cast %swap3A_308 : vector<1x1x16xf32> to vector<16xf32>
    %swap3A_310 = vector.shape_cast %scan3A_174#16 : vector<16xf32> to vector<1x1x16xf32>
    tpu.vector_store %arg10[%swap3A_305, %swap3A_306, %swap3A_307], %swap3A_310 {strides = array<i32>} : memref<2x4x128xf32, #tpu.memory_space<vmem>>, vector<1x1x16xf32>,
    %swap3A_311 = arith.constant 0 : i32
    %swap3A_312 = arith.constant 2 : i32
    %swap3A_313 = arith.index_cast %swap3A_311 : i32 to index
    %swap3A_314 = arith.index_cast %swap3A_312 : i32 to index
    %swap3A_315 = arith.constant 16 : index
    %swap3A_316 = tpu.vector_load %arg10[%swap3A_313, %swap3A_314, %swap3A_315] {strides = array<i32>} : memref<2x4x128xf32, #tpu.memory_space<vmem>>, vector<1x1x16xf32>,
    %swap3A_317 = vector.shape_cast %swap3A_316 : vector<1x1x16xf32> to vector<16xf32>
    %swap3A_318 = vector.shape_cast %scan3A_174#17 : vector<16xf32> to vector<1x1x16xf32>
    tpu.vector_store %arg10[%swap3A_313, %swap3A_314, %swap3A_315], %swap3A_318 {strides = array<i32>} : memref<2x4x128xf32, #tpu.memory_space<vmem>>, vector<1x1x16xf32>,
    %swap3A_319 = arith.constant 0 : i32
    %swap3A_320 = arith.constant 2 : i32
    %swap3A_321 = arith.index_cast %swap3A_319 : i32 to index
    %swap3A_322 = arith.index_cast %swap3A_320 : i32 to index
    %swap3A_323 = arith.constant 32 : index
    %swap3A_324 = tpu.vector_load %arg10[%swap3A_321, %swap3A_322, %swap3A_323] {strides = array<i32>} : memref<2x4x128xf32, #tpu.memory_space<vmem>>, vector<1x1x16xf32>,
    %swap3A_325 = vector.shape_cast %swap3A_324 : vector<1x1x16xf32> to vector<16xf32>
    %swap3A_326 = vector.shape_cast %scan3A_174#18 : vector<16xf32> to vector<1x1x16xf32>
    tpu.vector_store %arg10[%swap3A_321, %swap3A_322, %swap3A_323], %swap3A_326 {strides = array<i32>} : memref<2x4x128xf32, #tpu.memory_space<vmem>>, vector<1x1x16xf32>,
    %swap3A_327 = arith.constant 0 : i32
    %swap3A_328 = arith.constant 2 : i32
    %swap3A_329 = arith.index_cast %swap3A_327 : i32 to index
    %swap3A_330 = arith.index_cast %swap3A_328 : i32 to index
    %swap3A_331 = arith.constant 48 : index
    %swap3A_332 = tpu.vector_load %arg10[%swap3A_329, %swap3A_330, %swap3A_331] {strides = array<i32>} : memref<2x4x128xf32, #tpu.memory_space<vmem>>, vector<1x1x16xf32>,
    %swap3A_333 = vector.shape_cast %swap3A_332 : vector<1x1x16xf32> to vector<16xf32>
    %swap3A_334 = vector.shape_cast %scan3A_174#19 : vector<16xf32> to vector<1x1x16xf32>
    tpu.vector_store %arg10[%swap3A_329, %swap3A_330, %swap3A_331], %swap3A_334 {strides = array<i32>} : memref<2x4x128xf32, #tpu.memory_space<vmem>>, vector<1x1x16xf32>,
    %swap3A_335 = arith.constant 0 : i32
    %swap3A_336 = arith.constant 2 : i32
    %swap3A_337 = arith.index_cast %swap3A_335 : i32 to index
    %swap3A_338 = arith.index_cast %swap3A_336 : i32 to index
    %swap3A_339 = arith.constant 64 : index
    %swap3A_340 = tpu.vector_load %arg10[%swap3A_337, %swap3A_338, %swap3A_339] {strides = array<i32>} : memref<2x4x128xf32, #tpu.memory_space<vmem>>, vector<1x1x16xf32>,
    %swap3A_341 = vector.shape_cast %swap3A_340 : vector<1x1x16xf32> to vector<16xf32>
    %swap3A_342 = vector.shape_cast %scan3A_174#20 : vector<16xf32> to vector<1x1x16xf32>
    tpu.vector_store %arg10[%swap3A_337, %swap3A_338, %swap3A_339], %swap3A_342 {strides = array<i32>} : memref<2x4x128xf32, #tpu.memory_space<vmem>>, vector<1x1x16xf32>,
    %swap3A_343 = arith.constant 0 : i32
    %swap3A_344 = arith.constant 2 : i32
    %swap3A_345 = arith.index_cast %swap3A_343 : i32 to index
    %swap3A_346 = arith.index_cast %swap3A_344 : i32 to index
    %swap3A_347 = arith.constant 80 : index
    %swap3A_348 = tpu.vector_load %arg10[%swap3A_345, %swap3A_346, %swap3A_347] {strides = array<i32>} : memref<2x4x128xf32, #tpu.memory_space<vmem>>, vector<1x1x16xf32>,
    %swap3A_349 = vector.shape_cast %swap3A_348 : vector<1x1x16xf32> to vector<16xf32>
    %swap3A_350 = vector.shape_cast %scan3A_174#21 : vector<16xf32> to vector<1x1x16xf32>
    tpu.vector_store %arg10[%swap3A_345, %swap3A_346, %swap3A_347], %swap3A_350 {strides = array<i32>} : memref<2x4x128xf32, #tpu.memory_space<vmem>>, vector<1x1x16xf32>,
    %swap3A_351 = arith.constant 0 : i32
    %swap3A_352 = arith.constant 2 : i32
    %swap3A_353 = arith.index_cast %swap3A_351 : i32 to index
    %swap3A_354 = arith.index_cast %swap3A_352 : i32 to index
    %swap3A_355 = arith.constant 96 : index
    %swap3A_356 = tpu.vector_load %arg10[%swap3A_353, %swap3A_354, %swap3A_355] {strides = array<i32>} : memref<2x4x128xf32, #tpu.memory_space<vmem>>, vector<1x1x16xf32>,
    %swap3A_357 = vector.shape_cast %swap3A_356 : vector<1x1x16xf32> to vector<16xf32>
    %swap3A_358 = vector.shape_cast %scan3A_174#22 : vector<16xf32> to vector<1x1x16xf32>
    tpu.vector_store %arg10[%swap3A_353, %swap3A_354, %swap3A_355], %swap3A_358 {strides = array<i32>} : memref<2x4x128xf32, #tpu.memory_space<vmem>>, vector<1x1x16xf32>,
    %swap3A_359 = arith.constant 0 : i32
    %swap3A_360 = arith.constant 2 : i32
    %swap3A_361 = arith.index_cast %swap3A_359 : i32 to index
    %swap3A_362 = arith.index_cast %swap3A_360 : i32 to index
    %swap3A_363 = arith.constant 112 : index
    %swap3A_364 = tpu.vector_load %arg10[%swap3A_361, %swap3A_362, %swap3A_363] {strides = array<i32>} : memref<2x4x128xf32, #tpu.memory_space<vmem>>, vector<1x1x16xf32>,
    %swap3A_365 = vector.shape_cast %swap3A_364 : vector<1x1x16xf32> to vector<16xf32>
    %swap3A_366 = vector.shape_cast %scan3A_174#23 : vector<16xf32> to vector<1x1x16xf32>
    tpu.vector_store %arg10[%swap3A_361, %swap3A_362, %swap3A_363], %swap3A_366 {strides = array<i32>} : memref<2x4x128xf32, #tpu.memory_space<vmem>>, vector<1x1x16xf32>,
    %swap3A_367 = arith.constant 0 : i32
    %swap3A_368 = arith.constant 3 : i32
    %swap3A_369 = arith.index_cast %swap3A_367 : i32 to index
    %swap3A_370 = arith.index_cast %swap3A_368 : i32 to index
    %swap3A_371 = arith.constant 0 : index
    %swap3A_372 = tpu.vector_load %arg10[%swap3A_369, %swap3A_370, %swap3A_371] {strides = array<i32>} : memref<2x4x128xf32, #tpu.memory_space<vmem>>, vector<1x1x16xf32>,
    %swap3A_373 = vector.shape_cast %swap3A_372 : vector<1x1x16xf32> to vector<16xf32>
    %swap3A_374 = vector.shape_cast %scan3A_174#24 : vector<16xf32> to vector<1x1x16xf32>
    tpu.vector_store %arg10[%swap3A_369, %swap3A_370, %swap3A_371], %swap3A_374 {strides = array<i32>} : memref<2x4x128xf32, #tpu.memory_space<vmem>>, vector<1x1x16xf32>,
    %swap3A_375 = arith.constant 0 : i32
    %swap3A_376 = arith.constant 3 : i32
    %swap3A_377 = arith.index_cast %swap3A_375 : i32 to index
    %swap3A_378 = arith.index_cast %swap3A_376 : i32 to index
    %swap3A_379 = arith.constant 16 : index
    %swap3A_380 = tpu.vector_load %arg10[%swap3A_377, %swap3A_378, %swap3A_379] {strides = array<i32>} : memref<2x4x128xf32, #tpu.memory_space<vmem>>, vector<1x1x16xf32>,
    %swap3A_381 = vector.shape_cast %swap3A_380 : vector<1x1x16xf32> to vector<16xf32>
    %swap3A_382 = vector.shape_cast %scan3A_174#25 : vector<16xf32> to vector<1x1x16xf32>
    tpu.vector_store %arg10[%swap3A_377, %swap3A_378, %swap3A_379], %swap3A_382 {strides = array<i32>} : memref<2x4x128xf32, #tpu.memory_space<vmem>>, vector<1x1x16xf32>,
    %swap3A_383 = arith.constant 0 : i32
    %swap3A_384 = arith.constant 3 : i32
    %swap3A_385 = arith.index_cast %swap3A_383 : i32 to index
    %swap3A_386 = arith.index_cast %swap3A_384 : i32 to index
    %swap3A_387 = arith.constant 32 : index
    %swap3A_388 = tpu.vector_load %arg10[%swap3A_385, %swap3A_386, %swap3A_387] {strides = array<i32>} : memref<2x4x128xf32, #tpu.memory_space<vmem>>, vector<1x1x16xf32>,
    %swap3A_389 = vector.shape_cast %swap3A_388 : vector<1x1x16xf32> to vector<16xf32>
    %swap3A_390 = vector.shape_cast %scan3A_174#26 : vector<16xf32> to vector<1x1x16xf32>
    tpu.vector_store %arg10[%swap3A_385, %swap3A_386, %swap3A_387], %swap3A_390 {strides = array<i32>} : memref<2x4x128xf32, #tpu.memory_space<vmem>>, vector<1x1x16xf32>,
    %swap3A_391 = arith.constant 0 : i32
    %swap3A_392 = arith.constant 3 : i32
    %swap3A_393 = arith.index_cast %swap3A_391 : i32 to index
    %swap3A_394 = arith.index_cast %swap3A_392 : i32 to index
    %swap3A_395 = arith.constant 48 : index
    %swap3A_396 = tpu.vector_load %arg10[%swap3A_393, %swap3A_394, %swap3A_395] {strides = array<i32>} : memref<2x4x128xf32, #tpu.memory_space<vmem>>, vector<1x1x16xf32>,
    %swap3A_397 = vector.shape_cast %swap3A_396 : vector<1x1x16xf32> to vector<16xf32>
    %swap3A_398 = vector.shape_cast %scan3A_174#27 : vector<16xf32> to vector<1x1x16xf32>
    tpu.vector_store %arg10[%swap3A_393, %swap3A_394, %swap3A_395], %swap3A_398 {strides = array<i32>} : memref<2x4x128xf32, #tpu.memory_space<vmem>>, vector<1x1x16xf32>,
    %swap3A_399 = arith.constant 0 : i32
    %swap3A_400 = arith.constant 3 : i32
    %swap3A_401 = arith.index_cast %swap3A_399 : i32 to index
    %swap3A_402 = arith.index_cast %swap3A_400 : i32 to index
    %swap3A_403 = arith.constant 64 : index
    %swap3A_404 = tpu.vector_load %arg10[%swap3A_401, %swap3A_402, %swap3A_403] {strides = array<i32>} : memref<2x4x128xf32, #tpu.memory_space<vmem>>, vector<1x1x16xf32>,
    %swap3A_405 = vector.shape_cast %swap3A_404 : vector<1x1x16xf32> to vector<16xf32>
    %swap3A_406 = vector.shape_cast %scan3A_174#28 : vector<16xf32> to vector<1x1x16xf32>
    tpu.vector_store %arg10[%swap3A_401, %swap3A_402, %swap3A_403], %swap3A_406 {strides = array<i32>} : memref<2x4x128xf32, #tpu.memory_space<vmem>>, vector<1x1x16xf32>,
    %swap3A_407 = arith.constant 0 : i32
    %swap3A_408 = arith.constant 3 : i32
    %swap3A_409 = arith.index_cast %swap3A_407 : i32 to index
    %swap3A_410 = arith.index_cast %swap3A_408 : i32 to index
    %swap3A_411 = arith.constant 80 : index
    %swap3A_412 = tpu.vector_load %arg10[%swap3A_409, %swap3A_410, %swap3A_411] {strides = array<i32>} : memref<2x4x128xf32, #tpu.memory_space<vmem>>, vector<1x1x16xf32>,
    %swap3A_413 = vector.shape_cast %swap3A_412 : vector<1x1x16xf32> to vector<16xf32>
    %swap3A_414 = vector.shape_cast %scan3A_174#29 : vector<16xf32> to vector<1x1x16xf32>
    tpu.vector_store %arg10[%swap3A_409, %swap3A_410, %swap3A_411], %swap3A_414 {strides = array<i32>} : memref<2x4x128xf32, #tpu.memory_space<vmem>>, vector<1x1x16xf32>,
    %swap3A_415 = arith.constant 0 : i32
    %swap3A_416 = arith.constant 3 : i32
    %swap3A_417 = arith.index_cast %swap3A_415 : i32 to index
    %swap3A_418 = arith.index_cast %swap3A_416 : i32 to index
    %swap3A_419 = arith.constant 96 : index
    %swap3A_420 = tpu.vector_load %arg10[%swap3A_417, %swap3A_418, %swap3A_419] {strides = array<i32>} : memref<2x4x128xf32, #tpu.memory_space<vmem>>, vector<1x1x16xf32>,
    %swap3A_421 = vector.shape_cast %swap3A_420 : vector<1x1x16xf32> to vector<16xf32>
    %swap3A_422 = vector.shape_cast %scan3A_174#30 : vector<16xf32> to vector<1x1x16xf32>
    tpu.vector_store %arg10[%swap3A_417, %swap3A_418, %swap3A_419], %swap3A_422 {strides = array<i32>} : memref<2x4x128xf32, #tpu.memory_space<vmem>>, vector<1x1x16xf32>,
    %swap3A_423 = arith.constant 0 : i32
    %swap3A_424 = arith.constant 3 : i32
    %swap3A_425 = arith.index_cast %swap3A_423 : i32 to index
    %swap3A_426 = arith.index_cast %swap3A_424 : i32 to index
    %swap3A_427 = arith.constant 112 : index
    %swap3A_428 = tpu.vector_load %arg10[%swap3A_425, %swap3A_426, %swap3A_427] {strides = array<i32>} : memref<2x4x128xf32, #tpu.memory_space<vmem>>, vector<1x1x16xf32>,
    %swap3A_429 = vector.shape_cast %swap3A_428 : vector<1x1x16xf32> to vector<16xf32>
    %swap3A_430 = vector.shape_cast %scan3A_174#31 : vector<16xf32> to vector<1x1x16xf32>
    tpu.vector_store %arg10[%swap3A_425, %swap3A_426, %swap3A_427], %swap3A_430 {strides = array<i32>} : memref<2x4x128xf32, #tpu.memory_space<vmem>>, vector<1x1x16xf32>,
    %add3A_431 = arith.constant 0 : i32
    %add3A_432 = arith.addi %mul3A_6, %add3A_431 : i32
    %min3A_433 = arith.constant 9996 : i32
    %min3A_434 = arith.minsi %add3A_432, %min3A_433 : i32
    %dma_start3A_435 = arith.constant 0 : i32
    %dma_start3A_436 = arith.constant 0 : i32
    %dma_start3A_437 = arith.constant 0 : i32
    %dma_start3A_438 = tpu.memref_slice %arg10[%dma_start3A_435, %dma_start3A_436, %dma_start3A_437] : memref<2x4x128xf32, #tpu.memory_space<vmem>> -> memref<1x4x128xf32, #tpu.memory_space<vmem>>
    %dma_start3A_439 = tpu.memref_squeeze %dma_start3A_438 : memref<1x4x128xf32, #tpu.memory_space<vmem>> -> memref<4x128xf32, #tpu.memory_space<vmem>>
    %dma_start3A_440 = arith.constant 0 : i32
    %dma_start3A_441 = tpu.memref_slice %arg5[%min3A_434, %dma_start3A_440] : memref<10000x128xf32, #tpu.memory_space<hbm>> -> memref<4x128xf32, #tpu.memory_space<hbm>>
    %dma_start3A_442 = arith.constant 0 : i32
    %dma_start3A_443 = tpu.memref_slice %arg5[%min3A_434, %dma_start3A_442] : memref<10000x128xf32, #tpu.memory_space<hbm>> -> memref<4x128xf32, #tpu.memory_space<hbm>>
    %dma_start3A_444 = arith.constant 0 : i32
    %dma_start3A_445 = arith.constant 0 : i32
    %dma_start3A_446 = tpu.memref_slice %arg10[%dma_start3A_435, %dma_start3A_444, %dma_start3A_445] : memref<2x4x128xf32, #tpu.memory_space<vmem>> -> memref<1x4x128xf32, #tpu.memory_space<vmem>>
    %dma_start3A_447 = tpu.memref_squeeze %dma_start3A_446 : memref<1x4x128xf32, #tpu.memory_space<vmem>> -> memref<4x128xf32, #tpu.memory_space<vmem>>
    tpu.enqueue_dma source(%dma_start3A_447 : memref<4x128xf32, #tpu.memory_space<vmem>>) target(%dma_start3A_443 : memref<4x128xf32, #tpu.memory_space<hbm>>) target_semaphore(%arg17 : memref<!tpu.dma_semaphore, #tpu.memory_space<semaphore_mem>>)
    %dma_wait3A_448 = arith.constant 1 : i32
    %dma_wait3A_449 = arith.constant 1 : i32
    %dma_wait3A_450 = arith.constant 0 : i32
    %dma_wait3A_451 = arith.constant 0 : i32
    %dma_wait3A_452 = tpu.memref_slice %arg8[%dma_wait3A_449, %dma_wait3A_450, %dma_wait3A_451] : memref<2x128x64xi32, #tpu.memory_space<vmem>> -> memref<1x128x64xi32, #tpu.memory_space<vmem>>
    %dma_wait3A_453 = tpu.memref_squeeze %dma_wait3A_452 : memref<1x128x64xi32, #tpu.memory_space<vmem>> -> memref<128x64xi32, #tpu.memory_space<vmem>>
    %dma_wait3A_454 = arith.constant 0 : i32
    %dma_wait3A_455 = tpu.memref_slice %arg7[%dma_wait3A_448, %dma_wait3A_454] : memref<2x128xi32, #tpu.memory_space<vmem>> -> memref<1x128xi32, #tpu.memory_space<vmem>>
    %dma_wait3A_456 = tpu.memref_squeeze %dma_wait3A_455 : memref<1x128xi32, #tpu.memory_space<vmem>> -> memref<128xi32, #tpu.memory_space<vmem>>
    %dma_wait3A_457 = arith.constant 0 : i32
    %dma_wait3A_458 = arith.constant 0 : i32
    %dma_wait3A_459 = tpu.memref_slice %arg6[%dma_wait3A_457, %dma_wait3A_458] : memref<10240x64xi32, #tpu.memory_space<vmem_shared>> -> memref<10240x64xi32, #tpu.memory_space<vmem_shared>>
    tpu.wait_indirect_dma semaphore(%arg14 : memref<!tpu.dma_semaphore, #tpu.memory_space<semaphore_mem>>) src(%dma_wait3A_459 : memref<10240x64xi32, #tpu.memory_space<vmem_shared>>) dst(%dma_wait3A_453 : memref<128x64xi32, #tpu.memory_space<vmem>>)
    %add3A_460 = arith.constant 4 : i32
    %add3A_461 = arith.addi %mul3A_6, %add3A_460 : i32
    %min3A_462 = arith.constant 9996 : i32
    %min3A_463 = arith.minsi %add3A_461, %min3A_462 : i32
    %dma_wait3A_464 = arith.constant 1 : i32
    %dma_wait3A_465 = arith.constant 0 : i32
    %dma_wait3A_466 = arith.constant 0 : i32
    %dma_wait3A_467 = tpu.memref_slice %arg9[%dma_wait3A_464, %dma_wait3A_465, %dma_wait3A_466] : memref<2x4x512xf32, #tpu.memory_space<vmem>> -> memref<1x4x512xf32, #tpu.memory_space<vmem>>
    %dma_wait3A_468 = tpu.memref_squeeze %dma_wait3A_467 : memref<1x4x512xf32, #tpu.memory_space<vmem>> -> memref<4x512xf32, #tpu.memory_space<vmem>>
    %dma_wait3A_469 = arith.constant 0 : i32
    %dma_wait3A_470 = tpu.memref_slice %arg3[%min3A_463, %dma_wait3A_469] : memref<10000x512xf32, #tpu.memory_space<hbm>> -> memref<4x512xf32, #tpu.memory_space<hbm>>
    %dma_wait3A_471 = arith.constant 0 : i32
    %dma_wait3A_472 = arith.constant 0 : i32
    %dma_wait3A_473 = tpu.memref_slice %arg9[%dma_wait3A_464, %dma_wait3A_471, %dma_wait3A_472] : memref<2x4x512xf32, #tpu.memory_space<vmem>> -> memref<1x4x512xf32, #tpu.memory_space<vmem>>
    %dma_wait3A_474 = tpu.memref_squeeze %dma_wait3A_473 : memref<1x4x512xf32, #tpu.memory_space<vmem>> -> memref<4x512xf32, #tpu.memory_space<vmem>>
    %dma_wait3A_475 = arith.constant 0 : i32
    %dma_wait3A_476 = tpu.memref_slice %arg3[%min3A_463, %dma_wait3A_475] : memref<10000x512xf32, #tpu.memory_space<hbm>> -> memref<4x512xf32, #tpu.memory_space<hbm>>
    tpu.wait_dma2 semaphore(%arg16 : memref<!tpu.dma_semaphore, #tpu.memory_space<semaphore_mem>>) src(%dma_wait3A_476 : memref<4x512xf32, #tpu.memory_space<hbm>>) dst(%dma_wait3A_474 : memref<4x512xf32, #tpu.memory_space<vmem>>)
    %add3A_477 = arith.constant 8 : i32
    %add3A_478 = arith.addi %mul3A_6, %add3A_477 : i32
    %min3A_479 = arith.constant 9996 : i32
    %min3A_480 = arith.minsi %add3A_478, %min3A_479 : i32
    %mul3A_481 = arith.constant 32 : i32
    %mul3A_482 = arith.muli %min3A_480, %mul3A_481 : i32
    %multiple_of3A_483 = tpu.assume_multiple %mul3A_482, 128 : i32
    %dma_wait3A_484 = arith.constant 0 : i32
    %dma_wait3A_485 = arith.constant 0 : i32
    %dma_wait3A_486 = tpu.memref_slice %arg7[%dma_wait3A_484, %dma_wait3A_485] : memref<2x128xi32, #tpu.memory_space<vmem>> -> memref<1x128xi32, #tpu.memory_space<vmem>>
    %dma_wait3A_487 = tpu.memref_squeeze %dma_wait3A_486 : memref<1x128xi32, #tpu.memory_space<vmem>> -> memref<128xi32, #tpu.memory_space<vmem>>
    %dma_wait3A_488 = tpu.memref_slice %arg4[%multiple_of3A_483] : memref<320000xi32, #tpu.memory_space<hbm>> -> memref<128xi32, #tpu.memory_space<hbm>>
    %dma_wait3A_489 = arith.constant 0 : i32
    %dma_wait3A_490 = tpu.memref_slice %arg7[%dma_wait3A_484, %dma_wait3A_489] : memref<2x128xi32, #tpu.memory_space<vmem>> -> memref<1x128xi32, #tpu.memory_space<vmem>>
    %dma_wait3A_491 = tpu.memref_squeeze %dma_wait3A_490 : memref<1x128xi32, #tpu.memory_space<vmem>> -> memref<128xi32, #tpu.memory_space<vmem>>
    %dma_wait3A_492 = tpu.memref_slice %arg4[%multiple_of3A_483] : memref<320000xi32, #tpu.memory_space<hbm>> -> memref<128xi32, #tpu.memory_space<hbm>>
    tpu.wait_dma2 semaphore(%arg11 : memref<!tpu.dma_semaphore, #tpu.memory_space<semaphore_mem>>) src(%dma_wait3A_492 : memref<128xi32, #tpu.memory_space<hbm>>) dst(%dma_wait3A_491 : memref<128xi32, #tpu.memory_space<vmem>>)
    %dma_start3A_493 = arith.constant 0 : i32
    %dma_start3A_494 = arith.constant 0 : i32
    %dma_start3A_495 = arith.constant 0 : i32
    %dma_start3A_496 = arith.constant 0 : i32
    %dma_start3A_497 = tpu.memref_slice %arg8[%dma_start3A_494, %dma_start3A_495, %dma_start3A_496] : memref<2x128x64xi32, #tpu.memory_space<vmem>> -> memref<1x128x64xi32, #tpu.memory_space<vmem>>
    %dma_start3A_498 = tpu.memref_squeeze %dma_start3A_497 : memref<1x128x64xi32, #tpu.memory_space<vmem>> -> memref<128x64xi32, #tpu.memory_space<vmem>>
    %dma_start3A_499 = arith.constant 0 : i32
    %dma_start3A_500 = tpu.memref_slice %arg7[%dma_start3A_493, %dma_start3A_499] : memref<2x128xi32, #tpu.memory_space<vmem>> -> memref<1x128xi32, #tpu.memory_space<vmem>>
    %dma_start3A_501 = tpu.memref_squeeze %dma_start3A_500 : memref<1x128xi32, #tpu.memory_space<vmem>> -> memref<128xi32, #tpu.memory_space<vmem>>
    %dma_start3A_502 = arith.constant 0 : i32
    %dma_start3A_503 = arith.constant 0 : i32
    %dma_start3A_504 = tpu.memref_slice %arg6[%dma_start3A_502, %dma_start3A_503] : memref<10240x64xi32, #tpu.memory_space<vmem_shared>> -> memref<10240x64xi32, #tpu.memory_space<vmem_shared>>
    tpu.enqueue_indirect_dma source(%dma_start3A_504 : memref<10240x64xi32, #tpu.memory_space<vmem_shared>>) target(%dma_start3A_498 : memref<128x64xi32, #tpu.memory_space<vmem>>) offsets(%dma_start3A_501 : memref<128xi32, #tpu.memory_space<vmem>>) semaphore(%arg13 : memref<!tpu.dma_semaphore, #tpu.memory_space<semaphore_mem>>)
    %add3A_505 = arith.constant 8 : i32
    %add3A_506 = arith.addi %mul3A_6, %add3A_505 : i32
    %min3A_507 = arith.constant 9996 : i32
    %min3A_508 = arith.minsi %add3A_506, %min3A_507 : i32
    %dma_start3A_509 = arith.constant 0 : i32
    %dma_start3A_510 = arith.constant 0 : i32
    %dma_start3A_511 = arith.constant 0 : i32
    %dma_start3A_512 = tpu.memref_slice %arg9[%dma_start3A_509, %dma_start3A_510, %dma_start3A_511] : memref<2x4x512xf32, #tpu.memory_space<vmem>> -> memref<1x4x512xf32, #tpu.memory_space<vmem>>
    %dma_start3A_513 = tpu.memref_squeeze %dma_start3A_512 : memref<1x4x512xf32, #tpu.memory_space<vmem>> -> memref<4x512xf32, #tpu.memory_space<vmem>>
    %dma_start3A_514 = arith.constant 0 : i32
    %dma_start3A_515 = tpu.memref_slice %arg3[%min3A_508, %dma_start3A_514] : memref<10000x512xf32, #tpu.memory_space<hbm>> -> memref<4x512xf32, #tpu.memory_space<hbm>>
    %dma_start3A_516 = arith.constant 0 : i32
    %dma_start3A_517 = arith.constant 0 : i32
    %dma_start3A_518 = tpu.memref_slice %arg9[%dma_start3A_509, %dma_start3A_516, %dma_start3A_517] : memref<2x4x512xf32, #tpu.memory_space<vmem>> -> memref<1x4x512xf32, #tpu.memory_space<vmem>>
    %dma_start3A_519 = tpu.memref_squeeze %dma_start3A_518 : memref<1x4x512xf32, #tpu.memory_space<vmem>> -> memref<4x512xf32, #tpu.memory_space<vmem>>
    %dma_start3A_520 = arith.constant 0 : i32
    %dma_start3A_521 = tpu.memref_slice %arg3[%min3A_508, %dma_start3A_520] : memref<10000x512xf32, #tpu.memory_space<hbm>> -> memref<4x512xf32, #tpu.memory_space<hbm>>
    tpu.enqueue_dma source(%dma_start3A_521 : memref<4x512xf32, #tpu.memory_space<hbm>>) target(%dma_start3A_519 : memref<4x512xf32, #tpu.memory_space<vmem>>) target_semaphore(%arg15 : memref<!tpu.dma_semaphore, #tpu.memory_space<semaphore_mem>>)
    %add3A_522 = arith.constant 12 : i32
    %add3A_523 = arith.addi %mul3A_6, %add3A_522 : i32
    %min3A_524 = arith.constant 9996 : i32
    %min3A_525 = arith.minsi %add3A_523, %min3A_524 : i32
    %mul3A_526 = arith.constant 32 : i32
    %mul3A_527 = arith.muli %min3A_525, %mul3A_526 : i32
    %multiple_of3A_528 = tpu.assume_multiple %mul3A_527, 128 : i32
    %dma_start3A_529 = arith.constant 1 : i32
    %dma_start3A_530 = arith.constant 0 : i32
    %dma_start3A_531 = tpu.memref_slice %arg7[%dma_start3A_529, %dma_start3A_530] : memref<2x128xi32, #tpu.memory_space<vmem>> -> memref<1x128xi32, #tpu.memory_space<vmem>>
    %dma_start3A_532 = tpu.memref_squeeze %dma_start3A_531 : memref<1x128xi32, #tpu.memory_space<vmem>> -> memref<128xi32, #tpu.memory_space<vmem>>
    %dma_start3A_533 = tpu.memref_slice %arg4[%multiple_of3A_528] : memref<320000xi32, #tpu.memory_space<hbm>> -> memref<128xi32, #tpu.memory_space<hbm>>
    %dma_start3A_534 = arith.constant 0 : i32
    %dma_start3A_535 = tpu.memref_slice %arg7[%dma_start3A_529, %dma_start3A_534] : memref<2x128xi32, #tpu.memory_space<vmem>> -> memref<1x128xi32, #tpu.memory_space<vmem>>
    %dma_start3A_536 = tpu.memref_squeeze %dma_start3A_535 : memref<1x128xi32, #tpu.memory_space<vmem>> -> memref<128xi32, #tpu.memory_space<vmem>>
    %dma_start3A_537 = tpu.memref_slice %arg4[%multiple_of3A_528] : memref<320000xi32, #tpu.memory_space<hbm>> -> memref<128xi32, #tpu.memory_space<hbm>>
    tpu.enqueue_dma source(%dma_start3A_537 : memref<128xi32, #tpu.memory_space<hbm>>) target(%dma_start3A_536 : memref<128xi32, #tpu.memory_space<vmem>>) target_semaphore(%arg12 : memref<!tpu.dma_semaphore, #tpu.memory_space<semaphore_mem>>)
    %broadcast_in_dim3A_538 = arith.constant 0.000000e+00 : f32
    %broadcast_in_dim3A_539 = vector.broadcast %broadcast_in_dim3A_538 : f32 to vector<16xf32>
    %scan3A_540 = arith.constant 0 : i32
    %scan3A_541 = arith.constant 32 : i32
    %scan3A_542 = arith.addi %scan3A_540, %scan3A_541 : i32
    %scan3A_543 = arith.constant 1 : i32
    %scan3A_544:32 = scf.for %scan3A_1558 = %scan3A_540 to %scan3A_542 step %scan3A_543 iter_args(%scan3A_1559 = %broadcast_in_dim3A_539, %scan3A_1560 = %broadcast_in_dim3A_539, %scan3A_1561 = %broadcast_in_dim3A_539, %scan3A_1562 = %broadcast_in_dim3A_539, %scan3A_1563 = %broadcast_in_dim3A_539, %scan3A_1564 = %broadcast_in_dim3A_539, %scan3A_1565 = %broadcast_in_dim3A_539, %scan3A_1566 = %broadcast_in_dim3A_539, %scan3A_1567 = %broadcast_in_dim3A_539, %scan3A_1568 = %broadcast_in_dim3A_539, %scan3A_1569 = %broadcast_in_dim3A_539, %scan3A_1570 = %broadcast_in_dim3A_539, %scan3A_1571 = %broadcast_in_dim3A_539, %scan3A_1572 = %broadcast_in_dim3A_539, %scan3A_1573 = %broadcast_in_dim3A_539, %scan3A_1574 = %broadcast_in_dim3A_539, %scan3A_1575 = %broadcast_in_dim3A_539, %scan3A_1576 = %broadcast_in_dim3A_539, %scan3A_1577 = %broadcast_in_dim3A_539, %scan3A_1578 = %broadcast_in_dim3A_539, %scan3A_1579 = %broadcast_in_dim3A_539, %scan3A_1580 = %broadcast_in_dim3A_539, %scan3A_1581 = %broadcast_in_dim3A_539, %scan3A_1582 = %broadcast_in_dim3A_539, %scan3A_1583 = %broadcast_in_dim3A_539, %scan3A_1584 = %broadcast_in_dim3A_539, %scan3A_1585 = %broadcast_in_dim3A_539, %scan3A_1586 = %broadcast_in_dim3A_539, %scan3A_1587 = %broadcast_in_dim3A_539, %scan3A_1588 = %broadcast_in_dim3A_539, %scan3A_1589 = %broadcast_in_dim3A_539, %scan3A_1590 = %broadcast_in_dim3A_539) -> (vector<16xf32>, vector<16xf32>, vector<16xf32>, vector<16xf32>, vector<16xf32>, vector<16xf32>, vector<16xf32>, vector<16xf32>, vector<16xf32>, vector<16xf32>, vector<16xf32>, vector<16xf32>, vector<16xf32>, vector<16xf32>, vector<16xf32>, vector<16xf32>, vector<16xf32>, vector<16xf32>, vector<16xf32>, vector<16xf32>, vector<16xf32>, vector<16xf32>, vector<16xf32>, vector<16xf32>, vector<16xf32>, vector<16xf32>, vector<16xf32>, vector<16xf32>, vector<16xf32>, vector<16xf32>, vector<16xf32>, vector<16xf32>)  : i32 {
      %add3A_1591 = arith.constant 0 : i32
      %add3A_1592 = arith.addi %add3A_1591, %scan3A_1558 : i32
      %mul3A_1593 = arith.constant 16 : i32
      %mul3A_1594 = arith.muli %scan3A_1558, %mul3A_1593 : i32
      %get3A = arith.constant 1 : i32
      %get3A_1595 = arith.constant 0 : i32
      %get3A_1596 = arith.index_cast %get3A : i32 to index
      %get3A_1597 = arith.index_cast %get3A_1595 : i32 to index
      %get3A_1598 = arith.index_cast %mul3A_1594 : i32 to index
      %get3A_1599 = tpu.vector_load %arg9[%get3A_1596, %get3A_1597, %get3A_1598] {strides = array<i32>} : memref<2x4x512xf32, #tpu.memory_space<vmem>>, vector<1x1x16xf32>,
      %get3A_1600 = vector.shape_cast %get3A_1599 : vector<1x1x16xf32> to vector<16xf32>
      %get3A_1601 = arith.constant 1 : i32
      %get3A_1602 = arith.index_cast %get3A_1601 : i32 to index
      %get3A_1603 = arith.index_cast %add3A_1592 : i32 to index
      %get3A_1604 = arith.constant 0 : index
      %get3A_1605 = tpu.vector_load %arg8[%get3A_1602, %get3A_1603, %get3A_1604] {strides = array<i32>} : memref<2x128x64xi32, #tpu.memory_space<vmem>>, vector<1x1x16xi32>,
      %get3A_1606 = vector.shape_cast %get3A_1605 : vector<1x1x16xi32> to vector<16xi32>
      %shift_left3A = arith.constant 16 : i32
      %shift_left3A_1607 = vector.broadcast %shift_left3A : i32 to vector<16xi32>
      %shift_left3A_1608 = arith.shli %get3A_1606, %shift_left3A_1607 : vector<16xi32>
      %bitcast_convert_type3A = tpu.bitcast %shift_left3A_1608 : vector<16xi32> -> vector<16xf32>
      %bitcast_convert_type3A_1609 = tpu.bitcast %get3A_1606 : vector<16xi32> -> vector<16xf32>
      %mul3A_1610 = arith.mulf %bitcast_convert_type3A, %get3A_1600 : vector<16xf32>
      %add3A_1611 = arith.addf %scan3A_1559, %mul3A_1610 : vector<16xf32>
      %mul3A_1612 = arith.mulf %bitcast_convert_type3A_1609, %get3A_1600 : vector<16xf32>
      %add3A_1613 = arith.addf %scan3A_1560, %mul3A_1612 : vector<16xf32>
      %get3A_1614 = arith.constant 1 : i32
      %get3A_1615 = arith.index_cast %get3A_1614 : i32 to index
      %get3A_1616 = arith.index_cast %add3A_1592 : i32 to index
      %get3A_1617 = arith.constant 16 : index
      %get3A_1618 = tpu.vector_load %arg8[%get3A_1615, %get3A_1616, %get3A_1617] {strides = array<i32>} : memref<2x128x64xi32, #tpu.memory_space<vmem>>, vector<1x1x16xi32>,
      %get3A_1619 = vector.shape_cast %get3A_1618 : vector<1x1x16xi32> to vector<16xi32>
      %shift_left3A_1620 = arith.constant 16 : i32
      %shift_left3A_1621 = vector.broadcast %shift_left3A_1620 : i32 to vector<16xi32>
      %shift_left3A_1622 = arith.shli %get3A_1619, %shift_left3A_1621 : vector<16xi32>
      %bitcast_convert_type3A_1623 = tpu.bitcast %shift_left3A_1622 : vector<16xi32> -> vector<16xf32>
      %bitcast_convert_type3A_1624 = tpu.bitcast %get3A_1619 : vector<16xi32> -> vector<16xf32>
      %mul3A_1625 = arith.mulf %bitcast_convert_type3A_1623, %get3A_1600 : vector<16xf32>
      %add3A_1626 = arith.addf %scan3A_1561, %mul3A_1625 : vector<16xf32>
      %mul3A_1627 = arith.mulf %bitcast_convert_type3A_1624, %get3A_1600 : vector<16xf32>
      %add3A_1628 = arith.addf %scan3A_1562, %mul3A_1627 : vector<16xf32>
      %get3A_1629 = arith.constant 1 : i32
      %get3A_1630 = arith.index_cast %get3A_1629 : i32 to index
      %get3A_1631 = arith.index_cast %add3A_1592 : i32 to index
      %get3A_1632 = arith.constant 32 : index
      %get3A_1633 = tpu.vector_load %arg8[%get3A_1630, %get3A_1631, %get3A_1632] {strides = array<i32>} : memref<2x128x64xi32, #tpu.memory_space<vmem>>, vector<1x1x16xi32>,
      %get3A_1634 = vector.shape_cast %get3A_1633 : vector<1x1x16xi32> to vector<16xi32>
      %shift_left3A_1635 = arith.constant 16 : i32
      %shift_left3A_1636 = vector.broadcast %shift_left3A_1635 : i32 to vector<16xi32>
      %shift_left3A_1637 = arith.shli %get3A_1634, %shift_left3A_1636 : vector<16xi32>
      %bitcast_convert_type3A_1638 = tpu.bitcast %shift_left3A_1637 : vector<16xi32> -> vector<16xf32>
      %bitcast_convert_type3A_1639 = tpu.bitcast %get3A_1634 : vector<16xi32> -> vector<16xf32>
      %mul3A_1640 = arith.mulf %bitcast_convert_type3A_1638, %get3A_1600 : vector<16xf32>
      %add3A_1641 = arith.addf %scan3A_1563, %mul3A_1640 : vector<16xf32>
      %mul3A_1642 = arith.mulf %bitcast_convert_type3A_1639, %get3A_1600 : vector<16xf32>
      %add3A_1643 = arith.addf %scan3A_1564, %mul3A_1642 : vector<16xf32>
      %get3A_1644 = arith.constant 1 : i32
      %get3A_1645 = arith.index_cast %get3A_1644 : i32 to index
      %get3A_1646 = arith.index_cast %add3A_1592 : i32 to index
      %get3A_1647 = arith.constant 48 : index
      %get3A_1648 = tpu.vector_load %arg8[%get3A_1645, %get3A_1646, %get3A_1647] {strides = array<i32>} : memref<2x128x64xi32, #tpu.memory_space<vmem>>, vector<1x1x16xi32>,
      %get3A_1649 = vector.shape_cast %get3A_1648 : vector<1x1x16xi32> to vector<16xi32>
      %shift_left3A_1650 = arith.constant 16 : i32
      %shift_left3A_1651 = vector.broadcast %shift_left3A_1650 : i32 to vector<16xi32>
      %shift_left3A_1652 = arith.shli %get3A_1649, %shift_left3A_1651 : vector<16xi32>
      %bitcast_convert_type3A_1653 = tpu.bitcast %shift_left3A_1652 : vector<16xi32> -> vector<16xf32>
      %bitcast_convert_type3A_1654 = tpu.bitcast %get3A_1649 : vector<16xi32> -> vector<16xf32>
      %mul3A_1655 = arith.mulf %bitcast_convert_type3A_1653, %get3A_1600 : vector<16xf32>
      %add3A_1656 = arith.addf %scan3A_1565, %mul3A_1655 : vector<16xf32>
      %mul3A_1657 = arith.mulf %bitcast_convert_type3A_1654, %get3A_1600 : vector<16xf32>
      %add3A_1658 = arith.addf %scan3A_1566, %mul3A_1657 : vector<16xf32>
      %add3A_1659 = arith.constant 32 : i32
      %add3A_1660 = arith.addi %add3A_1659, %scan3A_1558 : i32
      %mul3A_1661 = arith.constant 16 : i32
      %mul3A_1662 = arith.muli %scan3A_1558, %mul3A_1661 : i32
      %get3A_1663 = arith.constant 1 : i32
      %get3A_1664 = arith.constant 1 : i32
      %get3A_1665 = arith.index_cast %get3A_1663 : i32 to index
      %get3A_1666 = arith.index_cast %get3A_1664 : i32 to index
      %get3A_1667 = arith.index_cast %mul3A_1662 : i32 to index
      %get3A_1668 = tpu.vector_load %arg9[%get3A_1665, %get3A_1666, %get3A_1667] {strides = array<i32>} : memref<2x4x512xf32, #tpu.memory_space<vmem>>, vector<1x1x16xf32>,
      %get3A_1669 = vector.shape_cast %get3A_1668 : vector<1x1x16xf32> to vector<16xf32>
      %get3A_1670 = arith.constant 1 : i32
      %get3A_1671 = arith.index_cast %get3A_1670 : i32 to index
      %get3A_1672 = arith.index_cast %add3A_1660 : i32 to index
      %get3A_1673 = arith.constant 0 : index
      %get3A_1674 = tpu.vector_load %arg8[%get3A_1671, %get3A_1672, %get3A_1673] {strides = array<i32>} : memref<2x128x64xi32, #tpu.memory_space<vmem>>, vector<1x1x16xi32>,
      %get3A_1675 = vector.shape_cast %get3A_1674 : vector<1x1x16xi32> to vector<16xi32>
      %shift_left3A_1676 = arith.constant 16 : i32
      %shift_left3A_1677 = vector.broadcast %shift_left3A_1676 : i32 to vector<16xi32>
      %shift_left3A_1678 = arith.shli %get3A_1675, %shift_left3A_1677 : vector<16xi32>
      %bitcast_convert_type3A_1679 = tpu.bitcast %shift_left3A_1678 : vector<16xi32> -> vector<16xf32>
      %bitcast_convert_type3A_1680 = tpu.bitcast %get3A_1675 : vector<16xi32> -> vector<16xf32>
      %mul3A_1681 = arith.mulf %bitcast_convert_type3A_1679, %get3A_1669 : vector<16xf32>
      %add3A_1682 = arith.addf %scan3A_1567, %mul3A_1681 : vector<16xf32>
      %mul3A_1683 = arith.mulf %bitcast_convert_type3A_1680, %get3A_1669 : vector<16xf32>
      %add3A_1684 = arith.addf %scan3A_1568, %mul3A_1683 : vector<16xf32>
      %get3A_1685 = arith.constant 1 : i32
      %get3A_1686 = arith.index_cast %get3A_1685 : i32 to index
      %get3A_1687 = arith.index_cast %add3A_1660 : i32 to index
      %get3A_1688 = arith.constant 16 : index
      %get3A_1689 = tpu.vector_load %arg8[%get3A_1686, %get3A_1687, %get3A_1688] {strides = array<i32>} : memref<2x128x64xi32, #tpu.memory_space<vmem>>, vector<1x1x16xi32>,
      %get3A_1690 = vector.shape_cast %get3A_1689 : vector<1x1x16xi32> to vector<16xi32>
      %shift_left3A_1691 = arith.constant 16 : i32
      %shift_left3A_1692 = vector.broadcast %shift_left3A_1691 : i32 to vector<16xi32>
      %shift_left3A_1693 = arith.shli %get3A_1690, %shift_left3A_1692 : vector<16xi32>
      %bitcast_convert_type3A_1694 = tpu.bitcast %shift_left3A_1693 : vector<16xi32> -> vector<16xf32>
      %bitcast_convert_type3A_1695 = tpu.bitcast %get3A_1690 : vector<16xi32> -> vector<16xf32>
      %mul3A_1696 = arith.mulf %bitcast_convert_type3A_1694, %get3A_1669 : vector<16xf32>
      %add3A_1697 = arith.addf %scan3A_1569, %mul3A_1696 : vector<16xf32>
      %mul3A_1698 = arith.mulf %bitcast_convert_type3A_1695, %get3A_1669 : vector<16xf32>
      %add3A_1699 = arith.addf %scan3A_1570, %mul3A_1698 : vector<16xf32>
      %get3A_1700 = arith.constant 1 : i32
      %get3A_1701 = arith.index_cast %get3A_1700 : i32 to index
      %get3A_1702 = arith.index_cast %add3A_1660 : i32 to index
      %get3A_1703 = arith.constant 32 : index
      %get3A_1704 = tpu.vector_load %arg8[%get3A_1701, %get3A_1702, %get3A_1703] {strides = array<i32>} : memref<2x128x64xi32, #tpu.memory_space<vmem>>, vector<1x1x16xi32>,
      %get3A_1705 = vector.shape_cast %get3A_1704 : vector<1x1x16xi32> to vector<16xi32>
      %shift_left3A_1706 = arith.constant 16 : i32
      %shift_left3A_1707 = vector.broadcast %shift_left3A_1706 : i32 to vector<16xi32>
      %shift_left3A_1708 = arith.shli %get3A_1705, %shift_left3A_1707 : vector<16xi32>
      %bitcast_convert_type3A_1709 = tpu.bitcast %shift_left3A_1708 : vector<16xi32> -> vector<16xf32>
      %bitcast_convert_type3A_1710 = tpu.bitcast %get3A_1705 : vector<16xi32> -> vector<16xf32>
      %mul3A_1711 = arith.mulf %bitcast_convert_type3A_1709, %get3A_1669 : vector<16xf32>
      %add3A_1712 = arith.addf %scan3A_1571, %mul3A_1711 : vector<16xf32>
      %mul3A_1713 = arith.mulf %bitcast_convert_type3A_1710, %get3A_1669 : vector<16xf32>
      %add3A_1714 = arith.addf %scan3A_1572, %mul3A_1713 : vector<16xf32>
      %get3A_1715 = arith.constant 1 : i32
      %get3A_1716 = arith.index_cast %get3A_1715 : i32 to index
      %get3A_1717 = arith.index_cast %add3A_1660 : i32 to index
      %get3A_1718 = arith.constant 48 : index
      %get3A_1719 = tpu.vector_load %arg8[%get3A_1716, %get3A_1717, %get3A_1718] {strides = array<i32>} : memref<2x128x64xi32, #tpu.memory_space<vmem>>, vector<1x1x16xi32>,
      %get3A_1720 = vector.shape_cast %get3A_1719 : vector<1x1x16xi32> to vector<16xi32>
      %shift_left3A_1721 = arith.constant 16 : i32
      %shift_left3A_1722 = vector.broadcast %shift_left3A_1721 : i32 to vector<16xi32>
      %shift_left3A_1723 = arith.shli %get3A_1720, %shift_left3A_1722 : vector<16xi32>
      %bitcast_convert_type3A_1724 = tpu.bitcast %shift_left3A_1723 : vector<16xi32> -> vector<16xf32>
      %bitcast_convert_type3A_1725 = tpu.bitcast %get3A_1720 : vector<16xi32> -> vector<16xf32>
      %mul3A_1726 = arith.mulf %bitcast_convert_type3A_1724, %get3A_1669 : vector<16xf32>
      %add3A_1727 = arith.addf %scan3A_1573, %mul3A_1726 : vector<16xf32>
      %mul3A_1728 = arith.mulf %bitcast_convert_type3A_1725, %get3A_1669 : vector<16xf32>
      %add3A_1729 = arith.addf %scan3A_1574, %mul3A_1728 : vector<16xf32>
      %add3A_1730 = arith.constant 64 : i32
      %add3A_1731 = arith.addi %add3A_1730, %scan3A_1558 : i32
      %mul3A_1732 = arith.constant 16 : i32
      %mul3A_1733 = arith.muli %scan3A_1558, %mul3A_1732 : i32
      %get3A_1734 = arith.constant 1 : i32
      %get3A_1735 = arith.constant 2 : i32
      %get3A_1736 = arith.index_cast %get3A_1734 : i32 to index
      %get3A_1737 = arith.index_cast %get3A_1735 : i32 to index
      %get3A_1738 = arith.index_cast %mul3A_1733 : i32 to index
      %get3A_1739 = tpu.vector_load %arg9[%get3A_1736, %get3A_1737, %get3A_1738] {strides = array<i32>} : memref<2x4x512xf32, #tpu.memory_space<vmem>>, vector<1x1x16xf32>,
      %get3A_1740 = vector.shape_cast %get3A_1739 : vector<1x1x16xf32> to vector<16xf32>
      %get3A_1741 = arith.constant 1 : i32
      %get3A_1742 = arith.index_cast %get3A_1741 : i32 to index
      %get3A_1743 = arith.index_cast %add3A_1731 : i32 to index
      %get3A_1744 = arith.constant 0 : index
      %get3A_1745 = tpu.vector_load %arg8[%get3A_1742, %get3A_1743, %get3A_1744] {strides = array<i32>} : memref<2x128x64xi32, #tpu.memory_space<vmem>>, vector<1x1x16xi32>,
      %get3A_1746 = vector.shape_cast %get3A_1745 : vector<1x1x16xi32> to vector<16xi32>
      %shift_left3A_1747 = arith.constant 16 : i32
      %shift_left3A_1748 = vector.broadcast %shift_left3A_1747 : i32 to vector<16xi32>
      %shift_left3A_1749 = arith.shli %get3A_1746, %shift_left3A_1748 : vector<16xi32>
      %bitcast_convert_type3A_1750 = tpu.bitcast %shift_left3A_1749 : vector<16xi32> -> vector<16xf32>
      %bitcast_convert_type3A_1751 = tpu.bitcast %get3A_1746 : vector<16xi32> -> vector<16xf32>
      %mul3A_1752 = arith.mulf %bitcast_convert_type3A_1750, %get3A_1740 : vector<16xf32>
      %add3A_1753 = arith.addf %scan3A_1575, %mul3A_1752 : vector<16xf32>
      %mul3A_1754 = arith.mulf %bitcast_convert_type3A_1751, %get3A_1740 : vector<16xf32>
      %add3A_1755 = arith.addf %scan3A_1576, %mul3A_1754 : vector<16xf32>
      %get3A_1756 = arith.constant 1 : i32
      %get3A_1757 = arith.index_cast %get3A_1756 : i32 to index
      %get3A_1758 = arith.index_cast %add3A_1731 : i32 to index
      %get3A_1759 = arith.constant 16 : index
      %get3A_1760 = tpu.vector_load %arg8[%get3A_1757, %get3A_1758, %get3A_1759] {strides = array<i32>} : memref<2x128x64xi32, #tpu.memory_space<vmem>>, vector<1x1x16xi32>,
      %get3A_1761 = vector.shape_cast %get3A_1760 : vector<1x1x16xi32> to vector<16xi32>
      %shift_left3A_1762 = arith.constant 16 : i32
      %shift_left3A_1763 = vector.broadcast %shift_left3A_1762 : i32 to vector<16xi32>
      %shift_left3A_1764 = arith.shli %get3A_1761, %shift_left3A_1763 : vector<16xi32>
      %bitcast_convert_type3A_1765 = tpu.bitcast %shift_left3A_1764 : vector<16xi32> -> vector<16xf32>
      %bitcast_convert_type3A_1766 = tpu.bitcast %get3A_1761 : vector<16xi32> -> vector<16xf32>
      %mul3A_1767 = arith.mulf %bitcast_convert_type3A_1765, %get3A_1740 : vector<16xf32>
      %add3A_1768 = arith.addf %scan3A_1577, %mul3A_1767 : vector<16xf32>
      %mul3A_1769 = arith.mulf %bitcast_convert_type3A_1766, %get3A_1740 : vector<16xf32>
      %add3A_1770 = arith.addf %scan3A_1578, %mul3A_1769 : vector<16xf32>
      %get3A_1771 = arith.constant 1 : i32
      %get3A_1772 = arith.index_cast %get3A_1771 : i32 to index
      %get3A_1773 = arith.index_cast %add3A_1731 : i32 to index
      %get3A_1774 = arith.constant 32 : index
      %get3A_1775 = tpu.vector_load %arg8[%get3A_1772, %get3A_1773, %get3A_1774] {strides = array<i32>} : memref<2x128x64xi32, #tpu.memory_space<vmem>>, vector<1x1x16xi32>,
      %get3A_1776 = vector.shape_cast %get3A_1775 : vector<1x1x16xi32> to vector<16xi32>
      %shift_left3A_1777 = arith.constant 16 : i32
      %shift_left3A_1778 = vector.broadcast %shift_left3A_1777 : i32 to vector<16xi32>
      %shift_left3A_1779 = arith.shli %get3A_1776, %shift_left3A_1778 : vector<16xi32>
      %bitcast_convert_type3A_1780 = tpu.bitcast %shift_left3A_1779 : vector<16xi32> -> vector<16xf32>
      %bitcast_convert_type3A_1781 = tpu.bitcast %get3A_1776 : vector<16xi32> -> vector<16xf32>
      %mul3A_1782 = arith.mulf %bitcast_convert_type3A_1780, %get3A_1740 : vector<16xf32>
      %add3A_1783 = arith.addf %scan3A_1579, %mul3A_1782 : vector<16xf32>
      %mul3A_1784 = arith.mulf %bitcast_convert_type3A_1781, %get3A_1740 : vector<16xf32>
      %add3A_1785 = arith.addf %scan3A_1580, %mul3A_1784 : vector<16xf32>
      %get3A_1786 = arith.constant 1 : i32
      %get3A_1787 = arith.index_cast %get3A_1786 : i32 to index
      %get3A_1788 = arith.index_cast %add3A_1731 : i32 to index
      %get3A_1789 = arith.constant 48 : index
      %get3A_1790 = tpu.vector_load %arg8[%get3A_1787, %get3A_1788, %get3A_1789] {strides = array<i32>} : memref<2x128x64xi32, #tpu.memory_space<vmem>>, vector<1x1x16xi32>,
      %get3A_1791 = vector.shape_cast %get3A_1790 : vector<1x1x16xi32> to vector<16xi32>
      %shift_left3A_1792 = arith.constant 16 : i32
      %shift_left3A_1793 = vector.broadcast %shift_left3A_1792 : i32 to vector<16xi32>
      %shift_left3A_1794 = arith.shli %get3A_1791, %shift_left3A_1793 : vector<16xi32>
      %bitcast_convert_type3A_1795 = tpu.bitcast %shift_left3A_1794 : vector<16xi32> -> vector<16xf32>
      %bitcast_convert_type3A_1796 = tpu.bitcast %get3A_1791 : vector<16xi32> -> vector<16xf32>
      %mul3A_1797 = arith.mulf %bitcast_convert_type3A_1795, %get3A_1740 : vector<16xf32>
      %add3A_1798 = arith.addf %scan3A_1581, %mul3A_1797 : vector<16xf32>
      %mul3A_1799 = arith.mulf %bitcast_convert_type3A_1796, %get3A_1740 : vector<16xf32>
      %add3A_1800 = arith.addf %scan3A_1582, %mul3A_1799 : vector<16xf32>
      %add3A_1801 = arith.constant 96 : i32
      %add3A_1802 = arith.addi %add3A_1801, %scan3A_1558 : i32
      %mul3A_1803 = arith.constant 16 : i32
      %mul3A_1804 = arith.muli %scan3A_1558, %mul3A_1803 : i32
      %get3A_1805 = arith.constant 1 : i32
      %get3A_1806 = arith.constant 3 : i32
      %get3A_1807 = arith.index_cast %get3A_1805 : i32 to index
      %get3A_1808 = arith.index_cast %get3A_1806 : i32 to index
      %get3A_1809 = arith.index_cast %mul3A_1804 : i32 to index
      %get3A_1810 = tpu.vector_load %arg9[%get3A_1807, %get3A_1808, %get3A_1809] {strides = array<i32>} : memref<2x4x512xf32, #tpu.memory_space<vmem>>, vector<1x1x16xf32>,
      %get3A_1811 = vector.shape_cast %get3A_1810 : vector<1x1x16xf32> to vector<16xf32>
      %get3A_1812 = arith.constant 1 : i32
      %get3A_1813 = arith.index_cast %get3A_1812 : i32 to index
      %get3A_1814 = arith.index_cast %add3A_1802 : i32 to index
      %get3A_1815 = arith.constant 0 : index
      %get3A_1816 = tpu.vector_load %arg8[%get3A_1813, %get3A_1814, %get3A_1815] {strides = array<i32>} : memref<2x128x64xi32, #tpu.memory_space<vmem>>, vector<1x1x16xi32>,
      %get3A_1817 = vector.shape_cast %get3A_1816 : vector<1x1x16xi32> to vector<16xi32>
      %shift_left3A_1818 = arith.constant 16 : i32
      %shift_left3A_1819 = vector.broadcast %shift_left3A_1818 : i32 to vector<16xi32>
      %shift_left3A_1820 = arith.shli %get3A_1817, %shift_left3A_1819 : vector<16xi32>
      %bitcast_convert_type3A_1821 = tpu.bitcast %shift_left3A_1820 : vector<16xi32> -> vector<16xf32>
      %bitcast_convert_type3A_1822 = tpu.bitcast %get3A_1817 : vector<16xi32> -> vector<16xf32>
      %mul3A_1823 = arith.mulf %bitcast_convert_type3A_1821, %get3A_1811 : vector<16xf32>
      %add3A_1824 = arith.addf %scan3A_1583, %mul3A_1823 : vector<16xf32>
      %mul3A_1825 = arith.mulf %bitcast_convert_type3A_1822, %get3A_1811 : vector<16xf32>
      %add3A_1826 = arith.addf %scan3A_1584, %mul3A_1825 : vector<16xf32>
      %get3A_1827 = arith.constant 1 : i32
      %get3A_1828 = arith.index_cast %get3A_1827 : i32 to index
      %get3A_1829 = arith.index_cast %add3A_1802 : i32 to index
      %get3A_1830 = arith.constant 16 : index
      %get3A_1831 = tpu.vector_load %arg8[%get3A_1828, %get3A_1829, %get3A_1830] {strides = array<i32>} : memref<2x128x64xi32, #tpu.memory_space<vmem>>, vector<1x1x16xi32>,
      %get3A_1832 = vector.shape_cast %get3A_1831 : vector<1x1x16xi32> to vector<16xi32>
      %shift_left3A_1833 = arith.constant 16 : i32
      %shift_left3A_1834 = vector.broadcast %shift_left3A_1833 : i32 to vector<16xi32>
      %shift_left3A_1835 = arith.shli %get3A_1832, %shift_left3A_1834 : vector<16xi32>
      %bitcast_convert_type3A_1836 = tpu.bitcast %shift_left3A_1835 : vector<16xi32> -> vector<16xf32>
      %bitcast_convert_type3A_1837 = tpu.bitcast %get3A_1832 : vector<16xi32> -> vector<16xf32>
      %mul3A_1838 = arith.mulf %bitcast_convert_type3A_1836, %get3A_1811 : vector<16xf32>
      %add3A_1839 = arith.addf %scan3A_1585, %mul3A_1838 : vector<16xf32>
      %mul3A_1840 = arith.mulf %bitcast_convert_type3A_1837, %get3A_1811 : vector<16xf32>
      %add3A_1841 = arith.addf %scan3A_1586, %mul3A_1840 : vector<16xf32>
      %get3A_1842 = arith.constant 1 : i32
      %get3A_1843 = arith.index_cast %get3A_1842 : i32 to index
      %get3A_1844 = arith.index_cast %add3A_1802 : i32 to index
      %get3A_1845 = arith.constant 32 : index
      %get3A_1846 = tpu.vector_load %arg8[%get3A_1843, %get3A_1844, %get3A_1845] {strides = array<i32>} : memref<2x128x64xi32, #tpu.memory_space<vmem>>, vector<1x1x16xi32>,
      %get3A_1847 = vector.shape_cast %get3A_1846 : vector<1x1x16xi32> to vector<16xi32>
      %shift_left3A_1848 = arith.constant 16 : i32
      %shift_left3A_1849 = vector.broadcast %shift_left3A_1848 : i32 to vector<16xi32>
      %shift_left3A_1850 = arith.shli %get3A_1847, %shift_left3A_1849 : vector<16xi32>
      %bitcast_convert_type3A_1851 = tpu.bitcast %shift_left3A_1850 : vector<16xi32> -> vector<16xf32>
      %bitcast_convert_type3A_1852 = tpu.bitcast %get3A_1847 : vector<16xi32> -> vector<16xf32>
      %mul3A_1853 = arith.mulf %bitcast_convert_type3A_1851, %get3A_1811 : vector<16xf32>
      %add3A_1854 = arith.addf %scan3A_1587, %mul3A_1853 : vector<16xf32>
      %mul3A_1855 = arith.mulf %bitcast_convert_type3A_1852, %get3A_1811 : vector<16xf32>
      %add3A_1856 = arith.addf %scan3A_1588, %mul3A_1855 : vector<16xf32>
      %get3A_1857 = arith.constant 1 : i32
      %get3A_1858 = arith.index_cast %get3A_1857 : i32 to index
      %get3A_1859 = arith.index_cast %add3A_1802 : i32 to index
      %get3A_1860 = arith.constant 48 : index
      %get3A_1861 = tpu.vector_load %arg8[%get3A_1858, %get3A_1859, %get3A_1860] {strides = array<i32>} : memref<2x128x64xi32, #tpu.memory_space<vmem>>, vector<1x1x16xi32>,
      %get3A_1862 = vector.shape_cast %get3A_1861 : vector<1x1x16xi32> to vector<16xi32>
      %shift_left3A_1863 = arith.constant 16 : i32
      %shift_left3A_1864 = vector.broadcast %shift_left3A_1863 : i32 to vector<16xi32>
      %shift_left3A_1865 = arith.shli %get3A_1862, %shift_left3A_1864 : vector<16xi32>
      %bitcast_convert_type3A_1866 = tpu.bitcast %shift_left3A_1865 : vector<16xi32> -> vector<16xf32>
      %bitcast_convert_type3A_1867 = tpu.bitcast %get3A_1862 : vector<16xi32> -> vector<16xf32>
      %mul3A_1868 = arith.mulf %bitcast_convert_type3A_1866, %get3A_1811 : vector<16xf32>
      %add3A_1869 = arith.addf %scan3A_1589, %mul3A_1868 : vector<16xf32>
      %mul3A_1870 = arith.mulf %bitcast_convert_type3A_1867, %get3A_1811 : vector<16xf32>
      %add3A_1871 = arith.addf %scan3A_1590, %mul3A_1870 : vector<16xf32>
      scf.yield %add3A_1611, %add3A_1613, %add3A_1626, %add3A_1628, %add3A_1641, %add3A_1643, %add3A_1656, %add3A_1658, %add3A_1682, %add3A_1684, %add3A_1697, %add3A_1699, %add3A_1712, %add3A_1714, %add3A_1727, %add3A_1729, %add3A_1753, %add3A_1755, %add3A_1768, %add3A_1770, %add3A_1783, %add3A_1785, %add3A_1798, %add3A_1800, %add3A_1824, %add3A_1826, %add3A_1839, %add3A_1841, %add3A_1854, %add3A_1856, %add3A_1869, %add3A_1871 : vector<16xf32>, vector<16xf32>, vector<16xf32>, vector<16xf32>, vector<16xf32>, vector<16xf32>, vector<16xf32>, vector<16xf32>, vector<16xf32>, vector<16xf32>, vector<16xf32>, vector<16xf32>, vector<16xf32>, vector<16xf32>, vector<16xf32>, vector<16xf32>, vector<16xf32>, vector<16xf32>, vector<16xf32>, vector<16xf32>, vector<16xf32>, vector<16xf32>, vector<16xf32>, vector<16xf32>, vector<16xf32>, vector<16xf32>, vector<16xf32>, vector<16xf32>, vector<16xf32>, vector<16xf32>, vector<16xf32>, vector<16xf32>
    }
    %scan3A_545 = arith.constant 32 : i32
    %swap3A_546 = arith.constant 1 : i32
    %swap3A_547 = arith.constant 0 : i32
    %swap3A_548 = arith.index_cast %swap3A_546 : i32 to index
    %swap3A_549 = arith.index_cast %swap3A_547 : i32 to index
    %swap3A_550 = arith.constant 0 : index
    %swap3A_551 = tpu.vector_load %arg10[%swap3A_548, %swap3A_549, %swap3A_550] {strides = array<i32>} : memref<2x4x128xf32, #tpu.memory_space<vmem>>, vector<1x1x16xf32>,
    %swap3A_552 = vector.shape_cast %swap3A_551 : vector<1x1x16xf32> to vector<16xf32>
    %swap3A_553 = vector.shape_cast %scan3A_544#0 : vector<16xf32> to vector<1x1x16xf32>
    tpu.vector_store %arg10[%swap3A_548, %swap3A_549, %swap3A_550], %swap3A_553 {strides = array<i32>} : memref<2x4x128xf32, #tpu.memory_space<vmem>>, vector<1x1x16xf32>,
    %swap3A_554 = arith.constant 1 : i32
    %swap3A_555 = arith.constant 0 : i32
    %swap3A_556 = arith.index_cast %swap3A_554 : i32 to index
    %swap3A_557 = arith.index_cast %swap3A_555 : i32 to index
    %swap3A_558 = arith.constant 16 : index
    %swap3A_559 = tpu.vector_load %arg10[%swap3A_556, %swap3A_557, %swap3A_558] {strides = array<i32>} : memref<2x4x128xf32, #tpu.memory_space<vmem>>, vector<1x1x16xf32>,
    %swap3A_560 = vector.shape_cast %swap3A_559 : vector<1x1x16xf32> to vector<16xf32>
    %swap3A_561 = vector.shape_cast %scan3A_544#1 : vector<16xf32> to vector<1x1x16xf32>
    tpu.vector_store %arg10[%swap3A_556, %swap3A_557, %swap3A_558], %swap3A_561 {strides = array<i32>} : memref<2x4x128xf32, #tpu.memory_space<vmem>>, vector<1x1x16xf32>,
    %swap3A_562 = arith.constant 1 : i32
    %swap3A_563 = arith.constant 0 : i32
    %swap3A_564 = arith.index_cast %swap3A_562 : i32 to index
    %swap3A_565 = arith.index_cast %swap3A_563 : i32 to index
    %swap3A_566 = arith.constant 32 : index
    %swap3A_567 = tpu.vector_load %arg10[%swap3A_564, %swap3A_565, %swap3A_566] {strides = array<i32>} : memref<2x4x128xf32, #tpu.memory_space<vmem>>, vector<1x1x16xf32>,
    %swap3A_568 = vector.shape_cast %swap3A_567 : vector<1x1x16xf32> to vector<16xf32>
    %swap3A_569 = vector.shape_cast %scan3A_544#2 : vector<16xf32> to vector<1x1x16xf32>
    tpu.vector_store %arg10[%swap3A_564, %swap3A_565, %swap3A_566], %swap3A_569 {strides = array<i32>} : memref<2x4x128xf32, #tpu.memory_space<vmem>>, vector<1x1x16xf32>,
    %swap3A_570 = arith.constant 1 : i32
    %swap3A_571 = arith.constant 0 : i32
    %swap3A_572 = arith.index_cast %swap3A_570 : i32 to index
    %swap3A_573 = arith.index_cast %swap3A_571 : i32 to index
    %swap3A_574 = arith.constant 48 : index
    %swap3A_575 = tpu.vector_load %arg10[%swap3A_572, %swap3A_573, %swap3A_574] {strides = array<i32>} : memref<2x4x128xf32, #tpu.memory_space<vmem>>, vector<1x1x16xf32>,
    %swap3A_576 = vector.shape_cast %swap3A_575 : vector<1x1x16xf32> to vector<16xf32>
    %swap3A_577 = vector.shape_cast %scan3A_544#3 : vector<16xf32> to vector<1x1x16xf32>
    tpu.vector_store %arg10[%swap3A_572, %swap3A_573, %swap3A_574], %swap3A_577 {strides = array<i32>} : memref<2x4x128xf32, #tpu.memory_space<vmem>>, vector<1x1x16xf32>,
    %swap3A_578 = arith.constant 1 : i32
    %swap3A_579 = arith.constant 0 : i32
    %swap3A_580 = arith.index_cast %swap3A_578 : i32 to index
    %swap3A_581 = arith.index_cast %swap3A_579 : i32 to index
    %swap3A_582 = arith.constant 64 : index
    %swap3A_583 = tpu.vector_load %arg10[%swap3A_580, %swap3A_581, %swap3A_582] {strides = array<i32>} : memref<2x4x128xf32, #tpu.memory_space<vmem>>, vector<1x1x16xf32>,
    %swap3A_584 = vector.shape_cast %swap3A_583 : vector<1x1x16xf32> to vector<16xf32>
    %swap3A_585 = vector.shape_cast %scan3A_544#4 : vector<16xf32> to vector<1x1x16xf32>
    tpu.vector_store %arg10[%swap3A_580, %swap3A_581, %swap3A_582], %swap3A_585 {strides = array<i32>} : memref<2x4x128xf32, #tpu.memory_space<vmem>>, vector<1x1x16xf32>,
    %swap3A_586 = arith.constant 1 : i32
    %swap3A_587 = arith.constant 0 : i32
    %swap3A_588 = arith.index_cast %swap3A_586 : i32 to index
    %swap3A_589 = arith.index_cast %swap3A_587 : i32 to index
    %swap3A_590 = arith.constant 80 : index
    %swap3A_591 = tpu.vector_load %arg10[%swap3A_588, %swap3A_589, %swap3A_590] {strides = array<i32>} : memref<2x4x128xf32, #tpu.memory_space<vmem>>, vector<1x1x16xf32>,
    %swap3A_592 = vector.shape_cast %swap3A_591 : vector<1x1x16xf32> to vector<16xf32>
    %swap3A_593 = vector.shape_cast %scan3A_544#5 : vector<16xf32> to vector<1x1x16xf32>
    tpu.vector_store %arg10[%swap3A_588, %swap3A_589, %swap3A_590], %swap3A_593 {strides = array<i32>} : memref<2x4x128xf32, #tpu.memory_space<vmem>>, vector<1x1x16xf32>,
    %swap3A_594 = arith.constant 1 : i32
    %swap3A_595 = arith.constant 0 : i32
    %swap3A_596 = arith.index_cast %swap3A_594 : i32 to index
    %swap3A_597 = arith.index_cast %swap3A_595 : i32 to index
    %swap3A_598 = arith.constant 96 : index
    %swap3A_599 = tpu.vector_load %arg10[%swap3A_596, %swap3A_597, %swap3A_598] {strides = array<i32>} : memref<2x4x128xf32, #tpu.memory_space<vmem>>, vector<1x1x16xf32>,
    %swap3A_600 = vector.shape_cast %swap3A_599 : vector<1x1x16xf32> to vector<16xf32>
    %swap3A_601 = vector.shape_cast %scan3A_544#6 : vector<16xf32> to vector<1x1x16xf32>
    tpu.vector_store %arg10[%swap3A_596, %swap3A_597, %swap3A_598], %swap3A_601 {strides = array<i32>} : memref<2x4x128xf32, #tpu.memory_space<vmem>>, vector<1x1x16xf32>,
    %swap3A_602 = arith.constant 1 : i32
    %swap3A_603 = arith.constant 0 : i32
    %swap3A_604 = arith.index_cast %swap3A_602 : i32 to index
    %swap3A_605 = arith.index_cast %swap3A_603 : i32 to index
    %swap3A_606 = arith.constant 112 : index
    %swap3A_607 = tpu.vector_load %arg10[%swap3A_604, %swap3A_605, %swap3A_606] {strides = array<i32>} : memref<2x4x128xf32, #tpu.memory_space<vmem>>, vector<1x1x16xf32>,
    %swap3A_608 = vector.shape_cast %swap3A_607 : vector<1x1x16xf32> to vector<16xf32>
    %swap3A_609 = vector.shape_cast %scan3A_544#7 : vector<16xf32> to vector<1x1x16xf32>
    tpu.vector_store %arg10[%swap3A_604, %swap3A_605, %swap3A_606], %swap3A_609 {strides = array<i32>} : memref<2x4x128xf32, #tpu.memory_space<vmem>>, vector<1x1x16xf32>,
    %swap3A_610 = arith.constant 1 : i32
    %swap3A_611 = arith.constant 1 : i32
    %swap3A_612 = arith.index_cast %swap3A_610 : i32 to index
    %swap3A_613 = arith.index_cast %swap3A_611 : i32 to index
    %swap3A_614 = arith.constant 0 : index
    %swap3A_615 = tpu.vector_load %arg10[%swap3A_612, %swap3A_613, %swap3A_614] {strides = array<i32>} : memref<2x4x128xf32, #tpu.memory_space<vmem>>, vector<1x1x16xf32>,
    %swap3A_616 = vector.shape_cast %swap3A_615 : vector<1x1x16xf32> to vector<16xf32>
    %swap3A_617 = vector.shape_cast %scan3A_544#8 : vector<16xf32> to vector<1x1x16xf32>
    tpu.vector_store %arg10[%swap3A_612, %swap3A_613, %swap3A_614], %swap3A_617 {strides = array<i32>} : memref<2x4x128xf32, #tpu.memory_space<vmem>>, vector<1x1x16xf32>,
    %swap3A_618 = arith.constant 1 : i32
    %swap3A_619 = arith.constant 1 : i32
    %swap3A_620 = arith.index_cast %swap3A_618 : i32 to index
    %swap3A_621 = arith.index_cast %swap3A_619 : i32 to index
    %swap3A_622 = arith.constant 16 : index
    %swap3A_623 = tpu.vector_load %arg10[%swap3A_620, %swap3A_621, %swap3A_622] {strides = array<i32>} : memref<2x4x128xf32, #tpu.memory_space<vmem>>, vector<1x1x16xf32>,
    %swap3A_624 = vector.shape_cast %swap3A_623 : vector<1x1x16xf32> to vector<16xf32>
    %swap3A_625 = vector.shape_cast %scan3A_544#9 : vector<16xf32> to vector<1x1x16xf32>
    tpu.vector_store %arg10[%swap3A_620, %swap3A_621, %swap3A_622], %swap3A_625 {strides = array<i32>} : memref<2x4x128xf32, #tpu.memory_space<vmem>>, vector<1x1x16xf32>,
    %swap3A_626 = arith.constant 1 : i32
    %swap3A_627 = arith.constant 1 : i32
    %swap3A_628 = arith.index_cast %swap3A_626 : i32 to index
    %swap3A_629 = arith.index_cast %swap3A_627 : i32 to index
    %swap3A_630 = arith.constant 32 : index
    %swap3A_631 = tpu.vector_load %arg10[%swap3A_628, %swap3A_629, %swap3A_630] {strides = array<i32>} : memref<2x4x128xf32, #tpu.memory_space<vmem>>, vector<1x1x16xf32>,
    %swap3A_632 = vector.shape_cast %swap3A_631 : vector<1x1x16xf32> to vector<16xf32>
    %swap3A_633 = vector.shape_cast %scan3A_544#10 : vector<16xf32> to vector<1x1x16xf32>
    tpu.vector_store %arg10[%swap3A_628, %swap3A_629, %swap3A_630], %swap3A_633 {strides = array<i32>} : memref<2x4x128xf32, #tpu.memory_space<vmem>>, vector<1x1x16xf32>,
    %swap3A_634 = arith.constant 1 : i32
    %swap3A_635 = arith.constant 1 : i32
    %swap3A_636 = arith.index_cast %swap3A_634 : i32 to index
    %swap3A_637 = arith.index_cast %swap3A_635 : i32 to index
    %swap3A_638 = arith.constant 48 : index
    %swap3A_639 = tpu.vector_load %arg10[%swap3A_636, %swap3A_637, %swap3A_638] {strides = array<i32>} : memref<2x4x128xf32, #tpu.memory_space<vmem>>, vector<1x1x16xf32>,
    %swap3A_640 = vector.shape_cast %swap3A_639 : vector<1x1x16xf32> to vector<16xf32>
    %swap3A_641 = vector.shape_cast %scan3A_544#11 : vector<16xf32> to vector<1x1x16xf32>
    tpu.vector_store %arg10[%swap3A_636, %swap3A_637, %swap3A_638], %swap3A_641 {strides = array<i32>} : memref<2x4x128xf32, #tpu.memory_space<vmem>>, vector<1x1x16xf32>,
    %swap3A_642 = arith.constant 1 : i32
    %swap3A_643 = arith.constant 1 : i32
    %swap3A_644 = arith.index_cast %swap3A_642 : i32 to index
    %swap3A_645 = arith.index_cast %swap3A_643 : i32 to index
    %swap3A_646 = arith.constant 64 : index
    %swap3A_647 = tpu.vector_load %arg10[%swap3A_644, %swap3A_645, %swap3A_646] {strides = array<i32>} : memref<2x4x128xf32, #tpu.memory_space<vmem>>, vector<1x1x16xf32>,
    %swap3A_648 = vector.shape_cast %swap3A_647 : vector<1x1x16xf32> to vector<16xf32>
    %swap3A_649 = vector.shape_cast %scan3A_544#12 : vector<16xf32> to vector<1x1x16xf32>
    tpu.vector_store %arg10[%swap3A_644, %swap3A_645, %swap3A_646], %swap3A_649 {strides = array<i32>} : memref<2x4x128xf32, #tpu.memory_space<vmem>>, vector<1x1x16xf32>,
    %swap3A_650 = arith.constant 1 : i32
    %swap3A_651 = arith.constant 1 : i32
    %swap3A_652 = arith.index_cast %swap3A_650 : i32 to index
    %swap3A_653 = arith.index_cast %swap3A_651 : i32 to index
    %swap3A_654 = arith.constant 80 : index
    %swap3A_655 = tpu.vector_load %arg10[%swap3A_652, %swap3A_653, %swap3A_654] {strides = array<i32>} : memref<2x4x128xf32, #tpu.memory_space<vmem>>, vector<1x1x16xf32>,
    %swap3A_656 = vector.shape_cast %swap3A_655 : vector<1x1x16xf32> to vector<16xf32>
    %swap3A_657 = vector.shape_cast %scan3A_544#13 : vector<16xf32> to vector<1x1x16xf32>
    tpu.vector_store %arg10[%swap3A_652, %swap3A_653, %swap3A_654], %swap3A_657 {strides = array<i32>} : memref<2x4x128xf32, #tpu.memory_space<vmem>>, vector<1x1x16xf32>,
    %swap3A_658 = arith.constant 1 : i32
    %swap3A_659 = arith.constant 1 : i32
    %swap3A_660 = arith.index_cast %swap3A_658 : i32 to index
    %swap3A_661 = arith.index_cast %swap3A_659 : i32 to index
    %swap3A_662 = arith.constant 96 : index
    %swap3A_663 = tpu.vector_load %arg10[%swap3A_660, %swap3A_661, %swap3A_662] {strides = array<i32>} : memref<2x4x128xf32, #tpu.memory_space<vmem>>, vector<1x1x16xf32>,
    %swap3A_664 = vector.shape_cast %swap3A_663 : vector<1x1x16xf32> to vector<16xf32>
    %swap3A_665 = vector.shape_cast %scan3A_544#14 : vector<16xf32> to vector<1x1x16xf32>
    tpu.vector_store %arg10[%swap3A_660, %swap3A_661, %swap3A_662], %swap3A_665 {strides = array<i32>} : memref<2x4x128xf32, #tpu.memory_space<vmem>>, vector<1x1x16xf32>,
    %swap3A_666 = arith.constant 1 : i32
    %swap3A_667 = arith.constant 1 : i32
    %swap3A_668 = arith.index_cast %swap3A_666 : i32 to index
    %swap3A_669 = arith.index_cast %swap3A_667 : i32 to index
    %swap3A_670 = arith.constant 112 : index
    %swap3A_671 = tpu.vector_load %arg10[%swap3A_668, %swap3A_669, %swap3A_670] {strides = array<i32>} : memref<2x4x128xf32, #tpu.memory_space<vmem>>, vector<1x1x16xf32>,
    %swap3A_672 = vector.shape_cast %swap3A_671 : vector<1x1x16xf32> to vector<16xf32>
    %swap3A_673 = vector.shape_cast %scan3A_544#15 : vector<16xf32> to vector<1x1x16xf32>
    tpu.vector_store %arg10[%swap3A_668, %swap3A_669, %swap3A_670], %swap3A_673 {strides = array<i32>} : memref<2x4x128xf32, #tpu.memory_space<vmem>>, vector<1x1x16xf32>,
    %swap3A_674 = arith.constant 1 : i32
    %swap3A_675 = arith.constant 2 : i32
    %swap3A_676 = arith.index_cast %swap3A_674 : i32 to index
    %swap3A_677 = arith.index_cast %swap3A_675 : i32 to index
    %swap3A_678 = arith.constant 0 : index
    %swap3A_679 = tpu.vector_load %arg10[%swap3A_676, %swap3A_677, %swap3A_678] {strides = array<i32>} : memref<2x4x128xf32, #tpu.memory_space<vmem>>, vector<1x1x16xf32>,
    %swap3A_680 = vector.shape_cast %swap3A_679 : vector<1x1x16xf32> to vector<16xf32>
    %swap3A_681 = vector.shape_cast %scan3A_544#16 : vector<16xf32> to vector<1x1x16xf32>
    tpu.vector_store %arg10[%swap3A_676, %swap3A_677, %swap3A_678], %swap3A_681 {strides = array<i32>} : memref<2x4x128xf32, #tpu.memory_space<vmem>>, vector<1x1x16xf32>,
    %swap3A_682 = arith.constant 1 : i32
    %swap3A_683 = arith.constant 2 : i32
    %swap3A_684 = arith.index_cast %swap3A_682 : i32 to index
    %swap3A_685 = arith.index_cast %swap3A_683 : i32 to index
    %swap3A_686 = arith.constant 16 : index
    %swap3A_687 = tpu.vector_load %arg10[%swap3A_684, %swap3A_685, %swap3A_686] {strides = array<i32>} : memref<2x4x128xf32, #tpu.memory_space<vmem>>, vector<1x1x16xf32>,
    %swap3A_688 = vector.shape_cast %swap3A_687 : vector<1x1x16xf32> to vector<16xf32>
    %swap3A_689 = vector.shape_cast %scan3A_544#17 : vector<16xf32> to vector<1x1x16xf32>
    tpu.vector_store %arg10[%swap3A_684, %swap3A_685, %swap3A_686], %swap3A_689 {strides = array<i32>} : memref<2x4x128xf32, #tpu.memory_space<vmem>>, vector<1x1x16xf32>,
    %swap3A_690 = arith.constant 1 : i32
    %swap3A_691 = arith.constant 2 : i32
    %swap3A_692 = arith.index_cast %swap3A_690 : i32 to index
    %swap3A_693 = arith.index_cast %swap3A_691 : i32 to index
    %swap3A_694 = arith.constant 32 : index
    %swap3A_695 = tpu.vector_load %arg10[%swap3A_692, %swap3A_693, %swap3A_694] {strides = array<i32>} : memref<2x4x128xf32, #tpu.memory_space<vmem>>, vector<1x1x16xf32>,
    %swap3A_696 = vector.shape_cast %swap3A_695 : vector<1x1x16xf32> to vector<16xf32>
    %swap3A_697 = vector.shape_cast %scan3A_544#18 : vector<16xf32> to vector<1x1x16xf32>
    tpu.vector_store %arg10[%swap3A_692, %swap3A_693, %swap3A_694], %swap3A_697 {strides = array<i32>} : memref<2x4x128xf32, #tpu.memory_space<vmem>>, vector<1x1x16xf32>,
    %swap3A_698 = arith.constant 1 : i32
    %swap3A_699 = arith.constant 2 : i32
    %swap3A_700 = arith.index_cast %swap3A_698 : i32 to index
    %swap3A_701 = arith.index_cast %swap3A_699 : i32 to index
    %swap3A_702 = arith.constant 48 : index
    %swap3A_703 = tpu.vector_load %arg10[%swap3A_700, %swap3A_701, %swap3A_702] {strides = array<i32>} : memref<2x4x128xf32, #tpu.memory_space<vmem>>, vector<1x1x16xf32>,
    %swap3A_704 = vector.shape_cast %swap3A_703 : vector<1x1x16xf32> to vector<16xf32>
    %swap3A_705 = vector.shape_cast %scan3A_544#19 : vector<16xf32> to vector<1x1x16xf32>
    tpu.vector_store %arg10[%swap3A_700, %swap3A_701, %swap3A_702], %swap3A_705 {strides = array<i32>} : memref<2x4x128xf32, #tpu.memory_space<vmem>>, vector<1x1x16xf32>,
    %swap3A_706 = arith.constant 1 : i32
    %swap3A_707 = arith.constant 2 : i32
    %swap3A_708 = arith.index_cast %swap3A_706 : i32 to index
    %swap3A_709 = arith.index_cast %swap3A_707 : i32 to index
    %swap3A_710 = arith.constant 64 : index
    %swap3A_711 = tpu.vector_load %arg10[%swap3A_708, %swap3A_709, %swap3A_710] {strides = array<i32>} : memref<2x4x128xf32, #tpu.memory_space<vmem>>, vector<1x1x16xf32>,
    %swap3A_712 = vector.shape_cast %swap3A_711 : vector<1x1x16xf32> to vector<16xf32>
    %swap3A_713 = vector.shape_cast %scan3A_544#20 : vector<16xf32> to vector<1x1x16xf32>
    tpu.vector_store %arg10[%swap3A_708, %swap3A_709, %swap3A_710], %swap3A_713 {strides = array<i32>} : memref<2x4x128xf32, #tpu.memory_space<vmem>>, vector<1x1x16xf32>,
    %swap3A_714 = arith.constant 1 : i32
    %swap3A_715 = arith.constant 2 : i32
    %swap3A_716 = arith.index_cast %swap3A_714 : i32 to index
    %swap3A_717 = arith.index_cast %swap3A_715 : i32 to index
    %swap3A_718 = arith.constant 80 : index
    %swap3A_719 = tpu.vector_load %arg10[%swap3A_716, %swap3A_717, %swap3A_718] {strides = array<i32>} : memref<2x4x128xf32, #tpu.memory_space<vmem>>, vector<1x1x16xf32>,
    %swap3A_720 = vector.shape_cast %swap3A_719 : vector<1x1x16xf32> to vector<16xf32>
    %swap3A_721 = vector.shape_cast %scan3A_544#21 : vector<16xf32> to vector<1x1x16xf32>
    tpu.vector_store %arg10[%swap3A_716, %swap3A_717, %swap3A_718], %swap3A_721 {strides = array<i32>} : memref<2x4x128xf32, #tpu.memory_space<vmem>>, vector<1x1x16xf32>,
    %swap3A_722 = arith.constant 1 : i32
    %swap3A_723 = arith.constant 2 : i32
    %swap3A_724 = arith.index_cast %swap3A_722 : i32 to index
    %swap3A_725 = arith.index_cast %swap3A_723 : i32 to index
    %swap3A_726 = arith.constant 96 : index
    %swap3A_727 = tpu.vector_load %arg10[%swap3A_724, %swap3A_725, %swap3A_726] {strides = array<i32>} : memref<2x4x128xf32, #tpu.memory_space<vmem>>, vector<1x1x16xf32>,
    %swap3A_728 = vector.shape_cast %swap3A_727 : vector<1x1x16xf32> to vector<16xf32>
    %swap3A_729 = vector.shape_cast %scan3A_544#22 : vector<16xf32> to vector<1x1x16xf32>
    tpu.vector_store %arg10[%swap3A_724, %swap3A_725, %swap3A_726], %swap3A_729 {strides = array<i32>} : memref<2x4x128xf32, #tpu.memory_space<vmem>>, vector<1x1x16xf32>,
    %swap3A_730 = arith.constant 1 : i32
    %swap3A_731 = arith.constant 2 : i32
    %swap3A_732 = arith.index_cast %swap3A_730 : i32 to index
    %swap3A_733 = arith.index_cast %swap3A_731 : i32 to index
    %swap3A_734 = arith.constant 112 : index
    %swap3A_735 = tpu.vector_load %arg10[%swap3A_732, %swap3A_733, %swap3A_734] {strides = array<i32>} : memref<2x4x128xf32, #tpu.memory_space<vmem>>, vector<1x1x16xf32>,
    %swap3A_736 = vector.shape_cast %swap3A_735 : vector<1x1x16xf32> to vector<16xf32>
    %swap3A_737 = vector.shape_cast %scan3A_544#23 : vector<16xf32> to vector<1x1x16xf32>
    tpu.vector_store %arg10[%swap3A_732, %swap3A_733, %swap3A_734], %swap3A_737 {strides = array<i32>} : memref<2x4x128xf32, #tpu.memory_space<vmem>>, vector<1x1x16xf32>,
    %swap3A_738 = arith.constant 1 : i32
    %swap3A_739 = arith.constant 3 : i32
    %swap3A_740 = arith.index_cast %swap3A_738 : i32 to index
    %swap3A_741 = arith.index_cast %swap3A_739 : i32 to index
    %swap3A_742 = arith.constant 0 : index
    %swap3A_743 = tpu.vector_load %arg10[%swap3A_740, %swap3A_741, %swap3A_742] {strides = array<i32>} : memref<2x4x128xf32, #tpu.memory_space<vmem>>, vector<1x1x16xf32>,
    %swap3A_744 = vector.shape_cast %swap3A_743 : vector<1x1x16xf32> to vector<16xf32>
    %swap3A_745 = vector.shape_cast %scan3A_544#24 : vector<16xf32> to vector<1x1x16xf32>
    tpu.vector_store %arg10[%swap3A_740, %swap3A_741, %swap3A_742], %swap3A_745 {strides = array<i32>} : memref<2x4x128xf32, #tpu.memory_space<vmem>>, vector<1x1x16xf32>,
    %swap3A_746 = arith.constant 1 : i32
    %swap3A_747 = arith.constant 3 : i32
    %swap3A_748 = arith.index_cast %swap3A_746 : i32 to index
    %swap3A_749 = arith.index_cast %swap3A_747 : i32 to index
    %swap3A_750 = arith.constant 16 : index
    %swap3A_751 = tpu.vector_load %arg10[%swap3A_748, %swap3A_749, %swap3A_750] {strides = array<i32>} : memref<2x4x128xf32, #tpu.memory_space<vmem>>, vector<1x1x16xf32>,
    %swap3A_752 = vector.shape_cast %swap3A_751 : vector<1x1x16xf32> to vector<16xf32>
    %swap3A_753 = vector.shape_cast %scan3A_544#25 : vector<16xf32> to vector<1x1x16xf32>
    tpu.vector_store %arg10[%swap3A_748, %swap3A_749, %swap3A_750], %swap3A_753 {strides = array<i32>} : memref<2x4x128xf32, #tpu.memory_space<vmem>>, vector<1x1x16xf32>,
    %swap3A_754 = arith.constant 1 : i32
    %swap3A_755 = arith.constant 3 : i32
    %swap3A_756 = arith.index_cast %swap3A_754 : i32 to index
    %swap3A_757 = arith.index_cast %swap3A_755 : i32 to index
    %swap3A_758 = arith.constant 32 : index
    %swap3A_759 = tpu.vector_load %arg10[%swap3A_756, %swap3A_757, %swap3A_758] {strides = array<i32>} : memref<2x4x128xf32, #tpu.memory_space<vmem>>, vector<1x1x16xf32>,
    %swap3A_760 = vector.shape_cast %swap3A_759 : vector<1x1x16xf32> to vector<16xf32>
    %swap3A_761 = vector.shape_cast %scan3A_544#26 : vector<16xf32> to vector<1x1x16xf32>
    tpu.vector_store %arg10[%swap3A_756, %swap3A_757, %swap3A_758], %swap3A_761 {strides = array<i32>} : memref<2x4x128xf32, #tpu.memory_space<vmem>>, vector<1x1x16xf32>,
    %swap3A_762 = arith.constant 1 : i32
    %swap3A_763 = arith.constant 3 : i32
    %swap3A_764 = arith.index_cast %swap3A_762 : i32 to index
    %swap3A_765 = arith.index_cast %swap3A_763 : i32 to index
    %swap3A_766 = arith.constant 48 : index
    %swap3A_767 = tpu.vector_load %arg10[%swap3A_764, %swap3A_765, %swap3A_766] {strides = array<i32>} : memref<2x4x128xf32, #tpu.memory_space<vmem>>, vector<1x1x16xf32>,
    %swap3A_768 = vector.shape_cast %swap3A_767 : vector<1x1x16xf32> to vector<16xf32>
    %swap3A_769 = vector.shape_cast %scan3A_544#27 : vector<16xf32> to vector<1x1x16xf32>
    tpu.vector_store %arg10[%swap3A_764, %swap3A_765, %swap3A_766], %swap3A_769 {strides = array<i32>} : memref<2x4x128xf32, #tpu.memory_space<vmem>>, vector<1x1x16xf32>,
    %swap3A_770 = arith.constant 1 : i32
    %swap3A_771 = arith.constant 3 : i32
    %swap3A_772 = arith.index_cast %swap3A_770 : i32 to index
    %swap3A_773 = arith.index_cast %swap3A_771 : i32 to index
    %swap3A_774 = arith.constant 64 : index
    %swap3A_775 = tpu.vector_load %arg10[%swap3A_772, %swap3A_773, %swap3A_774] {strides = array<i32>} : memref<2x4x128xf32, #tpu.memory_space<vmem>>, vector<1x1x16xf32>,
    %swap3A_776 = vector.shape_cast %swap3A_775 : vector<1x1x16xf32> to vector<16xf32>
    %swap3A_777 = vector.shape_cast %scan3A_544#28 : vector<16xf32> to vector<1x1x16xf32>
    tpu.vector_store %arg10[%swap3A_772, %swap3A_773, %swap3A_774], %swap3A_777 {strides = array<i32>} : memref<2x4x128xf32, #tpu.memory_space<vmem>>, vector<1x1x16xf32>,
    %swap3A_778 = arith.constant 1 : i32
    %swap3A_779 = arith.constant 3 : i32
    %swap3A_780 = arith.index_cast %swap3A_778 : i32 to index
    %swap3A_781 = arith.index_cast %swap3A_779 : i32 to index
    %swap3A_782 = arith.constant 80 : index
    %swap3A_783 = tpu.vector_load %arg10[%swap3A_780, %swap3A_781, %swap3A_782] {strides = array<i32>} : memref<2x4x128xf32, #tpu.memory_space<vmem>>, vector<1x1x16xf32>,
    %swap3A_784 = vector.shape_cast %swap3A_783 : vector<1x1x16xf32> to vector<16xf32>
    %swap3A_785 = vector.shape_cast %scan3A_544#29 : vector<16xf32> to vector<1x1x16xf32>
    tpu.vector_store %arg10[%swap3A_780, %swap3A_781, %swap3A_782], %swap3A_785 {strides = array<i32>} : memref<2x4x128xf32, #tpu.memory_space<vmem>>, vector<1x1x16xf32>,
    %swap3A_786 = arith.constant 1 : i32
    %swap3A_787 = arith.constant 3 : i32
    %swap3A_788 = arith.index_cast %swap3A_786 : i32 to index
    %swap3A_789 = arith.index_cast %swap3A_787 : i32 to index
    %swap3A_790 = arith.constant 96 : index
    %swap3A_791 = tpu.vector_load %arg10[%swap3A_788, %swap3A_789, %swap3A_790] {strides = array<i32>} : memref<2x4x128xf32, #tpu.memory_space<vmem>>, vector<1x1x16xf32>,
    %swap3A_792 = vector.shape_cast %swap3A_791 : vector<1x1x16xf32> to vector<16xf32>
    %swap3A_793 = vector.shape_cast %scan3A_544#30 : vector<16xf32> to vector<1x1x16xf32>
    tpu.vector_store %arg10[%swap3A_788, %swap3A_789, %swap3A_790], %swap3A_793 {strides = array<i32>} : memref<2x4x128xf32, #tpu.memory_space<vmem>>, vector<1x1x16xf32>,
    %swap3A_794 = arith.constant 1 : i32
    %swap3A_795 = arith.constant 3 : i32
    %swap3A_796 = arith.index_cast %swap3A_794 : i32 to index
    %swap3A_797 = arith.index_cast %swap3A_795 : i32 to index
    %swap3A_798 = arith.constant 112 : index
    %swap3A_799 = tpu.vector_load %arg10[%swap3A_796, %swap3A_797, %swap3A_798] {strides = array<i32>} : memref<2x4x128xf32, #tpu.memory_space<vmem>>, vector<1x1x16xf32>,
    %swap3A_800 = vector.shape_cast %swap3A_799 : vector<1x1x16xf32> to vector<16xf32>
    %swap3A_801 = vector.shape_cast %scan3A_544#31 : vector<16xf32> to vector<1x1x16xf32>
    tpu.vector_store %arg10[%swap3A_796, %swap3A_797, %swap3A_798], %swap3A_801 {strides = array<i32>} : memref<2x4x128xf32, #tpu.memory_space<vmem>>, vector<1x1x16xf32>,
    %add3A_802 = arith.constant 4 : i32
    %add3A_803 = arith.addi %mul3A_6, %add3A_802 : i32
    %min3A_804 = arith.constant 9996 : i32
    %min3A_805 = arith.minsi %add3A_803, %min3A_804 : i32
    %dma_start3A_806 = arith.constant 1 : i32
    %dma_start3A_807 = arith.constant 0 : i32
    %dma_start3A_808 = arith.constant 0 : i32
    %dma_start3A_809 = tpu.memref_slice %arg10[%dma_start3A_806, %dma_start3A_807, %dma_start3A_808] : memref<2x4x128xf32, #tpu.memory_space<vmem>> -> memref<1x4x128xf32, #tpu.memory_space<vmem>>
    %dma_start3A_810 = tpu.memref_squeeze %dma_start3A_809 : memref<1x4x128xf32, #tpu.memory_space<vmem>> -> memref<4x128xf32, #tpu.memory_space<vmem>>
    %dma_start3A_811 = arith.constant 0 : i32
    %dma_start3A_812 = tpu.memref_slice %arg5[%min3A_805, %dma_start3A_811] : memref<10000x128xf32, #tpu.memory_space<hbm>> -> memref<4x128xf32, #tpu.memory_space<hbm>>
    %dma_start3A_813 = arith.constant 0 : i32
    %dma_start3A_814 = tpu.memref_slice %arg5[%min3A_805, %dma_start3A_813] : memref<10000x128xf32, #tpu.memory_space<hbm>> -> memref<4x128xf32, #tpu.memory_space<hbm>>
    %dma_start3A_815 = arith.constant 0 : i32
    %dma_start3A_816 = arith.constant 0 : i32
    %dma_start3A_817 = tpu.memref_slice %arg10[%dma_start3A_806, %dma_start3A_815, %dma_start3A_816] : memref<2x4x128xf32, #tpu.memory_space<vmem>> -> memref<1x4x128xf32, #tpu.memory_space<vmem>>
    %dma_start3A_818 = tpu.memref_squeeze %dma_start3A_817 : memref<1x4x128xf32, #tpu.memory_space<vmem>> -> memref<4x128xf32, #tpu.memory_space<vmem>>
    tpu.enqueue_dma source(%dma_start3A_818 : memref<4x128xf32, #tpu.memory_space<vmem>>) target(%dma_start3A_814 : memref<4x128xf32, #tpu.memory_space<hbm>>) target_semaphore(%arg18 : memref<!tpu.dma_semaphore, #tpu.memory_space<semaphore_mem>>)
    %scan3A_819 = arith.constant 0 : i32
    %scan3A_820 = arith.constant 1 : i32
    %scan3A_821 = arith.constant 38 : i32
    %scan3A_822 = arith.addi %scan3A_820, %scan3A_821 : i32
    %scan3A_823 = arith.constant 1 : i32
    scf.for %scan3A_1558 = %scan3A_820 to %scan3A_822 step %scan3A_823  : i32 {
      %mul3A_1559 = arith.constant 2 : i32
      %mul3A_1560 = arith.muli %mul3A_1559, %scan3A_1558 : i32
      %dma_wait3A_1561 = arith.constant 0 : i32
      %dma_wait3A_1562 = arith.constant 0 : i32
      %dma_wait3A_1563 = arith.constant 0 : i32
      %dma_wait3A_1564 = arith.constant 0 : i32
      %dma_wait3A_1565 = tpu.memref_slice %arg8[%dma_wait3A_1562, %dma_wait3A_1563, %dma_wait3A_1564] : memref<2x128x64xi32, #tpu.memory_space<vmem>> -> memref<1x128x64xi32, #tpu.memory_space<vmem>>
      %dma_wait3A_1566 = tpu.memref_squeeze %dma_wait3A_1565 : memref<1x128x64xi32, #tpu.memory_space<vmem>> -> memref<128x64xi32, #tpu.memory_space<vmem>>
      %dma_wait3A_1567 = arith.constant 0 : i32
      %dma_wait3A_1568 = tpu.memref_slice %arg7[%dma_wait3A_1561, %dma_wait3A_1567] : memref<2x128xi32, #tpu.memory_space<vmem>> -> memref<1x128xi32, #tpu.memory_space<vmem>>
      %dma_wait3A_1569 = tpu.memref_squeeze %dma_wait3A_1568 : memref<1x128xi32, #tpu.memory_space<vmem>> -> memref<128xi32, #tpu.memory_space<vmem>>
      %dma_wait3A_1570 = arith.constant 0 : i32
      %dma_wait3A_1571 = arith.constant 0 : i32
      %dma_wait3A_1572 = tpu.memref_slice %arg6[%dma_wait3A_1570, %dma_wait3A_1571] : memref<10240x64xi32, #tpu.memory_space<vmem_shared>> -> memref<10240x64xi32, #tpu.memory_space<vmem_shared>>
      tpu.wait_indirect_dma semaphore(%arg13 : memref<!tpu.dma_semaphore, #tpu.memory_space<semaphore_mem>>) src(%dma_wait3A_1572 : memref<10240x64xi32, #tpu.memory_space<vmem_shared>>) dst(%dma_wait3A_1566 : memref<128x64xi32, #tpu.memory_space<vmem>>)
      %mul3A_1573 = arith.constant 4 : i32
      %mul3A_1574 = arith.muli %mul3A_1560, %mul3A_1573 : i32
      %add3A_1575 = arith.addi %mul3A_6, %mul3A_1574 : i32
      %min3A_1576 = arith.constant 9996 : i32
      %min3A_1577 = arith.minsi %add3A_1575, %min3A_1576 : i32
      %dma_wait3A_1578 = arith.constant 0 : i32
      %dma_wait3A_1579 = arith.constant 0 : i32
      %dma_wait3A_1580 = arith.constant 0 : i32
      %dma_wait3A_1581 = tpu.memref_slice %arg9[%dma_wait3A_1578, %dma_wait3A_1579, %dma_wait3A_1580] : memref<2x4x512xf32, #tpu.memory_space<vmem>> -> memref<1x4x512xf32, #tpu.memory_space<vmem>>
      %dma_wait3A_1582 = tpu.memref_squeeze %dma_wait3A_1581 : memref<1x4x512xf32, #tpu.memory_space<vmem>> -> memref<4x512xf32, #tpu.memory_space<vmem>>
      %dma_wait3A_1583 = arith.constant 0 : i32
      %dma_wait3A_1584 = tpu.memref_slice %arg3[%min3A_1577, %dma_wait3A_1583] : memref<10000x512xf32, #tpu.memory_space<hbm>> -> memref<4x512xf32, #tpu.memory_space<hbm>>
      %dma_wait3A_1585 = arith.constant 0 : i32
      %dma_wait3A_1586 = arith.constant 0 : i32
      %dma_wait3A_1587 = tpu.memref_slice %arg9[%dma_wait3A_1578, %dma_wait3A_1585, %dma_wait3A_1586] : memref<2x4x512xf32, #tpu.memory_space<vmem>> -> memref<1x4x512xf32, #tpu.memory_space<vmem>>
      %dma_wait3A_1588 = tpu.memref_squeeze %dma_wait3A_1587 : memref<1x4x512xf32, #tpu.memory_space<vmem>> -> memref<4x512xf32, #tpu.memory_space<vmem>>
      %dma_wait3A_1589 = arith.constant 0 : i32
      %dma_wait3A_1590 = tpu.memref_slice %arg3[%min3A_1577, %dma_wait3A_1589] : memref<10000x512xf32, #tpu.memory_space<hbm>> -> memref<4x512xf32, #tpu.memory_space<hbm>>
      tpu.wait_dma2 semaphore(%arg15 : memref<!tpu.dma_semaphore, #tpu.memory_space<semaphore_mem>>) src(%dma_wait3A_1590 : memref<4x512xf32, #tpu.memory_space<hbm>>) dst(%dma_wait3A_1588 : memref<4x512xf32, #tpu.memory_space<vmem>>)
      %add3A_1591 = arith.constant 1 : i32
      %add3A_1592 = arith.addi %mul3A_1560, %add3A_1591 : i32
      %mul3A_1593 = arith.constant 4 : i32
      %mul3A_1594 = arith.muli %add3A_1592, %mul3A_1593 : i32
      %add3A_1595 = arith.addi %mul3A_6, %mul3A_1594 : i32
      %min3A_1596 = arith.constant 9996 : i32
      %min3A_1597 = arith.minsi %add3A_1595, %min3A_1596 : i32
      %mul3A_1598 = arith.constant 32 : i32
      %mul3A_1599 = arith.muli %min3A_1597, %mul3A_1598 : i32
      %multiple_of3A_1600 = tpu.assume_multiple %mul3A_1599, 128 : i32
      %dma_wait3A_1601 = arith.constant 1 : i32
      %dma_wait3A_1602 = arith.constant 0 : i32
      %dma_wait3A_1603 = tpu.memref_slice %arg7[%dma_wait3A_1601, %dma_wait3A_1602] : memref<2x128xi32, #tpu.memory_space<vmem>> -> memref<1x128xi32, #tpu.memory_space<vmem>>
      %dma_wait3A_1604 = tpu.memref_squeeze %dma_wait3A_1603 : memref<1x128xi32, #tpu.memory_space<vmem>> -> memref<128xi32, #tpu.memory_space<vmem>>
      %dma_wait3A_1605 = tpu.memref_slice %arg4[%multiple_of3A_1600] : memref<320000xi32, #tpu.memory_space<hbm>> -> memref<128xi32, #tpu.memory_space<hbm>>
      %dma_wait3A_1606 = arith.constant 0 : i32
      %dma_wait3A_1607 = tpu.memref_slice %arg7[%dma_wait3A_1601, %dma_wait3A_1606] : memref<2x128xi32, #tpu.memory_space<vmem>> -> memref<1x128xi32, #tpu.memory_space<vmem>>
      %dma_wait3A_1608 = tpu.memref_squeeze %dma_wait3A_1607 : memref<1x128xi32, #tpu.memory_space<vmem>> -> memref<128xi32, #tpu.memory_space<vmem>>
      %dma_wait3A_1609 = tpu.memref_slice %arg4[%multiple_of3A_1600] : memref<320000xi32, #tpu.memory_space<hbm>> -> memref<128xi32, #tpu.memory_space<hbm>>
      tpu.wait_dma2 semaphore(%arg12 : memref<!tpu.dma_semaphore, #tpu.memory_space<semaphore_mem>>) src(%dma_wait3A_1609 : memref<128xi32, #tpu.memory_space<hbm>>) dst(%dma_wait3A_1608 : memref<128xi32, #tpu.memory_space<vmem>>)
      %dma_start3A_1610 = arith.constant 1 : i32
      %dma_start3A_1611 = arith.constant 1 : i32
      %dma_start3A_1612 = arith.constant 0 : i32
      %dma_start3A_1613 = arith.constant 0 : i32
      %dma_start3A_1614 = tpu.memref_slice %arg8[%dma_start3A_1611, %dma_start3A_1612, %dma_start3A_1613] : memref<2x128x64xi32, #tpu.memory_space<vmem>> -> memref<1x128x64xi32, #tpu.memory_space<vmem>>
      %dma_start3A_1615 = tpu.memref_squeeze %dma_start3A_1614 : memref<1x128x64xi32, #tpu.memory_space<vmem>> -> memref<128x64xi32, #tpu.memory_space<vmem>>
      %dma_start3A_1616 = arith.constant 0 : i32
      %dma_start3A_1617 = tpu.memref_slice %arg7[%dma_start3A_1610, %dma_start3A_1616] : memref<2x128xi32, #tpu.memory_space<vmem>> -> memref<1x128xi32, #tpu.memory_space<vmem>>
      %dma_start3A_1618 = tpu.memref_squeeze %dma_start3A_1617 : memref<1x128xi32, #tpu.memory_space<vmem>> -> memref<128xi32, #tpu.memory_space<vmem>>
      %dma_start3A_1619 = arith.constant 0 : i32
      %dma_start3A_1620 = arith.constant 0 : i32
      %dma_start3A_1621 = tpu.memref_slice %arg6[%dma_start3A_1619, %dma_start3A_1620] : memref<10240x64xi32, #tpu.memory_space<vmem_shared>> -> memref<10240x64xi32, #tpu.memory_space<vmem_shared>>
      tpu.enqueue_indirect_dma source(%dma_start3A_1621 : memref<10240x64xi32, #tpu.memory_space<vmem_shared>>) target(%dma_start3A_1615 : memref<128x64xi32, #tpu.memory_space<vmem>>) offsets(%dma_start3A_1618 : memref<128xi32, #tpu.memory_space<vmem>>) semaphore(%arg14 : memref<!tpu.dma_semaphore, #tpu.memory_space<semaphore_mem>>)
      %add3A_1622 = arith.constant 1 : i32
      %add3A_1623 = arith.addi %mul3A_1560, %add3A_1622 : i32
      %mul3A_1624 = arith.constant 4 : i32
      %mul3A_1625 = arith.muli %add3A_1623, %mul3A_1624 : i32
      %add3A_1626 = arith.addi %mul3A_6, %mul3A_1625 : i32
      %min3A_1627 = arith.constant 9996 : i32
      %min3A_1628 = arith.minsi %add3A_1626, %min3A_1627 : i32
      %dma_start3A_1629 = arith.constant 1 : i32
      %dma_start3A_1630 = arith.constant 0 : i32
      %dma_start3A_1631 = arith.constant 0 : i32
      %dma_start3A_1632 = tpu.memref_slice %arg9[%dma_start3A_1629, %dma_start3A_1630, %dma_start3A_1631] : memref<2x4x512xf32, #tpu.memory_space<vmem>> -> memref<1x4x512xf32, #tpu.memory_space<vmem>>
      %dma_start3A_1633 = tpu.memref_squeeze %dma_start3A_1632 : memref<1x4x512xf32, #tpu.memory_space<vmem>> -> memref<4x512xf32, #tpu.memory_space<vmem>>
      %dma_start3A_1634 = arith.constant 0 : i32
      %dma_start3A_1635 = tpu.memref_slice %arg3[%min3A_1628, %dma_start3A_1634] : memref<10000x512xf32, #tpu.memory_space<hbm>> -> memref<4x512xf32, #tpu.memory_space<hbm>>
      %dma_start3A_1636 = arith.constant 0 : i32
      %dma_start3A_1637 = arith.constant 0 : i32
      %dma_start3A_1638 = tpu.memref_slice %arg9[%dma_start3A_1629, %dma_start3A_1636, %dma_start3A_1637] : memref<2x4x512xf32, #tpu.memory_space<vmem>> -> memref<1x4x512xf32, #tpu.memory_space<vmem>>
      %dma_start3A_1639 = tpu.memref_squeeze %dma_start3A_1638 : memref<1x4x512xf32, #tpu.memory_space<vmem>> -> memref<4x512xf32, #tpu.memory_space<vmem>>
      %dma_start3A_1640 = arith.constant 0 : i32
      %dma_start3A_1641 = tpu.memref_slice %arg3[%min3A_1628, %dma_start3A_1640] : memref<10000x512xf32, #tpu.memory_space<hbm>> -> memref<4x512xf32, #tpu.memory_space<hbm>>
      tpu.enqueue_dma source(%dma_start3A_1641 : memref<4x512xf32, #tpu.memory_space<hbm>>) target(%dma_start3A_1639 : memref<4x512xf32, #tpu.memory_space<vmem>>) target_semaphore(%arg16 : memref<!tpu.dma_semaphore, #tpu.memory_space<semaphore_mem>>)
      %add3A_1642 = arith.constant 2 : i32
      %add3A_1643 = arith.addi %mul3A_1560, %add3A_1642 : i32
      %mul3A_1644 = arith.constant 4 : i32
      %mul3A_1645 = arith.muli %add3A_1643, %mul3A_1644 : i32
      %add3A_1646 = arith.addi %mul3A_6, %mul3A_1645 : i32
      %min3A_1647 = arith.constant 9996 : i32
      %min3A_1648 = arith.minsi %add3A_1646, %min3A_1647 : i32
      %mul3A_1649 = arith.constant 32 : i32
      %mul3A_1650 = arith.muli %min3A_1648, %mul3A_1649 : i32
      %multiple_of3A_1651 = tpu.assume_multiple %mul3A_1650, 128 : i32
      %dma_start3A_1652 = arith.constant 0 : i32
      %dma_start3A_1653 = arith.constant 0 : i32
      %dma_start3A_1654 = tpu.memref_slice %arg7[%dma_start3A_1652, %dma_start3A_1653] : memref<2x128xi32, #tpu.memory_space<vmem>> -> memref<1x128xi32, #tpu.memory_space<vmem>>
      %dma_start3A_1655 = tpu.memref_squeeze %dma_start3A_1654 : memref<1x128xi32, #tpu.memory_space<vmem>> -> memref<128xi32, #tpu.memory_space<vmem>>
      %dma_start3A_1656 = tpu.memref_slice %arg4[%multiple_of3A_1651] : memref<320000xi32, #tpu.memory_space<hbm>> -> memref<128xi32, #tpu.memory_space<hbm>>
      %dma_start3A_1657 = arith.constant 0 : i32
      %dma_start3A_1658 = tpu.memref_slice %arg7[%dma_start3A_1652, %dma_start3A_1657] : memref<2x128xi32, #tpu.memory_space<vmem>> -> memref<1x128xi32, #tpu.memory_space<vmem>>
      %dma_start3A_1659 = tpu.memref_squeeze %dma_start3A_1658 : memref<1x128xi32, #tpu.memory_space<vmem>> -> memref<128xi32, #tpu.memory_space<vmem>>
      %dma_start3A_1660 = tpu.memref_slice %arg4[%multiple_of3A_1651] : memref<320000xi32, #tpu.memory_space<hbm>> -> memref<128xi32, #tpu.memory_space<hbm>>
      tpu.enqueue_dma source(%dma_start3A_1660 : memref<128xi32, #tpu.memory_space<hbm>>) target(%dma_start3A_1659 : memref<128xi32, #tpu.memory_space<vmem>>) target_semaphore(%arg11 : memref<!tpu.dma_semaphore, #tpu.memory_space<semaphore_mem>>)
      %mul3A_1661 = arith.constant 4 : i32
      %mul3A_1662 = arith.muli %mul3A_1560, %mul3A_1661 : i32
      %add3A_1663 = arith.addi %mul3A_6, %mul3A_1662 : i32
      %min3A_1664 = arith.constant 9996 : i32
      %min3A_1665 = arith.minsi %add3A_1663, %min3A_1664 : i32
      %dma_wait3A_1666 = arith.constant 0 : i32
      %dma_wait3A_1667 = arith.constant 0 : i32
      %dma_wait3A_1668 = arith.constant 0 : i32
      %dma_wait3A_1669 = tpu.memref_slice %arg10[%dma_wait3A_1666, %dma_wait3A_1667, %dma_wait3A_1668] : memref<2x4x128xf32, #tpu.memory_space<vmem>> -> memref<1x4x128xf32, #tpu.memory_space<vmem>>
      %dma_wait3A_1670 = tpu.memref_squeeze %dma_wait3A_1669 : memref<1x4x128xf32, #tpu.memory_space<vmem>> -> memref<4x128xf32, #tpu.memory_space<vmem>>
      %dma_wait3A_1671 = arith.constant 0 : i32
      %dma_wait3A_1672 = tpu.memref_slice %arg5[%min3A_1665, %dma_wait3A_1671] : memref<10000x128xf32, #tpu.memory_space<hbm>> -> memref<4x128xf32, #tpu.memory_space<hbm>>
      %dma_wait3A_1673 = arith.constant 0 : i32
      %dma_wait3A_1674 = tpu.memref_slice %arg5[%min3A_1665, %dma_wait3A_1673] : memref<10000x128xf32, #tpu.memory_space<hbm>> -> memref<4x128xf32, #tpu.memory_space<hbm>>
      %dma_wait3A_1675 = arith.constant 0 : i32
      %dma_wait3A_1676 = arith.constant 0 : i32
      %dma_wait3A_1677 = tpu.memref_slice %arg10[%dma_wait3A_1666, %dma_wait3A_1675, %dma_wait3A_1676] : memref<2x4x128xf32, #tpu.memory_space<vmem>> -> memref<1x4x128xf32, #tpu.memory_space<vmem>>
      %dma_wait3A_1678 = tpu.memref_squeeze %dma_wait3A_1677 : memref<1x4x128xf32, #tpu.memory_space<vmem>> -> memref<4x128xf32, #tpu.memory_space<vmem>>
      tpu.wait_dma2 semaphore(%arg17 : memref<!tpu.dma_semaphore, #tpu.memory_space<semaphore_mem>>) src(%dma_wait3A_1678 : memref<4x128xf32, #tpu.memory_space<vmem>>) dst(%dma_wait3A_1674 : memref<4x128xf32, #tpu.memory_space<hbm>>)
      %broadcast_in_dim3A_1679 = arith.constant 0.000000e+00 : f32
      %broadcast_in_dim3A_1680 = vector.broadcast %broadcast_in_dim3A_1679 : f32 to vector<16xf32>
      %scan3A_1681 = arith.constant 0 : i32
      %scan3A_1682 = arith.constant 32 : i32
      %scan3A_1683 = arith.addi %scan3A_1681, %scan3A_1682 : i32
      %scan3A_1684 = arith.constant 1 : i32
      %scan3A_1685:32 = scf.for %scan3A_2363 = %scan3A_1681 to %scan3A_1683 step %scan3A_1684 iter_args(%scan3A_2364 = %broadcast_in_dim3A_1680, %scan3A_2365 = %broadcast_in_dim3A_1680, %scan3A_2366 = %broadcast_in_dim3A_1680, %scan3A_2367 = %broadcast_in_dim3A_1680, %scan3A_2368 = %broadcast_in_dim3A_1680, %scan3A_2369 = %broadcast_in_dim3A_1680, %scan3A_2370 = %broadcast_in_dim3A_1680, %scan3A_2371 = %broadcast_in_dim3A_1680, %scan3A_2372 = %broadcast_in_dim3A_1680, %scan3A_2373 = %broadcast_in_dim3A_1680, %scan3A_2374 = %broadcast_in_dim3A_1680, %scan3A_2375 = %broadcast_in_dim3A_1680, %scan3A_2376 = %broadcast_in_dim3A_1680, %scan3A_2377 = %broadcast_in_dim3A_1680, %scan3A_2378 = %broadcast_in_dim3A_1680, %scan3A_2379 = %broadcast_in_dim3A_1680, %scan3A_2380 = %broadcast_in_dim3A_1680, %scan3A_2381 = %broadcast_in_dim3A_1680, %scan3A_2382 = %broadcast_in_dim3A_1680, %scan3A_2383 = %broadcast_in_dim3A_1680, %scan3A_2384 = %broadcast_in_dim3A_1680, %scan3A_2385 = %broadcast_in_dim3A_1680, %scan3A_2386 = %broadcast_in_dim3A_1680, %scan3A_2387 = %broadcast_in_dim3A_1680, %scan3A_2388 = %broadcast_in_dim3A_1680, %scan3A_2389 = %broadcast_in_dim3A_1680, %scan3A_2390 = %broadcast_in_dim3A_1680, %scan3A_2391 = %broadcast_in_dim3A_1680, %scan3A_2392 = %broadcast_in_dim3A_1680, %scan3A_2393 = %broadcast_in_dim3A_1680, %scan3A_2394 = %broadcast_in_dim3A_1680, %scan3A_2395 = %broadcast_in_dim3A_1680) -> (vector<16xf32>, vector<16xf32>, vector<16xf32>, vector<16xf32>, vector<16xf32>, vector<16xf32>, vector<16xf32>, vector<16xf32>, vector<16xf32>, vector<16xf32>, vector<16xf32>, vector<16xf32>, vector<16xf32>, vector<16xf32>, vector<16xf32>, vector<16xf32>, vector<16xf32>, vector<16xf32>, vector<16xf32>, vector<16xf32>, vector<16xf32>, vector<16xf32>, vector<16xf32>, vector<16xf32>, vector<16xf32>, vector<16xf32>, vector<16xf32>, vector<16xf32>, vector<16xf32>, vector<16xf32>, vector<16xf32>, vector<16xf32>)  : i32 {
        %add3A_2396 = arith.constant 0 : i32
        %add3A_2397 = arith.addi %add3A_2396, %scan3A_2363 : i32
        %mul3A_2398 = arith.constant 16 : i32
        %mul3A_2399 = arith.muli %scan3A_2363, %mul3A_2398 : i32
        %get3A = arith.constant 0 : i32
        %get3A_2400 = arith.constant 0 : i32
        %get3A_2401 = arith.index_cast %get3A : i32 to index
        %get3A_2402 = arith.index_cast %get3A_2400 : i32 to index
        %get3A_2403 = arith.index_cast %mul3A_2399 : i32 to index
        %get3A_2404 = tpu.vector_load %arg9[%get3A_2401, %get3A_2402, %get3A_2403] {strides = array<i32>} : memref<2x4x512xf32, #tpu.memory_space<vmem>>, vector<1x1x16xf32>,
        %get3A_2405 = vector.shape_cast %get3A_2404 : vector<1x1x16xf32> to vector<16xf32>
        %get3A_2406 = arith.constant 0 : i32
        %get3A_2407 = arith.index_cast %get3A_2406 : i32 to index
        %get3A_2408 = arith.index_cast %add3A_2397 : i32 to index
        %get3A_2409 = arith.constant 0 : index
        %get3A_2410 = tpu.vector_load %arg8[%get3A_2407, %get3A_2408, %get3A_2409] {strides = array<i32>} : memref<2x128x64xi32, #tpu.memory_space<vmem>>, vector<1x1x16xi32>,
        %get3A_2411 = vector.shape_cast %get3A_2410 : vector<1x1x16xi32> to vector<16xi32>
        %shift_left3A = arith.constant 16 : i32
        %shift_left3A_2412 = vector.broadcast %shift_left3A : i32 to vector<16xi32>
        %shift_left3A_2413 = arith.shli %get3A_2411, %shift_left3A_2412 : vector<16xi32>
        %bitcast_convert_type3A = tpu.bitcast %shift_left3A_2413 : vector<16xi32> -> vector<16xf32>
        %bitcast_convert_type3A_2414 = tpu.bitcast %get3A_2411 : vector<16xi32> -> vector<16xf32>
        %mul3A_2415 = arith.mulf %bitcast_convert_type3A, %get3A_2405 : vector<16xf32>
        %add3A_2416 = arith.addf %scan3A_2364, %mul3A_2415 : vector<16xf32>
        %mul3A_2417 = arith.mulf %bitcast_convert_type3A_2414, %get3A_2405 : vector<16xf32>
        %add3A_2418 = arith.addf %scan3A_2365, %mul3A_2417 : vector<16xf32>
        %get3A_2419 = arith.constant 0 : i32
        %get3A_2420 = arith.index_cast %get3A_2419 : i32 to index
        %get3A_2421 = arith.index_cast %add3A_2397 : i32 to index
        %get3A_2422 = arith.constant 16 : index
        %get3A_2423 = tpu.vector_load %arg8[%get3A_2420, %get3A_2421, %get3A_2422] {strides = array<i32>} : memref<2x128x64xi32, #tpu.memory_space<vmem>>, vector<1x1x16xi32>,
        %get3A_2424 = vector.shape_cast %get3A_2423 : vector<1x1x16xi32> to vector<16xi32>
        %shift_left3A_2425 = arith.constant 16 : i32
        %shift_left3A_2426 = vector.broadcast %shift_left3A_2425 : i32 to vector<16xi32>
        %shift_left3A_2427 = arith.shli %get3A_2424, %shift_left3A_2426 : vector<16xi32>
        %bitcast_convert_type3A_2428 = tpu.bitcast %shift_left3A_2427 : vector<16xi32> -> vector<16xf32>
        %bitcast_convert_type3A_2429 = tpu.bitcast %get3A_2424 : vector<16xi32> -> vector<16xf32>
        %mul3A_2430 = arith.mulf %bitcast_convert_type3A_2428, %get3A_2405 : vector<16xf32>
        %add3A_2431 = arith.addf %scan3A_2366, %mul3A_2430 : vector<16xf32>
        %mul3A_2432 = arith.mulf %bitcast_convert_type3A_2429, %get3A_2405 : vector<16xf32>
        %add3A_2433 = arith.addf %scan3A_2367, %mul3A_2432 : vector<16xf32>
        %get3A_2434 = arith.constant 0 : i32
        %get3A_2435 = arith.index_cast %get3A_2434 : i32 to index
        %get3A_2436 = arith.index_cast %add3A_2397 : i32 to index
        %get3A_2437 = arith.constant 32 : index
        %get3A_2438 = tpu.vector_load %arg8[%get3A_2435, %get3A_2436, %get3A_2437] {strides = array<i32>} : memref<2x128x64xi32, #tpu.memory_space<vmem>>, vector<1x1x16xi32>,
        %get3A_2439 = vector.shape_cast %get3A_2438 : vector<1x1x16xi32> to vector<16xi32>
        %shift_left3A_2440 = arith.constant 16 : i32
        %shift_left3A_2441 = vector.broadcast %shift_left3A_2440 : i32 to vector<16xi32>
        %shift_left3A_2442 = arith.shli %get3A_2439, %shift_left3A_2441 : vector<16xi32>
        %bitcast_convert_type3A_2443 = tpu.bitcast %shift_left3A_2442 : vector<16xi32> -> vector<16xf32>
        %bitcast_convert_type3A_2444 = tpu.bitcast %get3A_2439 : vector<16xi32> -> vector<16xf32>
        %mul3A_2445 = arith.mulf %bitcast_convert_type3A_2443, %get3A_2405 : vector<16xf32>
        %add3A_2446 = arith.addf %scan3A_2368, %mul3A_2445 : vector<16xf32>
        %mul3A_2447 = arith.mulf %bitcast_convert_type3A_2444, %get3A_2405 : vector<16xf32>
        %add3A_2448 = arith.addf %scan3A_2369, %mul3A_2447 : vector<16xf32>
        %get3A_2449 = arith.constant 0 : i32
        %get3A_2450 = arith.index_cast %get3A_2449 : i32 to index
        %get3A_2451 = arith.index_cast %add3A_2397 : i32 to index
        %get3A_2452 = arith.constant 48 : index
        %get3A_2453 = tpu.vector_load %arg8[%get3A_2450, %get3A_2451, %get3A_2452] {strides = array<i32>} : memref<2x128x64xi32, #tpu.memory_space<vmem>>, vector<1x1x16xi32>,
        %get3A_2454 = vector.shape_cast %get3A_2453 : vector<1x1x16xi32> to vector<16xi32>
        %shift_left3A_2455 = arith.constant 16 : i32
        %shift_left3A_2456 = vector.broadcast %shift_left3A_2455 : i32 to vector<16xi32>
        %shift_left3A_2457 = arith.shli %get3A_2454, %shift_left3A_2456 : vector<16xi32>
        %bitcast_convert_type3A_2458 = tpu.bitcast %shift_left3A_2457 : vector<16xi32> -> vector<16xf32>
        %bitcast_convert_type3A_2459 = tpu.bitcast %get3A_2454 : vector<16xi32> -> vector<16xf32>
        %mul3A_2460 = arith.mulf %bitcast_convert_type3A_2458, %get3A_2405 : vector<16xf32>
        %add3A_2461 = arith.addf %scan3A_2370, %mul3A_2460 : vector<16xf32>
        %mul3A_2462 = arith.mulf %bitcast_convert_type3A_2459, %get3A_2405 : vector<16xf32>
        %add3A_2463 = arith.addf %scan3A_2371, %mul3A_2462 : vector<16xf32>
        %add3A_2464 = arith.constant 32 : i32
        %add3A_2465 = arith.addi %add3A_2464, %scan3A_2363 : i32
        %mul3A_2466 = arith.constant 16 : i32
        %mul3A_2467 = arith.muli %scan3A_2363, %mul3A_2466 : i32
        %get3A_2468 = arith.constant 0 : i32
        %get3A_2469 = arith.constant 1 : i32
        %get3A_2470 = arith.index_cast %get3A_2468 : i32 to index
        %get3A_2471 = arith.index_cast %get3A_2469 : i32 to index
        %get3A_2472 = arith.index_cast %mul3A_2467 : i32 to index
        %get3A_2473 = tpu.vector_load %arg9[%get3A_2470, %get3A_2471, %get3A_2472] {strides = array<i32>} : memref<2x4x512xf32, #tpu.memory_space<vmem>>, vector<1x1x16xf32>,
        %get3A_2474 = vector.shape_cast %get3A_2473 : vector<1x1x16xf32> to vector<16xf32>
        %get3A_2475 = arith.constant 0 : i32
        %get3A_2476 = arith.index_cast %get3A_2475 : i32 to index
        %get3A_2477 = arith.index_cast %add3A_2465 : i32 to index
        %get3A_2478 = arith.constant 0 : index
        %get3A_2479 = tpu.vector_load %arg8[%get3A_2476, %get3A_2477, %get3A_2478] {strides = array<i32>} : memref<2x128x64xi32, #tpu.memory_space<vmem>>, vector<1x1x16xi32>,
        %get3A_2480 = vector.shape_cast %get3A_2479 : vector<1x1x16xi32> to vector<16xi32>
        %shift_left3A_2481 = arith.constant 16 : i32
        %shift_left3A_2482 = vector.broadcast %shift_left3A_2481 : i32 to vector<16xi32>
        %shift_left3A_2483 = arith.shli %get3A_2480, %shift_left3A_2482 : vector<16xi32>
        %bitcast_convert_type3A_2484 = tpu.bitcast %shift_left3A_2483 : vector<16xi32> -> vector<16xf32>
        %bitcast_convert_type3A_2485 = tpu.bitcast %get3A_2480 : vector<16xi32> -> vector<16xf32>
        %mul3A_2486 = arith.mulf %bitcast_convert_type3A_2484, %get3A_2474 : vector<16xf32>
        %add3A_2487 = arith.addf %scan3A_2372, %mul3A_2486 : vector<16xf32>
        %mul3A_2488 = arith.mulf %bitcast_convert_type3A_2485, %get3A_2474 : vector<16xf32>
        %add3A_2489 = arith.addf %scan3A_2373, %mul3A_2488 : vector<16xf32>
        %get3A_2490 = arith.constant 0 : i32
        %get3A_2491 = arith.index_cast %get3A_2490 : i32 to index
        %get3A_2492 = arith.index_cast %add3A_2465 : i32 to index
        %get3A_2493 = arith.constant 16 : index
        %get3A_2494 = tpu.vector_load %arg8[%get3A_2491, %get3A_2492, %get3A_2493] {strides = array<i32>} : memref<2x128x64xi32, #tpu.memory_space<vmem>>, vector<1x1x16xi32>,
        %get3A_2495 = vector.shape_cast %get3A_2494 : vector<1x1x16xi32> to vector<16xi32>
        %shift_left3A_2496 = arith.constant 16 : i32
        %shift_left3A_2497 = vector.broadcast %shift_left3A_2496 : i32 to vector<16xi32>
        %shift_left3A_2498 = arith.shli %get3A_2495, %shift_left3A_2497 : vector<16xi32>
        %bitcast_convert_type3A_2499 = tpu.bitcast %shift_left3A_2498 : vector<16xi32> -> vector<16xf32>
        %bitcast_convert_type3A_2500 = tpu.bitcast %get3A_2495 : vector<16xi32> -> vector<16xf32>
        %mul3A_2501 = arith.mulf %bitcast_convert_type3A_2499, %get3A_2474 : vector<16xf32>
        %add3A_2502 = arith.addf %scan3A_2374, %mul3A_2501 : vector<16xf32>
        %mul3A_2503 = arith.mulf %bitcast_convert_type3A_2500, %get3A_2474 : vector<16xf32>
        %add3A_2504 = arith.addf %scan3A_2375, %mul3A_2503 : vector<16xf32>
        %get3A_2505 = arith.constant 0 : i32
        %get3A_2506 = arith.index_cast %get3A_2505 : i32 to index
        %get3A_2507 = arith.index_cast %add3A_2465 : i32 to index
        %get3A_2508 = arith.constant 32 : index
        %get3A_2509 = tpu.vector_load %arg8[%get3A_2506, %get3A_2507, %get3A_2508] {strides = array<i32>} : memref<2x128x64xi32, #tpu.memory_space<vmem>>, vector<1x1x16xi32>,
        %get3A_2510 = vector.shape_cast %get3A_2509 : vector<1x1x16xi32> to vector<16xi32>
        %shift_left3A_2511 = arith.constant 16 : i32
        %shift_left3A_2512 = vector.broadcast %shift_left3A_2511 : i32 to vector<16xi32>
        %shift_left3A_2513 = arith.shli %get3A_2510, %shift_left3A_2512 : vector<16xi32>
        %bitcast_convert_type3A_2514 = tpu.bitcast %shift_left3A_2513 : vector<16xi32> -> vector<16xf32>
        %bitcast_convert_type3A_2515 = tpu.bitcast %get3A_2510 : vector<16xi32> -> vector<16xf32>
        %mul3A_2516 = arith.mulf %bitcast_convert_type3A_2514, %get3A_2474 : vector<16xf32>
        %add3A_2517 = arith.addf %scan3A_2376, %mul3A_2516 : vector<16xf32>
        %mul3A_2518 = arith.mulf %bitcast_convert_type3A_2515, %get3A_2474 : vector<16xf32>
        %add3A_2519 = arith.addf %scan3A_2377, %mul3A_2518 : vector<16xf32>
        %get3A_2520 = arith.constant 0 : i32
        %get3A_2521 = arith.index_cast %get3A_2520 : i32 to index
        %get3A_2522 = arith.index_cast %add3A_2465 : i32 to index
        %get3A_2523 = arith.constant 48 : index
        %get3A_2524 = tpu.vector_load %arg8[%get3A_2521, %get3A_2522, %get3A_2523] {strides = array<i32>} : memref<2x128x64xi32, #tpu.memory_space<vmem>>, vector<1x1x16xi32>,
        %get3A_2525 = vector.shape_cast %get3A_2524 : vector<1x1x16xi32> to vector<16xi32>
        %shift_left3A_2526 = arith.constant 16 : i32
        %shift_left3A_2527 = vector.broadcast %shift_left3A_2526 : i32 to vector<16xi32>
        %shift_left3A_2528 = arith.shli %get3A_2525, %shift_left3A_2527 : vector<16xi32>
        %bitcast_convert_type3A_2529 = tpu.bitcast %shift_left3A_2528 : vector<16xi32> -> vector<16xf32>
        %bitcast_convert_type3A_2530 = tpu.bitcast %get3A_2525 : vector<16xi32> -> vector<16xf32>
        %mul3A_2531 = arith.mulf %bitcast_convert_type3A_2529, %get3A_2474 : vector<16xf32>
        %add3A_2532 = arith.addf %scan3A_2378, %mul3A_2531 : vector<16xf32>
        %mul3A_2533 = arith.mulf %bitcast_convert_type3A_2530, %get3A_2474 : vector<16xf32>
        %add3A_2534 = arith.addf %scan3A_2379, %mul3A_2533 : vector<16xf32>
        %add3A_2535 = arith.constant 64 : i32
        %add3A_2536 = arith.addi %add3A_2535, %scan3A_2363 : i32
        %mul3A_2537 = arith.constant 16 : i32
        %mul3A_2538 = arith.muli %scan3A_2363, %mul3A_2537 : i32
        %get3A_2539 = arith.constant 0 : i32
        %get3A_2540 = arith.constant 2 : i32
        %get3A_2541 = arith.index_cast %get3A_2539 : i32 to index
        %get3A_2542 = arith.index_cast %get3A_2540 : i32 to index
        %get3A_2543 = arith.index_cast %mul3A_2538 : i32 to index
        %get3A_2544 = tpu.vector_load %arg9[%get3A_2541, %get3A_2542, %get3A_2543] {strides = array<i32>} : memref<2x4x512xf32, #tpu.memory_space<vmem>>, vector<1x1x16xf32>,
        %get3A_2545 = vector.shape_cast %get3A_2544 : vector<1x1x16xf32> to vector<16xf32>
        %get3A_2546 = arith.constant 0 : i32
        %get3A_2547 = arith.index_cast %get3A_2546 : i32 to index
        %get3A_2548 = arith.index_cast %add3A_2536 : i32 to index
        %get3A_2549 = arith.constant 0 : index
        %get3A_2550 = tpu.vector_load %arg8[%get3A_2547, %get3A_2548, %get3A_2549] {strides = array<i32>} : memref<2x128x64xi32, #tpu.memory_space<vmem>>, vector<1x1x16xi32>,
        %get3A_2551 = vector.shape_cast %get3A_2550 : vector<1x1x16xi32> to vector<16xi32>
        %shift_left3A_2552 = arith.constant 16 : i32
        %shift_left3A_2553 = vector.broadcast %shift_left3A_2552 : i32 to vector<16xi32>
        %shift_left3A_2554 = arith.shli %get3A_2551, %shift_left3A_2553 : vector<16xi32>
        %bitcast_convert_type3A_2555 = tpu.bitcast %shift_left3A_2554 : vector<16xi32> -> vector<16xf32>
        %bitcast_convert_type3A_2556 = tpu.bitcast %get3A_2551 : vector<16xi32> -> vector<16xf32>
        %mul3A_2557 = arith.mulf %bitcast_convert_type3A_2555, %get3A_2545 : vector<16xf32>
        %add3A_2558 = arith.addf %scan3A_2380, %mul3A_2557 : vector<16xf32>
        %mul3A_2559 = arith.mulf %bitcast_convert_type3A_2556, %get3A_2545 : vector<16xf32>
        %add3A_2560 = arith.addf %scan3A_2381, %mul3A_2559 : vector<16xf32>
        %get3A_2561 = arith.constant 0 : i32
        %get3A_2562 = arith.index_cast %get3A_2561 : i32 to index
        %get3A_2563 = arith.index_cast %add3A_2536 : i32 to index
        %get3A_2564 = arith.constant 16 : index
        %get3A_2565 = tpu.vector_load %arg8[%get3A_2562, %get3A_2563, %get3A_2564] {strides = array<i32>} : memref<2x128x64xi32, #tpu.memory_space<vmem>>, vector<1x1x16xi32>,
        %get3A_2566 = vector.shape_cast %get3A_2565 : vector<1x1x16xi32> to vector<16xi32>
        %shift_left3A_2567 = arith.constant 16 : i32
        %shift_left3A_2568 = vector.broadcast %shift_left3A_2567 : i32 to vector<16xi32>
        %shift_left3A_2569 = arith.shli %get3A_2566, %shift_left3A_2568 : vector<16xi32>
        %bitcast_convert_type3A_2570 = tpu.bitcast %shift_left3A_2569 : vector<16xi32> -> vector<16xf32>
        %bitcast_convert_type3A_2571 = tpu.bitcast %get3A_2566 : vector<16xi32> -> vector<16xf32>
        %mul3A_2572 = arith.mulf %bitcast_convert_type3A_2570, %get3A_2545 : vector<16xf32>
        %add3A_2573 = arith.addf %scan3A_2382, %mul3A_2572 : vector<16xf32>
        %mul3A_2574 = arith.mulf %bitcast_convert_type3A_2571, %get3A_2545 : vector<16xf32>
        %add3A_2575 = arith.addf %scan3A_2383, %mul3A_2574 : vector<16xf32>
        %get3A_2576 = arith.constant 0 : i32
        %get3A_2577 = arith.index_cast %get3A_2576 : i32 to index
        %get3A_2578 = arith.index_cast %add3A_2536 : i32 to index
        %get3A_2579 = arith.constant 32 : index
        %get3A_2580 = tpu.vector_load %arg8[%get3A_2577, %get3A_2578, %get3A_2579] {strides = array<i32>} : memref<2x128x64xi32, #tpu.memory_space<vmem>>, vector<1x1x16xi32>,
        %get3A_2581 = vector.shape_cast %get3A_2580 : vector<1x1x16xi32> to vector<16xi32>
        %shift_left3A_2582 = arith.constant 16 : i32
        %shift_left3A_2583 = vector.broadcast %shift_left3A_2582 : i32 to vector<16xi32>
        %shift_left3A_2584 = arith.shli %get3A_2581, %shift_left3A_2583 : vector<16xi32>
        %bitcast_convert_type3A_2585 = tpu.bitcast %shift_left3A_2584 : vector<16xi32> -> vector<16xf32>
        %bitcast_convert_type3A_2586 = tpu.bitcast %get3A_2581 : vector<16xi32> -> vector<16xf32>
        %mul3A_2587 = arith.mulf %bitcast_convert_type3A_2585, %get3A_2545 : vector<16xf32>
        %add3A_2588 = arith.addf %scan3A_2384, %mul3A_2587 : vector<16xf32>
        %mul3A_2589 = arith.mulf %bitcast_convert_type3A_2586, %get3A_2545 : vector<16xf32>
        %add3A_2590 = arith.addf %scan3A_2385, %mul3A_2589 : vector<16xf32>
        %get3A_2591 = arith.constant 0 : i32
        %get3A_2592 = arith.index_cast %get3A_2591 : i32 to index
        %get3A_2593 = arith.index_cast %add3A_2536 : i32 to index
        %get3A_2594 = arith.constant 48 : index
        %get3A_2595 = tpu.vector_load %arg8[%get3A_2592, %get3A_2593, %get3A_2594] {strides = array<i32>} : memref<2x128x64xi32, #tpu.memory_space<vmem>>, vector<1x1x16xi32>,
        %get3A_2596 = vector.shape_cast %get3A_2595 : vector<1x1x16xi32> to vector<16xi32>
        %shift_left3A_2597 = arith.constant 16 : i32
        %shift_left3A_2598 = vector.broadcast %shift_left3A_2597 : i32 to vector<16xi32>
        %shift_left3A_2599 = arith.shli %get3A_2596, %shift_left3A_2598 : vector<16xi32>
        %bitcast_convert_type3A_2600 = tpu.bitcast %shift_left3A_2599 : vector<16xi32> -> vector<16xf32>
        %bitcast_convert_type3A_2601 = tpu.bitcast %get3A_2596 : vector<16xi32> -> vector<16xf32>
        %mul3A_2602 = arith.mulf %bitcast_convert_type3A_2600, %get3A_2545 : vector<16xf32>
        %add3A_2603 = arith.addf %scan3A_2386, %mul3A_2602 : vector<16xf32>
        %mul3A_2604 = arith.mulf %bitcast_convert_type3A_2601, %get3A_2545 : vector<16xf32>
        %add3A_2605 = arith.addf %scan3A_2387, %mul3A_2604 : vector<16xf32>
        %add3A_2606 = arith.constant 96 : i32
        %add3A_2607 = arith.addi %add3A_2606, %scan3A_2363 : i32
        %mul3A_2608 = arith.constant 16 : i32
        %mul3A_2609 = arith.muli %scan3A_2363, %mul3A_2608 : i32
        %get3A_2610 = arith.constant 0 : i32
        %get3A_2611 = arith.constant 3 : i32
        %get3A_2612 = arith.index_cast %get3A_2610 : i32 to index
        %get3A_2613 = arith.index_cast %get3A_2611 : i32 to index
        %get3A_2614 = arith.index_cast %mul3A_2609 : i32 to index
        %get3A_2615 = tpu.vector_load %arg9[%get3A_2612, %get3A_2613, %get3A_2614] {strides = array<i32>} : memref<2x4x512xf32, #tpu.memory_space<vmem>>, vector<1x1x16xf32>,
        %get3A_2616 = vector.shape_cast %get3A_2615 : vector<1x1x16xf32> to vector<16xf32>
        %get3A_2617 = arith.constant 0 : i32
        %get3A_2618 = arith.index_cast %get3A_2617 : i32 to index
        %get3A_2619 = arith.index_cast %add3A_2607 : i32 to index
        %get3A_2620 = arith.constant 0 : index
        %get3A_2621 = tpu.vector_load %arg8[%get3A_2618, %get3A_2619, %get3A_2620] {strides = array<i32>} : memref<2x128x64xi32, #tpu.memory_space<vmem>>, vector<1x1x16xi32>,
        %get3A_2622 = vector.shape_cast %get3A_2621 : vector<1x1x16xi32> to vector<16xi32>
        %shift_left3A_2623 = arith.constant 16 : i32
        %shift_left3A_2624 = vector.broadcast %shift_left3A_2623 : i32 to vector<16xi32>
        %shift_left3A_2625 = arith.shli %get3A_2622, %shift_left3A_2624 : vector<16xi32>
        %bitcast_convert_type3A_2626 = tpu.bitcast %shift_left3A_2625 : vector<16xi32> -> vector<16xf32>
        %bitcast_convert_type3A_2627 = tpu.bitcast %get3A_2622 : vector<16xi32> -> vector<16xf32>
        %mul3A_2628 = arith.mulf %bitcast_convert_type3A_2626, %get3A_2616 : vector<16xf32>
        %add3A_2629 = arith.addf %scan3A_2388, %mul3A_2628 : vector<16xf32>
        %mul3A_2630 = arith.mulf %bitcast_convert_type3A_2627, %get3A_2616 : vector<16xf32>
        %add3A_2631 = arith.addf %scan3A_2389, %mul3A_2630 : vector<16xf32>
        %get3A_2632 = arith.constant 0 : i32
        %get3A_2633 = arith.index_cast %get3A_2632 : i32 to index
        %get3A_2634 = arith.index_cast %add3A_2607 : i32 to index
        %get3A_2635 = arith.constant 16 : index
        %get3A_2636 = tpu.vector_load %arg8[%get3A_2633, %get3A_2634, %get3A_2635] {strides = array<i32>} : memref<2x128x64xi32, #tpu.memory_space<vmem>>, vector<1x1x16xi32>,
        %get3A_2637 = vector.shape_cast %get3A_2636 : vector<1x1x16xi32> to vector<16xi32>
        %shift_left3A_2638 = arith.constant 16 : i32
        %shift_left3A_2639 = vector.broadcast %shift_left3A_2638 : i32 to vector<16xi32>
        %shift_left3A_2640 = arith.shli %get3A_2637, %shift_left3A_2639 : vector<16xi32>
        %bitcast_convert_type3A_2641 = tpu.bitcast %shift_left3A_2640 : vector<16xi32> -> vector<16xf32>
        %bitcast_convert_type3A_2642 = tpu.bitcast %get3A_2637 : vector<16xi32> -> vector<16xf32>
        %mul3A_2643 = arith.mulf %bitcast_convert_type3A_2641, %get3A_2616 : vector<16xf32>
        %add3A_2644 = arith.addf %scan3A_2390, %mul3A_2643 : vector<16xf32>
        %mul3A_2645 = arith.mulf %bitcast_convert_type3A_2642, %get3A_2616 : vector<16xf32>
        %add3A_2646 = arith.addf %scan3A_2391, %mul3A_2645 : vector<16xf32>
        %get3A_2647 = arith.constant 0 : i32
        %get3A_2648 = arith.index_cast %get3A_2647 : i32 to index
        %get3A_2649 = arith.index_cast %add3A_2607 : i32 to index
        %get3A_2650 = arith.constant 32 : index
        %get3A_2651 = tpu.vector_load %arg8[%get3A_2648, %get3A_2649, %get3A_2650] {strides = array<i32>} : memref<2x128x64xi32, #tpu.memory_space<vmem>>, vector<1x1x16xi32>,
        %get3A_2652 = vector.shape_cast %get3A_2651 : vector<1x1x16xi32> to vector<16xi32>
        %shift_left3A_2653 = arith.constant 16 : i32
        %shift_left3A_2654 = vector.broadcast %shift_left3A_2653 : i32 to vector<16xi32>
        %shift_left3A_2655 = arith.shli %get3A_2652, %shift_left3A_2654 : vector<16xi32>
        %bitcast_convert_type3A_2656 = tpu.bitcast %shift_left3A_2655 : vector<16xi32> -> vector<16xf32>
        %bitcast_convert_type3A_2657 = tpu.bitcast %get3A_2652 : vector<16xi32> -> vector<16xf32>
        %mul3A_2658 = arith.mulf %bitcast_convert_type3A_2656, %get3A_2616 : vector<16xf32>
        %add3A_2659 = arith.addf %scan3A_2392, %mul3A_2658 : vector<16xf32>
        %mul3A_2660 = arith.mulf %bitcast_convert_type3A_2657, %get3A_2616 : vector<16xf32>
        %add3A_2661 = arith.addf %scan3A_2393, %mul3A_2660 : vector<16xf32>
        %get3A_2662 = arith.constant 0 : i32
        %get3A_2663 = arith.index_cast %get3A_2662 : i32 to index
        %get3A_2664 = arith.index_cast %add3A_2607 : i32 to index
        %get3A_2665 = arith.constant 48 : index
        %get3A_2666 = tpu.vector_load %arg8[%get3A_2663, %get3A_2664, %get3A_2665] {strides = array<i32>} : memref<2x128x64xi32, #tpu.memory_space<vmem>>, vector<1x1x16xi32>,
        %get3A_2667 = vector.shape_cast %get3A_2666 : vector<1x1x16xi32> to vector<16xi32>
        %shift_left3A_2668 = arith.constant 16 : i32
        %shift_left3A_2669 = vector.broadcast %shift_left3A_2668 : i32 to vector<16xi32>
        %shift_left3A_2670 = arith.shli %get3A_2667, %shift_left3A_2669 : vector<16xi32>
        %bitcast_convert_type3A_2671 = tpu.bitcast %shift_left3A_2670 : vector<16xi32> -> vector<16xf32>
        %bitcast_convert_type3A_2672 = tpu.bitcast %get3A_2667 : vector<16xi32> -> vector<16xf32>
        %mul3A_2673 = arith.mulf %bitcast_convert_type3A_2671, %get3A_2616 : vector<16xf32>
        %add3A_2674 = arith.addf %scan3A_2394, %mul3A_2673 : vector<16xf32>
        %mul3A_2675 = arith.mulf %bitcast_convert_type3A_2672, %get3A_2616 : vector<16xf32>
        %add3A_2676 = arith.addf %scan3A_2395, %mul3A_2675 : vector<16xf32>
        scf.yield %add3A_2416, %add3A_2418, %add3A_2431, %add3A_2433, %add3A_2446, %add3A_2448, %add3A_2461, %add3A_2463, %add3A_2487, %add3A_2489, %add3A_2502, %add3A_2504, %add3A_2517, %add3A_2519, %add3A_2532, %add3A_2534, %add3A_2558, %add3A_2560, %add3A_2573, %add3A_2575, %add3A_2588, %add3A_2590, %add3A_2603, %add3A_2605, %add3A_2629, %add3A_2631, %add3A_2644, %add3A_2646, %add3A_2659, %add3A_2661, %add3A_2674, %add3A_2676 : vector<16xf32>, vector<16xf32>, vector<16xf32>, vector<16xf32>, vector<16xf32>, vector<16xf32>, vector<16xf32>, vector<16xf32>, vector<16xf32>, vector<16xf32>, vector<16xf32>, vector<16xf32>, vector<16xf32>, vector<16xf32>, vector<16xf32>, vector<16xf32>, vector<16xf32>, vector<16xf32>, vector<16xf32>, vector<16xf32>, vector<16xf32>, vector<16xf32>, vector<16xf32>, vector<16xf32>, vector<16xf32>, vector<16xf32>, vector<16xf32>, vector<16xf32>, vector<16xf32>, vector<16xf32>, vector<16xf32>, vector<16xf32>
      }
      %scan3A_1686 = arith.constant 32 : i32
      %swap3A_1687 = arith.constant 0 : i32
      %swap3A_1688 = arith.constant 0 : i32
      %swap3A_1689 = arith.index_cast %swap3A_1687 : i32 to index
      %swap3A_1690 = arith.index_cast %swap3A_1688 : i32 to index
      %swap3A_1691 = arith.constant 0 : index
      %swap3A_1692 = tpu.vector_load %arg10[%swap3A_1689, %swap3A_1690, %swap3A_1691] {strides = array<i32>} : memref<2x4x128xf32, #tpu.memory_space<vmem>>, vector<1x1x16xf32>,
      %swap3A_1693 = vector.shape_cast %swap3A_1692 : vector<1x1x16xf32> to vector<16xf32>
      %swap3A_1694 = vector.shape_cast %scan3A_1685#0 : vector<16xf32> to vector<1x1x16xf32>
      tpu.vector_store %arg10[%swap3A_1689, %swap3A_1690, %swap3A_1691], %swap3A_1694 {strides = array<i32>} : memref<2x4x128xf32, #tpu.memory_space<vmem>>, vector<1x1x16xf32>,
      %swap3A_1695 = arith.constant 0 : i32
      %swap3A_1696 = arith.constant 0 : i32
      %swap3A_1697 = arith.index_cast %swap3A_1695 : i32 to index
      %swap3A_1698 = arith.index_cast %swap3A_1696 : i32 to index
      %swap3A_1699 = arith.constant 16 : index
      %swap3A_1700 = tpu.vector_load %arg10[%swap3A_1697, %swap3A_1698, %swap3A_1699] {strides = array<i32>} : memref<2x4x128xf32, #tpu.memory_space<vmem>>, vector<1x1x16xf32>,
      %swap3A_1701 = vector.shape_cast %swap3A_1700 : vector<1x1x16xf32> to vector<16xf32>
      %swap3A_1702 = vector.shape_cast %scan3A_1685#1 : vector<16xf32> to vector<1x1x16xf32>
      tpu.vector_store %arg10[%swap3A_1697, %swap3A_1698, %swap3A_1699], %swap3A_1702 {strides = array<i32>} : memref<2x4x128xf32, #tpu.memory_space<vmem>>, vector<1x1x16xf32>,
      %swap3A_1703 = arith.constant 0 : i32
      %swap3A_1704 = arith.constant 0 : i32
      %swap3A_1705 = arith.index_cast %swap3A_1703 : i32 to index
      %swap3A_1706 = arith.index_cast %swap3A_1704 : i32 to index
      %swap3A_1707 = arith.constant 32 : index
      %swap3A_1708 = tpu.vector_load %arg10[%swap3A_1705, %swap3A_1706, %swap3A_1707] {strides = array<i32>} : memref<2x4x128xf32, #tpu.memory_space<vmem>>, vector<1x1x16xf32>,
      %swap3A_1709 = vector.shape_cast %swap3A_1708 : vector<1x1x16xf32> to vector<16xf32>
      %swap3A_1710 = vector.shape_cast %scan3A_1685#2 : vector<16xf32> to vector<1x1x16xf32>
      tpu.vector_store %arg10[%swap3A_1705, %swap3A_1706, %swap3A_1707], %swap3A_1710 {strides = array<i32>} : memref<2x4x128xf32, #tpu.memory_space<vmem>>, vector<1x1x16xf32>,
      %swap3A_1711 = arith.constant 0 : i32
      %swap3A_1712 = arith.constant 0 : i32
      %swap3A_1713 = arith.index_cast %swap3A_1711 : i32 to index
      %swap3A_1714 = arith.index_cast %swap3A_1712 : i32 to index
      %swap3A_1715 = arith.constant 48 : index
      %swap3A_1716 = tpu.vector_load %arg10[%swap3A_1713, %swap3A_1714, %swap3A_1715] {strides = array<i32>} : memref<2x4x128xf32, #tpu.memory_space<vmem>>, vector<1x1x16xf32>,
      %swap3A_1717 = vector.shape_cast %swap3A_1716 : vector<1x1x16xf32> to vector<16xf32>
      %swap3A_1718 = vector.shape_cast %scan3A_1685#3 : vector<16xf32> to vector<1x1x16xf32>
      tpu.vector_store %arg10[%swap3A_1713, %swap3A_1714, %swap3A_1715], %swap3A_1718 {strides = array<i32>} : memref<2x4x128xf32, #tpu.memory_space<vmem>>, vector<1x1x16xf32>,
      %swap3A_1719 = arith.constant 0 : i32
      %swap3A_1720 = arith.constant 0 : i32
      %swap3A_1721 = arith.index_cast %swap3A_1719 : i32 to index
      %swap3A_1722 = arith.index_cast %swap3A_1720 : i32 to index
      %swap3A_1723 = arith.constant 64 : index
      %swap3A_1724 = tpu.vector_load %arg10[%swap3A_1721, %swap3A_1722, %swap3A_1723] {strides = array<i32>} : memref<2x4x128xf32, #tpu.memory_space<vmem>>, vector<1x1x16xf32>,
      %swap3A_1725 = vector.shape_cast %swap3A_1724 : vector<1x1x16xf32> to vector<16xf32>
      %swap3A_1726 = vector.shape_cast %scan3A_1685#4 : vector<16xf32> to vector<1x1x16xf32>
      tpu.vector_store %arg10[%swap3A_1721, %swap3A_1722, %swap3A_1723], %swap3A_1726 {strides = array<i32>} : memref<2x4x128xf32, #tpu.memory_space<vmem>>, vector<1x1x16xf32>,
      %swap3A_1727 = arith.constant 0 : i32
      %swap3A_1728 = arith.constant 0 : i32
      %swap3A_1729 = arith.index_cast %swap3A_1727 : i32 to index
      %swap3A_1730 = arith.index_cast %swap3A_1728 : i32 to index
      %swap3A_1731 = arith.constant 80 : index
      %swap3A_1732 = tpu.vector_load %arg10[%swap3A_1729, %swap3A_1730, %swap3A_1731] {strides = array<i32>} : memref<2x4x128xf32, #tpu.memory_space<vmem>>, vector<1x1x16xf32>,
      %swap3A_1733 = vector.shape_cast %swap3A_1732 : vector<1x1x16xf32> to vector<16xf32>
      %swap3A_1734 = vector.shape_cast %scan3A_1685#5 : vector<16xf32> to vector<1x1x16xf32>
      tpu.vector_store %arg10[%swap3A_1729, %swap3A_1730, %swap3A_1731], %swap3A_1734 {strides = array<i32>} : memref<2x4x128xf32, #tpu.memory_space<vmem>>, vector<1x1x16xf32>,
      %swap3A_1735 = arith.constant 0 : i32
      %swap3A_1736 = arith.constant 0 : i32
      %swap3A_1737 = arith.index_cast %swap3A_1735 : i32 to index
      %swap3A_1738 = arith.index_cast %swap3A_1736 : i32 to index
      %swap3A_1739 = arith.constant 96 : index
      %swap3A_1740 = tpu.vector_load %arg10[%swap3A_1737, %swap3A_1738, %swap3A_1739] {strides = array<i32>} : memref<2x4x128xf32, #tpu.memory_space<vmem>>, vector<1x1x16xf32>,
      %swap3A_1741 = vector.shape_cast %swap3A_1740 : vector<1x1x16xf32> to vector<16xf32>
      %swap3A_1742 = vector.shape_cast %scan3A_1685#6 : vector<16xf32> to vector<1x1x16xf32>
      tpu.vector_store %arg10[%swap3A_1737, %swap3A_1738, %swap3A_1739], %swap3A_1742 {strides = array<i32>} : memref<2x4x128xf32, #tpu.memory_space<vmem>>, vector<1x1x16xf32>,
      %swap3A_1743 = arith.constant 0 : i32
      %swap3A_1744 = arith.constant 0 : i32
      %swap3A_1745 = arith.index_cast %swap3A_1743 : i32 to index
      %swap3A_1746 = arith.index_cast %swap3A_1744 : i32 to index
      %swap3A_1747 = arith.constant 112 : index
      %swap3A_1748 = tpu.vector_load %arg10[%swap3A_1745, %swap3A_1746, %swap3A_1747] {strides = array<i32>} : memref<2x4x128xf32, #tpu.memory_space<vmem>>, vector<1x1x16xf32>,
      %swap3A_1749 = vector.shape_cast %swap3A_1748 : vector<1x1x16xf32> to vector<16xf32>
      %swap3A_1750 = vector.shape_cast %scan3A_1685#7 : vector<16xf32> to vector<1x1x16xf32>
      tpu.vector_store %arg10[%swap3A_1745, %swap3A_1746, %swap3A_1747], %swap3A_1750 {strides = array<i32>} : memref<2x4x128xf32, #tpu.memory_space<vmem>>, vector<1x1x16xf32>,
      %swap3A_1751 = arith.constant 0 : i32
      %swap3A_1752 = arith.constant 1 : i32
      %swap3A_1753 = arith.index_cast %swap3A_1751 : i32 to index
      %swap3A_1754 = arith.index_cast %swap3A_1752 : i32 to index
      %swap3A_1755 = arith.constant 0 : index
      %swap3A_1756 = tpu.vector_load %arg10[%swap3A_1753, %swap3A_1754, %swap3A_1755] {strides = array<i32>} : memref<2x4x128xf32, #tpu.memory_space<vmem>>, vector<1x1x16xf32>,
      %swap3A_1757 = vector.shape_cast %swap3A_1756 : vector<1x1x16xf32> to vector<16xf32>
      %swap3A_1758 = vector.shape_cast %scan3A_1685#8 : vector<16xf32> to vector<1x1x16xf32>
      tpu.vector_store %arg10[%swap3A_1753, %swap3A_1754, %swap3A_1755], %swap3A_1758 {strides = array<i32>} : memref<2x4x128xf32, #tpu.memory_space<vmem>>, vector<1x1x16xf32>,
      %swap3A_1759 = arith.constant 0 : i32
      %swap3A_1760 = arith.constant 1 : i32
      %swap3A_1761 = arith.index_cast %swap3A_1759 : i32 to index
      %swap3A_1762 = arith.index_cast %swap3A_1760 : i32 to index
      %swap3A_1763 = arith.constant 16 : index
      %swap3A_1764 = tpu.vector_load %arg10[%swap3A_1761, %swap3A_1762, %swap3A_1763] {strides = array<i32>} : memref<2x4x128xf32, #tpu.memory_space<vmem>>, vector<1x1x16xf32>,
      %swap3A_1765 = vector.shape_cast %swap3A_1764 : vector<1x1x16xf32> to vector<16xf32>
      %swap3A_1766 = vector.shape_cast %scan3A_1685#9 : vector<16xf32> to vector<1x1x16xf32>
      tpu.vector_store %arg10[%swap3A_1761, %swap3A_1762, %swap3A_1763], %swap3A_1766 {strides = array<i32>} : memref<2x4x128xf32, #tpu.memory_space<vmem>>, vector<1x1x16xf32>,
      %swap3A_1767 = arith.constant 0 : i32
      %swap3A_1768 = arith.constant 1 : i32
      %swap3A_1769 = arith.index_cast %swap3A_1767 : i32 to index
      %swap3A_1770 = arith.index_cast %swap3A_1768 : i32 to index
      %swap3A_1771 = arith.constant 32 : index
      %swap3A_1772 = tpu.vector_load %arg10[%swap3A_1769, %swap3A_1770, %swap3A_1771] {strides = array<i32>} : memref<2x4x128xf32, #tpu.memory_space<vmem>>, vector<1x1x16xf32>,
      %swap3A_1773 = vector.shape_cast %swap3A_1772 : vector<1x1x16xf32> to vector<16xf32>
      %swap3A_1774 = vector.shape_cast %scan3A_1685#10 : vector<16xf32> to vector<1x1x16xf32>
      tpu.vector_store %arg10[%swap3A_1769, %swap3A_1770, %swap3A_1771], %swap3A_1774 {strides = array<i32>} : memref<2x4x128xf32, #tpu.memory_space<vmem>>, vector<1x1x16xf32>,
      %swap3A_1775 = arith.constant 0 : i32
      %swap3A_1776 = arith.constant 1 : i32
      %swap3A_1777 = arith.index_cast %swap3A_1775 : i32 to index
      %swap3A_1778 = arith.index_cast %swap3A_1776 : i32 to index
      %swap3A_1779 = arith.constant 48 : index
      %swap3A_1780 = tpu.vector_load %arg10[%swap3A_1777, %swap3A_1778, %swap3A_1779] {strides = array<i32>} : memref<2x4x128xf32, #tpu.memory_space<vmem>>, vector<1x1x16xf32>,
      %swap3A_1781 = vector.shape_cast %swap3A_1780 : vector<1x1x16xf32> to vector<16xf32>
      %swap3A_1782 = vector.shape_cast %scan3A_1685#11 : vector<16xf32> to vector<1x1x16xf32>
      tpu.vector_store %arg10[%swap3A_1777, %swap3A_1778, %swap3A_1779], %swap3A_1782 {strides = array<i32>} : memref<2x4x128xf32, #tpu.memory_space<vmem>>, vector<1x1x16xf32>,
      %swap3A_1783 = arith.constant 0 : i32
      %swap3A_1784 = arith.constant 1 : i32
      %swap3A_1785 = arith.index_cast %swap3A_1783 : i32 to index
      %swap3A_1786 = arith.index_cast %swap3A_1784 : i32 to index
      %swap3A_1787 = arith.constant 64 : index
      %swap3A_1788 = tpu.vector_load %arg10[%swap3A_1785, %swap3A_1786, %swap3A_1787] {strides = array<i32>} : memref<2x4x128xf32, #tpu.memory_space<vmem>>, vector<1x1x16xf32>,
      %swap3A_1789 = vector.shape_cast %swap3A_1788 : vector<1x1x16xf32> to vector<16xf32>
      %swap3A_1790 = vector.shape_cast %scan3A_1685#12 : vector<16xf32> to vector<1x1x16xf32>
      tpu.vector_store %arg10[%swap3A_1785, %swap3A_1786, %swap3A_1787], %swap3A_1790 {strides = array<i32>} : memref<2x4x128xf32, #tpu.memory_space<vmem>>, vector<1x1x16xf32>,
      %swap3A_1791 = arith.constant 0 : i32
      %swap3A_1792 = arith.constant 1 : i32
      %swap3A_1793 = arith.index_cast %swap3A_1791 : i32 to index
      %swap3A_1794 = arith.index_cast %swap3A_1792 : i32 to index
      %swap3A_1795 = arith.constant 80 : index
      %swap3A_1796 = tpu.vector_load %arg10[%swap3A_1793, %swap3A_1794, %swap3A_1795] {strides = array<i32>} : memref<2x4x128xf32, #tpu.memory_space<vmem>>, vector<1x1x16xf32>,
      %swap3A_1797 = vector.shape_cast %swap3A_1796 : vector<1x1x16xf32> to vector<16xf32>
      %swap3A_1798 = vector.shape_cast %scan3A_1685#13 : vector<16xf32> to vector<1x1x16xf32>
      tpu.vector_store %arg10[%swap3A_1793, %swap3A_1794, %swap3A_1795], %swap3A_1798 {strides = array<i32>} : memref<2x4x128xf32, #tpu.memory_space<vmem>>, vector<1x1x16xf32>,
      %swap3A_1799 = arith.constant 0 : i32
      %swap3A_1800 = arith.constant 1 : i32
      %swap3A_1801 = arith.index_cast %swap3A_1799 : i32 to index
      %swap3A_1802 = arith.index_cast %swap3A_1800 : i32 to index
      %swap3A_1803 = arith.constant 96 : index
      %swap3A_1804 = tpu.vector_load %arg10[%swap3A_1801, %swap3A_1802, %swap3A_1803] {strides = array<i32>} : memref<2x4x128xf32, #tpu.memory_space<vmem>>, vector<1x1x16xf32>,
      %swap3A_1805 = vector.shape_cast %swap3A_1804 : vector<1x1x16xf32> to vector<16xf32>
      %swap3A_1806 = vector.shape_cast %scan3A_1685#14 : vector<16xf32> to vector<1x1x16xf32>
      tpu.vector_store %arg10[%swap3A_1801, %swap3A_1802, %swap3A_1803], %swap3A_1806 {strides = array<i32>} : memref<2x4x128xf32, #tpu.memory_space<vmem>>, vector<1x1x16xf32>,
      %swap3A_1807 = arith.constant 0 : i32
      %swap3A_1808 = arith.constant 1 : i32
      %swap3A_1809 = arith.index_cast %swap3A_1807 : i32 to index
      %swap3A_1810 = arith.index_cast %swap3A_1808 : i32 to index
      %swap3A_1811 = arith.constant 112 : index
      %swap3A_1812 = tpu.vector_load %arg10[%swap3A_1809, %swap3A_1810, %swap3A_1811] {strides = array<i32>} : memref<2x4x128xf32, #tpu.memory_space<vmem>>, vector<1x1x16xf32>,
      %swap3A_1813 = vector.shape_cast %swap3A_1812 : vector<1x1x16xf32> to vector<16xf32>
      %swap3A_1814 = vector.shape_cast %scan3A_1685#15 : vector<16xf32> to vector<1x1x16xf32>
      tpu.vector_store %arg10[%swap3A_1809, %swap3A_1810, %swap3A_1811], %swap3A_1814 {strides = array<i32>} : memref<2x4x128xf32, #tpu.memory_space<vmem>>, vector<1x1x16xf32>,
      %swap3A_1815 = arith.constant 0 : i32
      %swap3A_1816 = arith.constant 2 : i32
      %swap3A_1817 = arith.index_cast %swap3A_1815 : i32 to index
      %swap3A_1818 = arith.index_cast %swap3A_1816 : i32 to index
      %swap3A_1819 = arith.constant 0 : index
      %swap3A_1820 = tpu.vector_load %arg10[%swap3A_1817, %swap3A_1818, %swap3A_1819] {strides = array<i32>} : memref<2x4x128xf32, #tpu.memory_space<vmem>>, vector<1x1x16xf32>,
      %swap3A_1821 = vector.shape_cast %swap3A_1820 : vector<1x1x16xf32> to vector<16xf32>
      %swap3A_1822 = vector.shape_cast %scan3A_1685#16 : vector<16xf32> to vector<1x1x16xf32>
      tpu.vector_store %arg10[%swap3A_1817, %swap3A_1818, %swap3A_1819], %swap3A_1822 {strides = array<i32>} : memref<2x4x128xf32, #tpu.memory_space<vmem>>, vector<1x1x16xf32>,
      %swap3A_1823 = arith.constant 0 : i32
      %swap3A_1824 = arith.constant 2 : i32
      %swap3A_1825 = arith.index_cast %swap3A_1823 : i32 to index
      %swap3A_1826 = arith.index_cast %swap3A_1824 : i32 to index
      %swap3A_1827 = arith.constant 16 : index
      %swap3A_1828 = tpu.vector_load %arg10[%swap3A_1825, %swap3A_1826, %swap3A_1827] {strides = array<i32>} : memref<2x4x128xf32, #tpu.memory_space<vmem>>, vector<1x1x16xf32>,
      %swap3A_1829 = vector.shape_cast %swap3A_1828 : vector<1x1x16xf32> to vector<16xf32>
      %swap3A_1830 = vector.shape_cast %scan3A_1685#17 : vector<16xf32> to vector<1x1x16xf32>
      tpu.vector_store %arg10[%swap3A_1825, %swap3A_1826, %swap3A_1827], %swap3A_1830 {strides = array<i32>} : memref<2x4x128xf32, #tpu.memory_space<vmem>>, vector<1x1x16xf32>,
      %swap3A_1831 = arith.constant 0 : i32
      %swap3A_1832 = arith.constant 2 : i32
      %swap3A_1833 = arith.index_cast %swap3A_1831 : i32 to index
      %swap3A_1834 = arith.index_cast %swap3A_1832 : i32 to index
      %swap3A_1835 = arith.constant 32 : index
      %swap3A_1836 = tpu.vector_load %arg10[%swap3A_1833, %swap3A_1834, %swap3A_1835] {strides = array<i32>} : memref<2x4x128xf32, #tpu.memory_space<vmem>>, vector<1x1x16xf32>,
      %swap3A_1837 = vector.shape_cast %swap3A_1836 : vector<1x1x16xf32> to vector<16xf32>
      %swap3A_1838 = vector.shape_cast %scan3A_1685#18 : vector<16xf32> to vector<1x1x16xf32>
      tpu.vector_store %arg10[%swap3A_1833, %swap3A_1834, %swap3A_1835], %swap3A_1838 {strides = array<i32>} : memref<2x4x128xf32, #tpu.memory_space<vmem>>, vector<1x1x16xf32>,
      %swap3A_1839 = arith.constant 0 : i32
      %swap3A_1840 = arith.constant 2 : i32
      %swap3A_1841 = arith.index_cast %swap3A_1839 : i32 to index
      %swap3A_1842 = arith.index_cast %swap3A_1840 : i32 to index
      %swap3A_1843 = arith.constant 48 : index
      %swap3A_1844 = tpu.vector_load %arg10[%swap3A_1841, %swap3A_1842, %swap3A_1843] {strides = array<i32>} : memref<2x4x128xf32, #tpu.memory_space<vmem>>, vector<1x1x16xf32>,
      %swap3A_1845 = vector.shape_cast %swap3A_1844 : vector<1x1x16xf32> to vector<16xf32>
      %swap3A_1846 = vector.shape_cast %scan3A_1685#19 : vector<16xf32> to vector<1x1x16xf32>
      tpu.vector_store %arg10[%swap3A_1841, %swap3A_1842, %swap3A_1843], %swap3A_1846 {strides = array<i32>} : memref<2x4x128xf32, #tpu.memory_space<vmem>>, vector<1x1x16xf32>,
      %swap3A_1847 = arith.constant 0 : i32
      %swap3A_1848 = arith.constant 2 : i32
      %swap3A_1849 = arith.index_cast %swap3A_1847 : i32 to index
      %swap3A_1850 = arith.index_cast %swap3A_1848 : i32 to index
      %swap3A_1851 = arith.constant 64 : index
      %swap3A_1852 = tpu.vector_load %arg10[%swap3A_1849, %swap3A_1850, %swap3A_1851] {strides = array<i32>} : memref<2x4x128xf32, #tpu.memory_space<vmem>>, vector<1x1x16xf32>,
      %swap3A_1853 = vector.shape_cast %swap3A_1852 : vector<1x1x16xf32> to vector<16xf32>
      %swap3A_1854 = vector.shape_cast %scan3A_1685#20 : vector<16xf32> to vector<1x1x16xf32>
      tpu.vector_store %arg10[%swap3A_1849, %swap3A_1850, %swap3A_1851], %swap3A_1854 {strides = array<i32>} : memref<2x4x128xf32, #tpu.memory_space<vmem>>, vector<1x1x16xf32>,
      %swap3A_1855 = arith.constant 0 : i32
      %swap3A_1856 = arith.constant 2 : i32
      %swap3A_1857 = arith.index_cast %swap3A_1855 : i32 to index
      %swap3A_1858 = arith.index_cast %swap3A_1856 : i32 to index
      %swap3A_1859 = arith.constant 80 : index
      %swap3A_1860 = tpu.vector_load %arg10[%swap3A_1857, %swap3A_1858, %swap3A_1859] {strides = array<i32>} : memref<2x4x128xf32, #tpu.memory_space<vmem>>, vector<1x1x16xf32>,
      %swap3A_1861 = vector.shape_cast %swap3A_1860 : vector<1x1x16xf32> to vector<16xf32>
      %swap3A_1862 = vector.shape_cast %scan3A_1685#21 : vector<16xf32> to vector<1x1x16xf32>
      tpu.vector_store %arg10[%swap3A_1857, %swap3A_1858, %swap3A_1859], %swap3A_1862 {strides = array<i32>} : memref<2x4x128xf32, #tpu.memory_space<vmem>>, vector<1x1x16xf32>,
      %swap3A_1863 = arith.constant 0 : i32
      %swap3A_1864 = arith.constant 2 : i32
      %swap3A_1865 = arith.index_cast %swap3A_1863 : i32 to index
      %swap3A_1866 = arith.index_cast %swap3A_1864 : i32 to index
      %swap3A_1867 = arith.constant 96 : index
      %swap3A_1868 = tpu.vector_load %arg10[%swap3A_1865, %swap3A_1866, %swap3A_1867] {strides = array<i32>} : memref<2x4x128xf32, #tpu.memory_space<vmem>>, vector<1x1x16xf32>,
      %swap3A_1869 = vector.shape_cast %swap3A_1868 : vector<1x1x16xf32> to vector<16xf32>
      %swap3A_1870 = vector.shape_cast %scan3A_1685#22 : vector<16xf32> to vector<1x1x16xf32>
      tpu.vector_store %arg10[%swap3A_1865, %swap3A_1866, %swap3A_1867], %swap3A_1870 {strides = array<i32>} : memref<2x4x128xf32, #tpu.memory_space<vmem>>, vector<1x1x16xf32>,
      %swap3A_1871 = arith.constant 0 : i32
      %swap3A_1872 = arith.constant 2 : i32
      %swap3A_1873 = arith.index_cast %swap3A_1871 : i32 to index
      %swap3A_1874 = arith.index_cast %swap3A_1872 : i32 to index
      %swap3A_1875 = arith.constant 112 : index
      %swap3A_1876 = tpu.vector_load %arg10[%swap3A_1873, %swap3A_1874, %swap3A_1875] {strides = array<i32>} : memref<2x4x128xf32, #tpu.memory_space<vmem>>, vector<1x1x16xf32>,
      %swap3A_1877 = vector.shape_cast %swap3A_1876 : vector<1x1x16xf32> to vector<16xf32>
      %swap3A_1878 = vector.shape_cast %scan3A_1685#23 : vector<16xf32> to vector<1x1x16xf32>
      tpu.vector_store %arg10[%swap3A_1873, %swap3A_1874, %swap3A_1875], %swap3A_1878 {strides = array<i32>} : memref<2x4x128xf32, #tpu.memory_space<vmem>>, vector<1x1x16xf32>,
      %swap3A_1879 = arith.constant 0 : i32
      %swap3A_1880 = arith.constant 3 : i32
      %swap3A_1881 = arith.index_cast %swap3A_1879 : i32 to index
      %swap3A_1882 = arith.index_cast %swap3A_1880 : i32 to index
      %swap3A_1883 = arith.constant 0 : index
      %swap3A_1884 = tpu.vector_load %arg10[%swap3A_1881, %swap3A_1882, %swap3A_1883] {strides = array<i32>} : memref<2x4x128xf32, #tpu.memory_space<vmem>>, vector<1x1x16xf32>,
      %swap3A_1885 = vector.shape_cast %swap3A_1884 : vector<1x1x16xf32> to vector<16xf32>
      %swap3A_1886 = vector.shape_cast %scan3A_1685#24 : vector<16xf32> to vector<1x1x16xf32>
      tpu.vector_store %arg10[%swap3A_1881, %swap3A_1882, %swap3A_1883], %swap3A_1886 {strides = array<i32>} : memref<2x4x128xf32, #tpu.memory_space<vmem>>, vector<1x1x16xf32>,
      %swap3A_1887 = arith.constant 0 : i32
      %swap3A_1888 = arith.constant 3 : i32
      %swap3A_1889 = arith.index_cast %swap3A_1887 : i32 to index
      %swap3A_1890 = arith.index_cast %swap3A_1888 : i32 to index
      %swap3A_1891 = arith.constant 16 : index
      %swap3A_1892 = tpu.vector_load %arg10[%swap3A_1889, %swap3A_1890, %swap3A_1891] {strides = array<i32>} : memref<2x4x128xf32, #tpu.memory_space<vmem>>, vector<1x1x16xf32>,
      %swap3A_1893 = vector.shape_cast %swap3A_1892 : vector<1x1x16xf32> to vector<16xf32>
      %swap3A_1894 = vector.shape_cast %scan3A_1685#25 : vector<16xf32> to vector<1x1x16xf32>
      tpu.vector_store %arg10[%swap3A_1889, %swap3A_1890, %swap3A_1891], %swap3A_1894 {strides = array<i32>} : memref<2x4x128xf32, #tpu.memory_space<vmem>>, vector<1x1x16xf32>,
      %swap3A_1895 = arith.constant 0 : i32
      %swap3A_1896 = arith.constant 3 : i32
      %swap3A_1897 = arith.index_cast %swap3A_1895 : i32 to index
      %swap3A_1898 = arith.index_cast %swap3A_1896 : i32 to index
      %swap3A_1899 = arith.constant 32 : index
      %swap3A_1900 = tpu.vector_load %arg10[%swap3A_1897, %swap3A_1898, %swap3A_1899] {strides = array<i32>} : memref<2x4x128xf32, #tpu.memory_space<vmem>>, vector<1x1x16xf32>,
      %swap3A_1901 = vector.shape_cast %swap3A_1900 : vector<1x1x16xf32> to vector<16xf32>
      %swap3A_1902 = vector.shape_cast %scan3A_1685#26 : vector<16xf32> to vector<1x1x16xf32>
      tpu.vector_store %arg10[%swap3A_1897, %swap3A_1898, %swap3A_1899], %swap3A_1902 {strides = array<i32>} : memref<2x4x128xf32, #tpu.memory_space<vmem>>, vector<1x1x16xf32>,
      %swap3A_1903 = arith.constant 0 : i32
      %swap3A_1904 = arith.constant 3 : i32
      %swap3A_1905 = arith.index_cast %swap3A_1903 : i32 to index
      %swap3A_1906 = arith.index_cast %swap3A_1904 : i32 to index
      %swap3A_1907 = arith.constant 48 : index
      %swap3A_1908 = tpu.vector_load %arg10[%swap3A_1905, %swap3A_1906, %swap3A_1907] {strides = array<i32>} : memref<2x4x128xf32, #tpu.memory_space<vmem>>, vector<1x1x16xf32>,
      %swap3A_1909 = vector.shape_cast %swap3A_1908 : vector<1x1x16xf32> to vector<16xf32>
      %swap3A_1910 = vector.shape_cast %scan3A_1685#27 : vector<16xf32> to vector<1x1x16xf32>
      tpu.vector_store %arg10[%swap3A_1905, %swap3A_1906, %swap3A_1907], %swap3A_1910 {strides = array<i32>} : memref<2x4x128xf32, #tpu.memory_space<vmem>>, vector<1x1x16xf32>,
      %swap3A_1911 = arith.constant 0 : i32
      %swap3A_1912 = arith.constant 3 : i32
      %swap3A_1913 = arith.index_cast %swap3A_1911 : i32 to index
      %swap3A_1914 = arith.index_cast %swap3A_1912 : i32 to index
      %swap3A_1915 = arith.constant 64 : index
      %swap3A_1916 = tpu.vector_load %arg10[%swap3A_1913, %swap3A_1914, %swap3A_1915] {strides = array<i32>} : memref<2x4x128xf32, #tpu.memory_space<vmem>>, vector<1x1x16xf32>,
      %swap3A_1917 = vector.shape_cast %swap3A_1916 : vector<1x1x16xf32> to vector<16xf32>
      %swap3A_1918 = vector.shape_cast %scan3A_1685#28 : vector<16xf32> to vector<1x1x16xf32>
      tpu.vector_store %arg10[%swap3A_1913, %swap3A_1914, %swap3A_1915], %swap3A_1918 {strides = array<i32>} : memref<2x4x128xf32, #tpu.memory_space<vmem>>, vector<1x1x16xf32>,
      %swap3A_1919 = arith.constant 0 : i32
      %swap3A_1920 = arith.constant 3 : i32
      %swap3A_1921 = arith.index_cast %swap3A_1919 : i32 to index
      %swap3A_1922 = arith.index_cast %swap3A_1920 : i32 to index
      %swap3A_1923 = arith.constant 80 : index
      %swap3A_1924 = tpu.vector_load %arg10[%swap3A_1921, %swap3A_1922, %swap3A_1923] {strides = array<i32>} : memref<2x4x128xf32, #tpu.memory_space<vmem>>, vector<1x1x16xf32>,
      %swap3A_1925 = vector.shape_cast %swap3A_1924 : vector<1x1x16xf32> to vector<16xf32>
      %swap3A_1926 = vector.shape_cast %scan3A_1685#29 : vector<16xf32> to vector<1x1x16xf32>
      tpu.vector_store %arg10[%swap3A_1921, %swap3A_1922, %swap3A_1923], %swap3A_1926 {strides = array<i32>} : memref<2x4x128xf32, #tpu.memory_space<vmem>>, vector<1x1x16xf32>,
      %swap3A_1927 = arith.constant 0 : i32
      %swap3A_1928 = arith.constant 3 : i32
      %swap3A_1929 = arith.index_cast %swap3A_1927 : i32 to index
      %swap3A_1930 = arith.index_cast %swap3A_1928 : i32 to index
      %swap3A_1931 = arith.constant 96 : index
      %swap3A_1932 = tpu.vector_load %arg10[%swap3A_1929, %swap3A_1930, %swap3A_1931] {strides = array<i32>} : memref<2x4x128xf32, #tpu.memory_space<vmem>>, vector<1x1x16xf32>,
      %swap3A_1933 = vector.shape_cast %swap3A_1932 : vector<1x1x16xf32> to vector<16xf32>
      %swap3A_1934 = vector.shape_cast %scan3A_1685#30 : vector<16xf32> to vector<1x1x16xf32>
      tpu.vector_store %arg10[%swap3A_1929, %swap3A_1930, %swap3A_1931], %swap3A_1934 {strides = array<i32>} : memref<2x4x128xf32, #tpu.memory_space<vmem>>, vector<1x1x16xf32>,
      %swap3A_1935 = arith.constant 0 : i32
      %swap3A_1936 = arith.constant 3 : i32
      %swap3A_1937 = arith.index_cast %swap3A_1935 : i32 to index
      %swap3A_1938 = arith.index_cast %swap3A_1936 : i32 to index
      %swap3A_1939 = arith.constant 112 : index
      %swap3A_1940 = tpu.vector_load %arg10[%swap3A_1937, %swap3A_1938, %swap3A_1939] {strides = array<i32>} : memref<2x4x128xf32, #tpu.memory_space<vmem>>, vector<1x1x16xf32>,
      %swap3A_1941 = vector.shape_cast %swap3A_1940 : vector<1x1x16xf32> to vector<16xf32>
      %swap3A_1942 = vector.shape_cast %scan3A_1685#31 : vector<16xf32> to vector<1x1x16xf32>
      tpu.vector_store %arg10[%swap3A_1937, %swap3A_1938, %swap3A_1939], %swap3A_1942 {strides = array<i32>} : memref<2x4x128xf32, #tpu.memory_space<vmem>>, vector<1x1x16xf32>,
      %mul3A_1943 = arith.constant 4 : i32
      %mul3A_1944 = arith.muli %mul3A_1560, %mul3A_1943 : i32
      %add3A_1945 = arith.addi %mul3A_6, %mul3A_1944 : i32
      %min3A_1946 = arith.constant 9996 : i32
      %min3A_1947 = arith.minsi %add3A_1945, %min3A_1946 : i32
      %dma_start3A_1948 = arith.constant 0 : i32
      %dma_start3A_1949 = arith.constant 0 : i32
      %dma_start3A_1950 = arith.constant 0 : i32
      %dma_start3A_1951 = tpu.memref_slice %arg10[%dma_start3A_1948, %dma_start3A_1949, %dma_start3A_1950] : memref<2x4x128xf32, #tpu.memory_space<vmem>> -> memref<1x4x128xf32, #tpu.memory_space<vmem>>
      %dma_start3A_1952 = tpu.memref_squeeze %dma_start3A_1951 : memref<1x4x128xf32, #tpu.memory_space<vmem>> -> memref<4x128xf32, #tpu.memory_space<vmem>>
      %dma_start3A_1953 = arith.constant 0 : i32
      %dma_start3A_1954 = tpu.memref_slice %arg5[%min3A_1947, %dma_start3A_1953] : memref<10000x128xf32, #tpu.memory_space<hbm>> -> memref<4x128xf32, #tpu.memory_space<hbm>>
      %dma_start3A_1955 = arith.constant 0 : i32
      %dma_start3A_1956 = tpu.memref_slice %arg5[%min3A_1947, %dma_start3A_1955] : memref<10000x128xf32, #tpu.memory_space<hbm>> -> memref<4x128xf32, #tpu.memory_space<hbm>>
      %dma_start3A_1957 = arith.constant 0 : i32
      %dma_start3A_1958 = arith.constant 0 : i32
      %dma_start3A_1959 = tpu.memref_slice %arg10[%dma_start3A_1948, %dma_start3A_1957, %dma_start3A_1958] : memref<2x4x128xf32, #tpu.memory_space<vmem>> -> memref<1x4x128xf32, #tpu.memory_space<vmem>>
      %dma_start3A_1960 = tpu.memref_squeeze %dma_start3A_1959 : memref<1x4x128xf32, #tpu.memory_space<vmem>> -> memref<4x128xf32, #tpu.memory_space<vmem>>
      tpu.enqueue_dma source(%dma_start3A_1960 : memref<4x128xf32, #tpu.memory_space<vmem>>) target(%dma_start3A_1956 : memref<4x128xf32, #tpu.memory_space<hbm>>) target_semaphore(%arg17 : memref<!tpu.dma_semaphore, #tpu.memory_space<semaphore_mem>>)
      %add3A_1961 = arith.constant 1 : i32
      %add3A_1962 = arith.addi %mul3A_1560, %add3A_1961 : i32
      %dma_wait3A_1963 = arith.constant 1 : i32
      %dma_wait3A_1964 = arith.constant 1 : i32
      %dma_wait3A_1965 = arith.constant 0 : i32
      %dma_wait3A_1966 = arith.constant 0 : i32
      %dma_wait3A_1967 = tpu.memref_slice %arg8[%dma_wait3A_1964, %dma_wait3A_1965, %dma_wait3A_1966] : memref<2x128x64xi32, #tpu.memory_space<vmem>> -> memref<1x128x64xi32, #tpu.memory_space<vmem>>
      %dma_wait3A_1968 = tpu.memref_squeeze %dma_wait3A_1967 : memref<1x128x64xi32, #tpu.memory_space<vmem>> -> memref<128x64xi32, #tpu.memory_space<vmem>>
      %dma_wait3A_1969 = arith.constant 0 : i32
      %dma_wait3A_1970 = tpu.memref_slice %arg7[%dma_wait3A_1963, %dma_wait3A_1969] : memref<2x128xi32, #tpu.memory_space<vmem>> -> memref<1x128xi32, #tpu.memory_space<vmem>>
      %dma_wait3A_1971 = tpu.memref_squeeze %dma_wait3A_1970 : memref<1x128xi32, #tpu.memory_space<vmem>> -> memref<128xi32, #tpu.memory_space<vmem>>
      %dma_wait3A_1972 = arith.constant 0 : i32
      %dma_wait3A_1973 = arith.constant 0 : i32
      %dma_wait3A_1974 = tpu.memref_slice %arg6[%dma_wait3A_1972, %dma_wait3A_1973] : memref<10240x64xi32, #tpu.memory_space<vmem_shared>> -> memref<10240x64xi32, #tpu.memory_space<vmem_shared>>
      tpu.wait_indirect_dma semaphore(%arg14 : memref<!tpu.dma_semaphore, #tpu.memory_space<semaphore_mem>>) src(%dma_wait3A_1974 : memref<10240x64xi32, #tpu.memory_space<vmem_shared>>) dst(%dma_wait3A_1968 : memref<128x64xi32, #tpu.memory_space<vmem>>)
      %mul3A_1975 = arith.constant 4 : i32
      %mul3A_1976 = arith.muli %add3A_1962, %mul3A_1975 : i32
      %add3A_1977 = arith.addi %mul3A_6, %mul3A_1976 : i32
      %min3A_1978 = arith.constant 9996 : i32
      %min3A_1979 = arith.minsi %add3A_1977, %min3A_1978 : i32
      %dma_wait3A_1980 = arith.constant 1 : i32
      %dma_wait3A_1981 = arith.constant 0 : i32
      %dma_wait3A_1982 = arith.constant 0 : i32
      %dma_wait3A_1983 = tpu.memref_slice %arg9[%dma_wait3A_1980, %dma_wait3A_1981, %dma_wait3A_1982] : memref<2x4x512xf32, #tpu.memory_space<vmem>> -> memref<1x4x512xf32, #tpu.memory_space<vmem>>
      %dma_wait3A_1984 = tpu.memref_squeeze %dma_wait3A_1983 : memref<1x4x512xf32, #tpu.memory_space<vmem>> -> memref<4x512xf32, #tpu.memory_space<vmem>>
      %dma_wait3A_1985 = arith.constant 0 : i32
      %dma_wait3A_1986 = tpu.memref_slice %arg3[%min3A_1979, %dma_wait3A_1985] : memref<10000x512xf32, #tpu.memory_space<hbm>> -> memref<4x512xf32, #tpu.memory_space<hbm>>
      %dma_wait3A_1987 = arith.constant 0 : i32
      %dma_wait3A_1988 = arith.constant 0 : i32
      %dma_wait3A_1989 = tpu.memref_slice %arg9[%dma_wait3A_1980, %dma_wait3A_1987, %dma_wait3A_1988] : memref<2x4x512xf32, #tpu.memory_space<vmem>> -> memref<1x4x512xf32, #tpu.memory_space<vmem>>
      %dma_wait3A_1990 = tpu.memref_squeeze %dma_wait3A_1989 : memref<1x4x512xf32, #tpu.memory_space<vmem>> -> memref<4x512xf32, #tpu.memory_space<vmem>>
      %dma_wait3A_1991 = arith.constant 0 : i32
      %dma_wait3A_1992 = tpu.memref_slice %arg3[%min3A_1979, %dma_wait3A_1991] : memref<10000x512xf32, #tpu.memory_space<hbm>> -> memref<4x512xf32, #tpu.memory_space<hbm>>
      tpu.wait_dma2 semaphore(%arg16 : memref<!tpu.dma_semaphore, #tpu.memory_space<semaphore_mem>>) src(%dma_wait3A_1992 : memref<4x512xf32, #tpu.memory_space<hbm>>) dst(%dma_wait3A_1990 : memref<4x512xf32, #tpu.memory_space<vmem>>)
      %add3A_1993 = arith.constant 1 : i32
      %add3A_1994 = arith.addi %add3A_1962, %add3A_1993 : i32
      %mul3A_1995 = arith.constant 4 : i32
      %mul3A_1996 = arith.muli %add3A_1994, %mul3A_1995 : i32
      %add3A_1997 = arith.addi %mul3A_6, %mul3A_1996 : i32
      %min3A_1998 = arith.constant 9996 : i32
      %min3A_1999 = arith.minsi %add3A_1997, %min3A_1998 : i32
      %mul3A_2000 = arith.constant 32 : i32
      %mul3A_2001 = arith.muli %min3A_1999, %mul3A_2000 : i32
      %multiple_of3A_2002 = tpu.assume_multiple %mul3A_2001, 128 : i32
      %dma_wait3A_2003 = arith.constant 0 : i32
      %dma_wait3A_2004 = arith.constant 0 : i32
      %dma_wait3A_2005 = tpu.memref_slice %arg7[%dma_wait3A_2003, %dma_wait3A_2004] : memref<2x128xi32, #tpu.memory_space<vmem>> -> memref<1x128xi32, #tpu.memory_space<vmem>>
      %dma_wait3A_2006 = tpu.memref_squeeze %dma_wait3A_2005 : memref<1x128xi32, #tpu.memory_space<vmem>> -> memref<128xi32, #tpu.memory_space<vmem>>
      %dma_wait3A_2007 = tpu.memref_slice %arg4[%multiple_of3A_2002] : memref<320000xi32, #tpu.memory_space<hbm>> -> memref<128xi32, #tpu.memory_space<hbm>>
      %dma_wait3A_2008 = arith.constant 0 : i32
      %dma_wait3A_2009 = tpu.memref_slice %arg7[%dma_wait3A_2003, %dma_wait3A_2008] : memref<2x128xi32, #tpu.memory_space<vmem>> -> memref<1x128xi32, #tpu.memory_space<vmem>>
      %dma_wait3A_2010 = tpu.memref_squeeze %dma_wait3A_2009 : memref<1x128xi32, #tpu.memory_space<vmem>> -> memref<128xi32, #tpu.memory_space<vmem>>
      %dma_wait3A_2011 = tpu.memref_slice %arg4[%multiple_of3A_2002] : memref<320000xi32, #tpu.memory_space<hbm>> -> memref<128xi32, #tpu.memory_space<hbm>>
      tpu.wait_dma2 semaphore(%arg11 : memref<!tpu.dma_semaphore, #tpu.memory_space<semaphore_mem>>) src(%dma_wait3A_2011 : memref<128xi32, #tpu.memory_space<hbm>>) dst(%dma_wait3A_2010 : memref<128xi32, #tpu.memory_space<vmem>>)
      %dma_start3A_2012 = arith.constant 0 : i32
      %dma_start3A_2013 = arith.constant 0 : i32
      %dma_start3A_2014 = arith.constant 0 : i32
      %dma_start3A_2015 = arith.constant 0 : i32
      %dma_start3A_2016 = tpu.memref_slice %arg8[%dma_start3A_2013, %dma_start3A_2014, %dma_start3A_2015] : memref<2x128x64xi32, #tpu.memory_space<vmem>> -> memref<1x128x64xi32, #tpu.memory_space<vmem>>
      %dma_start3A_2017 = tpu.memref_squeeze %dma_start3A_2016 : memref<1x128x64xi32, #tpu.memory_space<vmem>> -> memref<128x64xi32, #tpu.memory_space<vmem>>
      %dma_start3A_2018 = arith.constant 0 : i32
      %dma_start3A_2019 = tpu.memref_slice %arg7[%dma_start3A_2012, %dma_start3A_2018] : memref<2x128xi32, #tpu.memory_space<vmem>> -> memref<1x128xi32, #tpu.memory_space<vmem>>
      %dma_start3A_2020 = tpu.memref_squeeze %dma_start3A_2019 : memref<1x128xi32, #tpu.memory_space<vmem>> -> memref<128xi32, #tpu.memory_space<vmem>>
      %dma_start3A_2021 = arith.constant 0 : i32
      %dma_start3A_2022 = arith.constant 0 : i32
      %dma_start3A_2023 = tpu.memref_slice %arg6[%dma_start3A_2021, %dma_start3A_2022] : memref<10240x64xi32, #tpu.memory_space<vmem_shared>> -> memref<10240x64xi32, #tpu.memory_space<vmem_shared>>
      tpu.enqueue_indirect_dma source(%dma_start3A_2023 : memref<10240x64xi32, #tpu.memory_space<vmem_shared>>) target(%dma_start3A_2017 : memref<128x64xi32, #tpu.memory_space<vmem>>) offsets(%dma_start3A_2020 : memref<128xi32, #tpu.memory_space<vmem>>) semaphore(%arg13 : memref<!tpu.dma_semaphore, #tpu.memory_space<semaphore_mem>>)
      %add3A_2024 = arith.constant 1 : i32
      %add3A_2025 = arith.addi %add3A_1962, %add3A_2024 : i32
      %mul3A_2026 = arith.constant 4 : i32
      %mul3A_2027 = arith.muli %add3A_2025, %mul3A_2026 : i32
      %add3A_2028 = arith.addi %mul3A_6, %mul3A_2027 : i32
      %min3A_2029 = arith.constant 9996 : i32
      %min3A_2030 = arith.minsi %add3A_2028, %min3A_2029 : i32
      %dma_start3A_2031 = arith.constant 0 : i32
      %dma_start3A_2032 = arith.constant 0 : i32
      %dma_start3A_2033 = arith.constant 0 : i32
      %dma_start3A_2034 = tpu.memref_slice %arg9[%dma_start3A_2031, %dma_start3A_2032, %dma_start3A_2033] : memref<2x4x512xf32, #tpu.memory_space<vmem>> -> memref<1x4x512xf32, #tpu.memory_space<vmem>>
      %dma_start3A_2035 = tpu.memref_squeeze %dma_start3A_2034 : memref<1x4x512xf32, #tpu.memory_space<vmem>> -> memref<4x512xf32, #tpu.memory_space<vmem>>
      %dma_start3A_2036 = arith.constant 0 : i32
      %dma_start3A_2037 = tpu.memref_slice %arg3[%min3A_2030, %dma_start3A_2036] : memref<10000x512xf32, #tpu.memory_space<hbm>> -> memref<4x512xf32, #tpu.memory_space<hbm>>
      %dma_start3A_2038 = arith.constant 0 : i32
      %dma_start3A_2039 = arith.constant 0 : i32
      %dma_start3A_2040 = tpu.memref_slice %arg9[%dma_start3A_2031, %dma_start3A_2038, %dma_start3A_2039] : memref<2x4x512xf32, #tpu.memory_space<vmem>> -> memref<1x4x512xf32, #tpu.memory_space<vmem>>
      %dma_start3A_2041 = tpu.memref_squeeze %dma_start3A_2040 : memref<1x4x512xf32, #tpu.memory_space<vmem>> -> memref<4x512xf32, #tpu.memory_space<vmem>>
      %dma_start3A_2042 = arith.constant 0 : i32
      %dma_start3A_2043 = tpu.memref_slice %arg3[%min3A_2030, %dma_start3A_2042] : memref<10000x512xf32, #tpu.memory_space<hbm>> -> memref<4x512xf32, #tpu.memory_space<hbm>>
      tpu.enqueue_dma source(%dma_start3A_2043 : memref<4x512xf32, #tpu.memory_space<hbm>>) target(%dma_start3A_2041 : memref<4x512xf32, #tpu.memory_space<vmem>>) target_semaphore(%arg15 : memref<!tpu.dma_semaphore, #tpu.memory_space<semaphore_mem>>)
      %add3A_2044 = arith.constant 2 : i32
      %add3A_2045 = arith.addi %add3A_1962, %add3A_2044 : i32
      %mul3A_2046 = arith.constant 4 : i32
      %mul3A_2047 = arith.muli %add3A_2045, %mul3A_2046 : i32
      %add3A_2048 = arith.addi %mul3A_6, %mul3A_2047 : i32
      %min3A_2049 = arith.constant 9996 : i32
      %min3A_2050 = arith.minsi %add3A_2048, %min3A_2049 : i32
      %mul3A_2051 = arith.constant 32 : i32
      %mul3A_2052 = arith.muli %min3A_2050, %mul3A_2051 : i32
      %multiple_of3A_2053 = tpu.assume_multiple %mul3A_2052, 128 : i32
      %dma_start3A_2054 = arith.constant 1 : i32
      %dma_start3A_2055 = arith.constant 0 : i32
      %dma_start3A_2056 = tpu.memref_slice %arg7[%dma_start3A_2054, %dma_start3A_2055] : memref<2x128xi32, #tpu.memory_space<vmem>> -> memref<1x128xi32, #tpu.memory_space<vmem>>
      %dma_start3A_2057 = tpu.memref_squeeze %dma_start3A_2056 : memref<1x128xi32, #tpu.memory_space<vmem>> -> memref<128xi32, #tpu.memory_space<vmem>>
      %dma_start3A_2058 = tpu.memref_slice %arg4[%multiple_of3A_2053] : memref<320000xi32, #tpu.memory_space<hbm>> -> memref<128xi32, #tpu.memory_space<hbm>>
      %dma_start3A_2059 = arith.constant 0 : i32
      %dma_start3A_2060 = tpu.memref_slice %arg7[%dma_start3A_2054, %dma_start3A_2059] : memref<2x128xi32, #tpu.memory_space<vmem>> -> memref<1x128xi32, #tpu.memory_space<vmem>>
      %dma_start3A_2061 = tpu.memref_squeeze %dma_start3A_2060 : memref<1x128xi32, #tpu.memory_space<vmem>> -> memref<128xi32, #tpu.memory_space<vmem>>
      %dma_start3A_2062 = tpu.memref_slice %arg4[%multiple_of3A_2053] : memref<320000xi32, #tpu.memory_space<hbm>> -> memref<128xi32, #tpu.memory_space<hbm>>
      tpu.enqueue_dma source(%dma_start3A_2062 : memref<128xi32, #tpu.memory_space<hbm>>) target(%dma_start3A_2061 : memref<128xi32, #tpu.memory_space<vmem>>) target_semaphore(%arg12 : memref<!tpu.dma_semaphore, #tpu.memory_space<semaphore_mem>>)
      %mul3A_2063 = arith.constant 4 : i32
      %mul3A_2064 = arith.muli %add3A_1962, %mul3A_2063 : i32
      %add3A_2065 = arith.addi %mul3A_6, %mul3A_2064 : i32
      %min3A_2066 = arith.constant 9996 : i32
      %min3A_2067 = arith.minsi %add3A_2065, %min3A_2066 : i32
      %dma_wait3A_2068 = arith.constant 1 : i32
      %dma_wait3A_2069 = arith.constant 0 : i32
      %dma_wait3A_2070 = arith.constant 0 : i32
      %dma_wait3A_2071 = tpu.memref_slice %arg10[%dma_wait3A_2068, %dma_wait3A_2069, %dma_wait3A_2070] : memref<2x4x128xf32, #tpu.memory_space<vmem>> -> memref<1x4x128xf32, #tpu.memory_space<vmem>>
      %dma_wait3A_2072 = tpu.memref_squeeze %dma_wait3A_2071 : memref<1x4x128xf32, #tpu.memory_space<vmem>> -> memref<4x128xf32, #tpu.memory_space<vmem>>
      %dma_wait3A_2073 = arith.constant 0 : i32
      %dma_wait3A_2074 = tpu.memref_slice %arg5[%min3A_2067, %dma_wait3A_2073] : memref<10000x128xf32, #tpu.memory_space<hbm>> -> memref<4x128xf32, #tpu.memory_space<hbm>>
      %dma_wait3A_2075 = arith.constant 0 : i32
      %dma_wait3A_2076 = tpu.memref_slice %arg5[%min3A_2067, %dma_wait3A_2075] : memref<10000x128xf32, #tpu.memory_space<hbm>> -> memref<4x128xf32, #tpu.memory_space<hbm>>
      %dma_wait3A_2077 = arith.constant 0 : i32
      %dma_wait3A_2078 = arith.constant 0 : i32
      %dma_wait3A_2079 = tpu.memref_slice %arg10[%dma_wait3A_2068, %dma_wait3A_2077, %dma_wait3A_2078] : memref<2x4x128xf32, #tpu.memory_space<vmem>> -> memref<1x4x128xf32, #tpu.memory_space<vmem>>
      %dma_wait3A_2080 = tpu.memref_squeeze %dma_wait3A_2079 : memref<1x4x128xf32, #tpu.memory_space<vmem>> -> memref<4x128xf32, #tpu.memory_space<vmem>>
      tpu.wait_dma2 semaphore(%arg18 : memref<!tpu.dma_semaphore, #tpu.memory_space<semaphore_mem>>) src(%dma_wait3A_2080 : memref<4x128xf32, #tpu.memory_space<vmem>>) dst(%dma_wait3A_2076 : memref<4x128xf32, #tpu.memory_space<hbm>>)
      %broadcast_in_dim3A_2081 = arith.constant 0.000000e+00 : f32
      %broadcast_in_dim3A_2082 = vector.broadcast %broadcast_in_dim3A_2081 : f32 to vector<16xf32>
      %scan3A_2083 = arith.constant 0 : i32
      %scan3A_2084 = arith.constant 32 : i32
      %scan3A_2085 = arith.addi %scan3A_2083, %scan3A_2084 : i32
      %scan3A_2086 = arith.constant 1 : i32
      %scan3A_2087:32 = scf.for %scan3A_2363 = %scan3A_2083 to %scan3A_2085 step %scan3A_2086 iter_args(%scan3A_2364 = %broadcast_in_dim3A_2082, %scan3A_2365 = %broadcast_in_dim3A_2082, %scan3A_2366 = %broadcast_in_dim3A_2082, %scan3A_2367 = %broadcast_in_dim3A_2082, %scan3A_2368 = %broadcast_in_dim3A_2082, %scan3A_2369 = %broadcast_in_dim3A_2082, %scan3A_2370 = %broadcast_in_dim3A_2082, %scan3A_2371 = %broadcast_in_dim3A_2082, %scan3A_2372 = %broadcast_in_dim3A_2082, %scan3A_2373 = %broadcast_in_dim3A_2082, %scan3A_2374 = %broadcast_in_dim3A_2082, %scan3A_2375 = %broadcast_in_dim3A_2082, %scan3A_2376 = %broadcast_in_dim3A_2082, %scan3A_2377 = %broadcast_in_dim3A_2082, %scan3A_2378 = %broadcast_in_dim3A_2082, %scan3A_2379 = %broadcast_in_dim3A_2082, %scan3A_2380 = %broadcast_in_dim3A_2082, %scan3A_2381 = %broadcast_in_dim3A_2082, %scan3A_2382 = %broadcast_in_dim3A_2082, %scan3A_2383 = %broadcast_in_dim3A_2082, %scan3A_2384 = %broadcast_in_dim3A_2082, %scan3A_2385 = %broadcast_in_dim3A_2082, %scan3A_2386 = %broadcast_in_dim3A_2082, %scan3A_2387 = %broadcast_in_dim3A_2082, %scan3A_2388 = %broadcast_in_dim3A_2082, %scan3A_2389 = %broadcast_in_dim3A_2082, %scan3A_2390 = %broadcast_in_dim3A_2082, %scan3A_2391 = %broadcast_in_dim3A_2082, %scan3A_2392 = %broadcast_in_dim3A_2082, %scan3A_2393 = %broadcast_in_dim3A_2082, %scan3A_2394 = %broadcast_in_dim3A_2082, %scan3A_2395 = %broadcast_in_dim3A_2082) -> (vector<16xf32>, vector<16xf32>, vector<16xf32>, vector<16xf32>, vector<16xf32>, vector<16xf32>, vector<16xf32>, vector<16xf32>, vector<16xf32>, vector<16xf32>, vector<16xf32>, vector<16xf32>, vector<16xf32>, vector<16xf32>, vector<16xf32>, vector<16xf32>, vector<16xf32>, vector<16xf32>, vector<16xf32>, vector<16xf32>, vector<16xf32>, vector<16xf32>, vector<16xf32>, vector<16xf32>, vector<16xf32>, vector<16xf32>, vector<16xf32>, vector<16xf32>, vector<16xf32>, vector<16xf32>, vector<16xf32>, vector<16xf32>)  : i32 {
        %add3A_2396 = arith.constant 0 : i32
        %add3A_2397 = arith.addi %add3A_2396, %scan3A_2363 : i32
        %mul3A_2398 = arith.constant 16 : i32
        %mul3A_2399 = arith.muli %scan3A_2363, %mul3A_2398 : i32
        %get3A = arith.constant 1 : i32
        %get3A_2400 = arith.constant 0 : i32
        %get3A_2401 = arith.index_cast %get3A : i32 to index
        %get3A_2402 = arith.index_cast %get3A_2400 : i32 to index
        %get3A_2403 = arith.index_cast %mul3A_2399 : i32 to index
        %get3A_2404 = tpu.vector_load %arg9[%get3A_2401, %get3A_2402, %get3A_2403] {strides = array<i32>} : memref<2x4x512xf32, #tpu.memory_space<vmem>>, vector<1x1x16xf32>,
        %get3A_2405 = vector.shape_cast %get3A_2404 : vector<1x1x16xf32> to vector<16xf32>
        %get3A_2406 = arith.constant 1 : i32
        %get3A_2407 = arith.index_cast %get3A_2406 : i32 to index
        %get3A_2408 = arith.index_cast %add3A_2397 : i32 to index
        %get3A_2409 = arith.constant 0 : index
        %get3A_2410 = tpu.vector_load %arg8[%get3A_2407, %get3A_2408, %get3A_2409] {strides = array<i32>} : memref<2x128x64xi32, #tpu.memory_space<vmem>>, vector<1x1x16xi32>,
        %get3A_2411 = vector.shape_cast %get3A_2410 : vector<1x1x16xi32> to vector<16xi32>
        %shift_left3A = arith.constant 16 : i32
        %shift_left3A_2412 = vector.broadcast %shift_left3A : i32 to vector<16xi32>
        %shift_left3A_2413 = arith.shli %get3A_2411, %shift_left3A_2412 : vector<16xi32>
        %bitcast_convert_type3A = tpu.bitcast %shift_left3A_2413 : vector<16xi32> -> vector<16xf32>
        %bitcast_convert_type3A_2414 = tpu.bitcast %get3A_2411 : vector<16xi32> -> vector<16xf32>
        %mul3A_2415 = arith.mulf %bitcast_convert_type3A, %get3A_2405 : vector<16xf32>
        %add3A_2416 = arith.addf %scan3A_2364, %mul3A_2415 : vector<16xf32>
        %mul3A_2417 = arith.mulf %bitcast_convert_type3A_2414, %get3A_2405 : vector<16xf32>
        %add3A_2418 = arith.addf %scan3A_2365, %mul3A_2417 : vector<16xf32>
        %get3A_2419 = arith.constant 1 : i32
        %get3A_2420 = arith.index_cast %get3A_2419 : i32 to index
        %get3A_2421 = arith.index_cast %add3A_2397 : i32 to index
        %get3A_2422 = arith.constant 16 : index
        %get3A_2423 = tpu.vector_load %arg8[%get3A_2420, %get3A_2421, %get3A_2422] {strides = array<i32>} : memref<2x128x64xi32, #tpu.memory_space<vmem>>, vector<1x1x16xi32>,
        %get3A_2424 = vector.shape_cast %get3A_2423 : vector<1x1x16xi32> to vector<16xi32>
        %shift_left3A_2425 = arith.constant 16 : i32
        %shift_left3A_2426 = vector.broadcast %shift_left3A_2425 : i32 to vector<16xi32>
        %shift_left3A_2427 = arith.shli %get3A_2424, %shift_left3A_2426 : vector<16xi32>
        %bitcast_convert_type3A_2428 = tpu.bitcast %shift_left3A_2427 : vector<16xi32> -> vector<16xf32>
        %bitcast_convert_type3A_2429 = tpu.bitcast %get3A_2424 : vector<16xi32> -> vector<16xf32>
        %mul3A_2430 = arith.mulf %bitcast_convert_type3A_2428, %get3A_2405 : vector<16xf32>
        %add3A_2431 = arith.addf %scan3A_2366, %mul3A_2430 : vector<16xf32>
        %mul3A_2432 = arith.mulf %bitcast_convert_type3A_2429, %get3A_2405 : vector<16xf32>
        %add3A_2433 = arith.addf %scan3A_2367, %mul3A_2432 : vector<16xf32>
        %get3A_2434 = arith.constant 1 : i32
        %get3A_2435 = arith.index_cast %get3A_2434 : i32 to index
        %get3A_2436 = arith.index_cast %add3A_2397 : i32 to index
        %get3A_2437 = arith.constant 32 : index
        %get3A_2438 = tpu.vector_load %arg8[%get3A_2435, %get3A_2436, %get3A_2437] {strides = array<i32>} : memref<2x128x64xi32, #tpu.memory_space<vmem>>, vector<1x1x16xi32>,
        %get3A_2439 = vector.shape_cast %get3A_2438 : vector<1x1x16xi32> to vector<16xi32>
        %shift_left3A_2440 = arith.constant 16 : i32
        %shift_left3A_2441 = vector.broadcast %shift_left3A_2440 : i32 to vector<16xi32>
        %shift_left3A_2442 = arith.shli %get3A_2439, %shift_left3A_2441 : vector<16xi32>
        %bitcast_convert_type3A_2443 = tpu.bitcast %shift_left3A_2442 : vector<16xi32> -> vector<16xf32>
        %bitcast_convert_type3A_2444 = tpu.bitcast %get3A_2439 : vector<16xi32> -> vector<16xf32>
        %mul3A_2445 = arith.mulf %bitcast_convert_type3A_2443, %get3A_2405 : vector<16xf32>
        %add3A_2446 = arith.addf %scan3A_2368, %mul3A_2445 : vector<16xf32>
        %mul3A_2447 = arith.mulf %bitcast_convert_type3A_2444, %get3A_2405 : vector<16xf32>
        %add3A_2448 = arith.addf %scan3A_2369, %mul3A_2447 : vector<16xf32>
        %get3A_2449 = arith.constant 1 : i32
        %get3A_2450 = arith.index_cast %get3A_2449 : i32 to index
        %get3A_2451 = arith.index_cast %add3A_2397 : i32 to index
        %get3A_2452 = arith.constant 48 : index
        %get3A_2453 = tpu.vector_load %arg8[%get3A_2450, %get3A_2451, %get3A_2452] {strides = array<i32>} : memref<2x128x64xi32, #tpu.memory_space<vmem>>, vector<1x1x16xi32>,
        %get3A_2454 = vector.shape_cast %get3A_2453 : vector<1x1x16xi32> to vector<16xi32>
        %shift_left3A_2455 = arith.constant 16 : i32
        %shift_left3A_2456 = vector.broadcast %shift_left3A_2455 : i32 to vector<16xi32>
        %shift_left3A_2457 = arith.shli %get3A_2454, %shift_left3A_2456 : vector<16xi32>
        %bitcast_convert_type3A_2458 = tpu.bitcast %shift_left3A_2457 : vector<16xi32> -> vector<16xf32>
        %bitcast_convert_type3A_2459 = tpu.bitcast %get3A_2454 : vector<16xi32> -> vector<16xf32>
        %mul3A_2460 = arith.mulf %bitcast_convert_type3A_2458, %get3A_2405 : vector<16xf32>
        %add3A_2461 = arith.addf %scan3A_2370, %mul3A_2460 : vector<16xf32>
        %mul3A_2462 = arith.mulf %bitcast_convert_type3A_2459, %get3A_2405 : vector<16xf32>
        %add3A_2463 = arith.addf %scan3A_2371, %mul3A_2462 : vector<16xf32>
        %add3A_2464 = arith.constant 32 : i32
        %add3A_2465 = arith.addi %add3A_2464, %scan3A_2363 : i32
        %mul3A_2466 = arith.constant 16 : i32
        %mul3A_2467 = arith.muli %scan3A_2363, %mul3A_2466 : i32
        %get3A_2468 = arith.constant 1 : i32
        %get3A_2469 = arith.constant 1 : i32
        %get3A_2470 = arith.index_cast %get3A_2468 : i32 to index
        %get3A_2471 = arith.index_cast %get3A_2469 : i32 to index
        %get3A_2472 = arith.index_cast %mul3A_2467 : i32 to index
        %get3A_2473 = tpu.vector_load %arg9[%get3A_2470, %get3A_2471, %get3A_2472] {strides = array<i32>} : memref<2x4x512xf32, #tpu.memory_space<vmem>>, vector<1x1x16xf32>,
        %get3A_2474 = vector.shape_cast %get3A_2473 : vector<1x1x16xf32> to vector<16xf32>
        %get3A_2475 = arith.constant 1 : i32
        %get3A_2476 = arith.index_cast %get3A_2475 : i32 to index
        %get3A_2477 = arith.index_cast %add3A_2465 : i32 to index
        %get3A_2478 = arith.constant 0 : index
        %get3A_2479 = tpu.vector_load %arg8[%get3A_2476, %get3A_2477, %get3A_2478] {strides = array<i32>} : memref<2x128x64xi32, #tpu.memory_space<vmem>>, vector<1x1x16xi32>,
        %get3A_2480 = vector.shape_cast %get3A_2479 : vector<1x1x16xi32> to vector<16xi32>
        %shift_left3A_2481 = arith.constant 16 : i32
        %shift_left3A_2482 = vector.broadcast %shift_left3A_2481 : i32 to vector<16xi32>
        %shift_left3A_2483 = arith.shli %get3A_2480, %shift_left3A_2482 : vector<16xi32>
        %bitcast_convert_type3A_2484 = tpu.bitcast %shift_left3A_2483 : vector<16xi32> -> vector<16xf32>
        %bitcast_convert_type3A_2485 = tpu.bitcast %get3A_2480 : vector<16xi32> -> vector<16xf32>
        %mul3A_2486 = arith.mulf %bitcast_convert_type3A_2484, %get3A_2474 : vector<16xf32>
        %add3A_2487 = arith.addf %scan3A_2372, %mul3A_2486 : vector<16xf32>
        %mul3A_2488 = arith.mulf %bitcast_convert_type3A_2485, %get3A_2474 : vector<16xf32>
        %add3A_2489 = arith.addf %scan3A_2373, %mul3A_2488 : vector<16xf32>
        %get3A_2490 = arith.constant 1 : i32
        %get3A_2491 = arith.index_cast %get3A_2490 : i32 to index
        %get3A_2492 = arith.index_cast %add3A_2465 : i32 to index
        %get3A_2493 = arith.constant 16 : index
        %get3A_2494 = tpu.vector_load %arg8[%get3A_2491, %get3A_2492, %get3A_2493] {strides = array<i32>} : memref<2x128x64xi32, #tpu.memory_space<vmem>>, vector<1x1x16xi32>,
        %get3A_2495 = vector.shape_cast %get3A_2494 : vector<1x1x16xi32> to vector<16xi32>
        %shift_left3A_2496 = arith.constant 16 : i32
        %shift_left3A_2497 = vector.broadcast %shift_left3A_2496 : i32 to vector<16xi32>
        %shift_left3A_2498 = arith.shli %get3A_2495, %shift_left3A_2497 : vector<16xi32>
        %bitcast_convert_type3A_2499 = tpu.bitcast %shift_left3A_2498 : vector<16xi32> -> vector<16xf32>
        %bitcast_convert_type3A_2500 = tpu.bitcast %get3A_2495 : vector<16xi32> -> vector<16xf32>
        %mul3A_2501 = arith.mulf %bitcast_convert_type3A_2499, %get3A_2474 : vector<16xf32>
        %add3A_2502 = arith.addf %scan3A_2374, %mul3A_2501 : vector<16xf32>
        %mul3A_2503 = arith.mulf %bitcast_convert_type3A_2500, %get3A_2474 : vector<16xf32>
        %add3A_2504 = arith.addf %scan3A_2375, %mul3A_2503 : vector<16xf32>
        %get3A_2505 = arith.constant 1 : i32
        %get3A_2506 = arith.index_cast %get3A_2505 : i32 to index
        %get3A_2507 = arith.index_cast %add3A_2465 : i32 to index
        %get3A_2508 = arith.constant 32 : index
        %get3A_2509 = tpu.vector_load %arg8[%get3A_2506, %get3A_2507, %get3A_2508] {strides = array<i32>} : memref<2x128x64xi32, #tpu.memory_space<vmem>>, vector<1x1x16xi32>,
        %get3A_2510 = vector.shape_cast %get3A_2509 : vector<1x1x16xi32> to vector<16xi32>
        %shift_left3A_2511 = arith.constant 16 : i32
        %shift_left3A_2512 = vector.broadcast %shift_left3A_2511 : i32 to vector<16xi32>
        %shift_left3A_2513 = arith.shli %get3A_2510, %shift_left3A_2512 : vector<16xi32>
        %bitcast_convert_type3A_2514 = tpu.bitcast %shift_left3A_2513 : vector<16xi32> -> vector<16xf32>
        %bitcast_convert_type3A_2515 = tpu.bitcast %get3A_2510 : vector<16xi32> -> vector<16xf32>
        %mul3A_2516 = arith.mulf %bitcast_convert_type3A_2514, %get3A_2474 : vector<16xf32>
        %add3A_2517 = arith.addf %scan3A_2376, %mul3A_2516 : vector<16xf32>
        %mul3A_2518 = arith.mulf %bitcast_convert_type3A_2515, %get3A_2474 : vector<16xf32>
        %add3A_2519 = arith.addf %scan3A_2377, %mul3A_2518 : vector<16xf32>
        %get3A_2520 = arith.constant 1 : i32
        %get3A_2521 = arith.index_cast %get3A_2520 : i32 to index
        %get3A_2522 = arith.index_cast %add3A_2465 : i32 to index
        %get3A_2523 = arith.constant 48 : index
        %get3A_2524 = tpu.vector_load %arg8[%get3A_2521, %get3A_2522, %get3A_2523] {strides = array<i32>} : memref<2x128x64xi32, #tpu.memory_space<vmem>>, vector<1x1x16xi32>,
        %get3A_2525 = vector.shape_cast %get3A_2524 : vector<1x1x16xi32> to vector<16xi32>
        %shift_left3A_2526 = arith.constant 16 : i32
        %shift_left3A_2527 = vector.broadcast %shift_left3A_2526 : i32 to vector<16xi32>
        %shift_left3A_2528 = arith.shli %get3A_2525, %shift_left3A_2527 : vector<16xi32>
        %bitcast_convert_type3A_2529 = tpu.bitcast %shift_left3A_2528 : vector<16xi32> -> vector<16xf32>
        %bitcast_convert_type3A_2530 = tpu.bitcast %get3A_2525 : vector<16xi32> -> vector<16xf32>
        %mul3A_2531 = arith.mulf %bitcast_convert_type3A_2529, %get3A_2474 : vector<16xf32>
        %add3A_2532 = arith.addf %scan3A_2378, %mul3A_2531 : vector<16xf32>
        %mul3A_2533 = arith.mulf %bitcast_convert_type3A_2530, %get3A_2474 : vector<16xf32>
        %add3A_2534 = arith.addf %scan3A_2379, %mul3A_2533 : vector<16xf32>
        %add3A_2535 = arith.constant 64 : i32
        %add3A_2536 = arith.addi %add3A_2535, %scan3A_2363 : i32
        %mul3A_2537 = arith.constant 16 : i32
        %mul3A_2538 = arith.muli %scan3A_2363, %mul3A_2537 : i32
        %get3A_2539 = arith.constant 1 : i32
        %get3A_2540 = arith.constant 2 : i32
        %get3A_2541 = arith.index_cast %get3A_2539 : i32 to index
        %get3A_2542 = arith.index_cast %get3A_2540 : i32 to index
        %get3A_2543 = arith.index_cast %mul3A_2538 : i32 to index
        %get3A_2544 = tpu.vector_load %arg9[%get3A_2541, %get3A_2542, %get3A_2543] {strides = array<i32>} : memref<2x4x512xf32, #tpu.memory_space<vmem>>, vector<1x1x16xf32>,
        %get3A_2545 = vector.shape_cast %get3A_2544 : vector<1x1x16xf32> to vector<16xf32>
        %get3A_2546 = arith.constant 1 : i32
        %get3A_2547 = arith.index_cast %get3A_2546 : i32 to index
        %get3A_2548 = arith.index_cast %add3A_2536 : i32 to index
        %get3A_2549 = arith.constant 0 : index
        %get3A_2550 = tpu.vector_load %arg8[%get3A_2547, %get3A_2548, %get3A_2549] {strides = array<i32>} : memref<2x128x64xi32, #tpu.memory_space<vmem>>, vector<1x1x16xi32>,
        %get3A_2551 = vector.shape_cast %get3A_2550 : vector<1x1x16xi32> to vector<16xi32>
        %shift_left3A_2552 = arith.constant 16 : i32
        %shift_left3A_2553 = vector.broadcast %shift_left3A_2552 : i32 to vector<16xi32>
        %shift_left3A_2554 = arith.shli %get3A_2551, %shift_left3A_2553 : vector<16xi32>
        %bitcast_convert_type3A_2555 = tpu.bitcast %shift_left3A_2554 : vector<16xi32> -> vector<16xf32>
        %bitcast_convert_type3A_2556 = tpu.bitcast %get3A_2551 : vector<16xi32> -> vector<16xf32>
        %mul3A_2557 = arith.mulf %bitcast_convert_type3A_2555, %get3A_2545 : vector<16xf32>
        %add3A_2558 = arith.addf %scan3A_2380, %mul3A_2557 : vector<16xf32>
        %mul3A_2559 = arith.mulf %bitcast_convert_type3A_2556, %get3A_2545 : vector<16xf32>
        %add3A_2560 = arith.addf %scan3A_2381, %mul3A_2559 : vector<16xf32>
        %get3A_2561 = arith.constant 1 : i32
        %get3A_2562 = arith.index_cast %get3A_2561 : i32 to index
        %get3A_2563 = arith.index_cast %add3A_2536 : i32 to index
        %get3A_2564 = arith.constant 16 : index
        %get3A_2565 = tpu.vector_load %arg8[%get3A_2562, %get3A_2563, %get3A_2564] {strides = array<i32>} : memref<2x128x64xi32, #tpu.memory_space<vmem>>, vector<1x1x16xi32>,
        %get3A_2566 = vector.shape_cast %get3A_2565 : vector<1x1x16xi32> to vector<16xi32>
        %shift_left3A_2567 = arith.constant 16 : i32
        %shift_left3A_2568 = vector.broadcast %shift_left3A_2567 : i32 to vector<16xi32>
        %shift_left3A_2569 = arith.shli %get3A_2566, %shift_left3A_2568 : vector<16xi32>
        %bitcast_convert_type3A_2570 = tpu.bitcast %shift_left3A_2569 : vector<16xi32> -> vector<16xf32>
        %bitcast_convert_type3A_2571 = tpu.bitcast %get3A_2566 : vector<16xi32> -> vector<16xf32>
        %mul3A_2572 = arith.mulf %bitcast_convert_type3A_2570, %get3A_2545 : vector<16xf32>
        %add3A_2573 = arith.addf %scan3A_2382, %mul3A_2572 : vector<16xf32>
        %mul3A_2574 = arith.mulf %bitcast_convert_type3A_2571, %get3A_2545 : vector<16xf32>
        %add3A_2575 = arith.addf %scan3A_2383, %mul3A_2574 : vector<16xf32>
        %get3A_2576 = arith.constant 1 : i32
        %get3A_2577 = arith.index_cast %get3A_2576 : i32 to index
        %get3A_2578 = arith.index_cast %add3A_2536 : i32 to index
        %get3A_2579 = arith.constant 32 : index
        %get3A_2580 = tpu.vector_load %arg8[%get3A_2577, %get3A_2578, %get3A_2579] {strides = array<i32>} : memref<2x128x64xi32, #tpu.memory_space<vmem>>, vector<1x1x16xi32>,
        %get3A_2581 = vector.shape_cast %get3A_2580 : vector<1x1x16xi32> to vector<16xi32>
        %shift_left3A_2582 = arith.constant 16 : i32
        %shift_left3A_2583 = vector.broadcast %shift_left3A_2582 : i32 to vector<16xi32>
        %shift_left3A_2584 = arith.shli %get3A_2581, %shift_left3A_2583 : vector<16xi32>
        %bitcast_convert_type3A_2585 = tpu.bitcast %shift_left3A_2584 : vector<16xi32> -> vector<16xf32>
        %bitcast_convert_type3A_2586 = tpu.bitcast %get3A_2581 : vector<16xi32> -> vector<16xf32>
        %mul3A_2587 = arith.mulf %bitcast_convert_type3A_2585, %get3A_2545 : vector<16xf32>
        %add3A_2588 = arith.addf %scan3A_2384, %mul3A_2587 : vector<16xf32>
        %mul3A_2589 = arith.mulf %bitcast_convert_type3A_2586, %get3A_2545 : vector<16xf32>
        %add3A_2590 = arith.addf %scan3A_2385, %mul3A_2589 : vector<16xf32>
        %get3A_2591 = arith.constant 1 : i32
        %get3A_2592 = arith.index_cast %get3A_2591 : i32 to index
        %get3A_2593 = arith.index_cast %add3A_2536 : i32 to index
        %get3A_2594 = arith.constant 48 : index
        %get3A_2595 = tpu.vector_load %arg8[%get3A_2592, %get3A_2593, %get3A_2594] {strides = array<i32>} : memref<2x128x64xi32, #tpu.memory_space<vmem>>, vector<1x1x16xi32>,
        %get3A_2596 = vector.shape_cast %get3A_2595 : vector<1x1x16xi32> to vector<16xi32>
        %shift_left3A_2597 = arith.constant 16 : i32
        %shift_left3A_2598 = vector.broadcast %shift_left3A_2597 : i32 to vector<16xi32>
        %shift_left3A_2599 = arith.shli %get3A_2596, %shift_left3A_2598 : vector<16xi32>
        %bitcast_convert_type3A_2600 = tpu.bitcast %shift_left3A_2599 : vector<16xi32> -> vector<16xf32>
        %bitcast_convert_type3A_2601 = tpu.bitcast %get3A_2596 : vector<16xi32> -> vector<16xf32>
        %mul3A_2602 = arith.mulf %bitcast_convert_type3A_2600, %get3A_2545 : vector<16xf32>
        %add3A_2603 = arith.addf %scan3A_2386, %mul3A_2602 : vector<16xf32>
        %mul3A_2604 = arith.mulf %bitcast_convert_type3A_2601, %get3A_2545 : vector<16xf32>
        %add3A_2605 = arith.addf %scan3A_2387, %mul3A_2604 : vector<16xf32>
        %add3A_2606 = arith.constant 96 : i32
        %add3A_2607 = arith.addi %add3A_2606, %scan3A_2363 : i32
        %mul3A_2608 = arith.constant 16 : i32
        %mul3A_2609 = arith.muli %scan3A_2363, %mul3A_2608 : i32
        %get3A_2610 = arith.constant 1 : i32
        %get3A_2611 = arith.constant 3 : i32
        %get3A_2612 = arith.index_cast %get3A_2610 : i32 to index
        %get3A_2613 = arith.index_cast %get3A_2611 : i32 to index
        %get3A_2614 = arith.index_cast %mul3A_2609 : i32 to index
        %get3A_2615 = tpu.vector_load %arg9[%get3A_2612, %get3A_2613, %get3A_2614] {strides = array<i32>} : memref<2x4x512xf32, #tpu.memory_space<vmem>>, vector<1x1x16xf32>,
        %get3A_2616 = vector.shape_cast %get3A_2615 : vector<1x1x16xf32> to vector<16xf32>
        %get3A_2617 = arith.constant 1 : i32
        %get3A_2618 = arith.index_cast %get3A_2617 : i32 to index
        %get3A_2619 = arith.index_cast %add3A_2607 : i32 to index
        %get3A_2620 = arith.constant 0 : index
        %get3A_2621 = tpu.vector_load %arg8[%get3A_2618, %get3A_2619, %get3A_2620] {strides = array<i32>} : memref<2x128x64xi32, #tpu.memory_space<vmem>>, vector<1x1x16xi32>,
        %get3A_2622 = vector.shape_cast %get3A_2621 : vector<1x1x16xi32> to vector<16xi32>
        %shift_left3A_2623 = arith.constant 16 : i32
        %shift_left3A_2624 = vector.broadcast %shift_left3A_2623 : i32 to vector<16xi32>
        %shift_left3A_2625 = arith.shli %get3A_2622, %shift_left3A_2624 : vector<16xi32>
        %bitcast_convert_type3A_2626 = tpu.bitcast %shift_left3A_2625 : vector<16xi32> -> vector<16xf32>
        %bitcast_convert_type3A_2627 = tpu.bitcast %get3A_2622 : vector<16xi32> -> vector<16xf32>
        %mul3A_2628 = arith.mulf %bitcast_convert_type3A_2626, %get3A_2616 : vector<16xf32>
        %add3A_2629 = arith.addf %scan3A_2388, %mul3A_2628 : vector<16xf32>
        %mul3A_2630 = arith.mulf %bitcast_convert_type3A_2627, %get3A_2616 : vector<16xf32>
        %add3A_2631 = arith.addf %scan3A_2389, %mul3A_2630 : vector<16xf32>
        %get3A_2632 = arith.constant 1 : i32
        %get3A_2633 = arith.index_cast %get3A_2632 : i32 to index
        %get3A_2634 = arith.index_cast %add3A_2607 : i32 to index
        %get3A_2635 = arith.constant 16 : index
        %get3A_2636 = tpu.vector_load %arg8[%get3A_2633, %get3A_2634, %get3A_2635] {strides = array<i32>} : memref<2x128x64xi32, #tpu.memory_space<vmem>>, vector<1x1x16xi32>,
        %get3A_2637 = vector.shape_cast %get3A_2636 : vector<1x1x16xi32> to vector<16xi32>
        %shift_left3A_2638 = arith.constant 16 : i32
        %shift_left3A_2639 = vector.broadcast %shift_left3A_2638 : i32 to vector<16xi32>
        %shift_left3A_2640 = arith.shli %get3A_2637, %shift_left3A_2639 : vector<16xi32>
        %bitcast_convert_type3A_2641 = tpu.bitcast %shift_left3A_2640 : vector<16xi32> -> vector<16xf32>
        %bitcast_convert_type3A_2642 = tpu.bitcast %get3A_2637 : vector<16xi32> -> vector<16xf32>
        %mul3A_2643 = arith.mulf %bitcast_convert_type3A_2641, %get3A_2616 : vector<16xf32>
        %add3A_2644 = arith.addf %scan3A_2390, %mul3A_2643 : vector<16xf32>
        %mul3A_2645 = arith.mulf %bitcast_convert_type3A_2642, %get3A_2616 : vector<16xf32>
        %add3A_2646 = arith.addf %scan3A_2391, %mul3A_2645 : vector<16xf32>
        %get3A_2647 = arith.constant 1 : i32
        %get3A_2648 = arith.index_cast %get3A_2647 : i32 to index
        %get3A_2649 = arith.index_cast %add3A_2607 : i32 to index
        %get3A_2650 = arith.constant 32 : index
        %get3A_2651 = tpu.vector_load %arg8[%get3A_2648, %get3A_2649, %get3A_2650] {strides = array<i32>} : memref<2x128x64xi32, #tpu.memory_space<vmem>>, vector<1x1x16xi32>,
        %get3A_2652 = vector.shape_cast %get3A_2651 : vector<1x1x16xi32> to vector<16xi32>
        %shift_left3A_2653 = arith.constant 16 : i32
        %shift_left3A_2654 = vector.broadcast %shift_left3A_2653 : i32 to vector<16xi32>
        %shift_left3A_2655 = arith.shli %get3A_2652, %shift_left3A_2654 : vector<16xi32>
        %bitcast_convert_type3A_2656 = tpu.bitcast %shift_left3A_2655 : vector<16xi32> -> vector<16xf32>
        %bitcast_convert_type3A_2657 = tpu.bitcast %get3A_2652 : vector<16xi32> -> vector<16xf32>
        %mul3A_2658 = arith.mulf %bitcast_convert_type3A_2656, %get3A_2616 : vector<16xf32>
        %add3A_2659 = arith.addf %scan3A_2392, %mul3A_2658 : vector<16xf32>
        %mul3A_2660 = arith.mulf %bitcast_convert_type3A_2657, %get3A_2616 : vector<16xf32>
        %add3A_2661 = arith.addf %scan3A_2393, %mul3A_2660 : vector<16xf32>
        %get3A_2662 = arith.constant 1 : i32
        %get3A_2663 = arith.index_cast %get3A_2662 : i32 to index
        %get3A_2664 = arith.index_cast %add3A_2607 : i32 to index
        %get3A_2665 = arith.constant 48 : index
        %get3A_2666 = tpu.vector_load %arg8[%get3A_2663, %get3A_2664, %get3A_2665] {strides = array<i32>} : memref<2x128x64xi32, #tpu.memory_space<vmem>>, vector<1x1x16xi32>,
        %get3A_2667 = vector.shape_cast %get3A_2666 : vector<1x1x16xi32> to vector<16xi32>
        %shift_left3A_2668 = arith.constant 16 : i32
        %shift_left3A_2669 = vector.broadcast %shift_left3A_2668 : i32 to vector<16xi32>
        %shift_left3A_2670 = arith.shli %get3A_2667, %shift_left3A_2669 : vector<16xi32>
        %bitcast_convert_type3A_2671 = tpu.bitcast %shift_left3A_2670 : vector<16xi32> -> vector<16xf32>
        %bitcast_convert_type3A_2672 = tpu.bitcast %get3A_2667 : vector<16xi32> -> vector<16xf32>
        %mul3A_2673 = arith.mulf %bitcast_convert_type3A_2671, %get3A_2616 : vector<16xf32>
        %add3A_2674 = arith.addf %scan3A_2394, %mul3A_2673 : vector<16xf32>
        %mul3A_2675 = arith.mulf %bitcast_convert_type3A_2672, %get3A_2616 : vector<16xf32>
        %add3A_2676 = arith.addf %scan3A_2395, %mul3A_2675 : vector<16xf32>
        scf.yield %add3A_2416, %add3A_2418, %add3A_2431, %add3A_2433, %add3A_2446, %add3A_2448, %add3A_2461, %add3A_2463, %add3A_2487, %add3A_2489, %add3A_2502, %add3A_2504, %add3A_2517, %add3A_2519, %add3A_2532, %add3A_2534, %add3A_2558, %add3A_2560, %add3A_2573, %add3A_2575, %add3A_2588, %add3A_2590, %add3A_2603, %add3A_2605, %add3A_2629, %add3A_2631, %add3A_2644, %add3A_2646, %add3A_2659, %add3A_2661, %add3A_2674, %add3A_2676 : vector<16xf32>, vector<16xf32>, vector<16xf32>, vector<16xf32>, vector<16xf32>, vector<16xf32>, vector<16xf32>, vector<16xf32>, vector<16xf32>, vector<16xf32>, vector<16xf32>, vector<16xf32>, vector<16xf32>, vector<16xf32>, vector<16xf32>, vector<16xf32>, vector<16xf32>, vector<16xf32>, vector<16xf32>, vector<16xf32>, vector<16xf32>, vector<16xf32>, vector<16xf32>, vector<16xf32>, vector<16xf32>, vector<16xf32>, vector<16xf32>, vector<16xf32>, vector<16xf32>, vector<16xf32>, vector<16xf32>, vector<16xf32>
      }
      %scan3A_2088 = arith.constant 32 : i32
      %swap3A_2089 = arith.constant 1 : i32
      %swap3A_2090 = arith.constant 0 : i32
      %swap3A_2091 = arith.index_cast %swap3A_2089 : i32 to index
      %swap3A_2092 = arith.index_cast %swap3A_2090 : i32 to index
      %swap3A_2093 = arith.constant 0 : index
      %swap3A_2094 = tpu.vector_load %arg10[%swap3A_2091, %swap3A_2092, %swap3A_2093] {strides = array<i32>} : memref<2x4x128xf32, #tpu.memory_space<vmem>>, vector<1x1x16xf32>,
      %swap3A_2095 = vector.shape_cast %swap3A_2094 : vector<1x1x16xf32> to vector<16xf32>
      %swap3A_2096 = vector.shape_cast %scan3A_2087#0 : vector<16xf32> to vector<1x1x16xf32>
      tpu.vector_store %arg10[%swap3A_2091, %swap3A_2092, %swap3A_2093], %swap3A_2096 {strides = array<i32>} : memref<2x4x128xf32, #tpu.memory_space<vmem>>, vector<1x1x16xf32>,
      %swap3A_2097 = arith.constant 1 : i32
      %swap3A_2098 = arith.constant 0 : i32
      %swap3A_2099 = arith.index_cast %swap3A_2097 : i32 to index
      %swap3A_2100 = arith.index_cast %swap3A_2098 : i32 to index
      %swap3A_2101 = arith.constant 16 : index
      %swap3A_2102 = tpu.vector_load %arg10[%swap3A_2099, %swap3A_2100, %swap3A_2101] {strides = array<i32>} : memref<2x4x128xf32, #tpu.memory_space<vmem>>, vector<1x1x16xf32>,
      %swap3A_2103 = vector.shape_cast %swap3A_2102 : vector<1x1x16xf32> to vector<16xf32>
      %swap3A_2104 = vector.shape_cast %scan3A_2087#1 : vector<16xf32> to vector<1x1x16xf32>
      tpu.vector_store %arg10[%swap3A_2099, %swap3A_2100, %swap3A_2101], %swap3A_2104 {strides = array<i32>} : memref<2x4x128xf32, #tpu.memory_space<vmem>>, vector<1x1x16xf32>,
      %swap3A_2105 = arith.constant 1 : i32
      %swap3A_2106 = arith.constant 0 : i32
      %swap3A_2107 = arith.index_cast %swap3A_2105 : i32 to index
      %swap3A_2108 = arith.index_cast %swap3A_2106 : i32 to index
      %swap3A_2109 = arith.constant 32 : index
      %swap3A_2110 = tpu.vector_load %arg10[%swap3A_2107, %swap3A_2108, %swap3A_2109] {strides = array<i32>} : memref<2x4x128xf32, #tpu.memory_space<vmem>>, vector<1x1x16xf32>,
      %swap3A_2111 = vector.shape_cast %swap3A_2110 : vector<1x1x16xf32> to vector<16xf32>
      %swap3A_2112 = vector.shape_cast %scan3A_2087#2 : vector<16xf32> to vector<1x1x16xf32>
      tpu.vector_store %arg10[%swap3A_2107, %swap3A_2108, %swap3A_2109], %swap3A_2112 {strides = array<i32>} : memref<2x4x128xf32, #tpu.memory_space<vmem>>, vector<1x1x16xf32>,
      %swap3A_2113 = arith.constant 1 : i32
      %swap3A_2114 = arith.constant 0 : i32
      %swap3A_2115 = arith.index_cast %swap3A_2113 : i32 to index
      %swap3A_2116 = arith.index_cast %swap3A_2114 : i32 to index
      %swap3A_2117 = arith.constant 48 : index
      %swap3A_2118 = tpu.vector_load %arg10[%swap3A_2115, %swap3A_2116, %swap3A_2117] {strides = array<i32>} : memref<2x4x128xf32, #tpu.memory_space<vmem>>, vector<1x1x16xf32>,
      %swap3A_2119 = vector.shape_cast %swap3A_2118 : vector<1x1x16xf32> to vector<16xf32>
      %swap3A_2120 = vector.shape_cast %scan3A_2087#3 : vector<16xf32> to vector<1x1x16xf32>
      tpu.vector_store %arg10[%swap3A_2115, %swap3A_2116, %swap3A_2117], %swap3A_2120 {strides = array<i32>} : memref<2x4x128xf32, #tpu.memory_space<vmem>>, vector<1x1x16xf32>,
      %swap3A_2121 = arith.constant 1 : i32
      %swap3A_2122 = arith.constant 0 : i32
      %swap3A_2123 = arith.index_cast %swap3A_2121 : i32 to index
      %swap3A_2124 = arith.index_cast %swap3A_2122 : i32 to index
      %swap3A_2125 = arith.constant 64 : index
      %swap3A_2126 = tpu.vector_load %arg10[%swap3A_2123, %swap3A_2124, %swap3A_2125] {strides = array<i32>} : memref<2x4x128xf32, #tpu.memory_space<vmem>>, vector<1x1x16xf32>,
      %swap3A_2127 = vector.shape_cast %swap3A_2126 : vector<1x1x16xf32> to vector<16xf32>
      %swap3A_2128 = vector.shape_cast %scan3A_2087#4 : vector<16xf32> to vector<1x1x16xf32>
      tpu.vector_store %arg10[%swap3A_2123, %swap3A_2124, %swap3A_2125], %swap3A_2128 {strides = array<i32>} : memref<2x4x128xf32, #tpu.memory_space<vmem>>, vector<1x1x16xf32>,
      %swap3A_2129 = arith.constant 1 : i32
      %swap3A_2130 = arith.constant 0 : i32
      %swap3A_2131 = arith.index_cast %swap3A_2129 : i32 to index
      %swap3A_2132 = arith.index_cast %swap3A_2130 : i32 to index
      %swap3A_2133 = arith.constant 80 : index
      %swap3A_2134 = tpu.vector_load %arg10[%swap3A_2131, %swap3A_2132, %swap3A_2133] {strides = array<i32>} : memref<2x4x128xf32, #tpu.memory_space<vmem>>, vector<1x1x16xf32>,
      %swap3A_2135 = vector.shape_cast %swap3A_2134 : vector<1x1x16xf32> to vector<16xf32>
      %swap3A_2136 = vector.shape_cast %scan3A_2087#5 : vector<16xf32> to vector<1x1x16xf32>
      tpu.vector_store %arg10[%swap3A_2131, %swap3A_2132, %swap3A_2133], %swap3A_2136 {strides = array<i32>} : memref<2x4x128xf32, #tpu.memory_space<vmem>>, vector<1x1x16xf32>,
      %swap3A_2137 = arith.constant 1 : i32
      %swap3A_2138 = arith.constant 0 : i32
      %swap3A_2139 = arith.index_cast %swap3A_2137 : i32 to index
      %swap3A_2140 = arith.index_cast %swap3A_2138 : i32 to index
      %swap3A_2141 = arith.constant 96 : index
      %swap3A_2142 = tpu.vector_load %arg10[%swap3A_2139, %swap3A_2140, %swap3A_2141] {strides = array<i32>} : memref<2x4x128xf32, #tpu.memory_space<vmem>>, vector<1x1x16xf32>,
      %swap3A_2143 = vector.shape_cast %swap3A_2142 : vector<1x1x16xf32> to vector<16xf32>
      %swap3A_2144 = vector.shape_cast %scan3A_2087#6 : vector<16xf32> to vector<1x1x16xf32>
      tpu.vector_store %arg10[%swap3A_2139, %swap3A_2140, %swap3A_2141], %swap3A_2144 {strides = array<i32>} : memref<2x4x128xf32, #tpu.memory_space<vmem>>, vector<1x1x16xf32>,
      %swap3A_2145 = arith.constant 1 : i32
      %swap3A_2146 = arith.constant 0 : i32
      %swap3A_2147 = arith.index_cast %swap3A_2145 : i32 to index
      %swap3A_2148 = arith.index_cast %swap3A_2146 : i32 to index
      %swap3A_2149 = arith.constant 112 : index
      %swap3A_2150 = tpu.vector_load %arg10[%swap3A_2147, %swap3A_2148, %swap3A_2149] {strides = array<i32>} : memref<2x4x128xf32, #tpu.memory_space<vmem>>, vector<1x1x16xf32>,
      %swap3A_2151 = vector.shape_cast %swap3A_2150 : vector<1x1x16xf32> to vector<16xf32>
      %swap3A_2152 = vector.shape_cast %scan3A_2087#7 : vector<16xf32> to vector<1x1x16xf32>
      tpu.vector_store %arg10[%swap3A_2147, %swap3A_2148, %swap3A_2149], %swap3A_2152 {strides = array<i32>} : memref<2x4x128xf32, #tpu.memory_space<vmem>>, vector<1x1x16xf32>,
      %swap3A_2153 = arith.constant 1 : i32
      %swap3A_2154 = arith.constant 1 : i32
      %swap3A_2155 = arith.index_cast %swap3A_2153 : i32 to index
      %swap3A_2156 = arith.index_cast %swap3A_2154 : i32 to index
      %swap3A_2157 = arith.constant 0 : index
      %swap3A_2158 = tpu.vector_load %arg10[%swap3A_2155, %swap3A_2156, %swap3A_2157] {strides = array<i32>} : memref<2x4x128xf32, #tpu.memory_space<vmem>>, vector<1x1x16xf32>,
      %swap3A_2159 = vector.shape_cast %swap3A_2158 : vector<1x1x16xf32> to vector<16xf32>
      %swap3A_2160 = vector.shape_cast %scan3A_2087#8 : vector<16xf32> to vector<1x1x16xf32>
      tpu.vector_store %arg10[%swap3A_2155, %swap3A_2156, %swap3A_2157], %swap3A_2160 {strides = array<i32>} : memref<2x4x128xf32, #tpu.memory_space<vmem>>, vector<1x1x16xf32>,
      %swap3A_2161 = arith.constant 1 : i32
      %swap3A_2162 = arith.constant 1 : i32
      %swap3A_2163 = arith.index_cast %swap3A_2161 : i32 to index
      %swap3A_2164 = arith.index_cast %swap3A_2162 : i32 to index
      %swap3A_2165 = arith.constant 16 : index
      %swap3A_2166 = tpu.vector_load %arg10[%swap3A_2163, %swap3A_2164, %swap3A_2165] {strides = array<i32>} : memref<2x4x128xf32, #tpu.memory_space<vmem>>, vector<1x1x16xf32>,
      %swap3A_2167 = vector.shape_cast %swap3A_2166 : vector<1x1x16xf32> to vector<16xf32>
      %swap3A_2168 = vector.shape_cast %scan3A_2087#9 : vector<16xf32> to vector<1x1x16xf32>
      tpu.vector_store %arg10[%swap3A_2163, %swap3A_2164, %swap3A_2165], %swap3A_2168 {strides = array<i32>} : memref<2x4x128xf32, #tpu.memory_space<vmem>>, vector<1x1x16xf32>,
      %swap3A_2169 = arith.constant 1 : i32
      %swap3A_2170 = arith.constant 1 : i32
      %swap3A_2171 = arith.index_cast %swap3A_2169 : i32 to index
      %swap3A_2172 = arith.index_cast %swap3A_2170 : i32 to index
      %swap3A_2173 = arith.constant 32 : index
      %swap3A_2174 = tpu.vector_load %arg10[%swap3A_2171, %swap3A_2172, %swap3A_2173] {strides = array<i32>} : memref<2x4x128xf32, #tpu.memory_space<vmem>>, vector<1x1x16xf32>,
      %swap3A_2175 = vector.shape_cast %swap3A_2174 : vector<1x1x16xf32> to vector<16xf32>
      %swap3A_2176 = vector.shape_cast %scan3A_2087#10 : vector<16xf32> to vector<1x1x16xf32>
      tpu.vector_store %arg10[%swap3A_2171, %swap3A_2172, %swap3A_2173], %swap3A_2176 {strides = array<i32>} : memref<2x4x128xf32, #tpu.memory_space<vmem>>, vector<1x1x16xf32>,
      %swap3A_2177 = arith.constant 1 : i32
      %swap3A_2178 = arith.constant 1 : i32
      %swap3A_2179 = arith.index_cast %swap3A_2177 : i32 to index
      %swap3A_2180 = arith.index_cast %swap3A_2178 : i32 to index
      %swap3A_2181 = arith.constant 48 : index
      %swap3A_2182 = tpu.vector_load %arg10[%swap3A_2179, %swap3A_2180, %swap3A_2181] {strides = array<i32>} : memref<2x4x128xf32, #tpu.memory_space<vmem>>, vector<1x1x16xf32>,
      %swap3A_2183 = vector.shape_cast %swap3A_2182 : vector<1x1x16xf32> to vector<16xf32>
      %swap3A_2184 = vector.shape_cast %scan3A_2087#11 : vector<16xf32> to vector<1x1x16xf32>
      tpu.vector_store %arg10[%swap3A_2179, %swap3A_2180, %swap3A_2181], %swap3A_2184 {strides = array<i32>} : memref<2x4x128xf32, #tpu.memory_space<vmem>>, vector<1x1x16xf32>,
      %swap3A_2185 = arith.constant 1 : i32
      %swap3A_2186 = arith.constant 1 : i32
      %swap3A_2187 = arith.index_cast %swap3A_2185 : i32 to index
      %swap3A_2188 = arith.index_cast %swap3A_2186 : i32 to index
      %swap3A_2189 = arith.constant 64 : index
      %swap3A_2190 = tpu.vector_load %arg10[%swap3A_2187, %swap3A_2188, %swap3A_2189] {strides = array<i32>} : memref<2x4x128xf32, #tpu.memory_space<vmem>>, vector<1x1x16xf32>,
      %swap3A_2191 = vector.shape_cast %swap3A_2190 : vector<1x1x16xf32> to vector<16xf32>
      %swap3A_2192 = vector.shape_cast %scan3A_2087#12 : vector<16xf32> to vector<1x1x16xf32>
      tpu.vector_store %arg10[%swap3A_2187, %swap3A_2188, %swap3A_2189], %swap3A_2192 {strides = array<i32>} : memref<2x4x128xf32, #tpu.memory_space<vmem>>, vector<1x1x16xf32>,
      %swap3A_2193 = arith.constant 1 : i32
      %swap3A_2194 = arith.constant 1 : i32
      %swap3A_2195 = arith.index_cast %swap3A_2193 : i32 to index
      %swap3A_2196 = arith.index_cast %swap3A_2194 : i32 to index
      %swap3A_2197 = arith.constant 80 : index
      %swap3A_2198 = tpu.vector_load %arg10[%swap3A_2195, %swap3A_2196, %swap3A_2197] {strides = array<i32>} : memref<2x4x128xf32, #tpu.memory_space<vmem>>, vector<1x1x16xf32>,
      %swap3A_2199 = vector.shape_cast %swap3A_2198 : vector<1x1x16xf32> to vector<16xf32>
      %swap3A_2200 = vector.shape_cast %scan3A_2087#13 : vector<16xf32> to vector<1x1x16xf32>
      tpu.vector_store %arg10[%swap3A_2195, %swap3A_2196, %swap3A_2197], %swap3A_2200 {strides = array<i32>} : memref<2x4x128xf32, #tpu.memory_space<vmem>>, vector<1x1x16xf32>,
      %swap3A_2201 = arith.constant 1 : i32
      %swap3A_2202 = arith.constant 1 : i32
      %swap3A_2203 = arith.index_cast %swap3A_2201 : i32 to index
      %swap3A_2204 = arith.index_cast %swap3A_2202 : i32 to index
      %swap3A_2205 = arith.constant 96 : index
      %swap3A_2206 = tpu.vector_load %arg10[%swap3A_2203, %swap3A_2204, %swap3A_2205] {strides = array<i32>} : memref<2x4x128xf32, #tpu.memory_space<vmem>>, vector<1x1x16xf32>,
      %swap3A_2207 = vector.shape_cast %swap3A_2206 : vector<1x1x16xf32> to vector<16xf32>
      %swap3A_2208 = vector.shape_cast %scan3A_2087#14 : vector<16xf32> to vector<1x1x16xf32>
      tpu.vector_store %arg10[%swap3A_2203, %swap3A_2204, %swap3A_2205], %swap3A_2208 {strides = array<i32>} : memref<2x4x128xf32, #tpu.memory_space<vmem>>, vector<1x1x16xf32>,
      %swap3A_2209 = arith.constant 1 : i32
      %swap3A_2210 = arith.constant 1 : i32
      %swap3A_2211 = arith.index_cast %swap3A_2209 : i32 to index
      %swap3A_2212 = arith.index_cast %swap3A_2210 : i32 to index
      %swap3A_2213 = arith.constant 112 : index
      %swap3A_2214 = tpu.vector_load %arg10[%swap3A_2211, %swap3A_2212, %swap3A_2213] {strides = array<i32>} : memref<2x4x128xf32, #tpu.memory_space<vmem>>, vector<1x1x16xf32>,
      %swap3A_2215 = vector.shape_cast %swap3A_2214 : vector<1x1x16xf32> to vector<16xf32>
      %swap3A_2216 = vector.shape_cast %scan3A_2087#15 : vector<16xf32> to vector<1x1x16xf32>
      tpu.vector_store %arg10[%swap3A_2211, %swap3A_2212, %swap3A_2213], %swap3A_2216 {strides = array<i32>} : memref<2x4x128xf32, #tpu.memory_space<vmem>>, vector<1x1x16xf32>,
      %swap3A_2217 = arith.constant 1 : i32
      %swap3A_2218 = arith.constant 2 : i32
      %swap3A_2219 = arith.index_cast %swap3A_2217 : i32 to index
      %swap3A_2220 = arith.index_cast %swap3A_2218 : i32 to index
      %swap3A_2221 = arith.constant 0 : index
      %swap3A_2222 = tpu.vector_load %arg10[%swap3A_2219, %swap3A_2220, %swap3A_2221] {strides = array<i32>} : memref<2x4x128xf32, #tpu.memory_space<vmem>>, vector<1x1x16xf32>,
      %swap3A_2223 = vector.shape_cast %swap3A_2222 : vector<1x1x16xf32> to vector<16xf32>
      %swap3A_2224 = vector.shape_cast %scan3A_2087#16 : vector<16xf32> to vector<1x1x16xf32>
      tpu.vector_store %arg10[%swap3A_2219, %swap3A_2220, %swap3A_2221], %swap3A_2224 {strides = array<i32>} : memref<2x4x128xf32, #tpu.memory_space<vmem>>, vector<1x1x16xf32>,
      %swap3A_2225 = arith.constant 1 : i32
      %swap3A_2226 = arith.constant 2 : i32
      %swap3A_2227 = arith.index_cast %swap3A_2225 : i32 to index
      %swap3A_2228 = arith.index_cast %swap3A_2226 : i32 to index
      %swap3A_2229 = arith.constant 16 : index
      %swap3A_2230 = tpu.vector_load %arg10[%swap3A_2227, %swap3A_2228, %swap3A_2229] {strides = array<i32>} : memref<2x4x128xf32, #tpu.memory_space<vmem>>, vector<1x1x16xf32>,
      %swap3A_2231 = vector.shape_cast %swap3A_2230 : vector<1x1x16xf32> to vector<16xf32>
      %swap3A_2232 = vector.shape_cast %scan3A_2087#17 : vector<16xf32> to vector<1x1x16xf32>
      tpu.vector_store %arg10[%swap3A_2227, %swap3A_2228, %swap3A_2229], %swap3A_2232 {strides = array<i32>} : memref<2x4x128xf32, #tpu.memory_space<vmem>>, vector<1x1x16xf32>,
      %swap3A_2233 = arith.constant 1 : i32
      %swap3A_2234 = arith.constant 2 : i32
      %swap3A_2235 = arith.index_cast %swap3A_2233 : i32 to index
      %swap3A_2236 = arith.index_cast %swap3A_2234 : i32 to index
      %swap3A_2237 = arith.constant 32 : index
      %swap3A_2238 = tpu.vector_load %arg10[%swap3A_2235, %swap3A_2236, %swap3A_2237] {strides = array<i32>} : memref<2x4x128xf32, #tpu.memory_space<vmem>>, vector<1x1x16xf32>,
      %swap3A_2239 = vector.shape_cast %swap3A_2238 : vector<1x1x16xf32> to vector<16xf32>
      %swap3A_2240 = vector.shape_cast %scan3A_2087#18 : vector<16xf32> to vector<1x1x16xf32>
      tpu.vector_store %arg10[%swap3A_2235, %swap3A_2236, %swap3A_2237], %swap3A_2240 {strides = array<i32>} : memref<2x4x128xf32, #tpu.memory_space<vmem>>, vector<1x1x16xf32>,
      %swap3A_2241 = arith.constant 1 : i32
      %swap3A_2242 = arith.constant 2 : i32
      %swap3A_2243 = arith.index_cast %swap3A_2241 : i32 to index
      %swap3A_2244 = arith.index_cast %swap3A_2242 : i32 to index
      %swap3A_2245 = arith.constant 48 : index
      %swap3A_2246 = tpu.vector_load %arg10[%swap3A_2243, %swap3A_2244, %swap3A_2245] {strides = array<i32>} : memref<2x4x128xf32, #tpu.memory_space<vmem>>, vector<1x1x16xf32>,
      %swap3A_2247 = vector.shape_cast %swap3A_2246 : vector<1x1x16xf32> to vector<16xf32>
      %swap3A_2248 = vector.shape_cast %scan3A_2087#19 : vector<16xf32> to vector<1x1x16xf32>
      tpu.vector_store %arg10[%swap3A_2243, %swap3A_2244, %swap3A_2245], %swap3A_2248 {strides = array<i32>} : memref<2x4x128xf32, #tpu.memory_space<vmem>>, vector<1x1x16xf32>,
      %swap3A_2249 = arith.constant 1 : i32
      %swap3A_2250 = arith.constant 2 : i32
      %swap3A_2251 = arith.index_cast %swap3A_2249 : i32 to index
      %swap3A_2252 = arith.index_cast %swap3A_2250 : i32 to index
      %swap3A_2253 = arith.constant 64 : index
      %swap3A_2254 = tpu.vector_load %arg10[%swap3A_2251, %swap3A_2252, %swap3A_2253] {strides = array<i32>} : memref<2x4x128xf32, #tpu.memory_space<vmem>>, vector<1x1x16xf32>,
      %swap3A_2255 = vector.shape_cast %swap3A_2254 : vector<1x1x16xf32> to vector<16xf32>
      %swap3A_2256 = vector.shape_cast %scan3A_2087#20 : vector<16xf32> to vector<1x1x16xf32>
      tpu.vector_store %arg10[%swap3A_2251, %swap3A_2252, %swap3A_2253], %swap3A_2256 {strides = array<i32>} : memref<2x4x128xf32, #tpu.memory_space<vmem>>, vector<1x1x16xf32>,
      %swap3A_2257 = arith.constant 1 : i32
      %swap3A_2258 = arith.constant 2 : i32
      %swap3A_2259 = arith.index_cast %swap3A_2257 : i32 to index
      %swap3A_2260 = arith.index_cast %swap3A_2258 : i32 to index
      %swap3A_2261 = arith.constant 80 : index
      %swap3A_2262 = tpu.vector_load %arg10[%swap3A_2259, %swap3A_2260, %swap3A_2261] {strides = array<i32>} : memref<2x4x128xf32, #tpu.memory_space<vmem>>, vector<1x1x16xf32>,
      %swap3A_2263 = vector.shape_cast %swap3A_2262 : vector<1x1x16xf32> to vector<16xf32>
      %swap3A_2264 = vector.shape_cast %scan3A_2087#21 : vector<16xf32> to vector<1x1x16xf32>
      tpu.vector_store %arg10[%swap3A_2259, %swap3A_2260, %swap3A_2261], %swap3A_2264 {strides = array<i32>} : memref<2x4x128xf32, #tpu.memory_space<vmem>>, vector<1x1x16xf32>,
      %swap3A_2265 = arith.constant 1 : i32
      %swap3A_2266 = arith.constant 2 : i32
      %swap3A_2267 = arith.index_cast %swap3A_2265 : i32 to index
      %swap3A_2268 = arith.index_cast %swap3A_2266 : i32 to index
      %swap3A_2269 = arith.constant 96 : index
      %swap3A_2270 = tpu.vector_load %arg10[%swap3A_2267, %swap3A_2268, %swap3A_2269] {strides = array<i32>} : memref<2x4x128xf32, #tpu.memory_space<vmem>>, vector<1x1x16xf32>,
      %swap3A_2271 = vector.shape_cast %swap3A_2270 : vector<1x1x16xf32> to vector<16xf32>
      %swap3A_2272 = vector.shape_cast %scan3A_2087#22 : vector<16xf32> to vector<1x1x16xf32>
      tpu.vector_store %arg10[%swap3A_2267, %swap3A_2268, %swap3A_2269], %swap3A_2272 {strides = array<i32>} : memref<2x4x128xf32, #tpu.memory_space<vmem>>, vector<1x1x16xf32>,
      %swap3A_2273 = arith.constant 1 : i32
      %swap3A_2274 = arith.constant 2 : i32
      %swap3A_2275 = arith.index_cast %swap3A_2273 : i32 to index
      %swap3A_2276 = arith.index_cast %swap3A_2274 : i32 to index
      %swap3A_2277 = arith.constant 112 : index
      %swap3A_2278 = tpu.vector_load %arg10[%swap3A_2275, %swap3A_2276, %swap3A_2277] {strides = array<i32>} : memref<2x4x128xf32, #tpu.memory_space<vmem>>, vector<1x1x16xf32>,
      %swap3A_2279 = vector.shape_cast %swap3A_2278 : vector<1x1x16xf32> to vector<16xf32>
      %swap3A_2280 = vector.shape_cast %scan3A_2087#23 : vector<16xf32> to vector<1x1x16xf32>
      tpu.vector_store %arg10[%swap3A_2275, %swap3A_2276, %swap3A_2277], %swap3A_2280 {strides = array<i32>} : memref<2x4x128xf32, #tpu.memory_space<vmem>>, vector<1x1x16xf32>,
      %swap3A_2281 = arith.constant 1 : i32
      %swap3A_2282 = arith.constant 3 : i32
      %swap3A_2283 = arith.index_cast %swap3A_2281 : i32 to index
      %swap3A_2284 = arith.index_cast %swap3A_2282 : i32 to index
      %swap3A_2285 = arith.constant 0 : index
      %swap3A_2286 = tpu.vector_load %arg10[%swap3A_2283, %swap3A_2284, %swap3A_2285] {strides = array<i32>} : memref<2x4x128xf32, #tpu.memory_space<vmem>>, vector<1x1x16xf32>,
      %swap3A_2287 = vector.shape_cast %swap3A_2286 : vector<1x1x16xf32> to vector<16xf32>
      %swap3A_2288 = vector.shape_cast %scan3A_2087#24 : vector<16xf32> to vector<1x1x16xf32>
      tpu.vector_store %arg10[%swap3A_2283, %swap3A_2284, %swap3A_2285], %swap3A_2288 {strides = array<i32>} : memref<2x4x128xf32, #tpu.memory_space<vmem>>, vector<1x1x16xf32>,
      %swap3A_2289 = arith.constant 1 : i32
      %swap3A_2290 = arith.constant 3 : i32
      %swap3A_2291 = arith.index_cast %swap3A_2289 : i32 to index
      %swap3A_2292 = arith.index_cast %swap3A_2290 : i32 to index
      %swap3A_2293 = arith.constant 16 : index
      %swap3A_2294 = tpu.vector_load %arg10[%swap3A_2291, %swap3A_2292, %swap3A_2293] {strides = array<i32>} : memref<2x4x128xf32, #tpu.memory_space<vmem>>, vector<1x1x16xf32>,
      %swap3A_2295 = vector.shape_cast %swap3A_2294 : vector<1x1x16xf32> to vector<16xf32>
      %swap3A_2296 = vector.shape_cast %scan3A_2087#25 : vector<16xf32> to vector<1x1x16xf32>
      tpu.vector_store %arg10[%swap3A_2291, %swap3A_2292, %swap3A_2293], %swap3A_2296 {strides = array<i32>} : memref<2x4x128xf32, #tpu.memory_space<vmem>>, vector<1x1x16xf32>,
      %swap3A_2297 = arith.constant 1 : i32
      %swap3A_2298 = arith.constant 3 : i32
      %swap3A_2299 = arith.index_cast %swap3A_2297 : i32 to index
      %swap3A_2300 = arith.index_cast %swap3A_2298 : i32 to index
      %swap3A_2301 = arith.constant 32 : index
      %swap3A_2302 = tpu.vector_load %arg10[%swap3A_2299, %swap3A_2300, %swap3A_2301] {strides = array<i32>} : memref<2x4x128xf32, #tpu.memory_space<vmem>>, vector<1x1x16xf32>,
      %swap3A_2303 = vector.shape_cast %swap3A_2302 : vector<1x1x16xf32> to vector<16xf32>
      %swap3A_2304 = vector.shape_cast %scan3A_2087#26 : vector<16xf32> to vector<1x1x16xf32>
      tpu.vector_store %arg10[%swap3A_2299, %swap3A_2300, %swap3A_2301], %swap3A_2304 {strides = array<i32>} : memref<2x4x128xf32, #tpu.memory_space<vmem>>, vector<1x1x16xf32>,
      %swap3A_2305 = arith.constant 1 : i32
      %swap3A_2306 = arith.constant 3 : i32
      %swap3A_2307 = arith.index_cast %swap3A_2305 : i32 to index
      %swap3A_2308 = arith.index_cast %swap3A_2306 : i32 to index
      %swap3A_2309 = arith.constant 48 : index
      %swap3A_2310 = tpu.vector_load %arg10[%swap3A_2307, %swap3A_2308, %swap3A_2309] {strides = array<i32>} : memref<2x4x128xf32, #tpu.memory_space<vmem>>, vector<1x1x16xf32>,
      %swap3A_2311 = vector.shape_cast %swap3A_2310 : vector<1x1x16xf32> to vector<16xf32>
      %swap3A_2312 = vector.shape_cast %scan3A_2087#27 : vector<16xf32> to vector<1x1x16xf32>
      tpu.vector_store %arg10[%swap3A_2307, %swap3A_2308, %swap3A_2309], %swap3A_2312 {strides = array<i32>} : memref<2x4x128xf32, #tpu.memory_space<vmem>>, vector<1x1x16xf32>,
      %swap3A_2313 = arith.constant 1 : i32
      %swap3A_2314 = arith.constant 3 : i32
      %swap3A_2315 = arith.index_cast %swap3A_2313 : i32 to index
      %swap3A_2316 = arith.index_cast %swap3A_2314 : i32 to index
      %swap3A_2317 = arith.constant 64 : index
      %swap3A_2318 = tpu.vector_load %arg10[%swap3A_2315, %swap3A_2316, %swap3A_2317] {strides = array<i32>} : memref<2x4x128xf32, #tpu.memory_space<vmem>>, vector<1x1x16xf32>,
      %swap3A_2319 = vector.shape_cast %swap3A_2318 : vector<1x1x16xf32> to vector<16xf32>
      %swap3A_2320 = vector.shape_cast %scan3A_2087#28 : vector<16xf32> to vector<1x1x16xf32>
      tpu.vector_store %arg10[%swap3A_2315, %swap3A_2316, %swap3A_2317], %swap3A_2320 {strides = array<i32>} : memref<2x4x128xf32, #tpu.memory_space<vmem>>, vector<1x1x16xf32>,
      %swap3A_2321 = arith.constant 1 : i32
      %swap3A_2322 = arith.constant 3 : i32
      %swap3A_2323 = arith.index_cast %swap3A_2321 : i32 to index
      %swap3A_2324 = arith.index_cast %swap3A_2322 : i32 to index
      %swap3A_2325 = arith.constant 80 : index
      %swap3A_2326 = tpu.vector_load %arg10[%swap3A_2323, %swap3A_2324, %swap3A_2325] {strides = array<i32>} : memref<2x4x128xf32, #tpu.memory_space<vmem>>, vector<1x1x16xf32>,
      %swap3A_2327 = vector.shape_cast %swap3A_2326 : vector<1x1x16xf32> to vector<16xf32>
      %swap3A_2328 = vector.shape_cast %scan3A_2087#29 : vector<16xf32> to vector<1x1x16xf32>
      tpu.vector_store %arg10[%swap3A_2323, %swap3A_2324, %swap3A_2325], %swap3A_2328 {strides = array<i32>} : memref<2x4x128xf32, #tpu.memory_space<vmem>>, vector<1x1x16xf32>,
      %swap3A_2329 = arith.constant 1 : i32
      %swap3A_2330 = arith.constant 3 : i32
      %swap3A_2331 = arith.index_cast %swap3A_2329 : i32 to index
      %swap3A_2332 = arith.index_cast %swap3A_2330 : i32 to index
      %swap3A_2333 = arith.constant 96 : index
      %swap3A_2334 = tpu.vector_load %arg10[%swap3A_2331, %swap3A_2332, %swap3A_2333] {strides = array<i32>} : memref<2x4x128xf32, #tpu.memory_space<vmem>>, vector<1x1x16xf32>,
      %swap3A_2335 = vector.shape_cast %swap3A_2334 : vector<1x1x16xf32> to vector<16xf32>
      %swap3A_2336 = vector.shape_cast %scan3A_2087#30 : vector<16xf32> to vector<1x1x16xf32>
      tpu.vector_store %arg10[%swap3A_2331, %swap3A_2332, %swap3A_2333], %swap3A_2336 {strides = array<i32>} : memref<2x4x128xf32, #tpu.memory_space<vmem>>, vector<1x1x16xf32>,
      %swap3A_2337 = arith.constant 1 : i32
      %swap3A_2338 = arith.constant 3 : i32
      %swap3A_2339 = arith.index_cast %swap3A_2337 : i32 to index
      %swap3A_2340 = arith.index_cast %swap3A_2338 : i32 to index
      %swap3A_2341 = arith.constant 112 : index
      %swap3A_2342 = tpu.vector_load %arg10[%swap3A_2339, %swap3A_2340, %swap3A_2341] {strides = array<i32>} : memref<2x4x128xf32, #tpu.memory_space<vmem>>, vector<1x1x16xf32>,
      %swap3A_2343 = vector.shape_cast %swap3A_2342 : vector<1x1x16xf32> to vector<16xf32>
      %swap3A_2344 = vector.shape_cast %scan3A_2087#31 : vector<16xf32> to vector<1x1x16xf32>
      tpu.vector_store %arg10[%swap3A_2339, %swap3A_2340, %swap3A_2341], %swap3A_2344 {strides = array<i32>} : memref<2x4x128xf32, #tpu.memory_space<vmem>>, vector<1x1x16xf32>,
      %mul3A_2345 = arith.constant 4 : i32
      %mul3A_2346 = arith.muli %add3A_1962, %mul3A_2345 : i32
      %add3A_2347 = arith.addi %mul3A_6, %mul3A_2346 : i32
      %min3A_2348 = arith.constant 9996 : i32
      %min3A_2349 = arith.minsi %add3A_2347, %min3A_2348 : i32
      %dma_start3A_2350 = arith.constant 1 : i32
      %dma_start3A_2351 = arith.constant 0 : i32
      %dma_start3A_2352 = arith.constant 0 : i32
      %dma_start3A_2353 = tpu.memref_slice %arg10[%dma_start3A_2350, %dma_start3A_2351, %dma_start3A_2352] : memref<2x4x128xf32, #tpu.memory_space<vmem>> -> memref<1x4x128xf32, #tpu.memory_space<vmem>>
      %dma_start3A_2354 = tpu.memref_squeeze %dma_start3A_2353 : memref<1x4x128xf32, #tpu.memory_space<vmem>> -> memref<4x128xf32, #tpu.memory_space<vmem>>
      %dma_start3A_2355 = arith.constant 0 : i32
      %dma_start3A_2356 = tpu.memref_slice %arg5[%min3A_2349, %dma_start3A_2355] : memref<10000x128xf32, #tpu.memory_space<hbm>> -> memref<4x128xf32, #tpu.memory_space<hbm>>
      %dma_start3A_2357 = arith.constant 0 : i32
      %dma_start3A_2358 = tpu.memref_slice %arg5[%min3A_2349, %dma_start3A_2357] : memref<10000x128xf32, #tpu.memory_space<hbm>> -> memref<4x128xf32, #tpu.memory_space<hbm>>
      %dma_start3A_2359 = arith.constant 0 : i32
      %dma_start3A_2360 = arith.constant 0 : i32
      %dma_start3A_2361 = tpu.memref_slice %arg10[%dma_start3A_2350, %dma_start3A_2359, %dma_start3A_2360] : memref<2x4x128xf32, #tpu.memory_space<vmem>> -> memref<1x4x128xf32, #tpu.memory_space<vmem>>
      %dma_start3A_2362 = tpu.memref_squeeze %dma_start3A_2361 : memref<1x4x128xf32, #tpu.memory_space<vmem>> -> memref<4x128xf32, #tpu.memory_space<vmem>>
      tpu.enqueue_dma source(%dma_start3A_2362 : memref<4x128xf32, #tpu.memory_space<vmem>>) target(%dma_start3A_2358 : memref<4x128xf32, #tpu.memory_space<hbm>>) target_semaphore(%arg18 : memref<!tpu.dma_semaphore, #tpu.memory_space<semaphore_mem>>)
    }
    %scan3A_824 = arith.constant 38 : i32
    %dma_wait3A_825 = arith.constant 0 : i32
    %dma_wait3A_826 = arith.constant 0 : i32
    %dma_wait3A_827 = arith.constant 0 : i32
    %dma_wait3A_828 = arith.constant 0 : i32
    %dma_wait3A_829 = tpu.memref_slice %arg8[%dma_wait3A_826, %dma_wait3A_827, %dma_wait3A_828] : memref<2x128x64xi32, #tpu.memory_space<vmem>> -> memref<1x128x64xi32, #tpu.memory_space<vmem>>
    %dma_wait3A_830 = tpu.memref_squeeze %dma_wait3A_829 : memref<1x128x64xi32, #tpu.memory_space<vmem>> -> memref<128x64xi32, #tpu.memory_space<vmem>>
    %dma_wait3A_831 = arith.constant 0 : i32
    %dma_wait3A_832 = tpu.memref_slice %arg7[%dma_wait3A_825, %dma_wait3A_831] : memref<2x128xi32, #tpu.memory_space<vmem>> -> memref<1x128xi32, #tpu.memory_space<vmem>>
    %dma_wait3A_833 = tpu.memref_squeeze %dma_wait3A_832 : memref<1x128xi32, #tpu.memory_space<vmem>> -> memref<128xi32, #tpu.memory_space<vmem>>
    %dma_wait3A_834 = arith.constant 0 : i32
    %dma_wait3A_835 = arith.constant 0 : i32
    %dma_wait3A_836 = tpu.memref_slice %arg6[%dma_wait3A_834, %dma_wait3A_835] : memref<10240x64xi32, #tpu.memory_space<vmem_shared>> -> memref<10240x64xi32, #tpu.memory_space<vmem_shared>>
    tpu.wait_indirect_dma semaphore(%arg13 : memref<!tpu.dma_semaphore, #tpu.memory_space<semaphore_mem>>) src(%dma_wait3A_836 : memref<10240x64xi32, #tpu.memory_space<vmem_shared>>) dst(%dma_wait3A_830 : memref<128x64xi32, #tpu.memory_space<vmem>>)
    %add3A_837 = arith.constant 312 : i32
    %add3A_838 = arith.addi %mul3A_6, %add3A_837 : i32
    %min3A_839 = arith.constant 9996 : i32
    %min3A_840 = arith.minsi %add3A_838, %min3A_839 : i32
    %dma_wait3A_841 = arith.constant 0 : i32
    %dma_wait3A_842 = arith.constant 0 : i32
    %dma_wait3A_843 = arith.constant 0 : i32
    %dma_wait3A_844 = tpu.memref_slice %arg9[%dma_wait3A_841, %dma_wait3A_842, %dma_wait3A_843] : memref<2x4x512xf32, #tpu.memory_space<vmem>> -> memref<1x4x512xf32, #tpu.memory_space<vmem>>
    %dma_wait3A_845 = tpu.memref_squeeze %dma_wait3A_844 : memref<1x4x512xf32, #tpu.memory_space<vmem>> -> memref<4x512xf32, #tpu.memory_space<vmem>>
    %dma_wait3A_846 = arith.constant 0 : i32
    %dma_wait3A_847 = tpu.memref_slice %arg3[%min3A_840, %dma_wait3A_846] : memref<10000x512xf32, #tpu.memory_space<hbm>> -> memref<4x512xf32, #tpu.memory_space<hbm>>
    %dma_wait3A_848 = arith.constant 0 : i32
    %dma_wait3A_849 = arith.constant 0 : i32
    %dma_wait3A_850 = tpu.memref_slice %arg9[%dma_wait3A_841, %dma_wait3A_848, %dma_wait3A_849] : memref<2x4x512xf32, #tpu.memory_space<vmem>> -> memref<1x4x512xf32, #tpu.memory_space<vmem>>
    %dma_wait3A_851 = tpu.memref_squeeze %dma_wait3A_850 : memref<1x4x512xf32, #tpu.memory_space<vmem>> -> memref<4x512xf32, #tpu.memory_space<vmem>>
    %dma_wait3A_852 = arith.constant 0 : i32
    %dma_wait3A_853 = tpu.memref_slice %arg3[%min3A_840, %dma_wait3A_852] : memref<10000x512xf32, #tpu.memory_space<hbm>> -> memref<4x512xf32, #tpu.memory_space<hbm>>
    tpu.wait_dma2 semaphore(%arg15 : memref<!tpu.dma_semaphore, #tpu.memory_space<semaphore_mem>>) src(%dma_wait3A_853 : memref<4x512xf32, #tpu.memory_space<hbm>>) dst(%dma_wait3A_851 : memref<4x512xf32, #tpu.memory_space<vmem>>)
    %add3A_854 = arith.constant 316 : i32
    %add3A_855 = arith.addi %mul3A_6, %add3A_854 : i32
    %min3A_856 = arith.constant 9996 : i32
    %min3A_857 = arith.minsi %add3A_855, %min3A_856 : i32
    %mul3A_858 = arith.constant 32 : i32
    %mul3A_859 = arith.muli %min3A_857, %mul3A_858 : i32
    %multiple_of3A_860 = tpu.assume_multiple %mul3A_859, 128 : i32
    %dma_wait3A_861 = arith.constant 1 : i32
    %dma_wait3A_862 = arith.constant 0 : i32
    %dma_wait3A_863 = tpu.memref_slice %arg7[%dma_wait3A_861, %dma_wait3A_862] : memref<2x128xi32, #tpu.memory_space<vmem>> -> memref<1x128xi32, #tpu.memory_space<vmem>>
    %dma_wait3A_864 = tpu.memref_squeeze %dma_wait3A_863 : memref<1x128xi32, #tpu.memory_space<vmem>> -> memref<128xi32, #tpu.memory_space<vmem>>
    %dma_wait3A_865 = tpu.memref_slice %arg4[%multiple_of3A_860] : memref<320000xi32, #tpu.memory_space<hbm>> -> memref<128xi32, #tpu.memory_space<hbm>>
    %dma_wait3A_866 = arith.constant 0 : i32
    %dma_wait3A_867 = tpu.memref_slice %arg7[%dma_wait3A_861, %dma_wait3A_866] : memref<2x128xi32, #tpu.memory_space<vmem>> -> memref<1x128xi32, #tpu.memory_space<vmem>>
    %dma_wait3A_868 = tpu.memref_squeeze %dma_wait3A_867 : memref<1x128xi32, #tpu.memory_space<vmem>> -> memref<128xi32, #tpu.memory_space<vmem>>
    %dma_wait3A_869 = tpu.memref_slice %arg4[%multiple_of3A_860] : memref<320000xi32, #tpu.memory_space<hbm>> -> memref<128xi32, #tpu.memory_space<hbm>>
    tpu.wait_dma2 semaphore(%arg12 : memref<!tpu.dma_semaphore, #tpu.memory_space<semaphore_mem>>) src(%dma_wait3A_869 : memref<128xi32, #tpu.memory_space<hbm>>) dst(%dma_wait3A_868 : memref<128xi32, #tpu.memory_space<vmem>>)
    %dma_start3A_870 = arith.constant 1 : i32
    %dma_start3A_871 = arith.constant 1 : i32
    %dma_start3A_872 = arith.constant 0 : i32
    %dma_start3A_873 = arith.constant 0 : i32
    %dma_start3A_874 = tpu.memref_slice %arg8[%dma_start3A_871, %dma_start3A_872, %dma_start3A_873] : memref<2x128x64xi32, #tpu.memory_space<vmem>> -> memref<1x128x64xi32, #tpu.memory_space<vmem>>
    %dma_start3A_875 = tpu.memref_squeeze %dma_start3A_874 : memref<1x128x64xi32, #tpu.memory_space<vmem>> -> memref<128x64xi32, #tpu.memory_space<vmem>>
    %dma_start3A_876 = arith.constant 0 : i32
    %dma_start3A_877 = tpu.memref_slice %arg7[%dma_start3A_870, %dma_start3A_876] : memref<2x128xi32, #tpu.memory_space<vmem>> -> memref<1x128xi32, #tpu.memory_space<vmem>>
    %dma_start3A_878 = tpu.memref_squeeze %dma_start3A_877 : memref<1x128xi32, #tpu.memory_space<vmem>> -> memref<128xi32, #tpu.memory_space<vmem>>
    %dma_start3A_879 = arith.constant 0 : i32
    %dma_start3A_880 = arith.constant 0 : i32
    %dma_start3A_881 = tpu.memref_slice %arg6[%dma_start3A_879, %dma_start3A_880] : memref<10240x64xi32, #tpu.memory_space<vmem_shared>> -> memref<10240x64xi32, #tpu.memory_space<vmem_shared>>
    tpu.enqueue_indirect_dma source(%dma_start3A_881 : memref<10240x64xi32, #tpu.memory_space<vmem_shared>>) target(%dma_start3A_875 : memref<128x64xi32, #tpu.memory_space<vmem>>) offsets(%dma_start3A_878 : memref<128xi32, #tpu.memory_space<vmem>>) semaphore(%arg14 : memref<!tpu.dma_semaphore, #tpu.memory_space<semaphore_mem>>)
    %add3A_882 = arith.constant 316 : i32
    %add3A_883 = arith.addi %mul3A_6, %add3A_882 : i32
    %min3A_884 = arith.constant 9996 : i32
    %min3A_885 = arith.minsi %add3A_883, %min3A_884 : i32
    %dma_start3A_886 = arith.constant 1 : i32
    %dma_start3A_887 = arith.constant 0 : i32
    %dma_start3A_888 = arith.constant 0 : i32
    %dma_start3A_889 = tpu.memref_slice %arg9[%dma_start3A_886, %dma_start3A_887, %dma_start3A_888] : memref<2x4x512xf32, #tpu.memory_space<vmem>> -> memref<1x4x512xf32, #tpu.memory_space<vmem>>
    %dma_start3A_890 = tpu.memref_squeeze %dma_start3A_889 : memref<1x4x512xf32, #tpu.memory_space<vmem>> -> memref<4x512xf32, #tpu.memory_space<vmem>>
    %dma_start3A_891 = arith.constant 0 : i32
    %dma_start3A_892 = tpu.memref_slice %arg3[%min3A_885, %dma_start3A_891] : memref<10000x512xf32, #tpu.memory_space<hbm>> -> memref<4x512xf32, #tpu.memory_space<hbm>>
    %dma_start3A_893 = arith.constant 0 : i32
    %dma_start3A_894 = arith.constant 0 : i32
    %dma_start3A_895 = tpu.memref_slice %arg9[%dma_start3A_886, %dma_start3A_893, %dma_start3A_894] : memref<2x4x512xf32, #tpu.memory_space<vmem>> -> memref<1x4x512xf32, #tpu.memory_space<vmem>>
    %dma_start3A_896 = tpu.memref_squeeze %dma_start3A_895 : memref<1x4x512xf32, #tpu.memory_space<vmem>> -> memref<4x512xf32, #tpu.memory_space<vmem>>
    %dma_start3A_897 = arith.constant 0 : i32
    %dma_start3A_898 = tpu.memref_slice %arg3[%min3A_885, %dma_start3A_897] : memref<10000x512xf32, #tpu.memory_space<hbm>> -> memref<4x512xf32, #tpu.memory_space<hbm>>
    tpu.enqueue_dma source(%dma_start3A_898 : memref<4x512xf32, #tpu.memory_space<hbm>>) target(%dma_start3A_896 : memref<4x512xf32, #tpu.memory_space<vmem>>) target_semaphore(%arg16 : memref<!tpu.dma_semaphore, #tpu.memory_space<semaphore_mem>>)
    %add3A_899 = arith.constant 312 : i32
    %add3A_900 = arith.addi %mul3A_6, %add3A_899 : i32
    %min3A_901 = arith.constant 9996 : i32
    %min3A_902 = arith.minsi %add3A_900, %min3A_901 : i32
    %dma_wait3A_903 = arith.constant 0 : i32
    %dma_wait3A_904 = arith.constant 0 : i32
    %dma_wait3A_905 = arith.constant 0 : i32
    %dma_wait3A_906 = tpu.memref_slice %arg10[%dma_wait3A_903, %dma_wait3A_904, %dma_wait3A_905] : memref<2x4x128xf32, #tpu.memory_space<vmem>> -> memref<1x4x128xf32, #tpu.memory_space<vmem>>
    %dma_wait3A_907 = tpu.memref_squeeze %dma_wait3A_906 : memref<1x4x128xf32, #tpu.memory_space<vmem>> -> memref<4x128xf32, #tpu.memory_space<vmem>>
    %dma_wait3A_908 = arith.constant 0 : i32
    %dma_wait3A_909 = tpu.memref_slice %arg5[%min3A_902, %dma_wait3A_908] : memref<10000x128xf32, #tpu.memory_space<hbm>> -> memref<4x128xf32, #tpu.memory_space<hbm>>
    %dma_wait3A_910 = arith.constant 0 : i32
    %dma_wait3A_911 = tpu.memref_slice %arg5[%min3A_902, %dma_wait3A_910] : memref<10000x128xf32, #tpu.memory_space<hbm>> -> memref<4x128xf32, #tpu.memory_space<hbm>>
    %dma_wait3A_912 = arith.constant 0 : i32
    %dma_wait3A_913 = arith.constant 0 : i32
    %dma_wait3A_914 = tpu.memref_slice %arg10[%dma_wait3A_903, %dma_wait3A_912, %dma_wait3A_913] : memref<2x4x128xf32, #tpu.memory_space<vmem>> -> memref<1x4x128xf32, #tpu.memory_space<vmem>>
    %dma_wait3A_915 = tpu.memref_squeeze %dma_wait3A_914 : memref<1x4x128xf32, #tpu.memory_space<vmem>> -> memref<4x128xf32, #tpu.memory_space<vmem>>
    tpu.wait_dma2 semaphore(%arg17 : memref<!tpu.dma_semaphore, #tpu.memory_space<semaphore_mem>>) src(%dma_wait3A_915 : memref<4x128xf32, #tpu.memory_space<vmem>>) dst(%dma_wait3A_911 : memref<4x128xf32, #tpu.memory_space<hbm>>)
    %broadcast_in_dim3A_916 = arith.constant 0.000000e+00 : f32
    %broadcast_in_dim3A_917 = vector.broadcast %broadcast_in_dim3A_916 : f32 to vector<16xf32>
    %scan3A_918 = arith.constant 0 : i32
    %scan3A_919 = arith.constant 32 : i32
    %scan3A_920 = arith.addi %scan3A_918, %scan3A_919 : i32
    %scan3A_921 = arith.constant 1 : i32
    %scan3A_922:32 = scf.for %scan3A_1558 = %scan3A_918 to %scan3A_920 step %scan3A_921 iter_args(%scan3A_1559 = %broadcast_in_dim3A_917, %scan3A_1560 = %broadcast_in_dim3A_917, %scan3A_1561 = %broadcast_in_dim3A_917, %scan3A_1562 = %broadcast_in_dim3A_917, %scan3A_1563 = %broadcast_in_dim3A_917, %scan3A_1564 = %broadcast_in_dim3A_917, %scan3A_1565 = %broadcast_in_dim3A_917, %scan3A_1566 = %broadcast_in_dim3A_917, %scan3A_1567 = %broadcast_in_dim3A_917, %scan3A_1568 = %broadcast_in_dim3A_917, %scan3A_1569 = %broadcast_in_dim3A_917, %scan3A_1570 = %broadcast_in_dim3A_917, %scan3A_1571 = %broadcast_in_dim3A_917, %scan3A_1572 = %broadcast_in_dim3A_917, %scan3A_1573 = %broadcast_in_dim3A_917, %scan3A_1574 = %broadcast_in_dim3A_917, %scan3A_1575 = %broadcast_in_dim3A_917, %scan3A_1576 = %broadcast_in_dim3A_917, %scan3A_1577 = %broadcast_in_dim3A_917, %scan3A_1578 = %broadcast_in_dim3A_917, %scan3A_1579 = %broadcast_in_dim3A_917, %scan3A_1580 = %broadcast_in_dim3A_917, %scan3A_1581 = %broadcast_in_dim3A_917, %scan3A_1582 = %broadcast_in_dim3A_917, %scan3A_1583 = %broadcast_in_dim3A_917, %scan3A_1584 = %broadcast_in_dim3A_917, %scan3A_1585 = %broadcast_in_dim3A_917, %scan3A_1586 = %broadcast_in_dim3A_917, %scan3A_1587 = %broadcast_in_dim3A_917, %scan3A_1588 = %broadcast_in_dim3A_917, %scan3A_1589 = %broadcast_in_dim3A_917, %scan3A_1590 = %broadcast_in_dim3A_917) -> (vector<16xf32>, vector<16xf32>, vector<16xf32>, vector<16xf32>, vector<16xf32>, vector<16xf32>, vector<16xf32>, vector<16xf32>, vector<16xf32>, vector<16xf32>, vector<16xf32>, vector<16xf32>, vector<16xf32>, vector<16xf32>, vector<16xf32>, vector<16xf32>, vector<16xf32>, vector<16xf32>, vector<16xf32>, vector<16xf32>, vector<16xf32>, vector<16xf32>, vector<16xf32>, vector<16xf32>, vector<16xf32>, vector<16xf32>, vector<16xf32>, vector<16xf32>, vector<16xf32>, vector<16xf32>, vector<16xf32>, vector<16xf32>)  : i32 {
      %add3A_1591 = arith.constant 0 : i32
      %add3A_1592 = arith.addi %add3A_1591, %scan3A_1558 : i32
      %mul3A_1593 = arith.constant 16 : i32
      %mul3A_1594 = arith.muli %scan3A_1558, %mul3A_1593 : i32
      %get3A = arith.constant 0 : i32
      %get3A_1595 = arith.constant 0 : i32
      %get3A_1596 = arith.index_cast %get3A : i32 to index
      %get3A_1597 = arith.index_cast %get3A_1595 : i32 to index
      %get3A_1598 = arith.index_cast %mul3A_1594 : i32 to index
      %get3A_1599 = tpu.vector_load %arg9[%get3A_1596, %get3A_1597, %get3A_1598] {strides = array<i32>} : memref<2x4x512xf32, #tpu.memory_space<vmem>>, vector<1x1x16xf32>,
      %get3A_1600 = vector.shape_cast %get3A_1599 : vector<1x1x16xf32> to vector<16xf32>
      %get3A_1601 = arith.constant 0 : i32
      %get3A_1602 = arith.index_cast %get3A_1601 : i32 to index
      %get3A_1603 = arith.index_cast %add3A_1592 : i32 to index
      %get3A_1604 = arith.constant 0 : index
      %get3A_1605 = tpu.vector_load %arg8[%get3A_1602, %get3A_1603, %get3A_1604] {strides = array<i32>} : memref<2x128x64xi32, #tpu.memory_space<vmem>>, vector<1x1x16xi32>,
      %get3A_1606 = vector.shape_cast %get3A_1605 : vector<1x1x16xi32> to vector<16xi32>
      %shift_left3A = arith.constant 16 : i32
      %shift_left3A_1607 = vector.broadcast %shift_left3A : i32 to vector<16xi32>
      %shift_left3A_1608 = arith.shli %get3A_1606, %shift_left3A_1607 : vector<16xi32>
      %bitcast_convert_type3A = tpu.bitcast %shift_left3A_1608 : vector<16xi32> -> vector<16xf32>
      %bitcast_convert_type3A_1609 = tpu.bitcast %get3A_1606 : vector<16xi32> -> vector<16xf32>
      %mul3A_1610 = arith.mulf %bitcast_convert_type3A, %get3A_1600 : vector<16xf32>
      %add3A_1611 = arith.addf %scan3A_1559, %mul3A_1610 : vector<16xf32>
      %mul3A_1612 = arith.mulf %bitcast_convert_type3A_1609, %get3A_1600 : vector<16xf32>
      %add3A_1613 = arith.addf %scan3A_1560, %mul3A_1612 : vector<16xf32>
      %get3A_1614 = arith.constant 0 : i32
      %get3A_1615 = arith.index_cast %get3A_1614 : i32 to index
      %get3A_1616 = arith.index_cast %add3A_1592 : i32 to index
      %get3A_1617 = arith.constant 16 : index
      %get3A_1618 = tpu.vector_load %arg8[%get3A_1615, %get3A_1616, %get3A_1617] {strides = array<i32>} : memref<2x128x64xi32, #tpu.memory_space<vmem>>, vector<1x1x16xi32>,
      %get3A_1619 = vector.shape_cast %get3A_1618 : vector<1x1x16xi32> to vector<16xi32>
      %shift_left3A_1620 = arith.constant 16 : i32
      %shift_left3A_1621 = vector.broadcast %shift_left3A_1620 : i32 to vector<16xi32>
      %shift_left3A_1622 = arith.shli %get3A_1619, %shift_left3A_1621 : vector<16xi32>
      %bitcast_convert_type3A_1623 = tpu.bitcast %shift_left3A_1622 : vector<16xi32> -> vector<16xf32>
      %bitcast_convert_type3A_1624 = tpu.bitcast %get3A_1619 : vector<16xi32> -> vector<16xf32>
      %mul3A_1625 = arith.mulf %bitcast_convert_type3A_1623, %get3A_1600 : vector<16xf32>
      %add3A_1626 = arith.addf %scan3A_1561, %mul3A_1625 : vector<16xf32>
      %mul3A_1627 = arith.mulf %bitcast_convert_type3A_1624, %get3A_1600 : vector<16xf32>
      %add3A_1628 = arith.addf %scan3A_1562, %mul3A_1627 : vector<16xf32>
      %get3A_1629 = arith.constant 0 : i32
      %get3A_1630 = arith.index_cast %get3A_1629 : i32 to index
      %get3A_1631 = arith.index_cast %add3A_1592 : i32 to index
      %get3A_1632 = arith.constant 32 : index
      %get3A_1633 = tpu.vector_load %arg8[%get3A_1630, %get3A_1631, %get3A_1632] {strides = array<i32>} : memref<2x128x64xi32, #tpu.memory_space<vmem>>, vector<1x1x16xi32>,
      %get3A_1634 = vector.shape_cast %get3A_1633 : vector<1x1x16xi32> to vector<16xi32>
      %shift_left3A_1635 = arith.constant 16 : i32
      %shift_left3A_1636 = vector.broadcast %shift_left3A_1635 : i32 to vector<16xi32>
      %shift_left3A_1637 = arith.shli %get3A_1634, %shift_left3A_1636 : vector<16xi32>
      %bitcast_convert_type3A_1638 = tpu.bitcast %shift_left3A_1637 : vector<16xi32> -> vector<16xf32>
      %bitcast_convert_type3A_1639 = tpu.bitcast %get3A_1634 : vector<16xi32> -> vector<16xf32>
      %mul3A_1640 = arith.mulf %bitcast_convert_type3A_1638, %get3A_1600 : vector<16xf32>
      %add3A_1641 = arith.addf %scan3A_1563, %mul3A_1640 : vector<16xf32>
      %mul3A_1642 = arith.mulf %bitcast_convert_type3A_1639, %get3A_1600 : vector<16xf32>
      %add3A_1643 = arith.addf %scan3A_1564, %mul3A_1642 : vector<16xf32>
      %get3A_1644 = arith.constant 0 : i32
      %get3A_1645 = arith.index_cast %get3A_1644 : i32 to index
      %get3A_1646 = arith.index_cast %add3A_1592 : i32 to index
      %get3A_1647 = arith.constant 48 : index
      %get3A_1648 = tpu.vector_load %arg8[%get3A_1645, %get3A_1646, %get3A_1647] {strides = array<i32>} : memref<2x128x64xi32, #tpu.memory_space<vmem>>, vector<1x1x16xi32>,
      %get3A_1649 = vector.shape_cast %get3A_1648 : vector<1x1x16xi32> to vector<16xi32>
      %shift_left3A_1650 = arith.constant 16 : i32
      %shift_left3A_1651 = vector.broadcast %shift_left3A_1650 : i32 to vector<16xi32>
      %shift_left3A_1652 = arith.shli %get3A_1649, %shift_left3A_1651 : vector<16xi32>
      %bitcast_convert_type3A_1653 = tpu.bitcast %shift_left3A_1652 : vector<16xi32> -> vector<16xf32>
      %bitcast_convert_type3A_1654 = tpu.bitcast %get3A_1649 : vector<16xi32> -> vector<16xf32>
      %mul3A_1655 = arith.mulf %bitcast_convert_type3A_1653, %get3A_1600 : vector<16xf32>
      %add3A_1656 = arith.addf %scan3A_1565, %mul3A_1655 : vector<16xf32>
      %mul3A_1657 = arith.mulf %bitcast_convert_type3A_1654, %get3A_1600 : vector<16xf32>
      %add3A_1658 = arith.addf %scan3A_1566, %mul3A_1657 : vector<16xf32>
      %add3A_1659 = arith.constant 32 : i32
      %add3A_1660 = arith.addi %add3A_1659, %scan3A_1558 : i32
      %mul3A_1661 = arith.constant 16 : i32
      %mul3A_1662 = arith.muli %scan3A_1558, %mul3A_1661 : i32
      %get3A_1663 = arith.constant 0 : i32
      %get3A_1664 = arith.constant 1 : i32
      %get3A_1665 = arith.index_cast %get3A_1663 : i32 to index
      %get3A_1666 = arith.index_cast %get3A_1664 : i32 to index
      %get3A_1667 = arith.index_cast %mul3A_1662 : i32 to index
      %get3A_1668 = tpu.vector_load %arg9[%get3A_1665, %get3A_1666, %get3A_1667] {strides = array<i32>} : memref<2x4x512xf32, #tpu.memory_space<vmem>>, vector<1x1x16xf32>,
      %get3A_1669 = vector.shape_cast %get3A_1668 : vector<1x1x16xf32> to vector<16xf32>
      %get3A_1670 = arith.constant 0 : i32
      %get3A_1671 = arith.index_cast %get3A_1670 : i32 to index
      %get3A_1672 = arith.index_cast %add3A_1660 : i32 to index
      %get3A_1673 = arith.constant 0 : index
      %get3A_1674 = tpu.vector_load %arg8[%get3A_1671, %get3A_1672, %get3A_1673] {strides = array<i32>} : memref<2x128x64xi32, #tpu.memory_space<vmem>>, vector<1x1x16xi32>,
      %get3A_1675 = vector.shape_cast %get3A_1674 : vector<1x1x16xi32> to vector<16xi32>
      %shift_left3A_1676 = arith.constant 16 : i32
      %shift_left3A_1677 = vector.broadcast %shift_left3A_1676 : i32 to vector<16xi32>
      %shift_left3A_1678 = arith.shli %get3A_1675, %shift_left3A_1677 : vector<16xi32>
      %bitcast_convert_type3A_1679 = tpu.bitcast %shift_left3A_1678 : vector<16xi32> -> vector<16xf32>
      %bitcast_convert_type3A_1680 = tpu.bitcast %get3A_1675 : vector<16xi32> -> vector<16xf32>
      %mul3A_1681 = arith.mulf %bitcast_convert_type3A_1679, %get3A_1669 : vector<16xf32>
      %add3A_1682 = arith.addf %scan3A_1567, %mul3A_1681 : vector<16xf32>
      %mul3A_1683 = arith.mulf %bitcast_convert_type3A_1680, %get3A_1669 : vector<16xf32>
      %add3A_1684 = arith.addf %scan3A_1568, %mul3A_1683 : vector<16xf32>
      %get3A_1685 = arith.constant 0 : i32
      %get3A_1686 = arith.index_cast %get3A_1685 : i32 to index
      %get3A_1687 = arith.index_cast %add3A_1660 : i32 to index
      %get3A_1688 = arith.constant 16 : index
      %get3A_1689 = tpu.vector_load %arg8[%get3A_1686, %get3A_1687, %get3A_1688] {strides = array<i32>} : memref<2x128x64xi32, #tpu.memory_space<vmem>>, vector<1x1x16xi32>,
      %get3A_1690 = vector.shape_cast %get3A_1689 : vector<1x1x16xi32> to vector<16xi32>
      %shift_left3A_1691 = arith.constant 16 : i32
      %shift_left3A_1692 = vector.broadcast %shift_left3A_1691 : i32 to vector<16xi32>
      %shift_left3A_1693 = arith.shli %get3A_1690, %shift_left3A_1692 : vector<16xi32>
      %bitcast_convert_type3A_1694 = tpu.bitcast %shift_left3A_1693 : vector<16xi32> -> vector<16xf32>
      %bitcast_convert_type3A_1695 = tpu.bitcast %get3A_1690 : vector<16xi32> -> vector<16xf32>
      %mul3A_1696 = arith.mulf %bitcast_convert_type3A_1694, %get3A_1669 : vector<16xf32>
      %add3A_1697 = arith.addf %scan3A_1569, %mul3A_1696 : vector<16xf32>
      %mul3A_1698 = arith.mulf %bitcast_convert_type3A_1695, %get3A_1669 : vector<16xf32>
      %add3A_1699 = arith.addf %scan3A_1570, %mul3A_1698 : vector<16xf32>
      %get3A_1700 = arith.constant 0 : i32
      %get3A_1701 = arith.index_cast %get3A_1700 : i32 to index
      %get3A_1702 = arith.index_cast %add3A_1660 : i32 to index
      %get3A_1703 = arith.constant 32 : index
      %get3A_1704 = tpu.vector_load %arg8[%get3A_1701, %get3A_1702, %get3A_1703] {strides = array<i32>} : memref<2x128x64xi32, #tpu.memory_space<vmem>>, vector<1x1x16xi32>,
      %get3A_1705 = vector.shape_cast %get3A_1704 : vector<1x1x16xi32> to vector<16xi32>
      %shift_left3A_1706 = arith.constant 16 : i32
      %shift_left3A_1707 = vector.broadcast %shift_left3A_1706 : i32 to vector<16xi32>
      %shift_left3A_1708 = arith.shli %get3A_1705, %shift_left3A_1707 : vector<16xi32>
      %bitcast_convert_type3A_1709 = tpu.bitcast %shift_left3A_1708 : vector<16xi32> -> vector<16xf32>
      %bitcast_convert_type3A_1710 = tpu.bitcast %get3A_1705 : vector<16xi32> -> vector<16xf32>
      %mul3A_1711 = arith.mulf %bitcast_convert_type3A_1709, %get3A_1669 : vector<16xf32>
      %add3A_1712 = arith.addf %scan3A_1571, %mul3A_1711 : vector<16xf32>
      %mul3A_1713 = arith.mulf %bitcast_convert_type3A_1710, %get3A_1669 : vector<16xf32>
      %add3A_1714 = arith.addf %scan3A_1572, %mul3A_1713 : vector<16xf32>
      %get3A_1715 = arith.constant 0 : i32
      %get3A_1716 = arith.index_cast %get3A_1715 : i32 to index
      %get3A_1717 = arith.index_cast %add3A_1660 : i32 to index
      %get3A_1718 = arith.constant 48 : index
      %get3A_1719 = tpu.vector_load %arg8[%get3A_1716, %get3A_1717, %get3A_1718] {strides = array<i32>} : memref<2x128x64xi32, #tpu.memory_space<vmem>>, vector<1x1x16xi32>,
      %get3A_1720 = vector.shape_cast %get3A_1719 : vector<1x1x16xi32> to vector<16xi32>
      %shift_left3A_1721 = arith.constant 16 : i32
      %shift_left3A_1722 = vector.broadcast %shift_left3A_1721 : i32 to vector<16xi32>
      %shift_left3A_1723 = arith.shli %get3A_1720, %shift_left3A_1722 : vector<16xi32>
      %bitcast_convert_type3A_1724 = tpu.bitcast %shift_left3A_1723 : vector<16xi32> -> vector<16xf32>
      %bitcast_convert_type3A_1725 = tpu.bitcast %get3A_1720 : vector<16xi32> -> vector<16xf32>
      %mul3A_1726 = arith.mulf %bitcast_convert_type3A_1724, %get3A_1669 : vector<16xf32>
      %add3A_1727 = arith.addf %scan3A_1573, %mul3A_1726 : vector<16xf32>
      %mul3A_1728 = arith.mulf %bitcast_convert_type3A_1725, %get3A_1669 : vector<16xf32>
      %add3A_1729 = arith.addf %scan3A_1574, %mul3A_1728 : vector<16xf32>
      %add3A_1730 = arith.constant 64 : i32
      %add3A_1731 = arith.addi %add3A_1730, %scan3A_1558 : i32
      %mul3A_1732 = arith.constant 16 : i32
      %mul3A_1733 = arith.muli %scan3A_1558, %mul3A_1732 : i32
      %get3A_1734 = arith.constant 0 : i32
      %get3A_1735 = arith.constant 2 : i32
      %get3A_1736 = arith.index_cast %get3A_1734 : i32 to index
      %get3A_1737 = arith.index_cast %get3A_1735 : i32 to index
      %get3A_1738 = arith.index_cast %mul3A_1733 : i32 to index
      %get3A_1739 = tpu.vector_load %arg9[%get3A_1736, %get3A_1737, %get3A_1738] {strides = array<i32>} : memref<2x4x512xf32, #tpu.memory_space<vmem>>, vector<1x1x16xf32>,
      %get3A_1740 = vector.shape_cast %get3A_1739 : vector<1x1x16xf32> to vector<16xf32>
      %get3A_1741 = arith.constant 0 : i32
      %get3A_1742 = arith.index_cast %get3A_1741 : i32 to index
      %get3A_1743 = arith.index_cast %add3A_1731 : i32 to index
      %get3A_1744 = arith.constant 0 : index
      %get3A_1745 = tpu.vector_load %arg8[%get3A_1742, %get3A_1743, %get3A_1744] {strides = array<i32>} : memref<2x128x64xi32, #tpu.memory_space<vmem>>, vector<1x1x16xi32>,
      %get3A_1746 = vector.shape_cast %get3A_1745 : vector<1x1x16xi32> to vector<16xi32>
      %shift_left3A_1747 = arith.constant 16 : i32
      %shift_left3A_1748 = vector.broadcast %shift_left3A_1747 : i32 to vector<16xi32>
      %shift_left3A_1749 = arith.shli %get3A_1746, %shift_left3A_1748 : vector<16xi32>
      %bitcast_convert_type3A_1750 = tpu.bitcast %shift_left3A_1749 : vector<16xi32> -> vector<16xf32>
      %bitcast_convert_type3A_1751 = tpu.bitcast %get3A_1746 : vector<16xi32> -> vector<16xf32>
      %mul3A_1752 = arith.mulf %bitcast_convert_type3A_1750, %get3A_1740 : vector<16xf32>
      %add3A_1753 = arith.addf %scan3A_1575, %mul3A_1752 : vector<16xf32>
      %mul3A_1754 = arith.mulf %bitcast_convert_type3A_1751, %get3A_1740 : vector<16xf32>
      %add3A_1755 = arith.addf %scan3A_1576, %mul3A_1754 : vector<16xf32>
      %get3A_1756 = arith.constant 0 : i32
      %get3A_1757 = arith.index_cast %get3A_1756 : i32 to index
      %get3A_1758 = arith.index_cast %add3A_1731 : i32 to index
      %get3A_1759 = arith.constant 16 : index
      %get3A_1760 = tpu.vector_load %arg8[%get3A_1757, %get3A_1758, %get3A_1759] {strides = array<i32>} : memref<2x128x64xi32, #tpu.memory_space<vmem>>, vector<1x1x16xi32>,
      %get3A_1761 = vector.shape_cast %get3A_1760 : vector<1x1x16xi32> to vector<16xi32>
      %shift_left3A_1762 = arith.constant 16 : i32
      %shift_left3A_1763 = vector.broadcast %shift_left3A_1762 : i32 to vector<16xi32>
      %shift_left3A_1764 = arith.shli %get3A_1761, %shift_left3A_1763 : vector<16xi32>
      %bitcast_convert_type3A_1765 = tpu.bitcast %shift_left3A_1764 : vector<16xi32> -> vector<16xf32>
      %bitcast_convert_type3A_1766 = tpu.bitcast %get3A_1761 : vector<16xi32> -> vector<16xf32>
      %mul3A_1767 = arith.mulf %bitcast_convert_type3A_1765, %get3A_1740 : vector<16xf32>
      %add3A_1768 = arith.addf %scan3A_1577, %mul3A_1767 : vector<16xf32>
      %mul3A_1769 = arith.mulf %bitcast_convert_type3A_1766, %get3A_1740 : vector<16xf32>
      %add3A_1770 = arith.addf %scan3A_1578, %mul3A_1769 : vector<16xf32>
      %get3A_1771 = arith.constant 0 : i32
      %get3A_1772 = arith.index_cast %get3A_1771 : i32 to index
      %get3A_1773 = arith.index_cast %add3A_1731 : i32 to index
      %get3A_1774 = arith.constant 32 : index
      %get3A_1775 = tpu.vector_load %arg8[%get3A_1772, %get3A_1773, %get3A_1774] {strides = array<i32>} : memref<2x128x64xi32, #tpu.memory_space<vmem>>, vector<1x1x16xi32>,
      %get3A_1776 = vector.shape_cast %get3A_1775 : vector<1x1x16xi32> to vector<16xi32>
      %shift_left3A_1777 = arith.constant 16 : i32
      %shift_left3A_1778 = vector.broadcast %shift_left3A_1777 : i32 to vector<16xi32>
      %shift_left3A_1779 = arith.shli %get3A_1776, %shift_left3A_1778 : vector<16xi32>
      %bitcast_convert_type3A_1780 = tpu.bitcast %shift_left3A_1779 : vector<16xi32> -> vector<16xf32>
      %bitcast_convert_type3A_1781 = tpu.bitcast %get3A_1776 : vector<16xi32> -> vector<16xf32>
      %mul3A_1782 = arith.mulf %bitcast_convert_type3A_1780, %get3A_1740 : vector<16xf32>
      %add3A_1783 = arith.addf %scan3A_1579, %mul3A_1782 : vector<16xf32>
      %mul3A_1784 = arith.mulf %bitcast_convert_type3A_1781, %get3A_1740 : vector<16xf32>
      %add3A_1785 = arith.addf %scan3A_1580, %mul3A_1784 : vector<16xf32>
      %get3A_1786 = arith.constant 0 : i32
      %get3A_1787 = arith.index_cast %get3A_1786 : i32 to index
      %get3A_1788 = arith.index_cast %add3A_1731 : i32 to index
      %get3A_1789 = arith.constant 48 : index
      %get3A_1790 = tpu.vector_load %arg8[%get3A_1787, %get3A_1788, %get3A_1789] {strides = array<i32>} : memref<2x128x64xi32, #tpu.memory_space<vmem>>, vector<1x1x16xi32>,
      %get3A_1791 = vector.shape_cast %get3A_1790 : vector<1x1x16xi32> to vector<16xi32>
      %shift_left3A_1792 = arith.constant 16 : i32
      %shift_left3A_1793 = vector.broadcast %shift_left3A_1792 : i32 to vector<16xi32>
      %shift_left3A_1794 = arith.shli %get3A_1791, %shift_left3A_1793 : vector<16xi32>
      %bitcast_convert_type3A_1795 = tpu.bitcast %shift_left3A_1794 : vector<16xi32> -> vector<16xf32>
      %bitcast_convert_type3A_1796 = tpu.bitcast %get3A_1791 : vector<16xi32> -> vector<16xf32>
      %mul3A_1797 = arith.mulf %bitcast_convert_type3A_1795, %get3A_1740 : vector<16xf32>
      %add3A_1798 = arith.addf %scan3A_1581, %mul3A_1797 : vector<16xf32>
      %mul3A_1799 = arith.mulf %bitcast_convert_type3A_1796, %get3A_1740 : vector<16xf32>
      %add3A_1800 = arith.addf %scan3A_1582, %mul3A_1799 : vector<16xf32>
      %add3A_1801 = arith.constant 96 : i32
      %add3A_1802 = arith.addi %add3A_1801, %scan3A_1558 : i32
      %mul3A_1803 = arith.constant 16 : i32
      %mul3A_1804 = arith.muli %scan3A_1558, %mul3A_1803 : i32
      %get3A_1805 = arith.constant 0 : i32
      %get3A_1806 = arith.constant 3 : i32
      %get3A_1807 = arith.index_cast %get3A_1805 : i32 to index
      %get3A_1808 = arith.index_cast %get3A_1806 : i32 to index
      %get3A_1809 = arith.index_cast %mul3A_1804 : i32 to index
      %get3A_1810 = tpu.vector_load %arg9[%get3A_1807, %get3A_1808, %get3A_1809] {strides = array<i32>} : memref<2x4x512xf32, #tpu.memory_space<vmem>>, vector<1x1x16xf32>,
      %get3A_1811 = vector.shape_cast %get3A_1810 : vector<1x1x16xf32> to vector<16xf32>
      %get3A_1812 = arith.constant 0 : i32
      %get3A_1813 = arith.index_cast %get3A_1812 : i32 to index
      %get3A_1814 = arith.index_cast %add3A_1802 : i32 to index
      %get3A_1815 = arith.constant 0 : index
      %get3A_1816 = tpu.vector_load %arg8[%get3A_1813, %get3A_1814, %get3A_1815] {strides = array<i32>} : memref<2x128x64xi32, #tpu.memory_space<vmem>>, vector<1x1x16xi32>,
      %get3A_1817 = vector.shape_cast %get3A_1816 : vector<1x1x16xi32> to vector<16xi32>
      %shift_left3A_1818 = arith.constant 16 : i32
      %shift_left3A_1819 = vector.broadcast %shift_left3A_1818 : i32 to vector<16xi32>
      %shift_left3A_1820 = arith.shli %get3A_1817, %shift_left3A_1819 : vector<16xi32>
      %bitcast_convert_type3A_1821 = tpu.bitcast %shift_left3A_1820 : vector<16xi32> -> vector<16xf32>
      %bitcast_convert_type3A_1822 = tpu.bitcast %get3A_1817 : vector<16xi32> -> vector<16xf32>
      %mul3A_1823 = arith.mulf %bitcast_convert_type3A_1821, %get3A_1811 : vector<16xf32>
      %add3A_1824 = arith.addf %scan3A_1583, %mul3A_1823 : vector<16xf32>
      %mul3A_1825 = arith.mulf %bitcast_convert_type3A_1822, %get3A_1811 : vector<16xf32>
      %add3A_1826 = arith.addf %scan3A_1584, %mul3A_1825 : vector<16xf32>
      %get3A_1827 = arith.constant 0 : i32
      %get3A_1828 = arith.index_cast %get3A_1827 : i32 to index
      %get3A_1829 = arith.index_cast %add3A_1802 : i32 to index
      %get3A_1830 = arith.constant 16 : index
      %get3A_1831 = tpu.vector_load %arg8[%get3A_1828, %get3A_1829, %get3A_1830] {strides = array<i32>} : memref<2x128x64xi32, #tpu.memory_space<vmem>>, vector<1x1x16xi32>,
      %get3A_1832 = vector.shape_cast %get3A_1831 : vector<1x1x16xi32> to vector<16xi32>
      %shift_left3A_1833 = arith.constant 16 : i32
      %shift_left3A_1834 = vector.broadcast %shift_left3A_1833 : i32 to vector<16xi32>
      %shift_left3A_1835 = arith.shli %get3A_1832, %shift_left3A_1834 : vector<16xi32>
      %bitcast_convert_type3A_1836 = tpu.bitcast %shift_left3A_1835 : vector<16xi32> -> vector<16xf32>
      %bitcast_convert_type3A_1837 = tpu.bitcast %get3A_1832 : vector<16xi32> -> vector<16xf32>
      %mul3A_1838 = arith.mulf %bitcast_convert_type3A_1836, %get3A_1811 : vector<16xf32>
      %add3A_1839 = arith.addf %scan3A_1585, %mul3A_1838 : vector<16xf32>
      %mul3A_1840 = arith.mulf %bitcast_convert_type3A_1837, %get3A_1811 : vector<16xf32>
      %add3A_1841 = arith.addf %scan3A_1586, %mul3A_1840 : vector<16xf32>
      %get3A_1842 = arith.constant 0 : i32
      %get3A_1843 = arith.index_cast %get3A_1842 : i32 to index
      %get3A_1844 = arith.index_cast %add3A_1802 : i32 to index
      %get3A_1845 = arith.constant 32 : index
      %get3A_1846 = tpu.vector_load %arg8[%get3A_1843, %get3A_1844, %get3A_1845] {strides = array<i32>} : memref<2x128x64xi32, #tpu.memory_space<vmem>>, vector<1x1x16xi32>,
      %get3A_1847 = vector.shape_cast %get3A_1846 : vector<1x1x16xi32> to vector<16xi32>
      %shift_left3A_1848 = arith.constant 16 : i32
      %shift_left3A_1849 = vector.broadcast %shift_left3A_1848 : i32 to vector<16xi32>
      %shift_left3A_1850 = arith.shli %get3A_1847, %shift_left3A_1849 : vector<16xi32>
      %bitcast_convert_type3A_1851 = tpu.bitcast %shift_left3A_1850 : vector<16xi32> -> vector<16xf32>
      %bitcast_convert_type3A_1852 = tpu.bitcast %get3A_1847 : vector<16xi32> -> vector<16xf32>
      %mul3A_1853 = arith.mulf %bitcast_convert_type3A_1851, %get3A_1811 : vector<16xf32>
      %add3A_1854 = arith.addf %scan3A_1587, %mul3A_1853 : vector<16xf32>
      %mul3A_1855 = arith.mulf %bitcast_convert_type3A_1852, %get3A_1811 : vector<16xf32>
      %add3A_1856 = arith.addf %scan3A_1588, %mul3A_1855 : vector<16xf32>
      %get3A_1857 = arith.constant 0 : i32
      %get3A_1858 = arith.index_cast %get3A_1857 : i32 to index
      %get3A_1859 = arith.index_cast %add3A_1802 : i32 to index
      %get3A_1860 = arith.constant 48 : index
      %get3A_1861 = tpu.vector_load %arg8[%get3A_1858, %get3A_1859, %get3A_1860] {strides = array<i32>} : memref<2x128x64xi32, #tpu.memory_space<vmem>>, vector<1x1x16xi32>,
      %get3A_1862 = vector.shape_cast %get3A_1861 : vector<1x1x16xi32> to vector<16xi32>
      %shift_left3A_1863 = arith.constant 16 : i32
      %shift_left3A_1864 = vector.broadcast %shift_left3A_1863 : i32 to vector<16xi32>
      %shift_left3A_1865 = arith.shli %get3A_1862, %shift_left3A_1864 : vector<16xi32>
      %bitcast_convert_type3A_1866 = tpu.bitcast %shift_left3A_1865 : vector<16xi32> -> vector<16xf32>
      %bitcast_convert_type3A_1867 = tpu.bitcast %get3A_1862 : vector<16xi32> -> vector<16xf32>
      %mul3A_1868 = arith.mulf %bitcast_convert_type3A_1866, %get3A_1811 : vector<16xf32>
      %add3A_1869 = arith.addf %scan3A_1589, %mul3A_1868 : vector<16xf32>
      %mul3A_1870 = arith.mulf %bitcast_convert_type3A_1867, %get3A_1811 : vector<16xf32>
      %add3A_1871 = arith.addf %scan3A_1590, %mul3A_1870 : vector<16xf32>
      scf.yield %add3A_1611, %add3A_1613, %add3A_1626, %add3A_1628, %add3A_1641, %add3A_1643, %add3A_1656, %add3A_1658, %add3A_1682, %add3A_1684, %add3A_1697, %add3A_1699, %add3A_1712, %add3A_1714, %add3A_1727, %add3A_1729, %add3A_1753, %add3A_1755, %add3A_1768, %add3A_1770, %add3A_1783, %add3A_1785, %add3A_1798, %add3A_1800, %add3A_1824, %add3A_1826, %add3A_1839, %add3A_1841, %add3A_1854, %add3A_1856, %add3A_1869, %add3A_1871 : vector<16xf32>, vector<16xf32>, vector<16xf32>, vector<16xf32>, vector<16xf32>, vector<16xf32>, vector<16xf32>, vector<16xf32>, vector<16xf32>, vector<16xf32>, vector<16xf32>, vector<16xf32>, vector<16xf32>, vector<16xf32>, vector<16xf32>, vector<16xf32>, vector<16xf32>, vector<16xf32>, vector<16xf32>, vector<16xf32>, vector<16xf32>, vector<16xf32>, vector<16xf32>, vector<16xf32>, vector<16xf32>, vector<16xf32>, vector<16xf32>, vector<16xf32>, vector<16xf32>, vector<16xf32>, vector<16xf32>, vector<16xf32>
    }
    %scan3A_923 = arith.constant 32 : i32
    %swap3A_924 = arith.constant 0 : i32
    %swap3A_925 = arith.constant 0 : i32
    %swap3A_926 = arith.index_cast %swap3A_924 : i32 to index
    %swap3A_927 = arith.index_cast %swap3A_925 : i32 to index
    %swap3A_928 = arith.constant 0 : index
    %swap3A_929 = tpu.vector_load %arg10[%swap3A_926, %swap3A_927, %swap3A_928] {strides = array<i32>} : memref<2x4x128xf32, #tpu.memory_space<vmem>>, vector<1x1x16xf32>,
    %swap3A_930 = vector.shape_cast %swap3A_929 : vector<1x1x16xf32> to vector<16xf32>
    %swap3A_931 = vector.shape_cast %scan3A_922#0 : vector<16xf32> to vector<1x1x16xf32>
    tpu.vector_store %arg10[%swap3A_926, %swap3A_927, %swap3A_928], %swap3A_931 {strides = array<i32>} : memref<2x4x128xf32, #tpu.memory_space<vmem>>, vector<1x1x16xf32>,
    %swap3A_932 = arith.constant 0 : i32
    %swap3A_933 = arith.constant 0 : i32
    %swap3A_934 = arith.index_cast %swap3A_932 : i32 to index
    %swap3A_935 = arith.index_cast %swap3A_933 : i32 to index
    %swap3A_936 = arith.constant 16 : index
    %swap3A_937 = tpu.vector_load %arg10[%swap3A_934, %swap3A_935, %swap3A_936] {strides = array<i32>} : memref<2x4x128xf32, #tpu.memory_space<vmem>>, vector<1x1x16xf32>,
    %swap3A_938 = vector.shape_cast %swap3A_937 : vector<1x1x16xf32> to vector<16xf32>
    %swap3A_939 = vector.shape_cast %scan3A_922#1 : vector<16xf32> to vector<1x1x16xf32>
    tpu.vector_store %arg10[%swap3A_934, %swap3A_935, %swap3A_936], %swap3A_939 {strides = array<i32>} : memref<2x4x128xf32, #tpu.memory_space<vmem>>, vector<1x1x16xf32>,
    %swap3A_940 = arith.constant 0 : i32
    %swap3A_941 = arith.constant 0 : i32
    %swap3A_942 = arith.index_cast %swap3A_940 : i32 to index
    %swap3A_943 = arith.index_cast %swap3A_941 : i32 to index
    %swap3A_944 = arith.constant 32 : index
    %swap3A_945 = tpu.vector_load %arg10[%swap3A_942, %swap3A_943, %swap3A_944] {strides = array<i32>} : memref<2x4x128xf32, #tpu.memory_space<vmem>>, vector<1x1x16xf32>,
    %swap3A_946 = vector.shape_cast %swap3A_945 : vector<1x1x16xf32> to vector<16xf32>
    %swap3A_947 = vector.shape_cast %scan3A_922#2 : vector<16xf32> to vector<1x1x16xf32>
    tpu.vector_store %arg10[%swap3A_942, %swap3A_943, %swap3A_944], %swap3A_947 {strides = array<i32>} : memref<2x4x128xf32, #tpu.memory_space<vmem>>, vector<1x1x16xf32>,
    %swap3A_948 = arith.constant 0 : i32
    %swap3A_949 = arith.constant 0 : i32
    %swap3A_950 = arith.index_cast %swap3A_948 : i32 to index
    %swap3A_951 = arith.index_cast %swap3A_949 : i32 to index
    %swap3A_952 = arith.constant 48 : index
    %swap3A_953 = tpu.vector_load %arg10[%swap3A_950, %swap3A_951, %swap3A_952] {strides = array<i32>} : memref<2x4x128xf32, #tpu.memory_space<vmem>>, vector<1x1x16xf32>,
    %swap3A_954 = vector.shape_cast %swap3A_953 : vector<1x1x16xf32> to vector<16xf32>
    %swap3A_955 = vector.shape_cast %scan3A_922#3 : vector<16xf32> to vector<1x1x16xf32>
    tpu.vector_store %arg10[%swap3A_950, %swap3A_951, %swap3A_952], %swap3A_955 {strides = array<i32>} : memref<2x4x128xf32, #tpu.memory_space<vmem>>, vector<1x1x16xf32>,
    %swap3A_956 = arith.constant 0 : i32
    %swap3A_957 = arith.constant 0 : i32
    %swap3A_958 = arith.index_cast %swap3A_956 : i32 to index
    %swap3A_959 = arith.index_cast %swap3A_957 : i32 to index
    %swap3A_960 = arith.constant 64 : index
    %swap3A_961 = tpu.vector_load %arg10[%swap3A_958, %swap3A_959, %swap3A_960] {strides = array<i32>} : memref<2x4x128xf32, #tpu.memory_space<vmem>>, vector<1x1x16xf32>,
    %swap3A_962 = vector.shape_cast %swap3A_961 : vector<1x1x16xf32> to vector<16xf32>
    %swap3A_963 = vector.shape_cast %scan3A_922#4 : vector<16xf32> to vector<1x1x16xf32>
    tpu.vector_store %arg10[%swap3A_958, %swap3A_959, %swap3A_960], %swap3A_963 {strides = array<i32>} : memref<2x4x128xf32, #tpu.memory_space<vmem>>, vector<1x1x16xf32>,
    %swap3A_964 = arith.constant 0 : i32
    %swap3A_965 = arith.constant 0 : i32
    %swap3A_966 = arith.index_cast %swap3A_964 : i32 to index
    %swap3A_967 = arith.index_cast %swap3A_965 : i32 to index
    %swap3A_968 = arith.constant 80 : index
    %swap3A_969 = tpu.vector_load %arg10[%swap3A_966, %swap3A_967, %swap3A_968] {strides = array<i32>} : memref<2x4x128xf32, #tpu.memory_space<vmem>>, vector<1x1x16xf32>,
    %swap3A_970 = vector.shape_cast %swap3A_969 : vector<1x1x16xf32> to vector<16xf32>
    %swap3A_971 = vector.shape_cast %scan3A_922#5 : vector<16xf32> to vector<1x1x16xf32>
    tpu.vector_store %arg10[%swap3A_966, %swap3A_967, %swap3A_968], %swap3A_971 {strides = array<i32>} : memref<2x4x128xf32, #tpu.memory_space<vmem>>, vector<1x1x16xf32>,
    %swap3A_972 = arith.constant 0 : i32
    %swap3A_973 = arith.constant 0 : i32
    %swap3A_974 = arith.index_cast %swap3A_972 : i32 to index
    %swap3A_975 = arith.index_cast %swap3A_973 : i32 to index
    %swap3A_976 = arith.constant 96 : index
    %swap3A_977 = tpu.vector_load %arg10[%swap3A_974, %swap3A_975, %swap3A_976] {strides = array<i32>} : memref<2x4x128xf32, #tpu.memory_space<vmem>>, vector<1x1x16xf32>,
    %swap3A_978 = vector.shape_cast %swap3A_977 : vector<1x1x16xf32> to vector<16xf32>
    %swap3A_979 = vector.shape_cast %scan3A_922#6 : vector<16xf32> to vector<1x1x16xf32>
    tpu.vector_store %arg10[%swap3A_974, %swap3A_975, %swap3A_976], %swap3A_979 {strides = array<i32>} : memref<2x4x128xf32, #tpu.memory_space<vmem>>, vector<1x1x16xf32>,
    %swap3A_980 = arith.constant 0 : i32
    %swap3A_981 = arith.constant 0 : i32
    %swap3A_982 = arith.index_cast %swap3A_980 : i32 to index
    %swap3A_983 = arith.index_cast %swap3A_981 : i32 to index
    %swap3A_984 = arith.constant 112 : index
    %swap3A_985 = tpu.vector_load %arg10[%swap3A_982, %swap3A_983, %swap3A_984] {strides = array<i32>} : memref<2x4x128xf32, #tpu.memory_space<vmem>>, vector<1x1x16xf32>,
    %swap3A_986 = vector.shape_cast %swap3A_985 : vector<1x1x16xf32> to vector<16xf32>
    %swap3A_987 = vector.shape_cast %scan3A_922#7 : vector<16xf32> to vector<1x1x16xf32>
    tpu.vector_store %arg10[%swap3A_982, %swap3A_983, %swap3A_984], %swap3A_987 {strides = array<i32>} : memref<2x4x128xf32, #tpu.memory_space<vmem>>, vector<1x1x16xf32>,
    %swap3A_988 = arith.constant 0 : i32
    %swap3A_989 = arith.constant 1 : i32
    %swap3A_990 = arith.index_cast %swap3A_988 : i32 to index
    %swap3A_991 = arith.index_cast %swap3A_989 : i32 to index
    %swap3A_992 = arith.constant 0 : index
    %swap3A_993 = tpu.vector_load %arg10[%swap3A_990, %swap3A_991, %swap3A_992] {strides = array<i32>} : memref<2x4x128xf32, #tpu.memory_space<vmem>>, vector<1x1x16xf32>,
    %swap3A_994 = vector.shape_cast %swap3A_993 : vector<1x1x16xf32> to vector<16xf32>
    %swap3A_995 = vector.shape_cast %scan3A_922#8 : vector<16xf32> to vector<1x1x16xf32>
    tpu.vector_store %arg10[%swap3A_990, %swap3A_991, %swap3A_992], %swap3A_995 {strides = array<i32>} : memref<2x4x128xf32, #tpu.memory_space<vmem>>, vector<1x1x16xf32>,
    %swap3A_996 = arith.constant 0 : i32
    %swap3A_997 = arith.constant 1 : i32
    %swap3A_998 = arith.index_cast %swap3A_996 : i32 to index
    %swap3A_999 = arith.index_cast %swap3A_997 : i32 to index
    %swap3A_1000 = arith.constant 16 : index
    %swap3A_1001 = tpu.vector_load %arg10[%swap3A_998, %swap3A_999, %swap3A_1000] {strides = array<i32>} : memref<2x4x128xf32, #tpu.memory_space<vmem>>, vector<1x1x16xf32>,
    %swap3A_1002 = vector.shape_cast %swap3A_1001 : vector<1x1x16xf32> to vector<16xf32>
    %swap3A_1003 = vector.shape_cast %scan3A_922#9 : vector<16xf32> to vector<1x1x16xf32>
    tpu.vector_store %arg10[%swap3A_998, %swap3A_999, %swap3A_1000], %swap3A_1003 {strides = array<i32>} : memref<2x4x128xf32, #tpu.memory_space<vmem>>, vector<1x1x16xf32>,
    %swap3A_1004 = arith.constant 0 : i32
    %swap3A_1005 = arith.constant 1 : i32
    %swap3A_1006 = arith.index_cast %swap3A_1004 : i32 to index
    %swap3A_1007 = arith.index_cast %swap3A_1005 : i32 to index
    %swap3A_1008 = arith.constant 32 : index
    %swap3A_1009 = tpu.vector_load %arg10[%swap3A_1006, %swap3A_1007, %swap3A_1008] {strides = array<i32>} : memref<2x4x128xf32, #tpu.memory_space<vmem>>, vector<1x1x16xf32>,
    %swap3A_1010 = vector.shape_cast %swap3A_1009 : vector<1x1x16xf32> to vector<16xf32>
    %swap3A_1011 = vector.shape_cast %scan3A_922#10 : vector<16xf32> to vector<1x1x16xf32>
    tpu.vector_store %arg10[%swap3A_1006, %swap3A_1007, %swap3A_1008], %swap3A_1011 {strides = array<i32>} : memref<2x4x128xf32, #tpu.memory_space<vmem>>, vector<1x1x16xf32>,
    %swap3A_1012 = arith.constant 0 : i32
    %swap3A_1013 = arith.constant 1 : i32
    %swap3A_1014 = arith.index_cast %swap3A_1012 : i32 to index
    %swap3A_1015 = arith.index_cast %swap3A_1013 : i32 to index
    %swap3A_1016 = arith.constant 48 : index
    %swap3A_1017 = tpu.vector_load %arg10[%swap3A_1014, %swap3A_1015, %swap3A_1016] {strides = array<i32>} : memref<2x4x128xf32, #tpu.memory_space<vmem>>, vector<1x1x16xf32>,
    %swap3A_1018 = vector.shape_cast %swap3A_1017 : vector<1x1x16xf32> to vector<16xf32>
    %swap3A_1019 = vector.shape_cast %scan3A_922#11 : vector<16xf32> to vector<1x1x16xf32>
    tpu.vector_store %arg10[%swap3A_1014, %swap3A_1015, %swap3A_1016], %swap3A_1019 {strides = array<i32>} : memref<2x4x128xf32, #tpu.memory_space<vmem>>, vector<1x1x16xf32>,
    %swap3A_1020 = arith.constant 0 : i32
    %swap3A_1021 = arith.constant 1 : i32
    %swap3A_1022 = arith.index_cast %swap3A_1020 : i32 to index
    %swap3A_1023 = arith.index_cast %swap3A_1021 : i32 to index
    %swap3A_1024 = arith.constant 64 : index
    %swap3A_1025 = tpu.vector_load %arg10[%swap3A_1022, %swap3A_1023, %swap3A_1024] {strides = array<i32>} : memref<2x4x128xf32, #tpu.memory_space<vmem>>, vector<1x1x16xf32>,
    %swap3A_1026 = vector.shape_cast %swap3A_1025 : vector<1x1x16xf32> to vector<16xf32>
    %swap3A_1027 = vector.shape_cast %scan3A_922#12 : vector<16xf32> to vector<1x1x16xf32>
    tpu.vector_store %arg10[%swap3A_1022, %swap3A_1023, %swap3A_1024], %swap3A_1027 {strides = array<i32>} : memref<2x4x128xf32, #tpu.memory_space<vmem>>, vector<1x1x16xf32>,
    %swap3A_1028 = arith.constant 0 : i32
    %swap3A_1029 = arith.constant 1 : i32
    %swap3A_1030 = arith.index_cast %swap3A_1028 : i32 to index
    %swap3A_1031 = arith.index_cast %swap3A_1029 : i32 to index
    %swap3A_1032 = arith.constant 80 : index
    %swap3A_1033 = tpu.vector_load %arg10[%swap3A_1030, %swap3A_1031, %swap3A_1032] {strides = array<i32>} : memref<2x4x128xf32, #tpu.memory_space<vmem>>, vector<1x1x16xf32>,
    %swap3A_1034 = vector.shape_cast %swap3A_1033 : vector<1x1x16xf32> to vector<16xf32>
    %swap3A_1035 = vector.shape_cast %scan3A_922#13 : vector<16xf32> to vector<1x1x16xf32>
    tpu.vector_store %arg10[%swap3A_1030, %swap3A_1031, %swap3A_1032], %swap3A_1035 {strides = array<i32>} : memref<2x4x128xf32, #tpu.memory_space<vmem>>, vector<1x1x16xf32>,
    %swap3A_1036 = arith.constant 0 : i32
    %swap3A_1037 = arith.constant 1 : i32
    %swap3A_1038 = arith.index_cast %swap3A_1036 : i32 to index
    %swap3A_1039 = arith.index_cast %swap3A_1037 : i32 to index
    %swap3A_1040 = arith.constant 96 : index
    %swap3A_1041 = tpu.vector_load %arg10[%swap3A_1038, %swap3A_1039, %swap3A_1040] {strides = array<i32>} : memref<2x4x128xf32, #tpu.memory_space<vmem>>, vector<1x1x16xf32>,
    %swap3A_1042 = vector.shape_cast %swap3A_1041 : vector<1x1x16xf32> to vector<16xf32>
    %swap3A_1043 = vector.shape_cast %scan3A_922#14 : vector<16xf32> to vector<1x1x16xf32>
    tpu.vector_store %arg10[%swap3A_1038, %swap3A_1039, %swap3A_1040], %swap3A_1043 {strides = array<i32>} : memref<2x4x128xf32, #tpu.memory_space<vmem>>, vector<1x1x16xf32>,
    %swap3A_1044 = arith.constant 0 : i32
    %swap3A_1045 = arith.constant 1 : i32
    %swap3A_1046 = arith.index_cast %swap3A_1044 : i32 to index
    %swap3A_1047 = arith.index_cast %swap3A_1045 : i32 to index
    %swap3A_1048 = arith.constant 112 : index
    %swap3A_1049 = tpu.vector_load %arg10[%swap3A_1046, %swap3A_1047, %swap3A_1048] {strides = array<i32>} : memref<2x4x128xf32, #tpu.memory_space<vmem>>, vector<1x1x16xf32>,
    %swap3A_1050 = vector.shape_cast %swap3A_1049 : vector<1x1x16xf32> to vector<16xf32>
    %swap3A_1051 = vector.shape_cast %scan3A_922#15 : vector<16xf32> to vector<1x1x16xf32>
    tpu.vector_store %arg10[%swap3A_1046, %swap3A_1047, %swap3A_1048], %swap3A_1051 {strides = array<i32>} : memref<2x4x128xf32, #tpu.memory_space<vmem>>, vector<1x1x16xf32>,
    %swap3A_1052 = arith.constant 0 : i32
    %swap3A_1053 = arith.constant 2 : i32
    %swap3A_1054 = arith.index_cast %swap3A_1052 : i32 to index
    %swap3A_1055 = arith.index_cast %swap3A_1053 : i32 to index
    %swap3A_1056 = arith.constant 0 : index
    %swap3A_1057 = tpu.vector_load %arg10[%swap3A_1054, %swap3A_1055, %swap3A_1056] {strides = array<i32>} : memref<2x4x128xf32, #tpu.memory_space<vmem>>, vector<1x1x16xf32>,
    %swap3A_1058 = vector.shape_cast %swap3A_1057 : vector<1x1x16xf32> to vector<16xf32>
    %swap3A_1059 = vector.shape_cast %scan3A_922#16 : vector<16xf32> to vector<1x1x16xf32>
    tpu.vector_store %arg10[%swap3A_1054, %swap3A_1055, %swap3A_1056], %swap3A_1059 {strides = array<i32>} : memref<2x4x128xf32, #tpu.memory_space<vmem>>, vector<1x1x16xf32>,
    %swap3A_1060 = arith.constant 0 : i32
    %swap3A_1061 = arith.constant 2 : i32
    %swap3A_1062 = arith.index_cast %swap3A_1060 : i32 to index
    %swap3A_1063 = arith.index_cast %swap3A_1061 : i32 to index
    %swap3A_1064 = arith.constant 16 : index
    %swap3A_1065 = tpu.vector_load %arg10[%swap3A_1062, %swap3A_1063, %swap3A_1064] {strides = array<i32>} : memref<2x4x128xf32, #tpu.memory_space<vmem>>, vector<1x1x16xf32>,
    %swap3A_1066 = vector.shape_cast %swap3A_1065 : vector<1x1x16xf32> to vector<16xf32>
    %swap3A_1067 = vector.shape_cast %scan3A_922#17 : vector<16xf32> to vector<1x1x16xf32>
    tpu.vector_store %arg10[%swap3A_1062, %swap3A_1063, %swap3A_1064], %swap3A_1067 {strides = array<i32>} : memref<2x4x128xf32, #tpu.memory_space<vmem>>, vector<1x1x16xf32>,
    %swap3A_1068 = arith.constant 0 : i32
    %swap3A_1069 = arith.constant 2 : i32
    %swap3A_1070 = arith.index_cast %swap3A_1068 : i32 to index
    %swap3A_1071 = arith.index_cast %swap3A_1069 : i32 to index
    %swap3A_1072 = arith.constant 32 : index
    %swap3A_1073 = tpu.vector_load %arg10[%swap3A_1070, %swap3A_1071, %swap3A_1072] {strides = array<i32>} : memref<2x4x128xf32, #tpu.memory_space<vmem>>, vector<1x1x16xf32>,
    %swap3A_1074 = vector.shape_cast %swap3A_1073 : vector<1x1x16xf32> to vector<16xf32>
    %swap3A_1075 = vector.shape_cast %scan3A_922#18 : vector<16xf32> to vector<1x1x16xf32>
    tpu.vector_store %arg10[%swap3A_1070, %swap3A_1071, %swap3A_1072], %swap3A_1075 {strides = array<i32>} : memref<2x4x128xf32, #tpu.memory_space<vmem>>, vector<1x1x16xf32>,
    %swap3A_1076 = arith.constant 0 : i32
    %swap3A_1077 = arith.constant 2 : i32
    %swap3A_1078 = arith.index_cast %swap3A_1076 : i32 to index
    %swap3A_1079 = arith.index_cast %swap3A_1077 : i32 to index
    %swap3A_1080 = arith.constant 48 : index
    %swap3A_1081 = tpu.vector_load %arg10[%swap3A_1078, %swap3A_1079, %swap3A_1080] {strides = array<i32>} : memref<2x4x128xf32, #tpu.memory_space<vmem>>, vector<1x1x16xf32>,
    %swap3A_1082 = vector.shape_cast %swap3A_1081 : vector<1x1x16xf32> to vector<16xf32>
    %swap3A_1083 = vector.shape_cast %scan3A_922#19 : vector<16xf32> to vector<1x1x16xf32>
    tpu.vector_store %arg10[%swap3A_1078, %swap3A_1079, %swap3A_1080], %swap3A_1083 {strides = array<i32>} : memref<2x4x128xf32, #tpu.memory_space<vmem>>, vector<1x1x16xf32>,
    %swap3A_1084 = arith.constant 0 : i32
    %swap3A_1085 = arith.constant 2 : i32
    %swap3A_1086 = arith.index_cast %swap3A_1084 : i32 to index
    %swap3A_1087 = arith.index_cast %swap3A_1085 : i32 to index
    %swap3A_1088 = arith.constant 64 : index
    %swap3A_1089 = tpu.vector_load %arg10[%swap3A_1086, %swap3A_1087, %swap3A_1088] {strides = array<i32>} : memref<2x4x128xf32, #tpu.memory_space<vmem>>, vector<1x1x16xf32>,
    %swap3A_1090 = vector.shape_cast %swap3A_1089 : vector<1x1x16xf32> to vector<16xf32>
    %swap3A_1091 = vector.shape_cast %scan3A_922#20 : vector<16xf32> to vector<1x1x16xf32>
    tpu.vector_store %arg10[%swap3A_1086, %swap3A_1087, %swap3A_1088], %swap3A_1091 {strides = array<i32>} : memref<2x4x128xf32, #tpu.memory_space<vmem>>, vector<1x1x16xf32>,
    %swap3A_1092 = arith.constant 0 : i32
    %swap3A_1093 = arith.constant 2 : i32
    %swap3A_1094 = arith.index_cast %swap3A_1092 : i32 to index
    %swap3A_1095 = arith.index_cast %swap3A_1093 : i32 to index
    %swap3A_1096 = arith.constant 80 : index
    %swap3A_1097 = tpu.vector_load %arg10[%swap3A_1094, %swap3A_1095, %swap3A_1096] {strides = array<i32>} : memref<2x4x128xf32, #tpu.memory_space<vmem>>, vector<1x1x16xf32>,
    %swap3A_1098 = vector.shape_cast %swap3A_1097 : vector<1x1x16xf32> to vector<16xf32>
    %swap3A_1099 = vector.shape_cast %scan3A_922#21 : vector<16xf32> to vector<1x1x16xf32>
    tpu.vector_store %arg10[%swap3A_1094, %swap3A_1095, %swap3A_1096], %swap3A_1099 {strides = array<i32>} : memref<2x4x128xf32, #tpu.memory_space<vmem>>, vector<1x1x16xf32>,
    %swap3A_1100 = arith.constant 0 : i32
    %swap3A_1101 = arith.constant 2 : i32
    %swap3A_1102 = arith.index_cast %swap3A_1100 : i32 to index
    %swap3A_1103 = arith.index_cast %swap3A_1101 : i32 to index
    %swap3A_1104 = arith.constant 96 : index
    %swap3A_1105 = tpu.vector_load %arg10[%swap3A_1102, %swap3A_1103, %swap3A_1104] {strides = array<i32>} : memref<2x4x128xf32, #tpu.memory_space<vmem>>, vector<1x1x16xf32>,
    %swap3A_1106 = vector.shape_cast %swap3A_1105 : vector<1x1x16xf32> to vector<16xf32>
    %swap3A_1107 = vector.shape_cast %scan3A_922#22 : vector<16xf32> to vector<1x1x16xf32>
    tpu.vector_store %arg10[%swap3A_1102, %swap3A_1103, %swap3A_1104], %swap3A_1107 {strides = array<i32>} : memref<2x4x128xf32, #tpu.memory_space<vmem>>, vector<1x1x16xf32>,
    %swap3A_1108 = arith.constant 0 : i32
    %swap3A_1109 = arith.constant 2 : i32
    %swap3A_1110 = arith.index_cast %swap3A_1108 : i32 to index
    %swap3A_1111 = arith.index_cast %swap3A_1109 : i32 to index
    %swap3A_1112 = arith.constant 112 : index
    %swap3A_1113 = tpu.vector_load %arg10[%swap3A_1110, %swap3A_1111, %swap3A_1112] {strides = array<i32>} : memref<2x4x128xf32, #tpu.memory_space<vmem>>, vector<1x1x16xf32>,
    %swap3A_1114 = vector.shape_cast %swap3A_1113 : vector<1x1x16xf32> to vector<16xf32>
    %swap3A_1115 = vector.shape_cast %scan3A_922#23 : vector<16xf32> to vector<1x1x16xf32>
    tpu.vector_store %arg10[%swap3A_1110, %swap3A_1111, %swap3A_1112], %swap3A_1115 {strides = array<i32>} : memref<2x4x128xf32, #tpu.memory_space<vmem>>, vector<1x1x16xf32>,
    %swap3A_1116 = arith.constant 0 : i32
    %swap3A_1117 = arith.constant 3 : i32
    %swap3A_1118 = arith.index_cast %swap3A_1116 : i32 to index
    %swap3A_1119 = arith.index_cast %swap3A_1117 : i32 to index
    %swap3A_1120 = arith.constant 0 : index
    %swap3A_1121 = tpu.vector_load %arg10[%swap3A_1118, %swap3A_1119, %swap3A_1120] {strides = array<i32>} : memref<2x4x128xf32, #tpu.memory_space<vmem>>, vector<1x1x16xf32>,
    %swap3A_1122 = vector.shape_cast %swap3A_1121 : vector<1x1x16xf32> to vector<16xf32>
    %swap3A_1123 = vector.shape_cast %scan3A_922#24 : vector<16xf32> to vector<1x1x16xf32>
    tpu.vector_store %arg10[%swap3A_1118, %swap3A_1119, %swap3A_1120], %swap3A_1123 {strides = array<i32>} : memref<2x4x128xf32, #tpu.memory_space<vmem>>, vector<1x1x16xf32>,
    %swap3A_1124 = arith.constant 0 : i32
    %swap3A_1125 = arith.constant 3 : i32
    %swap3A_1126 = arith.index_cast %swap3A_1124 : i32 to index
    %swap3A_1127 = arith.index_cast %swap3A_1125 : i32 to index
    %swap3A_1128 = arith.constant 16 : index
    %swap3A_1129 = tpu.vector_load %arg10[%swap3A_1126, %swap3A_1127, %swap3A_1128] {strides = array<i32>} : memref<2x4x128xf32, #tpu.memory_space<vmem>>, vector<1x1x16xf32>,
    %swap3A_1130 = vector.shape_cast %swap3A_1129 : vector<1x1x16xf32> to vector<16xf32>
    %swap3A_1131 = vector.shape_cast %scan3A_922#25 : vector<16xf32> to vector<1x1x16xf32>
    tpu.vector_store %arg10[%swap3A_1126, %swap3A_1127, %swap3A_1128], %swap3A_1131 {strides = array<i32>} : memref<2x4x128xf32, #tpu.memory_space<vmem>>, vector<1x1x16xf32>,
    %swap3A_1132 = arith.constant 0 : i32
    %swap3A_1133 = arith.constant 3 : i32
    %swap3A_1134 = arith.index_cast %swap3A_1132 : i32 to index
    %swap3A_1135 = arith.index_cast %swap3A_1133 : i32 to index
    %swap3A_1136 = arith.constant 32 : index
    %swap3A_1137 = tpu.vector_load %arg10[%swap3A_1134, %swap3A_1135, %swap3A_1136] {strides = array<i32>} : memref<2x4x128xf32, #tpu.memory_space<vmem>>, vector<1x1x16xf32>,
    %swap3A_1138 = vector.shape_cast %swap3A_1137 : vector<1x1x16xf32> to vector<16xf32>
    %swap3A_1139 = vector.shape_cast %scan3A_922#26 : vector<16xf32> to vector<1x1x16xf32>
    tpu.vector_store %arg10[%swap3A_1134, %swap3A_1135, %swap3A_1136], %swap3A_1139 {strides = array<i32>} : memref<2x4x128xf32, #tpu.memory_space<vmem>>, vector<1x1x16xf32>,
    %swap3A_1140 = arith.constant 0 : i32
    %swap3A_1141 = arith.constant 3 : i32
    %swap3A_1142 = arith.index_cast %swap3A_1140 : i32 to index
    %swap3A_1143 = arith.index_cast %swap3A_1141 : i32 to index
    %swap3A_1144 = arith.constant 48 : index
    %swap3A_1145 = tpu.vector_load %arg10[%swap3A_1142, %swap3A_1143, %swap3A_1144] {strides = array<i32>} : memref<2x4x128xf32, #tpu.memory_space<vmem>>, vector<1x1x16xf32>,
    %swap3A_1146 = vector.shape_cast %swap3A_1145 : vector<1x1x16xf32> to vector<16xf32>
    %swap3A_1147 = vector.shape_cast %scan3A_922#27 : vector<16xf32> to vector<1x1x16xf32>
    tpu.vector_store %arg10[%swap3A_1142, %swap3A_1143, %swap3A_1144], %swap3A_1147 {strides = array<i32>} : memref<2x4x128xf32, #tpu.memory_space<vmem>>, vector<1x1x16xf32>,
    %swap3A_1148 = arith.constant 0 : i32
    %swap3A_1149 = arith.constant 3 : i32
    %swap3A_1150 = arith.index_cast %swap3A_1148 : i32 to index
    %swap3A_1151 = arith.index_cast %swap3A_1149 : i32 to index
    %swap3A_1152 = arith.constant 64 : index
    %swap3A_1153 = tpu.vector_load %arg10[%swap3A_1150, %swap3A_1151, %swap3A_1152] {strides = array<i32>} : memref<2x4x128xf32, #tpu.memory_space<vmem>>, vector<1x1x16xf32>,
    %swap3A_1154 = vector.shape_cast %swap3A_1153 : vector<1x1x16xf32> to vector<16xf32>
    %swap3A_1155 = vector.shape_cast %scan3A_922#28 : vector<16xf32> to vector<1x1x16xf32>
    tpu.vector_store %arg10[%swap3A_1150, %swap3A_1151, %swap3A_1152], %swap3A_1155 {strides = array<i32>} : memref<2x4x128xf32, #tpu.memory_space<vmem>>, vector<1x1x16xf32>,
    %swap3A_1156 = arith.constant 0 : i32
    %swap3A_1157 = arith.constant 3 : i32
    %swap3A_1158 = arith.index_cast %swap3A_1156 : i32 to index
    %swap3A_1159 = arith.index_cast %swap3A_1157 : i32 to index
    %swap3A_1160 = arith.constant 80 : index
    %swap3A_1161 = tpu.vector_load %arg10[%swap3A_1158, %swap3A_1159, %swap3A_1160] {strides = array<i32>} : memref<2x4x128xf32, #tpu.memory_space<vmem>>, vector<1x1x16xf32>,
    %swap3A_1162 = vector.shape_cast %swap3A_1161 : vector<1x1x16xf32> to vector<16xf32>
    %swap3A_1163 = vector.shape_cast %scan3A_922#29 : vector<16xf32> to vector<1x1x16xf32>
    tpu.vector_store %arg10[%swap3A_1158, %swap3A_1159, %swap3A_1160], %swap3A_1163 {strides = array<i32>} : memref<2x4x128xf32, #tpu.memory_space<vmem>>, vector<1x1x16xf32>,
    %swap3A_1164 = arith.constant 0 : i32
    %swap3A_1165 = arith.constant 3 : i32
    %swap3A_1166 = arith.index_cast %swap3A_1164 : i32 to index
    %swap3A_1167 = arith.index_cast %swap3A_1165 : i32 to index
    %swap3A_1168 = arith.constant 96 : index
    %swap3A_1169 = tpu.vector_load %arg10[%swap3A_1166, %swap3A_1167, %swap3A_1168] {strides = array<i32>} : memref<2x4x128xf32, #tpu.memory_space<vmem>>, vector<1x1x16xf32>,
    %swap3A_1170 = vector.shape_cast %swap3A_1169 : vector<1x1x16xf32> to vector<16xf32>
    %swap3A_1171 = vector.shape_cast %scan3A_922#30 : vector<16xf32> to vector<1x1x16xf32>
    tpu.vector_store %arg10[%swap3A_1166, %swap3A_1167, %swap3A_1168], %swap3A_1171 {strides = array<i32>} : memref<2x4x128xf32, #tpu.memory_space<vmem>>, vector<1x1x16xf32>,
    %swap3A_1172 = arith.constant 0 : i32
    %swap3A_1173 = arith.constant 3 : i32
    %swap3A_1174 = arith.index_cast %swap3A_1172 : i32 to index
    %swap3A_1175 = arith.index_cast %swap3A_1173 : i32 to index
    %swap3A_1176 = arith.constant 112 : index
    %swap3A_1177 = tpu.vector_load %arg10[%swap3A_1174, %swap3A_1175, %swap3A_1176] {strides = array<i32>} : memref<2x4x128xf32, #tpu.memory_space<vmem>>, vector<1x1x16xf32>,
    %swap3A_1178 = vector.shape_cast %swap3A_1177 : vector<1x1x16xf32> to vector<16xf32>
    %swap3A_1179 = vector.shape_cast %scan3A_922#31 : vector<16xf32> to vector<1x1x16xf32>
    tpu.vector_store %arg10[%swap3A_1174, %swap3A_1175, %swap3A_1176], %swap3A_1179 {strides = array<i32>} : memref<2x4x128xf32, #tpu.memory_space<vmem>>, vector<1x1x16xf32>,
    %add3A_1180 = arith.constant 312 : i32
    %add3A_1181 = arith.addi %mul3A_6, %add3A_1180 : i32
    %min3A_1182 = arith.constant 9996 : i32
    %min3A_1183 = arith.minsi %add3A_1181, %min3A_1182 : i32
    %dma_start3A_1184 = arith.constant 0 : i32
    %dma_start3A_1185 = arith.constant 0 : i32
    %dma_start3A_1186 = arith.constant 0 : i32
    %dma_start3A_1187 = tpu.memref_slice %arg10[%dma_start3A_1184, %dma_start3A_1185, %dma_start3A_1186] : memref<2x4x128xf32, #tpu.memory_space<vmem>> -> memref<1x4x128xf32, #tpu.memory_space<vmem>>
    %dma_start3A_1188 = tpu.memref_squeeze %dma_start3A_1187 : memref<1x4x128xf32, #tpu.memory_space<vmem>> -> memref<4x128xf32, #tpu.memory_space<vmem>>
    %dma_start3A_1189 = arith.constant 0 : i32
    %dma_start3A_1190 = tpu.memref_slice %arg5[%min3A_1183, %dma_start3A_1189] : memref<10000x128xf32, #tpu.memory_space<hbm>> -> memref<4x128xf32, #tpu.memory_space<hbm>>
    %dma_start3A_1191 = arith.constant 0 : i32
    %dma_start3A_1192 = tpu.memref_slice %arg5[%min3A_1183, %dma_start3A_1191] : memref<10000x128xf32, #tpu.memory_space<hbm>> -> memref<4x128xf32, #tpu.memory_space<hbm>>
    %dma_start3A_1193 = arith.constant 0 : i32
    %dma_start3A_1194 = arith.constant 0 : i32
    %dma_start3A_1195 = tpu.memref_slice %arg10[%dma_start3A_1184, %dma_start3A_1193, %dma_start3A_1194] : memref<2x4x128xf32, #tpu.memory_space<vmem>> -> memref<1x4x128xf32, #tpu.memory_space<vmem>>
    %dma_start3A_1196 = tpu.memref_squeeze %dma_start3A_1195 : memref<1x4x128xf32, #tpu.memory_space<vmem>> -> memref<4x128xf32, #tpu.memory_space<vmem>>
    tpu.enqueue_dma source(%dma_start3A_1196 : memref<4x128xf32, #tpu.memory_space<vmem>>) target(%dma_start3A_1192 : memref<4x128xf32, #tpu.memory_space<hbm>>) target_semaphore(%arg17 : memref<!tpu.dma_semaphore, #tpu.memory_space<semaphore_mem>>)
    %dma_wait3A_1197 = arith.constant 1 : i32
    %dma_wait3A_1198 = arith.constant 1 : i32
    %dma_wait3A_1199 = arith.constant 0 : i32
    %dma_wait3A_1200 = arith.constant 0 : i32
    %dma_wait3A_1201 = tpu.memref_slice %arg8[%dma_wait3A_1198, %dma_wait3A_1199, %dma_wait3A_1200] : memref<2x128x64xi32, #tpu.memory_space<vmem>> -> memref<1x128x64xi32, #tpu.memory_space<vmem>>
    %dma_wait3A_1202 = tpu.memref_squeeze %dma_wait3A_1201 : memref<1x128x64xi32, #tpu.memory_space<vmem>> -> memref<128x64xi32, #tpu.memory_space<vmem>>
    %dma_wait3A_1203 = arith.constant 0 : i32
    %dma_wait3A_1204 = tpu.memref_slice %arg7[%dma_wait3A_1197, %dma_wait3A_1203] : memref<2x128xi32, #tpu.memory_space<vmem>> -> memref<1x128xi32, #tpu.memory_space<vmem>>
    %dma_wait3A_1205 = tpu.memref_squeeze %dma_wait3A_1204 : memref<1x128xi32, #tpu.memory_space<vmem>> -> memref<128xi32, #tpu.memory_space<vmem>>
    %dma_wait3A_1206 = arith.constant 0 : i32
    %dma_wait3A_1207 = arith.constant 0 : i32
    %dma_wait3A_1208 = tpu.memref_slice %arg6[%dma_wait3A_1206, %dma_wait3A_1207] : memref<10240x64xi32, #tpu.memory_space<vmem_shared>> -> memref<10240x64xi32, #tpu.memory_space<vmem_shared>>
    tpu.wait_indirect_dma semaphore(%arg14 : memref<!tpu.dma_semaphore, #tpu.memory_space<semaphore_mem>>) src(%dma_wait3A_1208 : memref<10240x64xi32, #tpu.memory_space<vmem_shared>>) dst(%dma_wait3A_1202 : memref<128x64xi32, #tpu.memory_space<vmem>>)
    %add3A_1209 = arith.constant 316 : i32
    %add3A_1210 = arith.addi %mul3A_6, %add3A_1209 : i32
    %min3A_1211 = arith.constant 9996 : i32
    %min3A_1212 = arith.minsi %add3A_1210, %min3A_1211 : i32
    %dma_wait3A_1213 = arith.constant 1 : i32
    %dma_wait3A_1214 = arith.constant 0 : i32
    %dma_wait3A_1215 = arith.constant 0 : i32
    %dma_wait3A_1216 = tpu.memref_slice %arg9[%dma_wait3A_1213, %dma_wait3A_1214, %dma_wait3A_1215] : memref<2x4x512xf32, #tpu.memory_space<vmem>> -> memref<1x4x512xf32, #tpu.memory_space<vmem>>
    %dma_wait3A_1217 = tpu.memref_squeeze %dma_wait3A_1216 : memref<1x4x512xf32, #tpu.memory_space<vmem>> -> memref<4x512xf32, #tpu.memory_space<vmem>>
    %dma_wait3A_1218 = arith.constant 0 : i32
    %dma_wait3A_1219 = tpu.memref_slice %arg3[%min3A_1212, %dma_wait3A_1218] : memref<10000x512xf32, #tpu.memory_space<hbm>> -> memref<4x512xf32, #tpu.memory_space<hbm>>
    %dma_wait3A_1220 = arith.constant 0 : i32
    %dma_wait3A_1221 = arith.constant 0 : i32
    %dma_wait3A_1222 = tpu.memref_slice %arg9[%dma_wait3A_1213, %dma_wait3A_1220, %dma_wait3A_1221] : memref<2x4x512xf32, #tpu.memory_space<vmem>> -> memref<1x4x512xf32, #tpu.memory_space<vmem>>
    %dma_wait3A_1223 = tpu.memref_squeeze %dma_wait3A_1222 : memref<1x4x512xf32, #tpu.memory_space<vmem>> -> memref<4x512xf32, #tpu.memory_space<vmem>>
    %dma_wait3A_1224 = arith.constant 0 : i32
    %dma_wait3A_1225 = tpu.memref_slice %arg3[%min3A_1212, %dma_wait3A_1224] : memref<10000x512xf32, #tpu.memory_space<hbm>> -> memref<4x512xf32, #tpu.memory_space<hbm>>
    tpu.wait_dma2 semaphore(%arg16 : memref<!tpu.dma_semaphore, #tpu.memory_space<semaphore_mem>>) src(%dma_wait3A_1225 : memref<4x512xf32, #tpu.memory_space<hbm>>) dst(%dma_wait3A_1223 : memref<4x512xf32, #tpu.memory_space<vmem>>)
    %add3A_1226 = arith.constant 316 : i32
    %add3A_1227 = arith.addi %mul3A_6, %add3A_1226 : i32
    %min3A_1228 = arith.constant 9996 : i32
    %min3A_1229 = arith.minsi %add3A_1227, %min3A_1228 : i32
    %dma_wait3A_1230 = arith.constant 1 : i32
    %dma_wait3A_1231 = arith.constant 0 : i32
    %dma_wait3A_1232 = arith.constant 0 : i32
    %dma_wait3A_1233 = tpu.memref_slice %arg10[%dma_wait3A_1230, %dma_wait3A_1231, %dma_wait3A_1232] : memref<2x4x128xf32, #tpu.memory_space<vmem>> -> memref<1x4x128xf32, #tpu.memory_space<vmem>>
    %dma_wait3A_1234 = tpu.memref_squeeze %dma_wait3A_1233 : memref<1x4x128xf32, #tpu.memory_space<vmem>> -> memref<4x128xf32, #tpu.memory_space<vmem>>
    %dma_wait3A_1235 = arith.constant 0 : i32
    %dma_wait3A_1236 = tpu.memref_slice %arg5[%min3A_1229, %dma_wait3A_1235] : memref<10000x128xf32, #tpu.memory_space<hbm>> -> memref<4x128xf32, #tpu.memory_space<hbm>>
    %dma_wait3A_1237 = arith.constant 0 : i32
    %dma_wait3A_1238 = tpu.memref_slice %arg5[%min3A_1229, %dma_wait3A_1237] : memref<10000x128xf32, #tpu.memory_space<hbm>> -> memref<4x128xf32, #tpu.memory_space<hbm>>
    %dma_wait3A_1239 = arith.constant 0 : i32
    %dma_wait3A_1240 = arith.constant 0 : i32
    %dma_wait3A_1241 = tpu.memref_slice %arg10[%dma_wait3A_1230, %dma_wait3A_1239, %dma_wait3A_1240] : memref<2x4x128xf32, #tpu.memory_space<vmem>> -> memref<1x4x128xf32, #tpu.memory_space<vmem>>
    %dma_wait3A_1242 = tpu.memref_squeeze %dma_wait3A_1241 : memref<1x4x128xf32, #tpu.memory_space<vmem>> -> memref<4x128xf32, #tpu.memory_space<vmem>>
    tpu.wait_dma2 semaphore(%arg18 : memref<!tpu.dma_semaphore, #tpu.memory_space<semaphore_mem>>) src(%dma_wait3A_1242 : memref<4x128xf32, #tpu.memory_space<vmem>>) dst(%dma_wait3A_1238 : memref<4x128xf32, #tpu.memory_space<hbm>>)
    %broadcast_in_dim3A_1243 = arith.constant 0.000000e+00 : f32
    %broadcast_in_dim3A_1244 = vector.broadcast %broadcast_in_dim3A_1243 : f32 to vector<16xf32>
    %scan3A_1245 = arith.constant 0 : i32
    %scan3A_1246 = arith.constant 32 : i32
    %scan3A_1247 = arith.addi %scan3A_1245, %scan3A_1246 : i32
    %scan3A_1248 = arith.constant 1 : i32
    %scan3A_1249:32 = scf.for %scan3A_1558 = %scan3A_1245 to %scan3A_1247 step %scan3A_1248 iter_args(%scan3A_1559 = %broadcast_in_dim3A_1244, %scan3A_1560 = %broadcast_in_dim3A_1244, %scan3A_1561 = %broadcast_in_dim3A_1244, %scan3A_1562 = %broadcast_in_dim3A_1244, %scan3A_1563 = %broadcast_in_dim3A_1244, %scan3A_1564 = %broadcast_in_dim3A_1244, %scan3A_1565 = %broadcast_in_dim3A_1244, %scan3A_1566 = %broadcast_in_dim3A_1244, %scan3A_1567 = %broadcast_in_dim3A_1244, %scan3A_1568 = %broadcast_in_dim3A_1244, %scan3A_1569 = %broadcast_in_dim3A_1244, %scan3A_1570 = %broadcast_in_dim3A_1244, %scan3A_1571 = %broadcast_in_dim3A_1244, %scan3A_1572 = %broadcast_in_dim3A_1244, %scan3A_1573 = %broadcast_in_dim3A_1244, %scan3A_1574 = %broadcast_in_dim3A_1244, %scan3A_1575 = %broadcast_in_dim3A_1244, %scan3A_1576 = %broadcast_in_dim3A_1244, %scan3A_1577 = %broadcast_in_dim3A_1244, %scan3A_1578 = %broadcast_in_dim3A_1244, %scan3A_1579 = %broadcast_in_dim3A_1244, %scan3A_1580 = %broadcast_in_dim3A_1244, %scan3A_1581 = %broadcast_in_dim3A_1244, %scan3A_1582 = %broadcast_in_dim3A_1244, %scan3A_1583 = %broadcast_in_dim3A_1244, %scan3A_1584 = %broadcast_in_dim3A_1244, %scan3A_1585 = %broadcast_in_dim3A_1244, %scan3A_1586 = %broadcast_in_dim3A_1244, %scan3A_1587 = %broadcast_in_dim3A_1244, %scan3A_1588 = %broadcast_in_dim3A_1244, %scan3A_1589 = %broadcast_in_dim3A_1244, %scan3A_1590 = %broadcast_in_dim3A_1244) -> (vector<16xf32>, vector<16xf32>, vector<16xf32>, vector<16xf32>, vector<16xf32>, vector<16xf32>, vector<16xf32>, vector<16xf32>, vector<16xf32>, vector<16xf32>, vector<16xf32>, vector<16xf32>, vector<16xf32>, vector<16xf32>, vector<16xf32>, vector<16xf32>, vector<16xf32>, vector<16xf32>, vector<16xf32>, vector<16xf32>, vector<16xf32>, vector<16xf32>, vector<16xf32>, vector<16xf32>, vector<16xf32>, vector<16xf32>, vector<16xf32>, vector<16xf32>, vector<16xf32>, vector<16xf32>, vector<16xf32>, vector<16xf32>)  : i32 {
      %add3A_1591 = arith.constant 0 : i32
      %add3A_1592 = arith.addi %add3A_1591, %scan3A_1558 : i32
      %mul3A_1593 = arith.constant 16 : i32
      %mul3A_1594 = arith.muli %scan3A_1558, %mul3A_1593 : i32
      %get3A = arith.constant 1 : i32
      %get3A_1595 = arith.constant 0 : i32
      %get3A_1596 = arith.index_cast %get3A : i32 to index
      %get3A_1597 = arith.index_cast %get3A_1595 : i32 to index
      %get3A_1598 = arith.index_cast %mul3A_1594 : i32 to index
      %get3A_1599 = tpu.vector_load %arg9[%get3A_1596, %get3A_1597, %get3A_1598] {strides = array<i32>} : memref<2x4x512xf32, #tpu.memory_space<vmem>>, vector<1x1x16xf32>,
      %get3A_1600 = vector.shape_cast %get3A_1599 : vector<1x1x16xf32> to vector<16xf32>
      %get3A_1601 = arith.constant 1 : i32
      %get3A_1602 = arith.index_cast %get3A_1601 : i32 to index
      %get3A_1603 = arith.index_cast %add3A_1592 : i32 to index
      %get3A_1604 = arith.constant 0 : index
      %get3A_1605 = tpu.vector_load %arg8[%get3A_1602, %get3A_1603, %get3A_1604] {strides = array<i32>} : memref<2x128x64xi32, #tpu.memory_space<vmem>>, vector<1x1x16xi32>,
      %get3A_1606 = vector.shape_cast %get3A_1605 : vector<1x1x16xi32> to vector<16xi32>
      %shift_left3A = arith.constant 16 : i32
      %shift_left3A_1607 = vector.broadcast %shift_left3A : i32 to vector<16xi32>
      %shift_left3A_1608 = arith.shli %get3A_1606, %shift_left3A_1607 : vector<16xi32>
      %bitcast_convert_type3A = tpu.bitcast %shift_left3A_1608 : vector<16xi32> -> vector<16xf32>
      %bitcast_convert_type3A_1609 = tpu.bitcast %get3A_1606 : vector<16xi32> -> vector<16xf32>
      %mul3A_1610 = arith.mulf %bitcast_convert_type3A, %get3A_1600 : vector<16xf32>
      %add3A_1611 = arith.addf %scan3A_1559, %mul3A_1610 : vector<16xf32>
      %mul3A_1612 = arith.mulf %bitcast_convert_type3A_1609, %get3A_1600 : vector<16xf32>
      %add3A_1613 = arith.addf %scan3A_1560, %mul3A_1612 : vector<16xf32>
      %get3A_1614 = arith.constant 1 : i32
      %get3A_1615 = arith.index_cast %get3A_1614 : i32 to index
      %get3A_1616 = arith.index_cast %add3A_1592 : i32 to index
      %get3A_1617 = arith.constant 16 : index
      %get3A_1618 = tpu.vector_load %arg8[%get3A_1615, %get3A_1616, %get3A_1617] {strides = array<i32>} : memref<2x128x64xi32, #tpu.memory_space<vmem>>, vector<1x1x16xi32>,
      %get3A_1619 = vector.shape_cast %get3A_1618 : vector<1x1x16xi32> to vector<16xi32>
      %shift_left3A_1620 = arith.constant 16 : i32
      %shift_left3A_1621 = vector.broadcast %shift_left3A_1620 : i32 to vector<16xi32>
      %shift_left3A_1622 = arith.shli %get3A_1619, %shift_left3A_1621 : vector<16xi32>
      %bitcast_convert_type3A_1623 = tpu.bitcast %shift_left3A_1622 : vector<16xi32> -> vector<16xf32>
      %bitcast_convert_type3A_1624 = tpu.bitcast %get3A_1619 : vector<16xi32> -> vector<16xf32>
      %mul3A_1625 = arith.mulf %bitcast_convert_type3A_1623, %get3A_1600 : vector<16xf32>
      %add3A_1626 = arith.addf %scan3A_1561, %mul3A_1625 : vector<16xf32>
      %mul3A_1627 = arith.mulf %bitcast_convert_type3A_1624, %get3A_1600 : vector<16xf32>
      %add3A_1628 = arith.addf %scan3A_1562, %mul3A_1627 : vector<16xf32>
      %get3A_1629 = arith.constant 1 : i32
      %get3A_1630 = arith.index_cast %get3A_1629 : i32 to index
      %get3A_1631 = arith.index_cast %add3A_1592 : i32 to index
      %get3A_1632 = arith.constant 32 : index
      %get3A_1633 = tpu.vector_load %arg8[%get3A_1630, %get3A_1631, %get3A_1632] {strides = array<i32>} : memref<2x128x64xi32, #tpu.memory_space<vmem>>, vector<1x1x16xi32>,
      %get3A_1634 = vector.shape_cast %get3A_1633 : vector<1x1x16xi32> to vector<16xi32>
      %shift_left3A_1635 = arith.constant 16 : i32
      %shift_left3A_1636 = vector.broadcast %shift_left3A_1635 : i32 to vector<16xi32>
      %shift_left3A_1637 = arith.shli %get3A_1634, %shift_left3A_1636 : vector<16xi32>
      %bitcast_convert_type3A_1638 = tpu.bitcast %shift_left3A_1637 : vector<16xi32> -> vector<16xf32>
      %bitcast_convert_type3A_1639 = tpu.bitcast %get3A_1634 : vector<16xi32> -> vector<16xf32>
      %mul3A_1640 = arith.mulf %bitcast_convert_type3A_1638, %get3A_1600 : vector<16xf32>
      %add3A_1641 = arith.addf %scan3A_1563, %mul3A_1640 : vector<16xf32>
      %mul3A_1642 = arith.mulf %bitcast_convert_type3A_1639, %get3A_1600 : vector<16xf32>
      %add3A_1643 = arith.addf %scan3A_1564, %mul3A_1642 : vector<16xf32>
      %get3A_1644 = arith.constant 1 : i32
      %get3A_1645 = arith.index_cast %get3A_1644 : i32 to index
      %get3A_1646 = arith.index_cast %add3A_1592 : i32 to index
      %get3A_1647 = arith.constant 48 : index
      %get3A_1648 = tpu.vector_load %arg8[%get3A_1645, %get3A_1646, %get3A_1647] {strides = array<i32>} : memref<2x128x64xi32, #tpu.memory_space<vmem>>, vector<1x1x16xi32>,
      %get3A_1649 = vector.shape_cast %get3A_1648 : vector<1x1x16xi32> to vector<16xi32>
      %shift_left3A_1650 = arith.constant 16 : i32
      %shift_left3A_1651 = vector.broadcast %shift_left3A_1650 : i32 to vector<16xi32>
      %shift_left3A_1652 = arith.shli %get3A_1649, %shift_left3A_1651 : vector<16xi32>
      %bitcast_convert_type3A_1653 = tpu.bitcast %shift_left3A_1652 : vector<16xi32> -> vector<16xf32>
      %bitcast_convert_type3A_1654 = tpu.bitcast %get3A_1649 : vector<16xi32> -> vector<16xf32>
      %mul3A_1655 = arith.mulf %bitcast_convert_type3A_1653, %get3A_1600 : vector<16xf32>
      %add3A_1656 = arith.addf %scan3A_1565, %mul3A_1655 : vector<16xf32>
      %mul3A_1657 = arith.mulf %bitcast_convert_type3A_1654, %get3A_1600 : vector<16xf32>
      %add3A_1658 = arith.addf %scan3A_1566, %mul3A_1657 : vector<16xf32>
      %add3A_1659 = arith.constant 32 : i32
      %add3A_1660 = arith.addi %add3A_1659, %scan3A_1558 : i32
      %mul3A_1661 = arith.constant 16 : i32
      %mul3A_1662 = arith.muli %scan3A_1558, %mul3A_1661 : i32
      %get3A_1663 = arith.constant 1 : i32
      %get3A_1664 = arith.constant 1 : i32
      %get3A_1665 = arith.index_cast %get3A_1663 : i32 to index
      %get3A_1666 = arith.index_cast %get3A_1664 : i32 to index
      %get3A_1667 = arith.index_cast %mul3A_1662 : i32 to index
      %get3A_1668 = tpu.vector_load %arg9[%get3A_1665, %get3A_1666, %get3A_1667] {strides = array<i32>} : memref<2x4x512xf32, #tpu.memory_space<vmem>>, vector<1x1x16xf32>,
      %get3A_1669 = vector.shape_cast %get3A_1668 : vector<1x1x16xf32> to vector<16xf32>
      %get3A_1670 = arith.constant 1 : i32
      %get3A_1671 = arith.index_cast %get3A_1670 : i32 to index
      %get3A_1672 = arith.index_cast %add3A_1660 : i32 to index
      %get3A_1673 = arith.constant 0 : index
      %get3A_1674 = tpu.vector_load %arg8[%get3A_1671, %get3A_1672, %get3A_1673] {strides = array<i32>} : memref<2x128x64xi32, #tpu.memory_space<vmem>>, vector<1x1x16xi32>,
      %get3A_1675 = vector.shape_cast %get3A_1674 : vector<1x1x16xi32> to vector<16xi32>
      %shift_left3A_1676 = arith.constant 16 : i32
      %shift_left3A_1677 = vector.broadcast %shift_left3A_1676 : i32 to vector<16xi32>
      %shift_left3A_1678 = arith.shli %get3A_1675, %shift_left3A_1677 : vector<16xi32>
      %bitcast_convert_type3A_1679 = tpu.bitcast %shift_left3A_1678 : vector<16xi32> -> vector<16xf32>
      %bitcast_convert_type3A_1680 = tpu.bitcast %get3A_1675 : vector<16xi32> -> vector<16xf32>
      %mul3A_1681 = arith.mulf %bitcast_convert_type3A_1679, %get3A_1669 : vector<16xf32>
      %add3A_1682 = arith.addf %scan3A_1567, %mul3A_1681 : vector<16xf32>
      %mul3A_1683 = arith.mulf %bitcast_convert_type3A_1680, %get3A_1669 : vector<16xf32>
      %add3A_1684 = arith.addf %scan3A_1568, %mul3A_1683 : vector<16xf32>
      %get3A_1685 = arith.constant 1 : i32
      %get3A_1686 = arith.index_cast %get3A_1685 : i32 to index
      %get3A_1687 = arith.index_cast %add3A_1660 : i32 to index
      %get3A_1688 = arith.constant 16 : index
      %get3A_1689 = tpu.vector_load %arg8[%get3A_1686, %get3A_1687, %get3A_1688] {strides = array<i32>} : memref<2x128x64xi32, #tpu.memory_space<vmem>>, vector<1x1x16xi32>,
      %get3A_1690 = vector.shape_cast %get3A_1689 : vector<1x1x16xi32> to vector<16xi32>
      %shift_left3A_1691 = arith.constant 16 : i32
      %shift_left3A_1692 = vector.broadcast %shift_left3A_1691 : i32 to vector<16xi32>
      %shift_left3A_1693 = arith.shli %get3A_1690, %shift_left3A_1692 : vector<16xi32>
      %bitcast_convert_type3A_1694 = tpu.bitcast %shift_left3A_1693 : vector<16xi32> -> vector<16xf32>
      %bitcast_convert_type3A_1695 = tpu.bitcast %get3A_1690 : vector<16xi32> -> vector<16xf32>
      %mul3A_1696 = arith.mulf %bitcast_convert_type3A_1694, %get3A_1669 : vector<16xf32>
      %add3A_1697 = arith.addf %scan3A_1569, %mul3A_1696 : vector<16xf32>
      %mul3A_1698 = arith.mulf %bitcast_convert_type3A_1695, %get3A_1669 : vector<16xf32>
      %add3A_1699 = arith.addf %scan3A_1570, %mul3A_1698 : vector<16xf32>
      %get3A_1700 = arith.constant 1 : i32
      %get3A_1701 = arith.index_cast %get3A_1700 : i32 to index
      %get3A_1702 = arith.index_cast %add3A_1660 : i32 to index
      %get3A_1703 = arith.constant 32 : index
      %get3A_1704 = tpu.vector_load %arg8[%get3A_1701, %get3A_1702, %get3A_1703] {strides = array<i32>} : memref<2x128x64xi32, #tpu.memory_space<vmem>>, vector<1x1x16xi32>,
      %get3A_1705 = vector.shape_cast %get3A_1704 : vector<1x1x16xi32> to vector<16xi32>
      %shift_left3A_1706 = arith.constant 16 : i32
      %shift_left3A_1707 = vector.broadcast %shift_left3A_1706 : i32 to vector<16xi32>
      %shift_left3A_1708 = arith.shli %get3A_1705, %shift_left3A_1707 : vector<16xi32>
      %bitcast_convert_type3A_1709 = tpu.bitcast %shift_left3A_1708 : vector<16xi32> -> vector<16xf32>
      %bitcast_convert_type3A_1710 = tpu.bitcast %get3A_1705 : vector<16xi32> -> vector<16xf32>
      %mul3A_1711 = arith.mulf %bitcast_convert_type3A_1709, %get3A_1669 : vector<16xf32>
      %add3A_1712 = arith.addf %scan3A_1571, %mul3A_1711 : vector<16xf32>
      %mul3A_1713 = arith.mulf %bitcast_convert_type3A_1710, %get3A_1669 : vector<16xf32>
      %add3A_1714 = arith.addf %scan3A_1572, %mul3A_1713 : vector<16xf32>
      %get3A_1715 = arith.constant 1 : i32
      %get3A_1716 = arith.index_cast %get3A_1715 : i32 to index
      %get3A_1717 = arith.index_cast %add3A_1660 : i32 to index
      %get3A_1718 = arith.constant 48 : index
      %get3A_1719 = tpu.vector_load %arg8[%get3A_1716, %get3A_1717, %get3A_1718] {strides = array<i32>} : memref<2x128x64xi32, #tpu.memory_space<vmem>>, vector<1x1x16xi32>,
      %get3A_1720 = vector.shape_cast %get3A_1719 : vector<1x1x16xi32> to vector<16xi32>
      %shift_left3A_1721 = arith.constant 16 : i32
      %shift_left3A_1722 = vector.broadcast %shift_left3A_1721 : i32 to vector<16xi32>
      %shift_left3A_1723 = arith.shli %get3A_1720, %shift_left3A_1722 : vector<16xi32>
      %bitcast_convert_type3A_1724 = tpu.bitcast %shift_left3A_1723 : vector<16xi32> -> vector<16xf32>
      %bitcast_convert_type3A_1725 = tpu.bitcast %get3A_1720 : vector<16xi32> -> vector<16xf32>
      %mul3A_1726 = arith.mulf %bitcast_convert_type3A_1724, %get3A_1669 : vector<16xf32>
      %add3A_1727 = arith.addf %scan3A_1573, %mul3A_1726 : vector<16xf32>
      %mul3A_1728 = arith.mulf %bitcast_convert_type3A_1725, %get3A_1669 : vector<16xf32>
      %add3A_1729 = arith.addf %scan3A_1574, %mul3A_1728 : vector<16xf32>
      %add3A_1730 = arith.constant 64 : i32
      %add3A_1731 = arith.addi %add3A_1730, %scan3A_1558 : i32
      %mul3A_1732 = arith.constant 16 : i32
      %mul3A_1733 = arith.muli %scan3A_1558, %mul3A_1732 : i32
      %get3A_1734 = arith.constant 1 : i32
      %get3A_1735 = arith.constant 2 : i32
      %get3A_1736 = arith.index_cast %get3A_1734 : i32 to index
      %get3A_1737 = arith.index_cast %get3A_1735 : i32 to index
      %get3A_1738 = arith.index_cast %mul3A_1733 : i32 to index
      %get3A_1739 = tpu.vector_load %arg9[%get3A_1736, %get3A_1737, %get3A_1738] {strides = array<i32>} : memref<2x4x512xf32, #tpu.memory_space<vmem>>, vector<1x1x16xf32>,
      %get3A_1740 = vector.shape_cast %get3A_1739 : vector<1x1x16xf32> to vector<16xf32>
      %get3A_1741 = arith.constant 1 : i32
      %get3A_1742 = arith.index_cast %get3A_1741 : i32 to index
      %get3A_1743 = arith.index_cast %add3A_1731 : i32 to index
      %get3A_1744 = arith.constant 0 : index
      %get3A_1745 = tpu.vector_load %arg8[%get3A_1742, %get3A_1743, %get3A_1744] {strides = array<i32>} : memref<2x128x64xi32, #tpu.memory_space<vmem>>, vector<1x1x16xi32>,
      %get3A_1746 = vector.shape_cast %get3A_1745 : vector<1x1x16xi32> to vector<16xi32>
      %shift_left3A_1747 = arith.constant 16 : i32
      %shift_left3A_1748 = vector.broadcast %shift_left3A_1747 : i32 to vector<16xi32>
      %shift_left3A_1749 = arith.shli %get3A_1746, %shift_left3A_1748 : vector<16xi32>
      %bitcast_convert_type3A_1750 = tpu.bitcast %shift_left3A_1749 : vector<16xi32> -> vector<16xf32>
      %bitcast_convert_type3A_1751 = tpu.bitcast %get3A_1746 : vector<16xi32> -> vector<16xf32>
      %mul3A_1752 = arith.mulf %bitcast_convert_type3A_1750, %get3A_1740 : vector<16xf32>
      %add3A_1753 = arith.addf %scan3A_1575, %mul3A_1752 : vector<16xf32>
      %mul3A_1754 = arith.mulf %bitcast_convert_type3A_1751, %get3A_1740 : vector<16xf32>
      %add3A_1755 = arith.addf %scan3A_1576, %mul3A_1754 : vector<16xf32>
      %get3A_1756 = arith.constant 1 : i32
      %get3A_1757 = arith.index_cast %get3A_1756 : i32 to index
      %get3A_1758 = arith.index_cast %add3A_1731 : i32 to index
      %get3A_1759 = arith.constant 16 : index
      %get3A_1760 = tpu.vector_load %arg8[%get3A_1757, %get3A_1758, %get3A_1759] {strides = array<i32>} : memref<2x128x64xi32, #tpu.memory_space<vmem>>, vector<1x1x16xi32>,
      %get3A_1761 = vector.shape_cast %get3A_1760 : vector<1x1x16xi32> to vector<16xi32>
      %shift_left3A_1762 = arith.constant 16 : i32
      %shift_left3A_1763 = vector.broadcast %shift_left3A_1762 : i32 to vector<16xi32>
      %shift_left3A_1764 = arith.shli %get3A_1761, %shift_left3A_1763 : vector<16xi32>
      %bitcast_convert_type3A_1765 = tpu.bitcast %shift_left3A_1764 : vector<16xi32> -> vector<16xf32>
      %bitcast_convert_type3A_1766 = tpu.bitcast %get3A_1761 : vector<16xi32> -> vector<16xf32>
      %mul3A_1767 = arith.mulf %bitcast_convert_type3A_1765, %get3A_1740 : vector<16xf32>
      %add3A_1768 = arith.addf %scan3A_1577, %mul3A_1767 : vector<16xf32>
      %mul3A_1769 = arith.mulf %bitcast_convert_type3A_1766, %get3A_1740 : vector<16xf32>
      %add3A_1770 = arith.addf %scan3A_1578, %mul3A_1769 : vector<16xf32>
      %get3A_1771 = arith.constant 1 : i32
      %get3A_1772 = arith.index_cast %get3A_1771 : i32 to index
      %get3A_1773 = arith.index_cast %add3A_1731 : i32 to index
      %get3A_1774 = arith.constant 32 : index
      %get3A_1775 = tpu.vector_load %arg8[%get3A_1772, %get3A_1773, %get3A_1774] {strides = array<i32>} : memref<2x128x64xi32, #tpu.memory_space<vmem>>, vector<1x1x16xi32>,
      %get3A_1776 = vector.shape_cast %get3A_1775 : vector<1x1x16xi32> to vector<16xi32>
      %shift_left3A_1777 = arith.constant 16 : i32
      %shift_left3A_1778 = vector.broadcast %shift_left3A_1777 : i32 to vector<16xi32>
      %shift_left3A_1779 = arith.shli %get3A_1776, %shift_left3A_1778 : vector<16xi32>
      %bitcast_convert_type3A_1780 = tpu.bitcast %shift_left3A_1779 : vector<16xi32> -> vector<16xf32>
      %bitcast_convert_type3A_1781 = tpu.bitcast %get3A_1776 : vector<16xi32> -> vector<16xf32>
      %mul3A_1782 = arith.mulf %bitcast_convert_type3A_1780, %get3A_1740 : vector<16xf32>
      %add3A_1783 = arith.addf %scan3A_1579, %mul3A_1782 : vector<16xf32>
      %mul3A_1784 = arith.mulf %bitcast_convert_type3A_1781, %get3A_1740 : vector<16xf32>
      %add3A_1785 = arith.addf %scan3A_1580, %mul3A_1784 : vector<16xf32>
      %get3A_1786 = arith.constant 1 : i32
      %get3A_1787 = arith.index_cast %get3A_1786 : i32 to index
      %get3A_1788 = arith.index_cast %add3A_1731 : i32 to index
      %get3A_1789 = arith.constant 48 : index
      %get3A_1790 = tpu.vector_load %arg8[%get3A_1787, %get3A_1788, %get3A_1789] {strides = array<i32>} : memref<2x128x64xi32, #tpu.memory_space<vmem>>, vector<1x1x16xi32>,
      %get3A_1791 = vector.shape_cast %get3A_1790 : vector<1x1x16xi32> to vector<16xi32>
      %shift_left3A_1792 = arith.constant 16 : i32
      %shift_left3A_1793 = vector.broadcast %shift_left3A_1792 : i32 to vector<16xi32>
      %shift_left3A_1794 = arith.shli %get3A_1791, %shift_left3A_1793 : vector<16xi32>
      %bitcast_convert_type3A_1795 = tpu.bitcast %shift_left3A_1794 : vector<16xi32> -> vector<16xf32>
      %bitcast_convert_type3A_1796 = tpu.bitcast %get3A_1791 : vector<16xi32> -> vector<16xf32>
      %mul3A_1797 = arith.mulf %bitcast_convert_type3A_1795, %get3A_1740 : vector<16xf32>
      %add3A_1798 = arith.addf %scan3A_1581, %mul3A_1797 : vector<16xf32>
      %mul3A_1799 = arith.mulf %bitcast_convert_type3A_1796, %get3A_1740 : vector<16xf32>
      %add3A_1800 = arith.addf %scan3A_1582, %mul3A_1799 : vector<16xf32>
      %add3A_1801 = arith.constant 96 : i32
      %add3A_1802 = arith.addi %add3A_1801, %scan3A_1558 : i32
      %mul3A_1803 = arith.constant 16 : i32
      %mul3A_1804 = arith.muli %scan3A_1558, %mul3A_1803 : i32
      %get3A_1805 = arith.constant 1 : i32
      %get3A_1806 = arith.constant 3 : i32
      %get3A_1807 = arith.index_cast %get3A_1805 : i32 to index
      %get3A_1808 = arith.index_cast %get3A_1806 : i32 to index
      %get3A_1809 = arith.index_cast %mul3A_1804 : i32 to index
      %get3A_1810 = tpu.vector_load %arg9[%get3A_1807, %get3A_1808, %get3A_1809] {strides = array<i32>} : memref<2x4x512xf32, #tpu.memory_space<vmem>>, vector<1x1x16xf32>,
      %get3A_1811 = vector.shape_cast %get3A_1810 : vector<1x1x16xf32> to vector<16xf32>
      %get3A_1812 = arith.constant 1 : i32
      %get3A_1813 = arith.index_cast %get3A_1812 : i32 to index
      %get3A_1814 = arith.index_cast %add3A_1802 : i32 to index
      %get3A_1815 = arith.constant 0 : index
      %get3A_1816 = tpu.vector_load %arg8[%get3A_1813, %get3A_1814, %get3A_1815] {strides = array<i32>} : memref<2x128x64xi32, #tpu.memory_space<vmem>>, vector<1x1x16xi32>,
      %get3A_1817 = vector.shape_cast %get3A_1816 : vector<1x1x16xi32> to vector<16xi32>
      %shift_left3A_1818 = arith.constant 16 : i32
      %shift_left3A_1819 = vector.broadcast %shift_left3A_1818 : i32 to vector<16xi32>
      %shift_left3A_1820 = arith.shli %get3A_1817, %shift_left3A_1819 : vector<16xi32>
      %bitcast_convert_type3A_1821 = tpu.bitcast %shift_left3A_1820 : vector<16xi32> -> vector<16xf32>
      %bitcast_convert_type3A_1822 = tpu.bitcast %get3A_1817 : vector<16xi32> -> vector<16xf32>
      %mul3A_1823 = arith.mulf %bitcast_convert_type3A_1821, %get3A_1811 : vector<16xf32>
      %add3A_1824 = arith.addf %scan3A_1583, %mul3A_1823 : vector<16xf32>
      %mul3A_1825 = arith.mulf %bitcast_convert_type3A_1822, %get3A_1811 : vector<16xf32>
      %add3A_1826 = arith.addf %scan3A_1584, %mul3A_1825 : vector<16xf32>
      %get3A_1827 = arith.constant 1 : i32
      %get3A_1828 = arith.index_cast %get3A_1827 : i32 to index
      %get3A_1829 = arith.index_cast %add3A_1802 : i32 to index
      %get3A_1830 = arith.constant 16 : index
      %get3A_1831 = tpu.vector_load %arg8[%get3A_1828, %get3A_1829, %get3A_1830] {strides = array<i32>} : memref<2x128x64xi32, #tpu.memory_space<vmem>>, vector<1x1x16xi32>,
      %get3A_1832 = vector.shape_cast %get3A_1831 : vector<1x1x16xi32> to vector<16xi32>
      %shift_left3A_1833 = arith.constant 16 : i32
      %shift_left3A_1834 = vector.broadcast %shift_left3A_1833 : i32 to vector<16xi32>
      %shift_left3A_1835 = arith.shli %get3A_1832, %shift_left3A_1834 : vector<16xi32>
      %bitcast_convert_type3A_1836 = tpu.bitcast %shift_left3A_1835 : vector<16xi32> -> vector<16xf32>
      %bitcast_convert_type3A_1837 = tpu.bitcast %get3A_1832 : vector<16xi32> -> vector<16xf32>
      %mul3A_1838 = arith.mulf %bitcast_convert_type3A_1836, %get3A_1811 : vector<16xf32>
      %add3A_1839 = arith.addf %scan3A_1585, %mul3A_1838 : vector<16xf32>
      %mul3A_1840 = arith.mulf %bitcast_convert_type3A_1837, %get3A_1811 : vector<16xf32>
      %add3A_1841 = arith.addf %scan3A_1586, %mul3A_1840 : vector<16xf32>
      %get3A_1842 = arith.constant 1 : i32
      %get3A_1843 = arith.index_cast %get3A_1842 : i32 to index
      %get3A_1844 = arith.index_cast %add3A_1802 : i32 to index
      %get3A_1845 = arith.constant 32 : index
      %get3A_1846 = tpu.vector_load %arg8[%get3A_1843, %get3A_1844, %get3A_1845] {strides = array<i32>} : memref<2x128x64xi32, #tpu.memory_space<vmem>>, vector<1x1x16xi32>,
      %get3A_1847 = vector.shape_cast %get3A_1846 : vector<1x1x16xi32> to vector<16xi32>
      %shift_left3A_1848 = arith.constant 16 : i32
      %shift_left3A_1849 = vector.broadcast %shift_left3A_1848 : i32 to vector<16xi32>
      %shift_left3A_1850 = arith.shli %get3A_1847, %shift_left3A_1849 : vector<16xi32>
      %bitcast_convert_type3A_1851 = tpu.bitcast %shift_left3A_1850 : vector<16xi32> -> vector<16xf32>
      %bitcast_convert_type3A_1852 = tpu.bitcast %get3A_1847 : vector<16xi32> -> vector<16xf32>
      %mul3A_1853 = arith.mulf %bitcast_convert_type3A_1851, %get3A_1811 : vector<16xf32>
      %add3A_1854 = arith.addf %scan3A_1587, %mul3A_1853 : vector<16xf32>
      %mul3A_1855 = arith.mulf %bitcast_convert_type3A_1852, %get3A_1811 : vector<16xf32>
      %add3A_1856 = arith.addf %scan3A_1588, %mul3A_1855 : vector<16xf32>
      %get3A_1857 = arith.constant 1 : i32
      %get3A_1858 = arith.index_cast %get3A_1857 : i32 to index
      %get3A_1859 = arith.index_cast %add3A_1802 : i32 to index
      %get3A_1860 = arith.constant 48 : index
      %get3A_1861 = tpu.vector_load %arg8[%get3A_1858, %get3A_1859, %get3A_1860] {strides = array<i32>} : memref<2x128x64xi32, #tpu.memory_space<vmem>>, vector<1x1x16xi32>,
      %get3A_1862 = vector.shape_cast %get3A_1861 : vector<1x1x16xi32> to vector<16xi32>
      %shift_left3A_1863 = arith.constant 16 : i32
      %shift_left3A_1864 = vector.broadcast %shift_left3A_1863 : i32 to vector<16xi32>
      %shift_left3A_1865 = arith.shli %get3A_1862, %shift_left3A_1864 : vector<16xi32>
      %bitcast_convert_type3A_1866 = tpu.bitcast %shift_left3A_1865 : vector<16xi32> -> vector<16xf32>
      %bitcast_convert_type3A_1867 = tpu.bitcast %get3A_1862 : vector<16xi32> -> vector<16xf32>
      %mul3A_1868 = arith.mulf %bitcast_convert_type3A_1866, %get3A_1811 : vector<16xf32>
      %add3A_1869 = arith.addf %scan3A_1589, %mul3A_1868 : vector<16xf32>
      %mul3A_1870 = arith.mulf %bitcast_convert_type3A_1867, %get3A_1811 : vector<16xf32>
      %add3A_1871 = arith.addf %scan3A_1590, %mul3A_1870 : vector<16xf32>
      scf.yield %add3A_1611, %add3A_1613, %add3A_1626, %add3A_1628, %add3A_1641, %add3A_1643, %add3A_1656, %add3A_1658, %add3A_1682, %add3A_1684, %add3A_1697, %add3A_1699, %add3A_1712, %add3A_1714, %add3A_1727, %add3A_1729, %add3A_1753, %add3A_1755, %add3A_1768, %add3A_1770, %add3A_1783, %add3A_1785, %add3A_1798, %add3A_1800, %add3A_1824, %add3A_1826, %add3A_1839, %add3A_1841, %add3A_1854, %add3A_1856, %add3A_1869, %add3A_1871 : vector<16xf32>, vector<16xf32>, vector<16xf32>, vector<16xf32>, vector<16xf32>, vector<16xf32>, vector<16xf32>, vector<16xf32>, vector<16xf32>, vector<16xf32>, vector<16xf32>, vector<16xf32>, vector<16xf32>, vector<16xf32>, vector<16xf32>, vector<16xf32>, vector<16xf32>, vector<16xf32>, vector<16xf32>, vector<16xf32>, vector<16xf32>, vector<16xf32>, vector<16xf32>, vector<16xf32>, vector<16xf32>, vector<16xf32>, vector<16xf32>, vector<16xf32>, vector<16xf32>, vector<16xf32>, vector<16xf32>, vector<16xf32>
    }
    %scan3A_1250 = arith.constant 32 : i32
    %swap3A_1251 = arith.constant 1 : i32
    %swap3A_1252 = arith.constant 0 : i32
    %swap3A_1253 = arith.index_cast %swap3A_1251 : i32 to index
    %swap3A_1254 = arith.index_cast %swap3A_1252 : i32 to index
    %swap3A_1255 = arith.constant 0 : index
    %swap3A_1256 = tpu.vector_load %arg10[%swap3A_1253, %swap3A_1254, %swap3A_1255] {strides = array<i32>} : memref<2x4x128xf32, #tpu.memory_space<vmem>>, vector<1x1x16xf32>,
    %swap3A_1257 = vector.shape_cast %swap3A_1256 : vector<1x1x16xf32> to vector<16xf32>
    %swap3A_1258 = vector.shape_cast %scan3A_1249#0 : vector<16xf32> to vector<1x1x16xf32>
    tpu.vector_store %arg10[%swap3A_1253, %swap3A_1254, %swap3A_1255], %swap3A_1258 {strides = array<i32>} : memref<2x4x128xf32, #tpu.memory_space<vmem>>, vector<1x1x16xf32>,
    %swap3A_1259 = arith.constant 1 : i32
    %swap3A_1260 = arith.constant 0 : i32
    %swap3A_1261 = arith.index_cast %swap3A_1259 : i32 to index
    %swap3A_1262 = arith.index_cast %swap3A_1260 : i32 to index
    %swap3A_1263 = arith.constant 16 : index
    %swap3A_1264 = tpu.vector_load %arg10[%swap3A_1261, %swap3A_1262, %swap3A_1263] {strides = array<i32>} : memref<2x4x128xf32, #tpu.memory_space<vmem>>, vector<1x1x16xf32>,
    %swap3A_1265 = vector.shape_cast %swap3A_1264 : vector<1x1x16xf32> to vector<16xf32>
    %swap3A_1266 = vector.shape_cast %scan3A_1249#1 : vector<16xf32> to vector<1x1x16xf32>
    tpu.vector_store %arg10[%swap3A_1261, %swap3A_1262, %swap3A_1263], %swap3A_1266 {strides = array<i32>} : memref<2x4x128xf32, #tpu.memory_space<vmem>>, vector<1x1x16xf32>,
    %swap3A_1267 = arith.constant 1 : i32
    %swap3A_1268 = arith.constant 0 : i32
    %swap3A_1269 = arith.index_cast %swap3A_1267 : i32 to index
    %swap3A_1270 = arith.index_cast %swap3A_1268 : i32 to index
    %swap3A_1271 = arith.constant 32 : index
    %swap3A_1272 = tpu.vector_load %arg10[%swap3A_1269, %swap3A_1270, %swap3A_1271] {strides = array<i32>} : memref<2x4x128xf32, #tpu.memory_space<vmem>>, vector<1x1x16xf32>,
    %swap3A_1273 = vector.shape_cast %swap3A_1272 : vector<1x1x16xf32> to vector<16xf32>
    %swap3A_1274 = vector.shape_cast %scan3A_1249#2 : vector<16xf32> to vector<1x1x16xf32>
    tpu.vector_store %arg10[%swap3A_1269, %swap3A_1270, %swap3A_1271], %swap3A_1274 {strides = array<i32>} : memref<2x4x128xf32, #tpu.memory_space<vmem>>, vector<1x1x16xf32>,
    %swap3A_1275 = arith.constant 1 : i32
    %swap3A_1276 = arith.constant 0 : i32
    %swap3A_1277 = arith.index_cast %swap3A_1275 : i32 to index
    %swap3A_1278 = arith.index_cast %swap3A_1276 : i32 to index
    %swap3A_1279 = arith.constant 48 : index
    %swap3A_1280 = tpu.vector_load %arg10[%swap3A_1277, %swap3A_1278, %swap3A_1279] {strides = array<i32>} : memref<2x4x128xf32, #tpu.memory_space<vmem>>, vector<1x1x16xf32>,
    %swap3A_1281 = vector.shape_cast %swap3A_1280 : vector<1x1x16xf32> to vector<16xf32>
    %swap3A_1282 = vector.shape_cast %scan3A_1249#3 : vector<16xf32> to vector<1x1x16xf32>
    tpu.vector_store %arg10[%swap3A_1277, %swap3A_1278, %swap3A_1279], %swap3A_1282 {strides = array<i32>} : memref<2x4x128xf32, #tpu.memory_space<vmem>>, vector<1x1x16xf32>,
    %swap3A_1283 = arith.constant 1 : i32
    %swap3A_1284 = arith.constant 0 : i32
    %swap3A_1285 = arith.index_cast %swap3A_1283 : i32 to index
    %swap3A_1286 = arith.index_cast %swap3A_1284 : i32 to index
    %swap3A_1287 = arith.constant 64 : index
    %swap3A_1288 = tpu.vector_load %arg10[%swap3A_1285, %swap3A_1286, %swap3A_1287] {strides = array<i32>} : memref<2x4x128xf32, #tpu.memory_space<vmem>>, vector<1x1x16xf32>,
    %swap3A_1289 = vector.shape_cast %swap3A_1288 : vector<1x1x16xf32> to vector<16xf32>
    %swap3A_1290 = vector.shape_cast %scan3A_1249#4 : vector<16xf32> to vector<1x1x16xf32>
    tpu.vector_store %arg10[%swap3A_1285, %swap3A_1286, %swap3A_1287], %swap3A_1290 {strides = array<i32>} : memref<2x4x128xf32, #tpu.memory_space<vmem>>, vector<1x1x16xf32>,
    %swap3A_1291 = arith.constant 1 : i32
    %swap3A_1292 = arith.constant 0 : i32
    %swap3A_1293 = arith.index_cast %swap3A_1291 : i32 to index
    %swap3A_1294 = arith.index_cast %swap3A_1292 : i32 to index
    %swap3A_1295 = arith.constant 80 : index
    %swap3A_1296 = tpu.vector_load %arg10[%swap3A_1293, %swap3A_1294, %swap3A_1295] {strides = array<i32>} : memref<2x4x128xf32, #tpu.memory_space<vmem>>, vector<1x1x16xf32>,
    %swap3A_1297 = vector.shape_cast %swap3A_1296 : vector<1x1x16xf32> to vector<16xf32>
    %swap3A_1298 = vector.shape_cast %scan3A_1249#5 : vector<16xf32> to vector<1x1x16xf32>
    tpu.vector_store %arg10[%swap3A_1293, %swap3A_1294, %swap3A_1295], %swap3A_1298 {strides = array<i32>} : memref<2x4x128xf32, #tpu.memory_space<vmem>>, vector<1x1x16xf32>,
    %swap3A_1299 = arith.constant 1 : i32
    %swap3A_1300 = arith.constant 0 : i32
    %swap3A_1301 = arith.index_cast %swap3A_1299 : i32 to index
    %swap3A_1302 = arith.index_cast %swap3A_1300 : i32 to index
    %swap3A_1303 = arith.constant 96 : index
    %swap3A_1304 = tpu.vector_load %arg10[%swap3A_1301, %swap3A_1302, %swap3A_1303] {strides = array<i32>} : memref<2x4x128xf32, #tpu.memory_space<vmem>>, vector<1x1x16xf32>,
    %swap3A_1305 = vector.shape_cast %swap3A_1304 : vector<1x1x16xf32> to vector<16xf32>
    %swap3A_1306 = vector.shape_cast %scan3A_1249#6 : vector<16xf32> to vector<1x1x16xf32>
    tpu.vector_store %arg10[%swap3A_1301, %swap3A_1302, %swap3A_1303], %swap3A_1306 {strides = array<i32>} : memref<2x4x128xf32, #tpu.memory_space<vmem>>, vector<1x1x16xf32>,
    %swap3A_1307 = arith.constant 1 : i32
    %swap3A_1308 = arith.constant 0 : i32
    %swap3A_1309 = arith.index_cast %swap3A_1307 : i32 to index
    %swap3A_1310 = arith.index_cast %swap3A_1308 : i32 to index
    %swap3A_1311 = arith.constant 112 : index
    %swap3A_1312 = tpu.vector_load %arg10[%swap3A_1309, %swap3A_1310, %swap3A_1311] {strides = array<i32>} : memref<2x4x128xf32, #tpu.memory_space<vmem>>, vector<1x1x16xf32>,
    %swap3A_1313 = vector.shape_cast %swap3A_1312 : vector<1x1x16xf32> to vector<16xf32>
    %swap3A_1314 = vector.shape_cast %scan3A_1249#7 : vector<16xf32> to vector<1x1x16xf32>
    tpu.vector_store %arg10[%swap3A_1309, %swap3A_1310, %swap3A_1311], %swap3A_1314 {strides = array<i32>} : memref<2x4x128xf32, #tpu.memory_space<vmem>>, vector<1x1x16xf32>,
    %swap3A_1315 = arith.constant 1 : i32
    %swap3A_1316 = arith.constant 1 : i32
    %swap3A_1317 = arith.index_cast %swap3A_1315 : i32 to index
    %swap3A_1318 = arith.index_cast %swap3A_1316 : i32 to index
    %swap3A_1319 = arith.constant 0 : index
    %swap3A_1320 = tpu.vector_load %arg10[%swap3A_1317, %swap3A_1318, %swap3A_1319] {strides = array<i32>} : memref<2x4x128xf32, #tpu.memory_space<vmem>>, vector<1x1x16xf32>,
    %swap3A_1321 = vector.shape_cast %swap3A_1320 : vector<1x1x16xf32> to vector<16xf32>
    %swap3A_1322 = vector.shape_cast %scan3A_1249#8 : vector<16xf32> to vector<1x1x16xf32>
    tpu.vector_store %arg10[%swap3A_1317, %swap3A_1318, %swap3A_1319], %swap3A_1322 {strides = array<i32>} : memref<2x4x128xf32, #tpu.memory_space<vmem>>, vector<1x1x16xf32>,
    %swap3A_1323 = arith.constant 1 : i32
    %swap3A_1324 = arith.constant 1 : i32
    %swap3A_1325 = arith.index_cast %swap3A_1323 : i32 to index
    %swap3A_1326 = arith.index_cast %swap3A_1324 : i32 to index
    %swap3A_1327 = arith.constant 16 : index
    %swap3A_1328 = tpu.vector_load %arg10[%swap3A_1325, %swap3A_1326, %swap3A_1327] {strides = array<i32>} : memref<2x4x128xf32, #tpu.memory_space<vmem>>, vector<1x1x16xf32>,
    %swap3A_1329 = vector.shape_cast %swap3A_1328 : vector<1x1x16xf32> to vector<16xf32>
    %swap3A_1330 = vector.shape_cast %scan3A_1249#9 : vector<16xf32> to vector<1x1x16xf32>
    tpu.vector_store %arg10[%swap3A_1325, %swap3A_1326, %swap3A_1327], %swap3A_1330 {strides = array<i32>} : memref<2x4x128xf32, #tpu.memory_space<vmem>>, vector<1x1x16xf32>,
    %swap3A_1331 = arith.constant 1 : i32
    %swap3A_1332 = arith.constant 1 : i32
    %swap3A_1333 = arith.index_cast %swap3A_1331 : i32 to index
    %swap3A_1334 = arith.index_cast %swap3A_1332 : i32 to index
    %swap3A_1335 = arith.constant 32 : index
    %swap3A_1336 = tpu.vector_load %arg10[%swap3A_1333, %swap3A_1334, %swap3A_1335] {strides = array<i32>} : memref<2x4x128xf32, #tpu.memory_space<vmem>>, vector<1x1x16xf32>,
    %swap3A_1337 = vector.shape_cast %swap3A_1336 : vector<1x1x16xf32> to vector<16xf32>
    %swap3A_1338 = vector.shape_cast %scan3A_1249#10 : vector<16xf32> to vector<1x1x16xf32>
    tpu.vector_store %arg10[%swap3A_1333, %swap3A_1334, %swap3A_1335], %swap3A_1338 {strides = array<i32>} : memref<2x4x128xf32, #tpu.memory_space<vmem>>, vector<1x1x16xf32>,
    %swap3A_1339 = arith.constant 1 : i32
    %swap3A_1340 = arith.constant 1 : i32
    %swap3A_1341 = arith.index_cast %swap3A_1339 : i32 to index
    %swap3A_1342 = arith.index_cast %swap3A_1340 : i32 to index
    %swap3A_1343 = arith.constant 48 : index
    %swap3A_1344 = tpu.vector_load %arg10[%swap3A_1341, %swap3A_1342, %swap3A_1343] {strides = array<i32>} : memref<2x4x128xf32, #tpu.memory_space<vmem>>, vector<1x1x16xf32>,
    %swap3A_1345 = vector.shape_cast %swap3A_1344 : vector<1x1x16xf32> to vector<16xf32>
    %swap3A_1346 = vector.shape_cast %scan3A_1249#11 : vector<16xf32> to vector<1x1x16xf32>
    tpu.vector_store %arg10[%swap3A_1341, %swap3A_1342, %swap3A_1343], %swap3A_1346 {strides = array<i32>} : memref<2x4x128xf32, #tpu.memory_space<vmem>>, vector<1x1x16xf32>,
    %swap3A_1347 = arith.constant 1 : i32
    %swap3A_1348 = arith.constant 1 : i32
    %swap3A_1349 = arith.index_cast %swap3A_1347 : i32 to index
    %swap3A_1350 = arith.index_cast %swap3A_1348 : i32 to index
    %swap3A_1351 = arith.constant 64 : index
    %swap3A_1352 = tpu.vector_load %arg10[%swap3A_1349, %swap3A_1350, %swap3A_1351] {strides = array<i32>} : memref<2x4x128xf32, #tpu.memory_space<vmem>>, vector<1x1x16xf32>,
    %swap3A_1353 = vector.shape_cast %swap3A_1352 : vector<1x1x16xf32> to vector<16xf32>
    %swap3A_1354 = vector.shape_cast %scan3A_1249#12 : vector<16xf32> to vector<1x1x16xf32>
    tpu.vector_store %arg10[%swap3A_1349, %swap3A_1350, %swap3A_1351], %swap3A_1354 {strides = array<i32>} : memref<2x4x128xf32, #tpu.memory_space<vmem>>, vector<1x1x16xf32>,
    %swap3A_1355 = arith.constant 1 : i32
    %swap3A_1356 = arith.constant 1 : i32
    %swap3A_1357 = arith.index_cast %swap3A_1355 : i32 to index
    %swap3A_1358 = arith.index_cast %swap3A_1356 : i32 to index
    %swap3A_1359 = arith.constant 80 : index
    %swap3A_1360 = tpu.vector_load %arg10[%swap3A_1357, %swap3A_1358, %swap3A_1359] {strides = array<i32>} : memref<2x4x128xf32, #tpu.memory_space<vmem>>, vector<1x1x16xf32>,
    %swap3A_1361 = vector.shape_cast %swap3A_1360 : vector<1x1x16xf32> to vector<16xf32>
    %swap3A_1362 = vector.shape_cast %scan3A_1249#13 : vector<16xf32> to vector<1x1x16xf32>
    tpu.vector_store %arg10[%swap3A_1357, %swap3A_1358, %swap3A_1359], %swap3A_1362 {strides = array<i32>} : memref<2x4x128xf32, #tpu.memory_space<vmem>>, vector<1x1x16xf32>,
    %swap3A_1363 = arith.constant 1 : i32
    %swap3A_1364 = arith.constant 1 : i32
    %swap3A_1365 = arith.index_cast %swap3A_1363 : i32 to index
    %swap3A_1366 = arith.index_cast %swap3A_1364 : i32 to index
    %swap3A_1367 = arith.constant 96 : index
    %swap3A_1368 = tpu.vector_load %arg10[%swap3A_1365, %swap3A_1366, %swap3A_1367] {strides = array<i32>} : memref<2x4x128xf32, #tpu.memory_space<vmem>>, vector<1x1x16xf32>,
    %swap3A_1369 = vector.shape_cast %swap3A_1368 : vector<1x1x16xf32> to vector<16xf32>
    %swap3A_1370 = vector.shape_cast %scan3A_1249#14 : vector<16xf32> to vector<1x1x16xf32>
    tpu.vector_store %arg10[%swap3A_1365, %swap3A_1366, %swap3A_1367], %swap3A_1370 {strides = array<i32>} : memref<2x4x128xf32, #tpu.memory_space<vmem>>, vector<1x1x16xf32>,
    %swap3A_1371 = arith.constant 1 : i32
    %swap3A_1372 = arith.constant 1 : i32
    %swap3A_1373 = arith.index_cast %swap3A_1371 : i32 to index
    %swap3A_1374 = arith.index_cast %swap3A_1372 : i32 to index
    %swap3A_1375 = arith.constant 112 : index
    %swap3A_1376 = tpu.vector_load %arg10[%swap3A_1373, %swap3A_1374, %swap3A_1375] {strides = array<i32>} : memref<2x4x128xf32, #tpu.memory_space<vmem>>, vector<1x1x16xf32>,
    %swap3A_1377 = vector.shape_cast %swap3A_1376 : vector<1x1x16xf32> to vector<16xf32>
    %swap3A_1378 = vector.shape_cast %scan3A_1249#15 : vector<16xf32> to vector<1x1x16xf32>
    tpu.vector_store %arg10[%swap3A_1373, %swap3A_1374, %swap3A_1375], %swap3A_1378 {strides = array<i32>} : memref<2x4x128xf32, #tpu.memory_space<vmem>>, vector<1x1x16xf32>,
    %swap3A_1379 = arith.constant 1 : i32
    %swap3A_1380 = arith.constant 2 : i32
    %swap3A_1381 = arith.index_cast %swap3A_1379 : i32 to index
    %swap3A_1382 = arith.index_cast %swap3A_1380 : i32 to index
    %swap3A_1383 = arith.constant 0 : index
    %swap3A_1384 = tpu.vector_load %arg10[%swap3A_1381, %swap3A_1382, %swap3A_1383] {strides = array<i32>} : memref<2x4x128xf32, #tpu.memory_space<vmem>>, vector<1x1x16xf32>,
    %swap3A_1385 = vector.shape_cast %swap3A_1384 : vector<1x1x16xf32> to vector<16xf32>
    %swap3A_1386 = vector.shape_cast %scan3A_1249#16 : vector<16xf32> to vector<1x1x16xf32>
    tpu.vector_store %arg10[%swap3A_1381, %swap3A_1382, %swap3A_1383], %swap3A_1386 {strides = array<i32>} : memref<2x4x128xf32, #tpu.memory_space<vmem>>, vector<1x1x16xf32>,
    %swap3A_1387 = arith.constant 1 : i32
    %swap3A_1388 = arith.constant 2 : i32
    %swap3A_1389 = arith.index_cast %swap3A_1387 : i32 to index
    %swap3A_1390 = arith.index_cast %swap3A_1388 : i32 to index
    %swap3A_1391 = arith.constant 16 : index
    %swap3A_1392 = tpu.vector_load %arg10[%swap3A_1389, %swap3A_1390, %swap3A_1391] {strides = array<i32>} : memref<2x4x128xf32, #tpu.memory_space<vmem>>, vector<1x1x16xf32>,
    %swap3A_1393 = vector.shape_cast %swap3A_1392 : vector<1x1x16xf32> to vector<16xf32>
    %swap3A_1394 = vector.shape_cast %scan3A_1249#17 : vector<16xf32> to vector<1x1x16xf32>
    tpu.vector_store %arg10[%swap3A_1389, %swap3A_1390, %swap3A_1391], %swap3A_1394 {strides = array<i32>} : memref<2x4x128xf32, #tpu.memory_space<vmem>>, vector<1x1x16xf32>,
    %swap3A_1395 = arith.constant 1 : i32
    %swap3A_1396 = arith.constant 2 : i32
    %swap3A_1397 = arith.index_cast %swap3A_1395 : i32 to index
    %swap3A_1398 = arith.index_cast %swap3A_1396 : i32 to index
    %swap3A_1399 = arith.constant 32 : index
    %swap3A_1400 = tpu.vector_load %arg10[%swap3A_1397, %swap3A_1398, %swap3A_1399] {strides = array<i32>} : memref<2x4x128xf32, #tpu.memory_space<vmem>>, vector<1x1x16xf32>,
    %swap3A_1401 = vector.shape_cast %swap3A_1400 : vector<1x1x16xf32> to vector<16xf32>
    %swap3A_1402 = vector.shape_cast %scan3A_1249#18 : vector<16xf32> to vector<1x1x16xf32>
    tpu.vector_store %arg10[%swap3A_1397, %swap3A_1398, %swap3A_1399], %swap3A_1402 {strides = array<i32>} : memref<2x4x128xf32, #tpu.memory_space<vmem>>, vector<1x1x16xf32>,
    %swap3A_1403 = arith.constant 1 : i32
    %swap3A_1404 = arith.constant 2 : i32
    %swap3A_1405 = arith.index_cast %swap3A_1403 : i32 to index
    %swap3A_1406 = arith.index_cast %swap3A_1404 : i32 to index
    %swap3A_1407 = arith.constant 48 : index
    %swap3A_1408 = tpu.vector_load %arg10[%swap3A_1405, %swap3A_1406, %swap3A_1407] {strides = array<i32>} : memref<2x4x128xf32, #tpu.memory_space<vmem>>, vector<1x1x16xf32>,
    %swap3A_1409 = vector.shape_cast %swap3A_1408 : vector<1x1x16xf32> to vector<16xf32>
    %swap3A_1410 = vector.shape_cast %scan3A_1249#19 : vector<16xf32> to vector<1x1x16xf32>
    tpu.vector_store %arg10[%swap3A_1405, %swap3A_1406, %swap3A_1407], %swap3A_1410 {strides = array<i32>} : memref<2x4x128xf32, #tpu.memory_space<vmem>>, vector<1x1x16xf32>,
    %swap3A_1411 = arith.constant 1 : i32
    %swap3A_1412 = arith.constant 2 : i32
    %swap3A_1413 = arith.index_cast %swap3A_1411 : i32 to index
    %swap3A_1414 = arith.index_cast %swap3A_1412 : i32 to index
    %swap3A_1415 = arith.constant 64 : index
    %swap3A_1416 = tpu.vector_load %arg10[%swap3A_1413, %swap3A_1414, %swap3A_1415] {strides = array<i32>} : memref<2x4x128xf32, #tpu.memory_space<vmem>>, vector<1x1x16xf32>,
    %swap3A_1417 = vector.shape_cast %swap3A_1416 : vector<1x1x16xf32> to vector<16xf32>
    %swap3A_1418 = vector.shape_cast %scan3A_1249#20 : vector<16xf32> to vector<1x1x16xf32>
    tpu.vector_store %arg10[%swap3A_1413, %swap3A_1414, %swap3A_1415], %swap3A_1418 {strides = array<i32>} : memref<2x4x128xf32, #tpu.memory_space<vmem>>, vector<1x1x16xf32>,
    %swap3A_1419 = arith.constant 1 : i32
    %swap3A_1420 = arith.constant 2 : i32
    %swap3A_1421 = arith.index_cast %swap3A_1419 : i32 to index
    %swap3A_1422 = arith.index_cast %swap3A_1420 : i32 to index
    %swap3A_1423 = arith.constant 80 : index
    %swap3A_1424 = tpu.vector_load %arg10[%swap3A_1421, %swap3A_1422, %swap3A_1423] {strides = array<i32>} : memref<2x4x128xf32, #tpu.memory_space<vmem>>, vector<1x1x16xf32>,
    %swap3A_1425 = vector.shape_cast %swap3A_1424 : vector<1x1x16xf32> to vector<16xf32>
    %swap3A_1426 = vector.shape_cast %scan3A_1249#21 : vector<16xf32> to vector<1x1x16xf32>
    tpu.vector_store %arg10[%swap3A_1421, %swap3A_1422, %swap3A_1423], %swap3A_1426 {strides = array<i32>} : memref<2x4x128xf32, #tpu.memory_space<vmem>>, vector<1x1x16xf32>,
    %swap3A_1427 = arith.constant 1 : i32
    %swap3A_1428 = arith.constant 2 : i32
    %swap3A_1429 = arith.index_cast %swap3A_1427 : i32 to index
    %swap3A_1430 = arith.index_cast %swap3A_1428 : i32 to index
    %swap3A_1431 = arith.constant 96 : index
    %swap3A_1432 = tpu.vector_load %arg10[%swap3A_1429, %swap3A_1430, %swap3A_1431] {strides = array<i32>} : memref<2x4x128xf32, #tpu.memory_space<vmem>>, vector<1x1x16xf32>,
    %swap3A_1433 = vector.shape_cast %swap3A_1432 : vector<1x1x16xf32> to vector<16xf32>
    %swap3A_1434 = vector.shape_cast %scan3A_1249#22 : vector<16xf32> to vector<1x1x16xf32>
    tpu.vector_store %arg10[%swap3A_1429, %swap3A_1430, %swap3A_1431], %swap3A_1434 {strides = array<i32>} : memref<2x4x128xf32, #tpu.memory_space<vmem>>, vector<1x1x16xf32>,
    %swap3A_1435 = arith.constant 1 : i32
    %swap3A_1436 = arith.constant 2 : i32
    %swap3A_1437 = arith.index_cast %swap3A_1435 : i32 to index
    %swap3A_1438 = arith.index_cast %swap3A_1436 : i32 to index
    %swap3A_1439 = arith.constant 112 : index
    %swap3A_1440 = tpu.vector_load %arg10[%swap3A_1437, %swap3A_1438, %swap3A_1439] {strides = array<i32>} : memref<2x4x128xf32, #tpu.memory_space<vmem>>, vector<1x1x16xf32>,
    %swap3A_1441 = vector.shape_cast %swap3A_1440 : vector<1x1x16xf32> to vector<16xf32>
    %swap3A_1442 = vector.shape_cast %scan3A_1249#23 : vector<16xf32> to vector<1x1x16xf32>
    tpu.vector_store %arg10[%swap3A_1437, %swap3A_1438, %swap3A_1439], %swap3A_1442 {strides = array<i32>} : memref<2x4x128xf32, #tpu.memory_space<vmem>>, vector<1x1x16xf32>,
    %swap3A_1443 = arith.constant 1 : i32
    %swap3A_1444 = arith.constant 3 : i32
    %swap3A_1445 = arith.index_cast %swap3A_1443 : i32 to index
    %swap3A_1446 = arith.index_cast %swap3A_1444 : i32 to index
    %swap3A_1447 = arith.constant 0 : index
    %swap3A_1448 = tpu.vector_load %arg10[%swap3A_1445, %swap3A_1446, %swap3A_1447] {strides = array<i32>} : memref<2x4x128xf32, #tpu.memory_space<vmem>>, vector<1x1x16xf32>,
    %swap3A_1449 = vector.shape_cast %swap3A_1448 : vector<1x1x16xf32> to vector<16xf32>
    %swap3A_1450 = vector.shape_cast %scan3A_1249#24 : vector<16xf32> to vector<1x1x16xf32>
    tpu.vector_store %arg10[%swap3A_1445, %swap3A_1446, %swap3A_1447], %swap3A_1450 {strides = array<i32>} : memref<2x4x128xf32, #tpu.memory_space<vmem>>, vector<1x1x16xf32>,
    %swap3A_1451 = arith.constant 1 : i32
    %swap3A_1452 = arith.constant 3 : i32
    %swap3A_1453 = arith.index_cast %swap3A_1451 : i32 to index
    %swap3A_1454 = arith.index_cast %swap3A_1452 : i32 to index
    %swap3A_1455 = arith.constant 16 : index
    %swap3A_1456 = tpu.vector_load %arg10[%swap3A_1453, %swap3A_1454, %swap3A_1455] {strides = array<i32>} : memref<2x4x128xf32, #tpu.memory_space<vmem>>, vector<1x1x16xf32>,
    %swap3A_1457 = vector.shape_cast %swap3A_1456 : vector<1x1x16xf32> to vector<16xf32>
    %swap3A_1458 = vector.shape_cast %scan3A_1249#25 : vector<16xf32> to vector<1x1x16xf32>
    tpu.vector_store %arg10[%swap3A_1453, %swap3A_1454, %swap3A_1455], %swap3A_1458 {strides = array<i32>} : memref<2x4x128xf32, #tpu.memory_space<vmem>>, vector<1x1x16xf32>,
    %swap3A_1459 = arith.constant 1 : i32
    %swap3A_1460 = arith.constant 3 : i32
    %swap3A_1461 = arith.index_cast %swap3A_1459 : i32 to index
    %swap3A_1462 = arith.index_cast %swap3A_1460 : i32 to index
    %swap3A_1463 = arith.constant 32 : index
    %swap3A_1464 = tpu.vector_load %arg10[%swap3A_1461, %swap3A_1462, %swap3A_1463] {strides = array<i32>} : memref<2x4x128xf32, #tpu.memory_space<vmem>>, vector<1x1x16xf32>,
    %swap3A_1465 = vector.shape_cast %swap3A_1464 : vector<1x1x16xf32> to vector<16xf32>
    %swap3A_1466 = vector.shape_cast %scan3A_1249#26 : vector<16xf32> to vector<1x1x16xf32>
    tpu.vector_store %arg10[%swap3A_1461, %swap3A_1462, %swap3A_1463], %swap3A_1466 {strides = array<i32>} : memref<2x4x128xf32, #tpu.memory_space<vmem>>, vector<1x1x16xf32>,
    %swap3A_1467 = arith.constant 1 : i32
    %swap3A_1468 = arith.constant 3 : i32
    %swap3A_1469 = arith.index_cast %swap3A_1467 : i32 to index
    %swap3A_1470 = arith.index_cast %swap3A_1468 : i32 to index
    %swap3A_1471 = arith.constant 48 : index
    %swap3A_1472 = tpu.vector_load %arg10[%swap3A_1469, %swap3A_1470, %swap3A_1471] {strides = array<i32>} : memref<2x4x128xf32, #tpu.memory_space<vmem>>, vector<1x1x16xf32>,
    %swap3A_1473 = vector.shape_cast %swap3A_1472 : vector<1x1x16xf32> to vector<16xf32>
    %swap3A_1474 = vector.shape_cast %scan3A_1249#27 : vector<16xf32> to vector<1x1x16xf32>
    tpu.vector_store %arg10[%swap3A_1469, %swap3A_1470, %swap3A_1471], %swap3A_1474 {strides = array<i32>} : memref<2x4x128xf32, #tpu.memory_space<vmem>>, vector<1x1x16xf32>,
    %swap3A_1475 = arith.constant 1 : i32
    %swap3A_1476 = arith.constant 3 : i32
    %swap3A_1477 = arith.index_cast %swap3A_1475 : i32 to index
    %swap3A_1478 = arith.index_cast %swap3A_1476 : i32 to index
    %swap3A_1479 = arith.constant 64 : index
    %swap3A_1480 = tpu.vector_load %arg10[%swap3A_1477, %swap3A_1478, %swap3A_1479] {strides = array<i32>} : memref<2x4x128xf32, #tpu.memory_space<vmem>>, vector<1x1x16xf32>,
    %swap3A_1481 = vector.shape_cast %swap3A_1480 : vector<1x1x16xf32> to vector<16xf32>
    %swap3A_1482 = vector.shape_cast %scan3A_1249#28 : vector<16xf32> to vector<1x1x16xf32>
    tpu.vector_store %arg10[%swap3A_1477, %swap3A_1478, %swap3A_1479], %swap3A_1482 {strides = array<i32>} : memref<2x4x128xf32, #tpu.memory_space<vmem>>, vector<1x1x16xf32>,
    %swap3A_1483 = arith.constant 1 : i32
    %swap3A_1484 = arith.constant 3 : i32
    %swap3A_1485 = arith.index_cast %swap3A_1483 : i32 to index
    %swap3A_1486 = arith.index_cast %swap3A_1484 : i32 to index
    %swap3A_1487 = arith.constant 80 : index
    %swap3A_1488 = tpu.vector_load %arg10[%swap3A_1485, %swap3A_1486, %swap3A_1487] {strides = array<i32>} : memref<2x4x128xf32, #tpu.memory_space<vmem>>, vector<1x1x16xf32>,
    %swap3A_1489 = vector.shape_cast %swap3A_1488 : vector<1x1x16xf32> to vector<16xf32>
    %swap3A_1490 = vector.shape_cast %scan3A_1249#29 : vector<16xf32> to vector<1x1x16xf32>
    tpu.vector_store %arg10[%swap3A_1485, %swap3A_1486, %swap3A_1487], %swap3A_1490 {strides = array<i32>} : memref<2x4x128xf32, #tpu.memory_space<vmem>>, vector<1x1x16xf32>,
    %swap3A_1491 = arith.constant 1 : i32
    %swap3A_1492 = arith.constant 3 : i32
    %swap3A_1493 = arith.index_cast %swap3A_1491 : i32 to index
    %swap3A_1494 = arith.index_cast %swap3A_1492 : i32 to index
    %swap3A_1495 = arith.constant 96 : index
    %swap3A_1496 = tpu.vector_load %arg10[%swap3A_1493, %swap3A_1494, %swap3A_1495] {strides = array<i32>} : memref<2x4x128xf32, #tpu.memory_space<vmem>>, vector<1x1x16xf32>,
    %swap3A_1497 = vector.shape_cast %swap3A_1496 : vector<1x1x16xf32> to vector<16xf32>
    %swap3A_1498 = vector.shape_cast %scan3A_1249#30 : vector<16xf32> to vector<1x1x16xf32>
    tpu.vector_store %arg10[%swap3A_1493, %swap3A_1494, %swap3A_1495], %swap3A_1498 {strides = array<i32>} : memref<2x4x128xf32, #tpu.memory_space<vmem>>, vector<1x1x16xf32>,
    %swap3A_1499 = arith.constant 1 : i32
    %swap3A_1500 = arith.constant 3 : i32
    %swap3A_1501 = arith.index_cast %swap3A_1499 : i32 to index
    %swap3A_1502 = arith.index_cast %swap3A_1500 : i32 to index
    %swap3A_1503 = arith.constant 112 : index
    %swap3A_1504 = tpu.vector_load %arg10[%swap3A_1501, %swap3A_1502, %swap3A_1503] {strides = array<i32>} : memref<2x4x128xf32, #tpu.memory_space<vmem>>, vector<1x1x16xf32>,
    %swap3A_1505 = vector.shape_cast %swap3A_1504 : vector<1x1x16xf32> to vector<16xf32>
    %swap3A_1506 = vector.shape_cast %scan3A_1249#31 : vector<16xf32> to vector<1x1x16xf32>
    tpu.vector_store %arg10[%swap3A_1501, %swap3A_1502, %swap3A_1503], %swap3A_1506 {strides = array<i32>} : memref<2x4x128xf32, #tpu.memory_space<vmem>>, vector<1x1x16xf32>,
    %add3A_1507 = arith.constant 316 : i32
    %add3A_1508 = arith.addi %mul3A_6, %add3A_1507 : i32
    %min3A_1509 = arith.constant 9996 : i32
    %min3A_1510 = arith.minsi %add3A_1508, %min3A_1509 : i32
    %dma_start3A_1511 = arith.constant 1 : i32
    %dma_start3A_1512 = arith.constant 0 : i32
    %dma_start3A_1513 = arith.constant 0 : i32
    %dma_start3A_1514 = tpu.memref_slice %arg10[%dma_start3A_1511, %dma_start3A_1512, %dma_start3A_1513] : memref<2x4x128xf32, #tpu.memory_space<vmem>> -> memref<1x4x128xf32, #tpu.memory_space<vmem>>
    %dma_start3A_1515 = tpu.memref_squeeze %dma_start3A_1514 : memref<1x4x128xf32, #tpu.memory_space<vmem>> -> memref<4x128xf32, #tpu.memory_space<vmem>>
    %dma_start3A_1516 = arith.constant 0 : i32
    %dma_start3A_1517 = tpu.memref_slice %arg5[%min3A_1510, %dma_start3A_1516] : memref<10000x128xf32, #tpu.memory_space<hbm>> -> memref<4x128xf32, #tpu.memory_space<hbm>>
    %dma_start3A_1518 = arith.constant 0 : i32
    %dma_start3A_1519 = tpu.memref_slice %arg5[%min3A_1510, %dma_start3A_1518] : memref<10000x128xf32, #tpu.memory_space<hbm>> -> memref<4x128xf32, #tpu.memory_space<hbm>>
    %dma_start3A_1520 = arith.constant 0 : i32
    %dma_start3A_1521 = arith.constant 0 : i32
    %dma_start3A_1522 = tpu.memref_slice %arg10[%dma_start3A_1511, %dma_start3A_1520, %dma_start3A_1521] : memref<2x4x128xf32, #tpu.memory_space<vmem>> -> memref<1x4x128xf32, #tpu.memory_space<vmem>>
    %dma_start3A_1523 = tpu.memref_squeeze %dma_start3A_1522 : memref<1x4x128xf32, #tpu.memory_space<vmem>> -> memref<4x128xf32, #tpu.memory_space<vmem>>
    tpu.enqueue_dma source(%dma_start3A_1523 : memref<4x128xf32, #tpu.memory_space<vmem>>) target(%dma_start3A_1519 : memref<4x128xf32, #tpu.memory_space<hbm>>) target_semaphore(%arg18 : memref<!tpu.dma_semaphore, #tpu.memory_space<semaphore_mem>>)
    %add3A_1524 = arith.constant 312 : i32
    %add3A_1525 = arith.addi %mul3A_6, %add3A_1524 : i32
    %min3A_1526 = arith.constant 9996 : i32
    %min3A_1527 = arith.minsi %add3A_1525, %min3A_1526 : i32
    %dma_wait3A_1528 = arith.constant 0 : i32
    %dma_wait3A_1529 = arith.constant 0 : i32
    %dma_wait3A_1530 = arith.constant 0 : i32
    %dma_wait3A_1531 = tpu.memref_slice %arg10[%dma_wait3A_1528, %dma_wait3A_1529, %dma_wait3A_1530] : memref<2x4x128xf32, #tpu.memory_space<vmem>> -> memref<1x4x128xf32, #tpu.memory_space<vmem>>
    %dma_wait3A_1532 = tpu.memref_squeeze %dma_wait3A_1531 : memref<1x4x128xf32, #tpu.memory_space<vmem>> -> memref<4x128xf32, #tpu.memory_space<vmem>>
    %dma_wait3A_1533 = arith.constant 0 : i32
    %dma_wait3A_1534 = tpu.memref_slice %arg5[%min3A_1527, %dma_wait3A_1533] : memref<10000x128xf32, #tpu.memory_space<hbm>> -> memref<4x128xf32, #tpu.memory_space<hbm>>
    %dma_wait3A_1535 = arith.constant 0 : i32
    %dma_wait3A_1536 = tpu.memref_slice %arg5[%min3A_1527, %dma_wait3A_1535] : memref<10000x128xf32, #tpu.memory_space<hbm>> -> memref<4x128xf32, #tpu.memory_space<hbm>>
    %dma_wait3A_1537 = arith.constant 0 : i32
    %dma_wait3A_1538 = arith.constant 0 : i32
    %dma_wait3A_1539 = tpu.memref_slice %arg10[%dma_wait3A_1528, %dma_wait3A_1537, %dma_wait3A_1538] : memref<2x4x128xf32, #tpu.memory_space<vmem>> -> memref<1x4x128xf32, #tpu.memory_space<vmem>>
    %dma_wait3A_1540 = tpu.memref_squeeze %dma_wait3A_1539 : memref<1x4x128xf32, #tpu.memory_space<vmem>> -> memref<4x128xf32, #tpu.memory_space<vmem>>
    tpu.wait_dma2 semaphore(%arg17 : memref<!tpu.dma_semaphore, #tpu.memory_space<semaphore_mem>>) src(%dma_wait3A_1540 : memref<4x128xf32, #tpu.memory_space<vmem>>) dst(%dma_wait3A_1536 : memref<4x128xf32, #tpu.memory_space<hbm>>)
    %add3A_1541 = arith.constant 316 : i32
    %add3A_1542 = arith.addi %mul3A_6, %add3A_1541 : i32
    %min3A_1543 = arith.constant 9996 : i32
    %min3A_1544 = arith.minsi %add3A_1542, %min3A_1543 : i32
    %dma_wait3A_1545 = arith.constant 1 : i32
    %dma_wait3A_1546 = arith.constant 0 : i32
    %dma_wait3A_1547 = arith.constant 0 : i32
    %dma_wait3A_1548 = tpu.memref_slice %arg10[%dma_wait3A_1545, %dma_wait3A_1546, %dma_wait3A_1547] : memref<2x4x128xf32, #tpu.memory_space<vmem>> -> memref<1x4x128xf32, #tpu.memory_space<vmem>>
    %dma_wait3A_1549 = tpu.memref_squeeze %dma_wait3A_1548 : memref<1x4x128xf32, #tpu.memory_space<vmem>> -> memref<4x128xf32, #tpu.memory_space<vmem>>
    %dma_wait3A_1550 = arith.constant 0 : i32
    %dma_wait3A_1551 = tpu.memref_slice %arg5[%min3A_1544, %dma_wait3A_1550] : memref<10000x128xf32, #tpu.memory_space<hbm>> -> memref<4x128xf32, #tpu.memory_space<hbm>>
    %dma_wait3A_1552 = arith.constant 0 : i32
    %dma_wait3A_1553 = tpu.memref_slice %arg5[%min3A_1544, %dma_wait3A_1552] : memref<10000x128xf32, #tpu.memory_space<hbm>> -> memref<4x128xf32, #tpu.memory_space<hbm>>
    %dma_wait3A_1554 = arith.constant 0 : i32
    %dma_wait3A_1555 = arith.constant 0 : i32
    %dma_wait3A_1556 = tpu.memref_slice %arg10[%dma_wait3A_1545, %dma_wait3A_1554, %dma_wait3A_1555] : memref<2x4x128xf32, #tpu.memory_space<vmem>> -> memref<1x4x128xf32, #tpu.memory_space<vmem>>
    %dma_wait3A_1557 = tpu.memref_squeeze %dma_wait3A_1556 : memref<1x4x128xf32, #tpu.memory_space<vmem>> -> memref<4x128xf32, #tpu.memory_space<vmem>>
    tpu.wait_dma2 semaphore(%arg18 : memref<!tpu.dma_semaphore, #tpu.memory_space<semaphore_mem>>) src(%dma_wait3A_1557 : memref<4x128xf32, #tpu.memory_space<vmem>>) dst(%dma_wait3A_1553 : memref<4x128xf32, #tpu.memory_space<hbm>>)
    return
  }
}

module attributes {stable_mosaic.version = 14 : i64} {
  func.func @_mm_body(%arg0: i32, %arg1: memref<1000x128xf32, #tpu.memory_space<vmem>>, %arg2: memref<128x512xf32, #tpu.memory_space<vmem>>, %arg3: memref<1x512xf32, #tpu.memory_space<vmem>>, %arg4: memref<1000x512xf32, #tpu.memory_space<vmem>>) attributes {dimension_semantics = [#tpu.dimension_semantics<arbitrary>], iteration_bounds = array<i64: 10>, scalar_prefetch = 0 : i64, scratch_operands = 0 : i64, tpu.core_type = #tpu.core_type<tc>, window_params = [{transform_indices = @transform_0, window_bounds = array<i64: 1000, 128>}, {pipeline_mode = #tpu.pipeline_mode<synchronous>, transform_indices = @transform_1, window_bounds = array<i64: 128, 512>}, {pipeline_mode = #tpu.pipeline_mode<synchronous>, transform_indices = @transform_2, window_bounds = array<i64: 1, 512>}, {transform_indices = @transform_3, window_bounds = array<i64: 1000, 512>}]} {
    %get3A = arith.constant 0 : index
    %get3A_0 = arith.constant 0 : index
    %get3A_1 = vector.load %arg1[%get3A, %get3A_0] : memref<1000x128xf32, #tpu.memory_space<vmem>>, vector<1000x128xf32>
    %get3A_2 = arith.constant 0 : index
    %get3A_3 = arith.constant 0 : index
    %get3A_4 = vector.load %arg2[%get3A_2, %get3A_3] : memref<128x512xf32, #tpu.memory_space<vmem>>, vector<128x512xf32>
    %dot_general3A = arith.constant dense<0.000000e+00> : vector<1000x512xf32>
    %dot_general3A_5 = tpu.matmul %get3A_1, %get3A_4, %dot_general3A {dimension_numbers = #tpu.dot_dimension_numbers<[1], [0], [0], [1], [0, 0, 1, 1], [], []>, transpose_lhs_hint = false} : vector<1000x128xf32>, vector<128x512xf32>, vector<1000x512xf32> -> vector<1000x512xf32>
    %get3A_6 = arith.constant 0 : index
    %get3A_7 = arith.constant 0 : index
    %get3A_8 = vector.load %arg3[%get3A_6, %get3A_7] : memref<1x512xf32, #tpu.memory_space<vmem>>, vector<1x512xf32>
    %add3A = vector.broadcast %get3A_8 : vector<1x512xf32> to vector<1000x512xf32>
    %add3A_9 = arith.addf %dot_general3A_5, %add3A : vector<1000x512xf32>
    %swap3A = arith.constant 0 : index
    %swap3A_10 = arith.constant 0 : index
    %swap3A_11 = vector.load %arg4[%swap3A, %swap3A_10] : memref<1000x512xf32, #tpu.memory_space<vmem>>, vector<1000x512xf32>
    tpu.vector_store %arg4[%swap3A, %swap3A_10], %add3A_9 {strides = array<i32>} : memref<1000x512xf32, #tpu.memory_space<vmem>>, vector<1000x512xf32>,
    return
  }
  func.func @transform_0(%arg0: i32) -> (i32, i32) {
    %c0_i32 = arith.constant 0 : i32
    %c0_i32_0 = arith.constant 0 : i32
    return %arg0, %c0_i32 : i32, i32
  }
  func.func @transform_1(%arg0: i32) -> (i32, i32) {
    %c0_i32 = arith.constant 0 : i32
    %c0_i32_0 = arith.constant 0 : i32
    %c0_i32_1 = arith.constant 0 : i32
    return %c0_i32, %c0_i32_0 : i32, i32
  }
  func.func @transform_2(%arg0: i32) -> (i32, i32) {
    %c0_i32 = arith.constant 0 : i32
    %c0_i32_0 = arith.constant 0 : i32
    %c0_i32_1 = arith.constant 0 : i32
    return %c0_i32, %c0_i32_0 : i32, i32
  }
  func.func @transform_3(%arg0: i32) -> (i32, i32) {
    %c0_i32 = arith.constant 0 : i32
    %c0_i32_0 = arith.constant 0 : i32
    return %arg0, %c0_i32 : i32, i32
  }
}

</mosaic_0001>

<sc_bundles>
// kernel: kernel.4.cloned.1.call-start
scs
__scs_entry_jumppad:
0x0: {  	(pc) =	sbr.rel $0x88, $3  }
0x1: {  	(tag) =	ssettag $0x0;
	lr =	simm.s32 $0x1  }
0x2: {  	[smem:$0x3F9D] =	sst lr;
	_ =	strace $0xD0000000  }
0x3: {  	_ = 	snop  }
0x4: {  	_ = 	snop  }
0x5: {  	_ = 	snop  }
0x6: {  	_ = 	snop  }
0x7: {  	_ = 	snop  }
__scs_overlays_trampoline_lowered:
0x8: {  	[smem:$0x3FAC] =	sst s0  }
0x9: {  	[smem:$0x3FAD] =	sst s1  }
0xa: {  	[smem:$0x3FAE] =	sst s2  }
0xb: {  	[smem:$0x3FAF] =	sst s3  }
0xc: {  	[smem:$0x3FB0] =	sst s4  }
0xd: {  	[smem:$0x3FB1] =	sst s5  }
0xe: {  	[smem:$0x3FB2] =	sst s6  }
0xf: {  	[smem:$0x3FB3] =	sst s7  }
0x10: {  	[smem:$0x3FB4] =	sst s8  }
0x11: {  	[smem:$0x3FB5] =	sst s9;
	s0 =	simm.s32 @!p0 $0x0  }
0x12: {  	s1 =	sld [smem:$0x3F9B];
	s0 =	simm.s32 @p0 $0x1  }
0x13: {  	[smem:$0x3FB6] =	sst s0;
	s0 =	simm.s32 @!p1 $0x0  }
0x14: {  	s2 =	sld [smem:$0x3F9A];
	s0 =	simm.s32 @p1 $0x1  }
0x15: {  	[smem:$0x3FB7] =	sst s0;
	s0 =	simm.s32 @!p2 $0x0  }
0x16: {  	s3 =	sld [smem:$0x3FDB];
	s0 =	simm.s32 @p2 $0x1  }
0x17: {  	s4 =	simm.s32 $0x1BF5;
	[smem:$0x3FB9] =	sst s0  }
0x18: {  	s0 =	sld [smem:$0x3F9C];
	_ =	swait.ge [sflag:s4], $0x0  }
0x19: {  	s7 =	sld [smem:$0x3F9D]  }
0x1a: {  	s8 =	sadd.s32 $0xFFFFE003, lr  }
0x1b: {  	s9 =	sadd.s32 $0xFFFFFEF7, lr;
	s5 =	simm.s32 $0xFFFFFFFF;
	p2 =	slt.u32 s8, $0xFFFFF086  }
0x1c: {  	p1 =	slt.u32 s9, $0xF7A;
	s5 =	simm.s32 @!p2 $0x0  }
0x1d: {  	s5 =	simm.s32 @p1 $0x1;
	p0 =	seq.s32 s7, s2  }
0x1e: {  	s7 =	smul.u32 @!p0 $0xF7A, s2;
	p2 =	seq.s32 @!p0 s5, $0x0  }
0x1f: {  	s9 =	smul.u32 $0xF7A, s1;
	s8 =	simm.s32 @!p0 $0x1BF5;
	p2 =	por !p2, p0  }
0x20: {  	[sflag:s8] =	ssyncset.s32 @!p0 $0xFFFFF086;
	s6 =	sadd.s32 @!p0 s3, s7;
	s7 =	simm.s32 @!p0 $0x108  }
0x21: {  	s3 =	sadd.s32 s3, s9;
	s6 =	sadd.s32 @!p0 $0x88, s6;
	s7 =	simm.s32 @p2 $0x1082  }
0x22: {  	[simem:s7], [sflag:s8] =	dma.local @!p0 [hbm:s6], $0xF7A  }
0x23: {  	s9 =	sor.u32 $0xD0000000, s2;
	s6 =	simm.s32 $0x108;
	_ =	swait.ge @!p0 [sflag:s8], $0x0  }
0x24: {  	s3 =	sadd.s32 $0x88, s3;
	s6 =	simm.s32 @!p1 $0x1082;
	[sflag:s4] =	ssyncset.s32 $0xFFFFF086  }
0x25: {  	[simem:s6], [sflag:s4] =	dma.local [hbm:s3], $0xF7A  }
0x26: {  	[smem:$0x3F9D] =	sst s1;
	(tag) =	ssettag s2;
	_ =	strace s9  }
0x27: {  	s1 =	sld [smem:$0x3FAD]  }
0x28: {  	s2 =	sld [smem:$0x3FAE]  }
0x29: {  	s4 =	sld [smem:$0x3FB0]  }
0x2a: {  	p0 =	seq.s32 s5, $0x0;
	s5 =	sld [smem:$0x3FB1]  }
0x2b: {  	s6 =	sld [smem:$0x3FB2]  }
0x2c: {  	s7 =	sld [smem:$0x3FB3]  }
0x2d: {  	s3 =	simm.s32 $0x108;
	s8 =	sld [smem:$0x3FB4]  }
0x2e: {  	s3 =	simm.s32 @!p0 $0x1082;
	s9 =	sld [smem:$0x3FB5]  }
0x2f: {  	lr =	sadd.s32 s0, s3;
	s0 =	sld [smem:$0x3FAC]  }
0x30: {  	s3 =	sld [smem:$0x3FAF]  }
0x31: {  	[smem:$0x3FB8] =	sst s10  }
0x32: {  	s10 =	sld [smem:$0x3FB6];
	_ =	sdelay $0x3  }
0x33: {  	p0 =	seq.s32 s10, $0x1;
	s10 =	sld [smem:$0x3FB8];
	_ =	sdelay $0x3  }
0x34: {  	[smem:$0x3FB8] =	sst s10  }
0x35: {  	s10 =	sld [smem:$0x3FB7];
	_ =	sdelay $0x3  }
0x36: {  	p1 =	seq.s32 s10, $0x1;
	s10 =	sld [smem:$0x3FB8];
	_ =	sdelay $0x3  }
0x37: {  	[smem:$0x3FB8] =	sst s10  }
0x38: {  	s10 =	sld [smem:$0x3FB9]  }
0x39: {  	_ = 	snop;
	(pc) =	sbr.ind lr, $3  }
0x3a: {  	_ = 	snop  }
0x3b: {  	_ = 	snop  }
0x3c: {  	p2 =	seq.s32 s10, $0x1;
	s10 =	sld [smem:$0x3FB8]  }
0x3d: {  	_ =	shalt  }
0x3e: {  	_ =	shalt  }
0x3f: {  	_ =	shalt  }
0x40: {  	_ =	shalt  }
0x41: {  	_ =	shalt  }
0x42: {  	_ =	shalt  }
0x43: {  	_ =	shalt  }
0x44: {  	_ =	shalt  }
0x45: {  	_ =	shalt  }
0x46: {  	_ =	shalt  }
0x47: {  	_ =	shalt  }
0x48: {  	_ =	shalt  }
0x49: {  	_ =	shalt  }
0x4a: {  	_ =	shalt  }
0x4b: {  	_ =	shalt  }
0x4c: {  	_ =	shalt  }
0x4d: {  	_ =	shalt  }
0x4e: {  	_ =	shalt  }
0x4f: {  	_ =	shalt  }
0x50: {  	_ =	shalt  }
0x51: {  	_ =	shalt  }
0x52: {  	_ =	shalt  }
0x53: {  	_ =	shalt  }
0x54: {  	_ =	shalt  }
0x55: {  	_ =	shalt  }
0x56: {  	_ =	shalt  }
0x57: {  	_ =	shalt  }
0x58: {  	_ =	shalt  }
0x59: {  	_ =	shalt  }
0x5a: {  	_ =	shalt  }
0x5b: {  	_ =	shalt  }
0x5c: {  	_ =	shalt  }
0x5d: {  	_ =	shalt  }
0x5e: {  	_ =	shalt  }
0x5f: {  	_ =	shalt  }
0x60: {  	_ =	shalt  }
0x61: {  	_ =	shalt  }
0x62: {  	_ =	shalt  }
0x63: {  	_ =	shalt  }
0x64: {  	_ =	shalt  }
0x65: {  	_ =	shalt  }
0x66: {  	_ =	shalt  }
0x67: {  	_ =	shalt  }
0x68: {  	_ =	shalt  }
0x69: {  	_ =	shalt  }
0x6a: {  	_ =	shalt  }
0x6b: {  	_ =	shalt  }
0x6c: {  	_ =	shalt  }
0x6d: {  	_ =	shalt  }
0x6e: {  	_ =	shalt  }
0x6f: {  	_ =	shalt  }
0x70: {  	_ =	shalt  }
0x71: {  	_ =	shalt  }
0x72: {  	_ =	shalt  }
0x73: {  	_ =	shalt  }
0x74: {  	_ =	shalt  }
0x75: {  	_ =	shalt  }
0x76: {  	_ =	shalt  }
0x77: {  	_ =	shalt  }
0x78: {  	_ =	shalt  }
0x79: {  	_ =	shalt  }
0x7a: {  	_ =	shalt  }
0x7b: {  	_ =	shalt  }
0x7c: {  	_ =	shalt  }
0x7d: {  	_ =	shalt  }
0x7e: {  	_ =	shalt  }
0x7f: {  	_ =	shalt  }
0x80: {  	_ =	shalt  }
0x81: {  	_ =	shalt  }
0x82: {  	_ =	shalt  }
0x83: {  	_ =	shalt  }
0x84: {  	_ =	shalt  }
0x85: {  	_ =	shalt  }
0x86: {  	_ =	shalt  }
0x87: {  	_ =	shalt  }
.Lfunc_end0:
.L_simem_size_0:
called_computation_lowered:
.L_overlay_start_0:
0x88: {  	s2 =	sld [smem:$0x3FD9]  }
0x89: {  	s3 =	sld [smem:$0x3FFE];
	_ =	sdelay $0x1  }
0x8a: {  	s1 =	srdreg.scid  }
0x8b: {  	s0 =	sand.u32 $0x1, s1  }
0x8c: {  	s17 =	sshll.u32 s0, $0xA;
	s2 =	sadd.s32 s3, s2  }
0x8d: {  	s2 =	sadd.s32 s2, s17  }
0x8e: {  	[smem:$0x3FC4] =	sst s2  }
0x8f: {  	_ = 	snop  }
0x90: {  	s2 =	sld [smem:$0x3FD0];
	(tm) =	ssettm $0x1  }
0x91: {  	s18 =	sld [smem:$0x3FFB];
	_ =	sdelay $0x3  }
0x92: {  	_ =	strace s18  }
0x93: {  	s3 =	sld [smem:$0x3FFC];
	_ =	sdelay $0x3  }
0x94: {  	_ =	strace s3  }
0x95: {  	s3 =	sld [smem:$0x3FFD];
	_ =	sdelay $0x3  }
0x96: {  	_ =	strace s3  }
0x97: {  	_ =	strace $0x8FFFFFFF  }
0x98: {  	s19 =	sld [smem:$0x3FDB];
	_ =	sdelay $0x1  }
0x99: {  	s4 =	simm.s32 $_scs_section_size  }
0x9a: {  	s5 =	simm.s32 $_size__tile_overlayer_lowered;
	s6 =	simm.s32 $_tile_overlayer_lowered  }
0x9b: {  	s22 =	simm.s32 $0x1BFF;
	s21 =	sshll.u32 s6, $0x1;
	s3 =	sadd.s32 s4, s19  }
0x9c: {  	s7 =	simm.s32 $0x0;
	s20 =	sshll.u32 s5, $0x1;
	s5 =	sadd.s32 s21, s3  }
0x9d: {  	[timem:s7], [sflag:s22] =	dma.local [hbm:s5], s20  }
0x9e: {  	_ =	swait.ge [sflag:s22], s20  }
0x9f: {  	s4 =	ssub.s32 $0x0, s20;
	[sflag:s22] =	ssyncset.done $0x0  }
0xa0: {  	[sflag:s22] =	ssyncadd.s32 s4;
	_ =	sdelay $0x1  }
0xa1: {  	s23 =	simm.s32 $0x1B8B  }
0xa2: {  	_ =	swait.ge [sflag:s23], $0x1  }
0xa3: {  	[sflag:s23] =	ssyncset.done $0x0  }
0xa4: {  	s25 =	simm.s32 $0x1B8E;
	s24 =	sld [smem:$0x3FFE];
	[sflag:s23] =	ssyncadd.s32 $0xFFFFFFFF  }
0xa5: {  	s26 =	simm.s32 $execute0_lowered;
	[smem:$0x3FD2] =	sst s25  }
0xa6: {  	s5 =	sshll.u32 s26, $0x1;
	_ =	strace $0x80000046;
	[dreg:$0x1] =	wrdreg $0xFFFFFFFF  }
0xa7: {  	s28 =	simm.s32 $_size_execute0_lowered;
	s3 =	sadd.s32 s3, s5;
	[dreg:$0x0] =	wrdreg $0x0  }
0xa8: {  	s5 =	sshll.u32 s28, $0x1;
	[dreg:$0x2] =	wrdreg s3  }
0xa9: {  	[dreg:$0x3] =	wrdreg s5  }
0xaa: {  	[dreg:$0x4] =	wrdreg $0xC0  }
0xab: {  	_ =	task [dreg:s7], $0x5FFFF  }
0xac: {  	[dreg:$0x1] =	wrdreg $0xFFFFFFFF  }
0xad: {  	[dreg:$0x0] =	wrdreg $0x60  }
0xae: {  	[dreg:$0x2] =	wrdreg s24  }
0xaf: {  	[dreg:$0x3] =	wrdreg s2  }
0xb0: {  	[dreg:$0x4] =	wrdreg $0x0  }
0xb1: {  	[dreg:$0x5] =	wrdreg $0x9  }
0xb2: {  	_ =	task.clear_ibuf [dreg:s7], $0x6FFFF;
	_ =	strace $0x90000046  }
0xb3: {  	s29 =	simm.s32 $0x9;
	_ =	strace $0x80000048  }
0xb4: {  	_ =	swait.ge [sflag:s29], $0x1  }
0xb5: {  	[sflag:s29] =	ssyncadd.s32 $0xFFFFFFFF  }
0xb6: {  	_ =	strace $0x90000048  }
0xb7: {  	_ =	sfence  }
0xb8: {  	s30 =	sld [smem:$0x0];
	_ =	sdelay $0x2  }
0xb9: {  	s31 =	sshll.u32 s1, $0xD;
	s1 =	sshrl.u32 s1, $0x2  }
0xba: {  	s3 =	sand.u32 $0x4000, s31;
	s1 =	sadd.s32 s1, s30  }
0xbb: {  	s0 =	sor.u32 s3, s0;
	s1 =	sshll.u32 s1, $0x11  }
0xbc: {  	s0 =	sor.u32 s1, s0  }
0xbd: {  	s0 =	sadd.s32 $0x8F2B, s0  }
0xbe: {  	[sflag:s0] =	ssyncadd.remote.s32 $0x1  }
0xbf: {  	_ =	sfence.sel $0xFFFF  }
0xc0: {  	[dreg:$0x0] =	wrdreg $0xFFFFFFFF;
	(pc) =	sbr.abs _section_cstart, $3  }
0xc1: {  	[dreg:$0x1] =	wrdreg $0xFFFFFFFF  }
0xc2: {  	_ =	task.clear_ibuf [dreg:s7], $0x2FFFF;
	_ =	strace $0x9FFFFFFF  }
0xc3: {  	(tm) =	ssettm $0x7FFFFFFF  }
tec
execute0_lowered:
.L_overlay_start_1:
0x0: {  	(tag) =	ssettag $0x1  }
0x1: {  	s0 =	rddreg [dreg:$0x0]  }
0x2: {  	s2 =	rddreg [dreg:$0x1]  }
0x3: {  	s3 =	rddreg [dreg:$0x2];
	s11 =	stileid.u32  }
0x4: {  	s4 =	simm.s32 $0x0;
	s6 =	srdreg.scid;
	s29 =	simm.s32 $0xA000  }
0x5: {  	s30 =	simm.s32 $0xA080;
	s6 =	sand.u32 $0x1, s6;
	s7 =	sshll.u32 s11, $0x1  }
0x6: {  	s31 =	simm.s32 $0x1;
	s1 =	smul.u32 $0xA000, s11;
	s10 =	sor.u32 s6, s7  }
0x7: {  	[smem:$0x7FF] =	sst s4;
	s14 =	sshll.u32 s11, $0x6;
	s7 =	smul.u32 $0x140, s10  }
0x8: {  	_ =	strace $0x80000047;
	s9 =	ssub.s32 $0x2, s6;
	s15 =	smul.u32 $0x500, s10  }
0x9: {  	s6 =	sadd.s32 $0x14C00, s0;
	s5 =	sshrl.u32 s1, $0x3;
	s12 =	smul.u32 $0x5000, s10  }
0xa: {  	s13 =	sshrl.u32 s9, $0x1;
	s1 =	sadd.s32 s1, s3;
	s10 =	smul.u32 $0x1400, s10  }
0xb: {  	s8 =	sadd.s32 s5, s0;
	s5 =	sadd.s32 $0x9D000, s0;
	s0 =	ssub.s32 s9, s13  }
0xc: {  	s28 =	sshrl.u32 s1, $0x3;
	s8 =	sadd.s32 $0xC00, s8;
	s9 =	sor.u32 $0x4, s7  }
0xd: {  	s11 =	sadd.s32 s6, s15;
	s18 =	sadd.s32 s5, s12;
	s15 =	sor.u32 $0x8, s7  }
0xe: {  	s10 =	sadd.s32 s2, s10;
	s24 =	smin.u32 s7, $0x25D4;
	[dreg:$0x13] =	wrdreg s28  }
0xf: {  	s25 =	smin.u32 s7, $0x25D0;
	s0 =	smax.u32 s0, $0x1;
	[dreg:$0x4] =	wrdreg s8  }
0x10: {  	s12 =	simm.s32 $0x2;
	s8 =	sor.u32 $0x1C09, s14;
	[dreg:$0x6] =	wrdreg s11  }
0x11: {  	s16 =	sshll.u32 s9, $0x2;
	s17 =	sshll.u32 s9, $0x6;
	[dreg:$0x8] =	wrdreg s18  }
0x12: {  	s19 =	sshll.u32 s15, $0x2;
	s20 =	sshll.u32 s15, $0x6;
	[dreg:$0xb] =	wrdreg s10  }
0x13: {  	s23 =	sshll.u32 s9, $0x4;
	s26 =	sadd.s32 $0x13C, s25;
	s10 =	sshll.u32 s24, $0x4  }
0x14: {  	[dreg:$0x12] =	wrdreg s0;
	s0 =	simm.s32 $0x80;
	s14 =	simm.s32 $0xE900  }
0x15: {  	s18 =	simm.s32 $0x4;
	[dreg:$0x5] =	wrdreg s8;
	s8 =	sadd.s32 s6, s16  }
0x16: {  	s16 =	sor.u32 $0xC, s7;
	s10 =	sadd.s32 s10, s2;
	s11 =	sshll.u32 s26, $0x6  }
0x17: {  	[dreg:$0x7] =	wrdreg s8;
	s8 =	sadd.s32 s5, s17;
	s21 =	sshll.u32 s16, $0x2  }
0x18: {  	s11 =	sadd.s32 s5, s11;
	s10 =	sadd.s32 $0x1380, s10;
	[dreg:$0x9] =	wrdreg s8  }
0x19: {  	s17 =	simm.s32 $0xF100;
	s8 =	sadd.s32 s6, s19;
	[dreg:$0xf] =	wrdreg s11  }
0x1a: {  	s22 =	sadd.s32 s6, s21;
	[dreg:$0x10] =	wrdreg s10;
	s10 =	simm.s32 $0x3  }
0x1b: {  	s11 =	simm.s32 $0x5;
	[dreg:$0xa] =	wrdreg s8;
	s8 =	sadd.s32 s5, s20  }
0x1c: {  	s19 =	simm.s32 $0x6;
	[dreg:$0xc] =	wrdreg s8;
	s8 =	sadd.s32 s2, s23  }
0x1d: {  	s21 =	simm.s32 $0x7;
	[dreg:$0xe] =	wrdreg s8;
	s8 =	sshll.u32 s26, $0x4  }
0x1e: {  	[dreg:$0xd] =	wrdreg s22;
	s20 =	simm.s32 $0xF300;
	s8 =	sadd.s32 s2, s8  }
0x1f: {  	s22 =	simm.s32 $0x8;
	[dreg:$0x11] =	wrdreg s8;
	s8 =	simm.s32 $0x0  }
.LBB2_1:
0x20: {  	[dreg:$0x14] =	wrdreg s8  }
0x21: {  	s1 =	rddreg [dreg:$0x4]  }
0x22: {  	s23 =	rddreg [dreg:$0x5]  }
0x23: {  	s13 =	rddreg [dreg:$0x13];
	s24 =	simm.s32 $0x9  }
0x24: {  	[spmem:s13], [sflag:s23] =	dma.local [hbm:s1], $0x1400  }
0x25: {  	_ =	swait.ge [sflag:s24], $0x1400  }
0x26: {  	[sflag:s24] =	ssyncset.done $0x0  }
0x27: {  	[sflag:s24] =	ssyncadd.s32 $0xFFFFEC00  }
0x28: {  	[bflag:$0x0] =	sbarrier.arrive $0xFFFF  }
0x29: {  	s25 =	rddreg [dreg:$0x6]  }
0x2a: {  	[tilespmem:s29], [sflag:$0x1] =	stream.linear.gather [hbm4b:s25+s4], $0x80, $0x38;
	[tilespmem:$0xF500] =	vst v63  }
0x2b: {  	s26 =	rddreg [dreg:$0x7]  }
0x2c: {  	[tilespmem:s30], [sflag:$0x2] =	stream.linear.gather [hbm4b:s26+s4], $0x80, $0x38;
	[tilespmem:$0xF500] =	vst v63  }
0x2d: {  	_ =	swait.ge [sflag:s31], $0x80  }
0x2e: {  	[sflag:s31] =	ssyncset.done $0x0  }
0x2f: {  	s28 =	simm.s32 $0xA100;
	[sflag:s31] =	ssyncadd.s32 $0xFFFFFF80  }
0x30: {  	[tilespmem:s28], [sflag:$0x3] =	stream.indirect.gather [spmem:s3], $0x40, s29, s0, $0xb8;
	[tilespmem:$0xF500] =	vst v63  }
0x31: {  	s13 =	simm.s32 $0xE100;
	s8 =	rddreg [dreg:$0x8]  }
0x32: {  	[tilespmem:s13], [sflag:$0x5] =	stream.linear.gather [hbm4b:s8+s4], $0x800, $0x38;
	[tilespmem:$0xF500] =	vst v63  }
0x33: {  	_ =	swait.ge [sflag:s10], $0x2000  }
0x34: {  	[sflag:s10] =	ssyncset.done $0x0  }
0x35: {  	[sflag:s10] =	ssyncadd.s32 $0xFFFFE000  }
0x36: {  	_ =	swait.ge [sflag:s11], $0x800  }
0x37: {  	[sflag:s11] =	ssyncset.done $0x0  }
0x38: {  	[sflag:s11] =	ssyncadd.s32 $0xFFFFF800  }
0x39: {  	_ =	swait.ge [sflag:s12], $0x80  }
0x3a: {  	[sflag:s12] =	ssyncset.done $0x0  }
0x3b: {  	s23 =	simm.s32 $0xC100;
	[sflag:s12] =	ssyncadd.s32 $0xFFFFFF80  }
0x3c: {  	[tilespmem:s23], [sflag:$0x4] =	stream.indirect.gather [spmem:s3], $0x40, s30, s0, $0xb8;
	[tilespmem:$0xF500] =	vst v63  }
0x3d: {  	s24 =	rddreg [dreg:$0x9]  }
0x3e: {  	[tilespmem:s14], [sflag:$0x6] =	stream.linear.gather [hbm4b:s24+s4], $0x800, $0x38;
	[tilespmem:$0xF500] =	vst v63  }
0x3f: {  	s26 =	simm.s32 $0xFFFFFE00;
	s25 =	rddreg [dreg:$0xa]  }
0x40: {  	[tilespmem:s29], [sflag:$0x1] =	stream.linear.gather [hbm4b:s25+s4], $0x80, $0x38;
	[tilespmem:$0xF500] =	vst v63  }
0x41: {  	s28 =	simm.s32 $0xB100;
	v13 =	vld [tilespmem:s26+$0xE900]  }
0x42: {  	v0 =	vld [tilespmem:s28+$0x830]  }
0x43: {  	v3 =	vld [tilespmem:s28+$0xFFFFF000]  }
0x44: {  	v7 =	vld [tilespmem:s28+$0xFFFFF010]  }
0x45: {  	v8 =	vld [tilespmem:s28+$0xFFFFF020]  }
0x46: {  	v9 =	vld [tilespmem:s28+$0xFFFFF030]  }
0x47: {  	v10 =	vld [tilespmem:s28+$0xFFFFF800]  }
0x48: {  	v11 =	vld [tilespmem:s28+$0xFFFFF810]  }
0x49: {  	v34 =	vld [tilespmem:s28+$0xFFFFF820]  }
0x4a: {  	v32 =	vld [tilespmem:s28+$0xFFFFF830]  }
0x4b: {  	v20 =	vimm.f32 $0.0e+00;
	v30 =	vld [tilespmem:s28+$0x0]  }
0x4c: {  	v42 =	vimm.f32 $0.0e+00;
	v41 =	vimm.f32 $0.0e+00;
	v40 =	vimm.f32 $0.0e+00;
	v29 =	vld [tilespmem:s28+$0x10]  }
0x4d: {  	v39 =	vimm.f32 $0.0e+00;
	v37 =	vimm.f32 $0.0e+00;
	v38 =	vimm.f32 $0.0e+00;
	v27 =	vld [tilespmem:s28+$0x20]  }
0x4e: {  	v35 =	vimm.f32 $0.0e+00;
	v36 =	vimm.f32 $0.0e+00;
	v33 =	vimm.f32 $0.0e+00;
	v25 =	vld [tilespmem:s28+$0x30]  }
0x4f: {  	v31 =	vimm.f32 $0.0e+00;
	v28 =	vimm.f32 $0.0e+00;
	v2 =	vld [tilespmem:s28+$0x800];
	v1 =	vmul.f32 v0, v13  }
0x50: {  	v19 =	vld [tilespmem:s26+$0xE300];
	v0 =	vshll.u32 v0, $0x10;
	v4 =	vshll.u32 v3, $0x10;
	v12 =	vshll.u32 v7, $0x10  }
0x51: {  	v17 =	vld [tilespmem:s28+$0x820];
	v14 =	vshll.u32 v8, $0x10;
	v15 =	vshll.u32 v9, $0x10;
	v16 =	vshll.u32 v10, $0x10  }
0x52: {  	v51 =	vld [tilespmem:s26+$0xE500];
	v18 =	vshll.u32 v11, $0x10;
	v49 =	vshll.u32 v34, $0x10;
	v48 =	vshll.u32 v32, $0x10  }
0x53: {  	v47 =	vshll.u32 v30, $0x10;
	v46 =	vshll.u32 v29, $0x10;
	v45 =	vshll.u32 v27, $0x10  }
0x54: {  	v21 =	vmul.f32 v2, v13;
	v6 =	vmul.f32 v0, v13;
	v0 =	vadd.f32 v1, v20;
	v1 =	vld [tilespmem:s28+$0x810]  }
0x55: {  	v43 =	vshll.u32 v25, $0x10;
	v24 =	vmul.f32 v3, v19;
	v7 =	vmul.f32 v7, v19  }
0x56: {  	v5 =	vshll.u32 v2, $0x10;
	v59 =	vmul.f32 v8, v19;
	v57 =	vmul.f32 v9, v19  }
0x57: {  	v50 =	vshll.u32 v17, $0x10;
	v52 =	vmul.f32 v10, v51;
	v53 =	vmul.f32 v11, v51  }
0x58: {  	v11 =	vimm.f32 $0.0e+00;
	v10 =	vimm.f32 $0.0e+00;
	v22 =	vmul.f32 v5, v13  }
0x59: {  	v9 =	vimm.f32 $0.0e+00;
	v12 =	vmul.f32 v12, v19;
	[tilespmem:$0x1FFB0] =	vst v0;
	v0 =	vmul.f32 v1, v13  }
0x5a: {  	v8 =	vimm.f32 $0.0e+00;
	v60 =	vmul.f32 v14, v19;
	v58 =	vmul.f32 v15, v19  }
0x5b: {  	v56 =	vmul.f32 v16, v51;
	v55 =	vmul.f32 v18, v51;
	[tilespmem:$0x1FFC0] =	vst v0;
	v0 =	vadd.f32 v6, v20  }
0x5c: {  	v18 =	vimm.f32 $0.0e+00;
	v16 =	vimm.f32 $0.0e+00;
	v2 =	vshll.u32 v1, $0x10  }
0x5d: {  	v15 =	vimm.f32 $0.0e+00;
	v3 =	vadd.f32 v21, v20;
	[tilespmem:$0x1FFD0] =	vst v0;
	v0 =	vmul.f32 v2, v13  }
0x5e: {  	v14 =	vimm.f32 $0.0e+00;
	v24 =	vadd.f32 v24, v20;
	v21 =	vadd.f32 v12, v20  }
0x5f: {  	v12 =	vimm.f32 $0.0e+00;
	[tilespmem:$0x1FFE0] =	vst v0;
	v0 =	vmul.f32 v17, v13;
	v17 =	vmul.f32 v4, v19  }
0x60: {  	s1 =	simm.s32 $0xFFFFFE10;
	v54 =	vld [tilespmem:s26+$0xE700];
	v4 =	vadd.f32 v22, v20;
	v22 =	vadd.f32 v7, v20;
	v19 =	vimm.f32 $0.0e+00  }
0x61: {  	s8 =	simm.s32 $0xFFFFF880;
	s23 =	simm.s32 $0xB140;
	v26 =	vld [tilespmem:s1+$0xE900];
	v7 =	vimm.f32 $0.0e+00;
	[tilespmem:$0x1FFF0] =	vst v0;
	v23 =	vadd.f32 v17, v20;
	v17 =	vimm.f32 $0.0e+00  }
.LBB2_2:
0x62: {  	v44 =	vld [tilespmem:s23+$0x830]  }
0x63: {  	v61 =	vld [tilespmem:s23+$0xFFFFF000]  }
0x64: {  	v62 =	vld [tilespmem:s23+$0xFFFFF020]  }
0x65: {  	v63 =	vld [tilespmem:s23+$0xFFFFF030]  }
0x66: {  	v49 =	vmul.f32 v49, v51;
	v2 =	vld [tilespmem:s23+$0xFFFFF800]  }
0x67: {  	v48 =	vmul.f32 v48, v51;
	v5 =	vld [tilespmem:s23+$0xFFFFF810];
	v50 =	vmul.f32 v50, v13;
	v20 =	vadd.f32 v60, v20  }
0x68: {  	v0 =	vld [tilespmem:$0x1FFB0];
	v60 =	vmul.f32 v34, v51;
	v42 =	vadd.f32 v59, v42;
	v41 =	vadd.f32 v58, v41  }
0x69: {  	v1 =	vld [tilespmem:$0x1FFE0];
	v51 =	vmul.f32 v32, v51;
	v40 =	vadd.f32 v57, v40;
	v39 =	vadd.f32 v56, v39  }
0x6a: {  	v59 =	vld [tilespmem:s23+$0xFFFFF010];
	v37 =	vadd.f32 v52, v37;
	v47 =	vmul.f32 v47, v54;
	v58 =	vmul.f32 v30, v54  }
0x6b: {  	v34 =	vld [tilespmem:s23+$0xFFFFF820];
	v38 =	vadd.f32 v55, v38;
	v46 =	vmul.f32 v46, v54;
	v57 =	vmul.f32 v29, v54  }
0x6c: {  	v32 =	vld [tilespmem:s23+$0xFFFFF830];
	v35 =	vadd.f32 v53, v35;
	v45 =	vmul.f32 v45, v54;
	v56 =	vmul.f32 v27, v54  }
0x6d: {  	v36 =	vadd.f32 v49, v36;
	v43 =	vmul.f32 v43, v54;
	v54 =	vmul.f32 v25, v54;
	v30 =	vld [tilespmem:s23+$0x0]  }
0x6e: {  	v31 =	vadd.f32 v48, v31;
	v8 =	vadd.f32 v50, v8;
	v25 =	vld [tilespmem:s23+$0x30]  }
0x6f: {  	v33 =	vadd.f32 v60, v33;
	v11 =	vadd.f32 v54, v11;
	v54 =	vld [tilespmem:$0x1FFD0]  }
0x70: {  	v28 =	vadd.f32 v51, v28;
	v60 =	vld [tilespmem:s23+$0x800];
	v27 =	vshll.u32 v44, $0x10;
	v29 =	vmul.f32 v44, v26  }
0x71: {  	v51 =	vld [tilespmem:$0x1FFC0];
	v13 =	vmovc v26;
	v44 =	vshll.u32 v61, $0x10;
	v52 =	vshll.u32 v63, $0x10;
	v19 =	vadd.f32 v47, v19  }
0x72: {  	v18 =	vadd.f32 v58, v18;
	v16 =	vadd.f32 v57, v16;
	v57 =	vld [tilespmem:s23+$0x810];
	v6 =	vmul.f32 v27, v13  }
0x73: {  	v53 =	vshll.u32 v2, $0x10;
	v17 =	vadd.f32 v46, v17;
	v10 =	vadd.f32 v1, v10;
	v1 =	vld [tilespmem:s1+$0xE300]  }
0x74: {  	v55 =	vshll.u32 v5, $0x10;
	v15 =	vadd.f32 v45, v15;
	v50 =	vadd.f32 v6, v54;
	v6 =	vld [tilespmem:$0x1FFF0]  }
0x75: {  	v14 =	vadd.f32 v56, v14;
	v12 =	vadd.f32 v43, v12;
	v26 =	vshll.u32 v59, $0x10;
	v27 =	vld [tilespmem:s23+$0x20]  }
0x76: {  	v49 =	vshll.u32 v34, $0x10;
	v0 =	vadd.f32 v29, v0;
	v9 =	vadd.f32 v51, v9;
	v51 =	vld [tilespmem:s1+$0xE500]  }
0x77: {  	v56 =	vld [tilespmem:s23+$0x820];
	v48 =	vshll.u32 v32, $0x10;
	v47 =	vshll.u32 v30, $0x10;
	v43 =	vshll.u32 v25, $0x10  }
0x78: {  	v29 =	vld [tilespmem:s23+$0x10];
	v58 =	vmul.f32 v60, v13;
	[tilespmem:$0x1FFB0] =	vst v0;
	v0 =	vshll.u32 v62, $0x10;
	v44 =	vmul.f32 v44, v1  }
0x79: {  	v7 =	vadd.f32 v6, v7;
	v6 =	vshll.u32 v60, $0x10;
	v60 =	vshll.u32 v57, $0x10  }
0x7a: {  	v3 =	vadd.f32 v58, v3;
	v58 =	vmul.f32 v52, v1;
	[tilespmem:$0x1FFD0] =	vst v50;
	v50 =	vmul.f32 v60, v13  }
0x7b: {  	v45 =	vshll.u32 v27, $0x10;
	v52 =	vmul.f32 v2, v51;
	v55 =	vmul.f32 v55, v51  }
0x7c: {  	p0 =	sne.s32 s8, $0xFFFFFFC0;
	v6 =	vmul.f32 v6, v13;
	[tilespmem:$0x1FFE0] =	vst v50;
	v50 =	vshll.u32 v56, $0x10;
	v56 =	vmul.f32 v56, v13  }
.Ltmp0:
0x7d: {  	v46 =	vshll.u32 v29, $0x10;
	v57 =	vmul.f32 v57, v13;
	v60 =	vmul.f32 v0, v1;
	(pc) =	sbr.rel @p0 .LBB2_2-.Ltmp0, $4  }
0x7e: {  	v4 =	vadd.f32 v6, v4;
	v6 =	vmul.f32 v26, v1;
	[tilespmem:$0x1FFF0] =	vst v56;
	v56 =	vmul.f32 v61, v1  }
0x7f: {  	v23 =	vadd.f32 v44, v23;
	[tilespmem:$0x1FFC0] =	vst v57;
	v57 =	vmul.f32 v63, v1;
	v61 =	vmul.f32 v59, v1  }
0x80: {  	v54 =	vld [tilespmem:s1+$0xE700];
	s1 =	sshra.s32 s8, $0x2;
	v59 =	vmul.f32 v62, v1;
	v21 =	vadd.f32 v6, v21;
	v24 =	vadd.f32 v56, v24  }
0x81: {  	s23 =	sadd.s32 $0x40, s23;
	s8 =	sadd.s32 $0x40, s8;
	v26 =	vld [tilespmem:s1+$0xE900];
	v56 =	vmul.f32 v53, v51;
	v22 =	vadd.f32 v61, v22;
	v53 =	vmul.f32 v5, v51  }
0x82: {  	v44 =	vld [tilespmem:s23+$0x830]  }
0x83: {  	v0 =	vld [tilespmem:s23+$0xFFFFF000]  }
0x84: {  	v1 =	vld [tilespmem:s23+$0xFFFFF010]  }
0x85: {  	v2 =	vld [tilespmem:s23+$0xFFFFF020]  }
0x86: {  	v5 =	vld [tilespmem:s23+$0xFFFFF030]  }
0x87: {  	v6 =	vld [tilespmem:s23+$0xFFFFF800]  }
0x88: {  	v61 =	vld [tilespmem:s23+$0xFFFFF810];
	v49 =	vmul.f32 v49, v51;
	v34 =	vmul.f32 v34, v51  }
0x89: {  	v62 =	vld [tilespmem:s23+$0xFFFFF820];
	v48 =	vmul.f32 v48, v51;
	v20 =	vadd.f32 v60, v20;
	v42 =	vadd.f32 v59, v42  }
0x8a: {  	v63 =	vld [tilespmem:s23+$0xFFFFF830];
	v32 =	vmul.f32 v32, v51;
	v41 =	vadd.f32 v58, v41;
	v40 =	vadd.f32 v57, v40  }
0x8b: {  	v59 =	vld [tilespmem:s1+$0xE300];
	v13 =	vmul.f32 v50, v13;
	v37 =	vadd.f32 v52, v37;
	v38 =	vadd.f32 v55, v38  }
0x8c: {  	v51 =	vld [tilespmem:s23+$0x0];
	v39 =	vadd.f32 v56, v39;
	v35 =	vadd.f32 v53, v35;
	v47 =	vmul.f32 v47, v54  }
0x8d: {  	v58 =	vld [tilespmem:s23+$0x10];
	v36 =	vadd.f32 v49, v36;
	v30 =	vmul.f32 v30, v54;
	v46 =	vmul.f32 v46, v54  }
0x8e: {  	v57 =	vld [tilespmem:s23+$0x20];
	v33 =	vadd.f32 v34, v33;
	v29 =	vmul.f32 v29, v54;
	v45 =	vmul.f32 v45, v54  }
0x8f: {  	v50 =	vld [tilespmem:s23+$0x30];
	v27 =	vmul.f32 v27, v54;
	v43 =	vmul.f32 v43, v54;
	v60 =	vshll.u32 v0, $0x10  }
0x90: {  	v52 =	vld [tilespmem:s23+$0x810];
	v31 =	vadd.f32 v48, v31;
	v0 =	vmul.f32 v0, v59;
	v56 =	vmul.f32 v60, v59  }
0x91: {  	v53 =	vld [tilespmem:s23+$0x820];
	v25 =	vmul.f32 v25, v54;
	v19 =	vadd.f32 v47, v19;
	v60 =	vshll.u32 v1, $0x10  }
0x92: {  	v1 =	vmul.f32 v1, v59;
	v0 =	vadd.f32 v0, v24;
	v23 =	vadd.f32 v56, v23;
	v56 =	vld [tilespmem:s1+$0xE500]  }
0x93: {  	v54 =	vld [tilespmem:s23+$0x800];
	v15 =	vadd.f32 v45, v15;
	v24 =	vshll.u32 v2, $0x10;
	v2 =	vmul.f32 v2, v59  }
0x94: {  	v34 =	vmul.f32 v60, v59;
	v60 =	vld [tilespmem:s1+$0xE700];
	v1 =	vadd.f32 v1, v22;
	[tilespmem:$0xF110] =	vst v0;
	v0 =	vshll.u32 v5, $0x10  }
0x95: {  	v14 =	vadd.f32 v27, v14;
	v2 =	vadd.f32 v2, v42;
	v0 =	vmul.f32 v0, v59  }
0x96: {  	v22 =	vshll.u32 v6, $0x10;
	v5 =	vmul.f32 v5, v59;
	[tilespmem:$0xF130] =	vst v1;
	v1 =	vshll.u32 v61, $0x10  }
0x97: {  	[tilespmem:$0xF150] =	vst v2;
	v2 =	vshll.u32 v62, $0x10;
	v0 =	vadd.f32 v0, v41;
	v6 =	vmul.f32 v6, v56  }
0x98: {  	[tilespmem:$0xF100] =	vst v23;
	v5 =	vadd.f32 v5, v40;
	v1 =	vmul.f32 v1, v56;
	v2 =	vmul.f32 v2, v56  }
0x99: {  	[tilespmem:$0xF160] =	vst v0;
	v0 =	vadd.f32 v30, v18;
	v18 =	vmul.f32 v61, v56;
	v6 =	vadd.f32 v6, v37  }
0x9a: {  	v23 =	vmul.f32 v24, v59;
	[tilespmem:$0xF170] =	vst v5;
	v5 =	vadd.f32 v46, v17;
	v1 =	vadd.f32 v1, v38  }
0x9b: {  	v17 =	vshll.u32 v63, $0x10;
	v2 =	vadd.f32 v2, v36;
	v18 =	vadd.f32 v18, v35;
	[tilespmem:$0xF190] =	vst v6  }
0x9c: {  	v6 =	vadd.f32 v29, v16;
	v16 =	vmul.f32 v17, v56;
	[tilespmem:$0xF1A0] =	vst v1;
	v1 =	vshll.u32 v51, $0x10  }
0x9d: {  	v20 =	vadd.f32 v23, v20;
	[tilespmem:$0xF1C0] =	vst v2;
	v2 =	vshll.u32 v58, $0x10;
	v1 =	vmul.f32 v1, v60  }
0x9e: {  	[tilespmem:$0xF1B0] =	vst v18;
	v18 =	vmul.f32 v51, v60;
	v2 =	vmul.f32 v2, v60;
	v16 =	vadd.f32 v16, v31  }
0x9f: {  	v12 =	vadd.f32 v43, v12;
	v22 =	vmul.f32 v22, v56;
	[tilespmem:$0xF140] =	vst v20;
	v1 =	vadd.f32 v1, v19  }
0xa0: {  	v0 =	vadd.f32 v18, v0;
	v2 =	vadd.f32 v2, v5;
	v5 =	vmul.f32 v57, v60;
	[tilespmem:$0xF1E0] =	vst v16  }
0xa1: {  	v20 =	vadd.f32 v22, v39;
	v19 =	vmul.f32 v58, v60;
	v16 =	vshll.u32 v57, $0x10;
	[tilespmem:$0xF200] =	vst v1  }
0xa2: {  	v16 =	vmul.f32 v16, v60;
	v1 =	vshll.u32 v50, $0x10;
	[tilespmem:$0xF210] =	vst v0;
	v5 =	vadd.f32 v5, v14  }
0xa3: {  	v6 =	vadd.f32 v19, v6;
	v0 =	vadd.f32 v25, v11;
	[tilespmem:$0xF220] =	vst v2;
	v1 =	vmul.f32 v1, v60  }
0xa4: {  	v2 =	vshll.u32 v54, $0x10;
	v11 =	vadd.f32 v16, v15;
	v15 =	vmul.f32 v50, v60;
	[tilespmem:$0xF250] =	vst v5;
	v5 =	vld [tilespmem:$0x1FFC0]  }
0xa5: {  	[tilespmem:$0xF180] =	vst v20;
	v2 =	vmul.f32 v2, v26;
	v1 =	vadd.f32 v1, v12  }
0xa6: {  	[tilespmem:$0xF230] =	vst v6;
	v0 =	vadd.f32 v15, v0  }
0xa7: {  	v6 =	vld [tilespmem:$0x1FFE0];
	v2 =	vadd.f32 v2, v4;
	v4 =	vshll.u32 v53, $0x10;
	[tilespmem:$0xF260] =	vst v1  }
0xa8: {  	v21 =	vadd.f32 v34, v21;
	v4 =	vmul.f32 v4, v26;
	[tilespmem:$0xF270] =	vst v0;
	v0 =	vadd.f32 v13, v8  }
0xa9: {  	v20 =	vmul.f32 v62, v56;
	v1 =	vmul.f32 v52, v26;
	[tilespmem:$0xF280] =	vst v2;
	v2 =	vld [tilespmem:$0x1FFF0];
	v5 =	vadd.f32 v5, v9  }
0xaa: {  	v28 =	vadd.f32 v32, v28;
	[tilespmem:$0xF120] =	vst v21;
	v0 =	vadd.f32 v4, v0  }
0xab: {  	v17 =	vmul.f32 v63, v56;
	v20 =	vadd.f32 v20, v33;
	[tilespmem:$0xF240] =	vst v11;
	v1 =	vadd.f32 v1, v5  }
0xac: {  	v11 =	vshll.u32 v52, $0x10;
	v6 =	vadd.f32 v6, v10;
	v10 =	vmul.f32 v54, v26;
	[tilespmem:$0xF2C0] =	vst v0;
	v0 =	vld [tilespmem:$0x1FFB0]  }
0xad: {  	v17 =	vadd.f32 v17, v28;
	v9 =	vmul.f32 v11, v26;
	[tilespmem:$0xF2B0] =	vst v1;
	v1 =	vld [tilespmem:$0x1FFD0]  }
0xae: {  	[tilespmem:$0xF1D0] =	vst v20;
	v3 =	vadd.f32 v10, v3;
	v2 =	vadd.f32 v2, v7;
	v7 =	vmul.f32 v53, v26  }
0xaf: {  	v21 =	vshll.u32 v44, $0x10;
	[tilespmem:$0xF1F0] =	vst v17;
	v4 =	vmul.f32 v44, v26;
	v6 =	vadd.f32 v9, v6  }
0xb0: {  	[tilespmem:$0xF290] =	vst v3;
	v3 =	vmul.f32 v21, v26;
	v2 =	vadd.f32 v7, v2  }
0xb1: {  	[tilespmem:$0xF2A0] =	vst v6;
	v0 =	vadd.f32 v4, v0  }
0xb2: {  	[tilespmem:$0xF2D0] =	vst v2;
	v1 =	vadd.f32 v3, v1  }
0xb3: {  	[tilespmem:$0xF2F0] =	vst v0  }
0xb4: {  	s13 =	rddreg [dreg:$0xb];
	[tilespmem:$0xF2E0] =	vst v1  }
0xb5: {  	[hbm4b:s13+s4] =	stream.linear.scatter [tilespmem:s17], [sflag:$0x7], $0x200, $0x38;
	[tilespmem:$0xF500] =	vst v63  }
0xb6: {  	_ =	swait.ge [sflag:s18], $0x2000  }
0xb7: {  	[sflag:s18] =	ssyncset.done $0x0  }
0xb8: {  	[sflag:s18] =	ssyncadd.s32 $0xFFFFE000  }
0xb9: {  	_ =	swait.ge [sflag:s19], $0x800  }
0xba: {  	[sflag:s19] =	ssyncset.done $0x0  }
0xbb: {  	[sflag:s19] =	ssyncadd.s32 $0xFFFFF800  }
0xbc: {  	_ =	swait.ge [sflag:s31], $0x80  }
0xbd: {  	[sflag:s31] =	ssyncset.done $0x0  }
0xbe: {  	s23 =	simm.s32 $0xA100;
	[sflag:s31] =	ssyncadd.s32 $0xFFFFFF80  }
0xbf: {  	[tilespmem:s23], [sflag:$0x3] =	stream.indirect.gather [spmem:s3], $0x40, s29, s0, $0xb8;
	[tilespmem:$0xF500] =	vst v63  }
0xc0: {  	s8 =	simm.s32 $0xE100;
	s24 =	rddreg [dreg:$0xc]  }
0xc1: {  	[tilespmem:s8], [sflag:$0x5] =	stream.linear.gather [hbm4b:s24+s4], $0x800, $0x38;
	[tilespmem:$0xF500] =	vst v63  }
0xc2: {  	s26 =	simm.s32 $0xFFFFFE00;
	s25 =	rddreg [dreg:$0xd]  }
0xc3: {  	[tilespmem:s30], [sflag:$0x2] =	stream.linear.gather [hbm4b:s25+s4], $0x80, $0x38;
	[tilespmem:$0xF500] =	vst v63  }
0xc4: {  	s28 =	simm.s32 $0xD930;
	v12 =	vld [tilespmem:s26+$0xF100]  }
0xc5: {  	v0 =	vld [tilespmem:s28+$0x0]  }
0xc6: {  	v2 =	vld [tilespmem:s28+$0xFFFFE7D0]  }
0xc7: {  	v3 =	vld [tilespmem:s28+$0xFFFFE7E0]  }
0xc8: {  	v7 =	vld [tilespmem:s28+$0xFFFFE7F0]  }
0xc9: {  	v8 =	vld [tilespmem:s28+$0xFFFFE800]  }
0xca: {  	v9 =	vld [tilespmem:s28+$0xFFFFEFD0]  }
0xcb: {  	v10 =	vld [tilespmem:s28+$0xFFFFEFE0]  }
0xcc: {  	v34 =	vld [tilespmem:s28+$0xFFFFEFF0]  }
0xcd: {  	v32 =	vld [tilespmem:s28+$0xFFFFF000]  }
0xce: {  	v42 =	vimm.f32 $0.0e+00;
	v30 =	vld [tilespmem:s28+$0xFFFFF7D0]  }
0xcf: {  	v40 =	vimm.f32 $0.0e+00;
	v41 =	vimm.f32 $0.0e+00;
	v39 =	vimm.f32 $0.0e+00;
	v29 =	vld [tilespmem:s28+$0xFFFFF7E0]  }
0xd0: {  	v37 =	vimm.f32 $0.0e+00;
	v38 =	vimm.f32 $0.0e+00;
	v36 =	vimm.f32 $0.0e+00;
	v27 =	vld [tilespmem:s28+$0xFFFFF7F0]  }
0xd1: {  	v35 =	vimm.f32 $0.0e+00;
	v33 =	vimm.f32 $0.0e+00;
	v31 =	vimm.f32 $0.0e+00;
	v25 =	vld [tilespmem:s28+$0xFFFFF800]  }
0xd2: {  	v28 =	vimm.f32 $0.0e+00;
	v18 =	vimm.f32 $0.0e+00;
	v4 =	vld [tilespmem:s28+$0xFFFFFFD0];
	v1 =	vmul.f32 v0, v12  }
0xd3: {  	v19 =	vld [tilespmem:s26+$0xEB00];
	v0 =	vshll.u32 v0, $0x10;
	v11 =	vshll.u32 v2, $0x10;
	v13 =	vshll.u32 v3, $0x10  }
0xd4: {  	v17 =	vld [tilespmem:s28+$0xFFFFFFF0];
	v14 =	vshll.u32 v7, $0x10;
	v15 =	vshll.u32 v8, $0x10;
	v16 =	vshll.u32 v9, $0x10  }
0xd5: {  	v51 =	vld [tilespmem:s26+$0xED00];
	v23 =	vshll.u32 v10, $0x10;
	v49 =	vshll.u32 v34, $0x10;
	v48 =	vshll.u32 v32, $0x10  }
0xd6: {  	v47 =	vshll.u32 v30, $0x10;
	v46 =	vshll.u32 v29, $0x10;
	v45 =	vshll.u32 v27, $0x10  }
0xd7: {  	v43 =	vshll.u32 v25, $0x10;
	v6 =	vmul.f32 v0, v12;
	v0 =	vadd.f32 v1, v18;
	v1 =	vld [tilespmem:s28+$0xFFFFFFE0]  }
0xd8: {  	v5 =	vshll.u32 v4, $0x10;
	v20 =	vmul.f32 v4, v12;
	v24 =	vmul.f32 v3, v19  }
0xd9: {  	v50 =	vshll.u32 v17, $0x10;
	v59 =	vmul.f32 v7, v19;
	v57 =	vmul.f32 v8, v19  }
0xda: {  	v52 =	vmul.f32 v9, v51;
	v53 =	vmul.f32 v10, v51;
	v10 =	vimm.f32 $0.0e+00  }
0xdb: {  	v9 =	vimm.f32 $0.0e+00;
	v21 =	vmul.f32 v5, v12;
	v11 =	vmul.f32 v11, v19  }
0xdc: {  	v8 =	vimm.f32 $0.0e+00;
	v13 =	vmul.f32 v13, v19;
	[tilespmem:$0x1FF60] =	vst v0;
	v0 =	vmul.f32 v1, v12  }
0xdd: {  	v7 =	vimm.f32 $0.0e+00;
	v60 =	vmul.f32 v14, v19;
	v58 =	vmul.f32 v15, v19  }
0xde: {  	v56 =	vmul.f32 v16, v51;
	v55 =	vmul.f32 v23, v51;
	[tilespmem:$0x1FF70] =	vst v0;
	v0 =	vadd.f32 v6, v18  }
0xdf: {  	v23 =	vimm.f32 $0.0e+00;
	v16 =	vimm.f32 $0.0e+00;
	v4 =	vshll.u32 v1, $0x10  }
0xe0: {  	v15 =	vimm.f32 $0.0e+00;
	v14 =	vimm.f32 $0.0e+00;
	[tilespmem:$0x1FF80] =	vst v0;
	v0 =	vmul.f32 v4, v12  }
0xe1: {  	v3 =	vadd.f32 v20, v18;
	v20 =	vadd.f32 v24, v18;
	v24 =	vimm.f32 $0.0e+00  }
0xe2: {  	[tilespmem:$0x1FF90] =	vst v0;
	v0 =	vmul.f32 v17, v12;
	v17 =	vmul.f32 v2, v19;
	v2 =	vadd.f32 v21, v18  }
0xe3: {  	s1 =	simm.s32 $0xFFFFFE10;
	v54 =	vld [tilespmem:s26+$0xEF00];
	v21 =	vadd.f32 v11, v18;
	v19 =	vadd.f32 v13, v18;
	v13 =	vimm.f32 $0.0e+00  }
0xe4: {  	s23 =	simm.s32 $0xD970;
	s8 =	simm.s32 $0xFFFFF880;
	v26 =	vld [tilespmem:s1+$0xF100];
	v11 =	vimm.f32 $0.0e+00;
	[tilespmem:$0x1FFA0] =	vst v0;
	v22 =	vadd.f32 v17, v18;
	v17 =	vimm.f32 $0.0e+00  }
.LBB2_4:
0xe5: {  	v44 =	vld [tilespmem:s23+$0x0]  }
0xe6: {  	v61 =	vld [tilespmem:s23+$0xFFFFE7D0]  }
0xe7: {  	v62 =	vld [tilespmem:s23+$0xFFFFE7F0]  }
0xe8: {  	v63 =	vld [tilespmem:s23+$0xFFFFE800]  }
0xe9: {  	v49 =	vmul.f32 v49, v51;
	v4 =	vld [tilespmem:s23+$0xFFFFEFD0]  }
0xea: {  	v48 =	vmul.f32 v48, v51;
	v5 =	vld [tilespmem:s23+$0xFFFFEFE0];
	v50 =	vmul.f32 v50, v12;
	v18 =	vadd.f32 v60, v18  }
0xeb: {  	v0 =	vld [tilespmem:$0x1FF60];
	v60 =	vmul.f32 v34, v51;
	v42 =	vadd.f32 v59, v42;
	v41 =	vadd.f32 v58, v41  }
0xec: {  	v1 =	vld [tilespmem:$0x1FF90];
	v51 =	vmul.f32 v32, v51;
	v40 =	vadd.f32 v57, v40;
	v39 =	vadd.f32 v56, v39  }
0xed: {  	v59 =	vld [tilespmem:s23+$0xFFFFE7E0];
	v37 =	vadd.f32 v52, v37;
	v47 =	vmul.f32 v47, v54;
	v58 =	vmul.f32 v30, v54  }
0xee: {  	v34 =	vld [tilespmem:s23+$0xFFFFEFF0];
	v38 =	vadd.f32 v55, v38;
	v46 =	vmul.f32 v46, v54;
	v57 =	vmul.f32 v29, v54  }
0xef: {  	v32 =	vld [tilespmem:s23+$0xFFFFF000];
	v35 =	vadd.f32 v53, v35;
	v45 =	vmul.f32 v45, v54;
	v56 =	vmul.f32 v27, v54  }
0xf0: {  	v36 =	vadd.f32 v49, v36;
	v43 =	vmul.f32 v43, v54;
	v54 =	vmul.f32 v25, v54;
	v30 =	vld [tilespmem:s23+$0xFFFFF7D0]  }
0xf1: {  	v31 =	vadd.f32 v48, v31;
	v8 =	vadd.f32 v50, v8;
	v25 =	vld [tilespmem:s23+$0xFFFFF800]  }
0xf2: {  	v33 =	vadd.f32 v60, v33;
	v11 =	vadd.f32 v54, v11;
	v54 =	vld [tilespmem:$0x1FF80]  }
0xf3: {  	v28 =	vadd.f32 v51, v28;
	v60 =	vld [tilespmem:s23+$0xFFFFFFD0];
	v27 =	vshll.u32 v44, $0x10;
	v29 =	vmul.f32 v44, v26  }
0xf4: {  	v51 =	vld [tilespmem:$0x1FF70];
	v12 =	vmovc v26;
	v44 =	vshll.u32 v61, $0x10;
	v52 =	vshll.u32 v63, $0x10;
	v24 =	vadd.f32 v47, v24  }
0xf5: {  	v23 =	vadd.f32 v58, v23;
	v16 =	vadd.f32 v57, v16;
	v57 =	vld [tilespmem:s23+$0xFFFFFFE0];
	v6 =	vmul.f32 v27, v12  }
0xf6: {  	v53 =	vshll.u32 v4, $0x10;
	v17 =	vadd.f32 v46, v17;
	v10 =	vadd.f32 v1, v10;
	v1 =	vld [tilespmem:s1+$0xEB00]  }
0xf7: {  	v55 =	vshll.u32 v5, $0x10;
	v15 =	vadd.f32 v45, v15;
	v50 =	vadd.f32 v6, v54;
	v6 =	vld [tilespmem:$0x1FFA0]  }
0xf8: {  	v14 =	vadd.f32 v56, v14;
	v13 =	vadd.f32 v43, v13;
	v26 =	vshll.u32 v59, $0x10;
	v27 =	vld [tilespmem:s23+$0xFFFFF7F0]  }
0xf9: {  	v49 =	vshll.u32 v34, $0x10;
	v0 =	vadd.f32 v29, v0;
	v9 =	vadd.f32 v51, v9;
	v51 =	vld [tilespmem:s1+$0xED00]  }
0xfa: {  	v56 =	vld [tilespmem:s23+$0xFFFFFFF0];
	v48 =	vshll.u32 v32, $0x10;
	v47 =	vshll.u32 v30, $0x10;
	v43 =	vshll.u32 v25, $0x10  }
0xfb: {  	v29 =	vld [tilespmem:s23+$0xFFFFF7E0];
	v58 =	vmul.f32 v60, v12;
	[tilespmem:$0x1FF60] =	vst v0;
	v0 =	vshll.u32 v62, $0x10;
	v44 =	vmul.f32 v44, v1  }
0xfc: {  	v7 =	vadd.f32 v6, v7;
	v6 =	vshll.u32 v60, $0x10;
	v60 =	vshll.u32 v57, $0x10  }
0xfd: {  	v3 =	vadd.f32 v58, v3;
	v58 =	vmul.f32 v52, v1;
	[tilespmem:$0x1FF80] =	vst v50;
	v50 =	vmul.f32 v60, v12  }
0xfe: {  	v45 =	vshll.u32 v27, $0x10;
	v52 =	vmul.f32 v4, v51;
	v55 =	vmul.f32 v55, v51  }
0xff: {  	p0 =	sne.s32 s8, $0xFFFFFFC0;
	v6 =	vmul.f32 v6, v12;
	[tilespmem:$0x1FF90] =	vst v50;
	v50 =	vshll.u32 v56, $0x10;
	v56 =	vmul.f32 v56, v12  }
.Ltmp1:
0x100: {  	v46 =	vshll.u32 v29, $0x10;
	v57 =	vmul.f32 v57, v12;
	v60 =	vmul.f32 v0, v1;
	(pc) =	sbr.rel @p0 .LBB2_4-.Ltmp1, $4  }
0x101: {  	v2 =	vadd.f32 v6, v2;
	v6 =	vmul.f32 v26, v1;
	[tilespmem:$0x1FFA0] =	vst v56;
	v56 =	vmul.f32 v61, v1  }
0x102: {  	v21 =	vadd.f32 v44, v21;
	[tilespmem:$0x1FF70] =	vst v57;
	v57 =	vmul.f32 v63, v1;
	v61 =	vmul.f32 v59, v1  }
0x103: {  	v54 =	vld [tilespmem:s1+$0xEF00];
	s1 =	sshra.s32 s8, $0x2;
	v59 =	vmul.f32 v62, v1;
	v19 =	vadd.f32 v6, v19;
	v22 =	vadd.f32 v56, v22  }
0x104: {  	s23 =	sadd.s32 $0x40, s23;
	s8 =	sadd.s32 $0x40, s8;
	v26 =	vld [tilespmem:s1+$0xF100];
	v56 =	vmul.f32 v53, v51;
	v20 =	vadd.f32 v61, v20;
	v53 =	vmul.f32 v5, v51  }
0x105: {  	v44 =	vld [tilespmem:s23+$0x0]  }
0x106: {  	v0 =	vld [tilespmem:s23+$0xFFFFE7D0]  }
0x107: {  	v1 =	vld [tilespmem:s23+$0xFFFFE7E0]  }
0x108: {  	v4 =	vld [tilespmem:s23+$0xFFFFE7F0]  }
0x109: {  	v5 =	vld [tilespmem:s23+$0xFFFFE800]  }
0x10a: {  	v6 =	vld [tilespmem:s23+$0xFFFFEFD0]  }
0x10b: {  	v61 =	vld [tilespmem:s23+$0xFFFFEFE0]  }
0x10c: {  	v49 =	vmul.f32 v49, v51;
	v62 =	vld [tilespmem:s23+$0xFFFFEFF0];
	v18 =	vadd.f32 v60, v18;
	v42 =	vadd.f32 v59, v42  }
0x10d: {  	v34 =	vmul.f32 v34, v51;
	v63 =	vld [tilespmem:s23+$0xFFFFF000];
	v41 =	vadd.f32 v58, v41;
	v40 =	vadd.f32 v57, v40  }
0x10e: {  	v48 =	vmul.f32 v48, v51;
	v59 =	vld [tilespmem:s1+$0xEB00];
	v37 =	vadd.f32 v52, v37;
	v38 =	vadd.f32 v55, v38  }
0x10f: {  	v32 =	vmul.f32 v32, v51;
	v51 =	vld [tilespmem:s23+$0xFFFFF7D0];
	v39 =	vadd.f32 v56, v39;
	v35 =	vadd.f32 v53, v35  }
0x110: {  	v58 =	vld [tilespmem:s23+$0xFFFFF7E0];
	v12 =	vmul.f32 v50, v12;
	v36 =	vadd.f32 v49, v36;
	v33 =	vadd.f32 v34, v33  }
0x111: {  	v57 =	vld [tilespmem:s23+$0xFFFFF7F0];
	v31 =	vadd.f32 v48, v31;
	v47 =	vmul.f32 v47, v54;
	v30 =	vmul.f32 v30, v54  }
0x112: {  	v50 =	vld [tilespmem:s23+$0xFFFFF800];
	v28 =	vadd.f32 v32, v28;
	v46 =	vmul.f32 v46, v54;
	v29 =	vmul.f32 v29, v54  }
0x113: {  	v52 =	vld [tilespmem:s23+$0xFFFFFFE0];
	v45 =	vmul.f32 v45, v54;
	v60 =	vshll.u32 v0, $0x10;
	v0 =	vmul.f32 v0, v59  }
0x114: {  	v48 =	vld [tilespmem:s1+$0xED00];
	v27 =	vmul.f32 v27, v54;
	v55 =	vshll.u32 v4, $0x10;
	v4 =	vmul.f32 v4, v59  }
0x115: {  	v53 =	vld [tilespmem:s23+$0xFFFFFFF0];
	v43 =	vmul.f32 v43, v54;
	v56 =	vmul.f32 v60, v59;
	v0 =	vadd.f32 v0, v22  }
0x116: {  	v49 =	vld [tilespmem:s1+$0xEF00];
	v60 =	vshll.u32 v1, $0x10;
	v1 =	vmul.f32 v1, v59;
	v4 =	vadd.f32 v4, v42  }
0x117: {  	v25 =	vmul.f32 v25, v54;
	v54 =	vld [tilespmem:s23+$0xFFFFFFD0];
	v34 =	vmul.f32 v60, v59;
	v21 =	vadd.f32 v56, v21;
	[tilespmem:$0xF310] =	vst v0  }
0x118: {  	v60 =	vshll.u32 v5, $0x10;
	v5 =	vmul.f32 v5, v59;
	v1 =	vadd.f32 v1, v20;
	[tilespmem:$0xF350] =	vst v4  }
0x119: {  	v32 =	vshll.u32 v6, $0x10;
	v6 =	vmul.f32 v6, v48;
	v19 =	vadd.f32 v34, v19;
	[tilespmem:$0xF300] =	vst v21  }
0x11a: {  	v8 =	vadd.f32 v12, v8;
	v56 =	vmul.f32 v55, v59;
	v5 =	vadd.f32 v5, v40;
	[tilespmem:$0xF330] =	vst v1  }
0x11b: {  	v16 =	vadd.f32 v29, v16;
	v0 =	vmul.f32 v60, v59;
	v55 =	vadd.f32 v6, v37;
	[tilespmem:$0xF320] =	vst v19  }
0x11c: {  	v15 =	vadd.f32 v45, v15;
	v59 =	vmul.f32 v61, v48;
	v18 =	vadd.f32 v56, v18;
	[tilespmem:$0xF370] =	vst v5  }
0x11d: {  	v34 =	vadd.f32 v30, v23;
	v23 =	vmul.f32 v63, v48;
	v0 =	vadd.f32 v0, v41;
	[tilespmem:$0xF390] =	vst v55  }
0x11e: {  	v42 =	vshll.u32 v61, $0x10;
	v1 =	vmul.f32 v32, v48;
	v61 =	vadd.f32 v59, v35;
	[tilespmem:$0xF340] =	vst v18  }
0x11f: {  	v14 =	vadd.f32 v27, v14;
	v21 =	vmul.f32 v62, v48;
	v4 =	vadd.f32 v23, v28;
	[tilespmem:$0xF360] =	vst v0  }
0x120: {  	v20 =	vadd.f32 v47, v24;
	v47 =	vmul.f32 v42, v48;
	v1 =	vadd.f32 v1, v39;
	[tilespmem:$0xF3B0] =	vst v61  }
0x121: {  	v11 =	vadd.f32 v25, v11;
	v35 =	vmul.f32 v58, v49;
	v6 =	vadd.f32 v21, v33;
	[tilespmem:$0xF3F0] =	vst v4  }
0x122: {  	v45 =	vld [tilespmem:$0x1FF70];
	v42 =	vmul.f32 v50, v49;
	v56 =	vshll.u32 v62, $0x10;
	v0 =	vadd.f32 v47, v38;
	[tilespmem:$0xF380] =	vst v1  }
0x123: {  	v13 =	vadd.f32 v43, v13;
	v60 =	vmul.f32 v56, v48;
	v37 =	vadd.f32 v35, v16;
	[tilespmem:$0xF3D0] =	vst v6  }
0x124: {  	v18 =	vshll.u32 v63, $0x10;
	v39 =	vmul.f32 v57, v49;
	v47 =	vadd.f32 v42, v11;
	[tilespmem:$0xF3A0] =	vst v0  }
0x125: {  	v24 =	vshll.u32 v51, $0x10;
	v22 =	vmul.f32 v18, v48;
	v1 =	vadd.f32 v60, v36;
	[tilespmem:$0xF430] =	vst v37  }
0x126: {  	v43 =	vshll.u32 v54, $0x10;
	v56 =	vld [tilespmem:$0x1FFA0];
	v48 =	vmul.f32 v54, v26;
	v6 =	vadd.f32 v39, v14;
	[tilespmem:$0xF470] =	vst v47  }
0x127: {  	v9 =	vadd.f32 v45, v9;
	v54 =	vmul.f32 v52, v26;
	v0 =	vadd.f32 v22, v31;
	[tilespmem:$0xF3C0] =	vst v1  }
0x128: {  	v29 =	vmul.f32 v24, v49;
	v31 =	vmul.f32 v51, v49;
	v51 =	vadd.f32 v48, v3;
	[tilespmem:$0xF450] =	vst v6  }
0x129: {  	v17 =	vadd.f32 v46, v17;
	v30 =	vshll.u32 v58, $0x10;
	v3 =	vadd.f32 v54, v9;
	[tilespmem:$0xF3E0] =	vst v0  }
0x12a: {  	v40 =	vld [tilespmem:$0x1FF90];
	v32 =	vmul.f32 v30, v49;
	v59 =	vmul.f32 v53, v26;
	v1 =	vadd.f32 v29, v20;
	[tilespmem:$0xF490] =	vst v51  }
0x12b: {  	v5 =	vadd.f32 v56, v7;
	v33 =	vadd.f32 v31, v34;
	v34 =	vshll.u32 v57, $0x10;
	[tilespmem:$0xF4B0] =	vst v3  }
0x12c: {  	v38 =	vshll.u32 v50, $0x10;
	v0 =	vadd.f32 v32, v17;
	[tilespmem:$0xF400] =	vst v1;
	v36 =	vmul.f32 v34, v49  }
0x12d: {  	v46 =	vmul.f32 v43, v26;
	v41 =	vmul.f32 v38, v49;
	v4 =	vadd.f32 v59, v5;
	[tilespmem:$0xF410] =	vst v33  }
0x12e: {  	v62 =	vld [tilespmem:$0x1FF80];
	v55 =	vshll.u32 v53, $0x10;
	v49 =	vshll.u32 v52, $0x10;
	[tilespmem:$0xF420] =	vst v0;
	v1 =	vadd.f32 v36, v15  }
0x12f: {  	v63 =	vld [tilespmem:$0x1FF60];
	v10 =	vadd.f32 v40, v10;
	v0 =	vadd.f32 v41, v13;
	v50 =	vmul.f32 v49, v26;
	[tilespmem:$0xF4D0] =	vst v4  }
0x130: {  	v58 =	vshll.u32 v44, $0x10;
	v57 =	vmul.f32 v55, v26;
	[tilespmem:$0xF440] =	vst v1;
	v1 =	vadd.f32 v46, v2  }
0x131: {  	v60 =	vmul.f32 v58, v26;
	[tilespmem:$0xF460] =	vst v0;
	v0 =	vadd.f32 v50, v10  }
0x132: {  	v61 =	vmul.f32 v44, v26;
	[tilespmem:$0xF480] =	vst v1;
	v1 =	vadd.f32 v57, v8  }
0x133: {  	[tilespmem:$0xF4A0] =	vst v0;
	v0 =	vadd.f32 v60, v62  }
0x134: {  	[tilespmem:$0xF4C0] =	vst v1;
	v1 =	vadd.f32 v61, v63  }
0x135: {  	[tilespmem:$0xF4E0] =	vst v0  }
0x136: {  	s28 =	rddreg [dreg:$0xe];
	s24 =	simm.s32 $0x1;
	[tilespmem:$0xF4F0] =	vst v1  }
0x137: {  	[hbm4b:s28+s4] =	stream.linear.scatter [tilespmem:s20], [sflag:$0x8], $0x200, $0x38;
	[tilespmem:$0xF500] =	vst v63  }
.LBB2_6:
0x138: {  	_ =	swait.ge [sflag:s10], $0x2000  }
0x139: {  	[sflag:s10] =	ssyncset.done $0x0  }
0x13a: {  	[sflag:s10] =	ssyncadd.s32 $0xFFFFE000  }
0x13b: {  	_ =	swait.ge [sflag:s11], $0x800  }
0x13c: {  	[sflag:s11] =	ssyncset.done $0x0  }
0x13d: {  	s26 =	sshll.u32 s24, $0x3;
	[sflag:s11] =	ssyncadd.s32 $0xFFFFF800  }
0x13e: {  	s1 =	sadd.s32 s26, s9;
	_ =	swait.ge [sflag:s12], $0x80  }
0x13f: {  	s23 =	simm.s32 $0xC100;
	s25 =	smin.u32 s1, $0x270C;
	[sflag:s12] =	ssyncset.done $0x0  }
0x140: {  	s13 =	sadd.s32 s26, s15;
	s8 =	sshll.u32 s25, $0x6;
	[sflag:s12] =	ssyncadd.s32 $0xFFFFFF80  }
0x141: {  	[tilespmem:s23], [sflag:$0x4] =	stream.indirect.gather [spmem:s3], $0x40, s30, s0, $0xb8;
	[tilespmem:$0xF500] =	vst v63  }
0x142: {  	s28 =	smin.u32 s13, $0x270C;
	s1 =	sadd.s32 s5, s8  }
0x143: {  	[tilespmem:s14], [sflag:$0x6] =	stream.linear.gather [hbm4b:s1+s4], $0x800, $0x38;
	[tilespmem:$0xF500] =	vst v63  }
0x144: {  	s1 =	sshll.u32 s28, $0x2  }
0x145: {  	s1 =	sadd.s32 s6, s1  }
0x146: {  	[tilespmem:s29], [sflag:$0x1] =	stream.linear.gather [hbm4b:s1+s4], $0x80, $0x38;
	[tilespmem:$0xF500] =	vst v63  }
0x147: {  	_ =	swait.ge [sflag:s21], $0x200  }
0x148: {  	[sflag:s21] =	ssyncset.done $0x0  }
0x149: {  	s1 =	simm.s32 $0xFFFFFE00;
	[sflag:s21] =	ssyncadd.s32 $0xFFFFFE00  }
0x14a: {  	s8 =	simm.s32 $0xB100;
	v13 =	vld [tilespmem:s1+$0xE900]  }
0x14b: {  	v0 =	vld [tilespmem:s8+$0x830]  }
0x14c: {  	v3 =	vld [tilespmem:s8+$0xFFFFF000]  }
0x14d: {  	v7 =	vld [tilespmem:s8+$0xFFFFF010]  }
0x14e: {  	v8 =	vld [tilespmem:s8+$0xFFFFF020]  }
0x14f: {  	v9 =	vld [tilespmem:s8+$0xFFFFF030]  }
0x150: {  	v10 =	vld [tilespmem:s8+$0xFFFFF800]  }
0x151: {  	v11 =	vld [tilespmem:s8+$0xFFFFF810]  }
0x152: {  	v34 =	vld [tilespmem:s8+$0xFFFFF820]  }
0x153: {  	v32 =	vld [tilespmem:s8+$0xFFFFF830]  }
0x154: {  	v19 =	vimm.f32 $0.0e+00;
	v30 =	vld [tilespmem:s8+$0x0]  }
0x155: {  	v42 =	vimm.f32 $0.0e+00;
	v41 =	vimm.f32 $0.0e+00;
	v40 =	vimm.f32 $0.0e+00;
	v29 =	vld [tilespmem:s8+$0x10]  }
0x156: {  	v39 =	vimm.f32 $0.0e+00;
	v37 =	vimm.f32 $0.0e+00;
	v38 =	vimm.f32 $0.0e+00;
	v27 =	vld [tilespmem:s8+$0x20]  }
0x157: {  	v35 =	vimm.f32 $0.0e+00;
	v36 =	vimm.f32 $0.0e+00;
	v33 =	vimm.f32 $0.0e+00;
	v25 =	vld [tilespmem:s8+$0x30]  }
0x158: {  	v31 =	vimm.f32 $0.0e+00;
	v28 =	vimm.f32 $0.0e+00;
	v2 =	vld [tilespmem:s8+$0x800];
	v1 =	vmul.f32 v0, v13  }
0x159: {  	v20 =	vld [tilespmem:s1+$0xE300];
	v0 =	vshll.u32 v0, $0x10;
	v4 =	vshll.u32 v3, $0x10;
	v12 =	vshll.u32 v7, $0x10  }
0x15a: {  	v17 =	vld [tilespmem:s8+$0x820];
	v14 =	vshll.u32 v8, $0x10;
	v15 =	vshll.u32 v9, $0x10;
	v16 =	vshll.u32 v10, $0x10  }
0x15b: {  	v51 =	vld [tilespmem:s1+$0xE500];
	v18 =	vshll.u32 v11, $0x10;
	v49 =	vshll.u32 v34, $0x10;
	v48 =	vshll.u32 v32, $0x10  }
0x15c: {  	v47 =	vshll.u32 v30, $0x10;
	v46 =	vshll.u32 v29, $0x10;
	v44 =	vshll.u32 v27, $0x10  }
0x15d: {  	v21 =	vmul.f32 v2, v13;
	v6 =	vmul.f32 v0, v13;
	v0 =	vadd.f32 v1, v19;
	v1 =	vld [tilespmem:s8+$0x810]  }
0x15e: {  	v43 =	vshll.u32 v25, $0x10;
	v24 =	vmul.f32 v3, v20;
	v7 =	vmul.f32 v7, v20  }
0x15f: {  	v5 =	vshll.u32 v2, $0x10;
	v59 =	vmul.f32 v8, v20;
	v57 =	vmul.f32 v9, v20  }
0x160: {  	v50 =	vshll.u32 v17, $0x10;
	v52 =	vmul.f32 v10, v51;
	v53 =	vmul.f32 v11, v51  }
0x161: {  	v11 =	vimm.f32 $0.0e+00;
	v10 =	vimm.f32 $0.0e+00;
	v22 =	vmul.f32 v5, v13  }
0x162: {  	v9 =	vimm.f32 $0.0e+00;
	v12 =	vmul.f32 v12, v20;
	[tilespmem:$0x1FF10] =	vst v0;
	v0 =	vmul.f32 v1, v13  }
0x163: {  	v8 =	vimm.f32 $0.0e+00;
	v60 =	vmul.f32 v14, v20;
	v58 =	vmul.f32 v15, v20  }
0x164: {  	v56 =	vmul.f32 v16, v51;
	v54 =	vmul.f32 v18, v51;
	[tilespmem:$0x1FF20] =	vst v0;
	v0 =	vadd.f32 v6, v19  }
0x165: {  	v18 =	vimm.f32 $0.0e+00;
	v16 =	vimm.f32 $0.0e+00;
	v2 =	vshll.u32 v1, $0x10  }
0x166: {  	v15 =	vimm.f32 $0.0e+00;
	v3 =	vadd.f32 v21, v19;
	[tilespmem:$0x1FF30] =	vst v0;
	v0 =	vmul.f32 v2, v13  }
0x167: {  	s23 =	sadd.s32 s7, s26;
	v14 =	vimm.f32 $0.0e+00;
	v24 =	vadd.f32 v24, v19;
	v21 =	vadd.f32 v12, v19  }
0x168: {  	s8 =	smin.u32 s23, $0x270C;
	v12 =	vimm.f32 $0.0e+00;
	[tilespmem:$0x1FF40] =	vst v0;
	v0 =	vmul.f32 v17, v13;
	v17 =	vmul.f32 v4, v20  }
0x169: {  	v55 =	vld [tilespmem:s1+$0xE700];
	s13 =	sshll.u32 s8, $0x4;
	s8 =	simm.s32 $0xFFFFFE10;
	v4 =	vadd.f32 v22, v19;
	v22 =	vadd.f32 v7, v19;
	v20 =	vimm.f32 $0.0e+00  }
0x16a: {  	s1 =	simm.s32 $0xB140;
	s23 =	sadd.s32 s2, s13;
	v26 =	vld [tilespmem:s8+$0xE900];
	s13 =	simm.s32 $0xFFFFF880;
	v7 =	vimm.f32 $0.0e+00;
	[tilespmem:$0x1FF50] =	vst v0;
	v23 =	vadd.f32 v17, v19;
	v17 =	vimm.f32 $0.0e+00  }
.LBB2_7:
0x16b: {  	v45 =	vld [tilespmem:s1+$0x830]  }
0x16c: {  	v61 =	vld [tilespmem:s1+$0xFFFFF000]  }
0x16d: {  	v62 =	vld [tilespmem:s1+$0xFFFFF020]  }
0x16e: {  	v63 =	vld [tilespmem:s1+$0xFFFFF030]  }
0x16f: {  	v49 =	vmul.f32 v49, v51;
	v2 =	vld [tilespmem:s1+$0xFFFFF800]  }
0x170: {  	v48 =	vmul.f32 v48, v51;
	v5 =	vld [tilespmem:s1+$0xFFFFF810];
	v50 =	vmul.f32 v50, v13;
	v19 =	vadd.f32 v60, v19  }
0x171: {  	v0 =	vld [tilespmem:$0x1FF10];
	v60 =	vmul.f32 v34, v51;
	v42 =	vadd.f32 v59, v42;
	v41 =	vadd.f32 v58, v41  }
0x172: {  	v1 =	vld [tilespmem:$0x1FF40];
	v51 =	vmul.f32 v32, v51;
	v40 =	vadd.f32 v57, v40;
	v39 =	vadd.f32 v56, v39  }
0x173: {  	v59 =	vld [tilespmem:s1+$0xFFFFF010];
	v37 =	vadd.f32 v52, v37;
	v47 =	vmul.f32 v47, v55;
	v58 =	vmul.f32 v30, v55  }
0x174: {  	v34 =	vld [tilespmem:s1+$0xFFFFF820];
	v38 =	vadd.f32 v54, v38;
	v46 =	vmul.f32 v46, v55;
	v57 =	vmul.f32 v29, v55  }
0x175: {  	v32 =	vld [tilespmem:s1+$0xFFFFF830];
	v35 =	vadd.f32 v53, v35;
	v44 =	vmul.f32 v44, v55;
	v56 =	vmul.f32 v27, v55  }
0x176: {  	v36 =	vadd.f32 v49, v36;
	v43 =	vmul.f32 v43, v55;
	v55 =	vmul.f32 v25, v55;
	v30 =	vld [tilespmem:s1+$0x0]  }
0x177: {  	v31 =	vadd.f32 v48, v31;
	v8 =	vadd.f32 v50, v8;
	v25 =	vld [tilespmem:s1+$0x30]  }
0x178: {  	v33 =	vadd.f32 v60, v33;
	v11 =	vadd.f32 v55, v11;
	v55 =	vld [tilespmem:$0x1FF30]  }
0x179: {  	v28 =	vadd.f32 v51, v28;
	v60 =	vld [tilespmem:s1+$0x800];
	v27 =	vshll.u32 v45, $0x10;
	v29 =	vmul.f32 v45, v26  }
0x17a: {  	v51 =	vld [tilespmem:$0x1FF20];
	v13 =	vmovc v26;
	v45 =	vshll.u32 v61, $0x10;
	v52 =	vshll.u32 v63, $0x10;
	v20 =	vadd.f32 v47, v20  }
0x17b: {  	v18 =	vadd.f32 v58, v18;
	v16 =	vadd.f32 v57, v16;
	v57 =	vld [tilespmem:s1+$0x810];
	v6 =	vmul.f32 v27, v13  }
0x17c: {  	v53 =	vshll.u32 v2, $0x10;
	v17 =	vadd.f32 v46, v17;
	v10 =	vadd.f32 v1, v10;
	v1 =	vld [tilespmem:s8+$0xE300]  }
0x17d: {  	v54 =	vshll.u32 v5, $0x10;
	v15 =	vadd.f32 v44, v15;
	v50 =	vadd.f32 v6, v55;
	v6 =	vld [tilespmem:$0x1FF50]  }
0x17e: {  	v14 =	vadd.f32 v56, v14;
	v12 =	vadd.f32 v43, v12;
	v26 =	vshll.u32 v59, $0x10;
	v27 =	vld [tilespmem:s1+$0x20]  }
0x17f: {  	v49 =	vshll.u32 v34, $0x10;
	v0 =	vadd.f32 v29, v0;
	v9 =	vadd.f32 v51, v9;
	v51 =	vld [tilespmem:s8+$0xE500]  }
0x180: {  	v56 =	vld [tilespmem:s1+$0x820];
	v48 =	vshll.u32 v32, $0x10;
	v47 =	vshll.u32 v30, $0x10;
	v43 =	vshll.u32 v25, $0x10  }
0x181: {  	v29 =	vld [tilespmem:s1+$0x10];
	v58 =	vmul.f32 v60, v13;
	[tilespmem:$0x1FF10] =	vst v0;
	v0 =	vshll.u32 v62, $0x10;
	v45 =	vmul.f32 v45, v1  }
0x182: {  	v7 =	vadd.f32 v6, v7;
	v6 =	vshll.u32 v60, $0x10;
	v60 =	vshll.u32 v57, $0x10  }
0x183: {  	v3 =	vadd.f32 v58, v3;
	v58 =	vmul.f32 v52, v1;
	[tilespmem:$0x1FF30] =	vst v50;
	v50 =	vmul.f32 v60, v13  }
0x184: {  	v44 =	vshll.u32 v27, $0x10;
	v52 =	vmul.f32 v2, v51;
	v54 =	vmul.f32 v54, v51  }
0x185: {  	p0 =	sne.s32 s13, $0xFFFFFFC0;
	v6 =	vmul.f32 v6, v13;
	[tilespmem:$0x1FF40] =	vst v50;
	v50 =	vshll.u32 v56, $0x10;
	v56 =	vmul.f32 v56, v13  }
.Ltmp2:
0x186: {  	v46 =	vshll.u32 v29, $0x10;
	v57 =	vmul.f32 v57, v13;
	v60 =	vmul.f32 v0, v1;
	(pc) =	sbr.rel @p0 .LBB2_7-.Ltmp2, $4  }
0x187: {  	v4 =	vadd.f32 v6, v4;
	v6 =	vmul.f32 v26, v1;
	[tilespmem:$0x1FF50] =	vst v56;
	v56 =	vmul.f32 v61, v1  }
0x188: {  	v23 =	vadd.f32 v45, v23;
	[tilespmem:$0x1FF20] =	vst v57;
	v57 =	vmul.f32 v63, v1;
	v61 =	vmul.f32 v59, v1  }
0x189: {  	v55 =	vld [tilespmem:s8+$0xE700];
	s8 =	sshra.s32 s13, $0x2;
	v59 =	vmul.f32 v62, v1;
	v21 =	vadd.f32 v6, v21;
	v24 =	vadd.f32 v56, v24  }
0x18a: {  	s1 =	sadd.s32 $0x40, s1;
	s13 =	sadd.s32 $0x40, s13;
	v26 =	vld [tilespmem:s8+$0xE900];
	v56 =	vmul.f32 v53, v51;
	v22 =	vadd.f32 v61, v22;
	v53 =	vmul.f32 v5, v51  }
0x18b: {  	v45 =	vld [tilespmem:s1+$0x830]  }
0x18c: {  	v0 =	vld [tilespmem:s1+$0xFFFFF000]  }
0x18d: {  	v1 =	vld [tilespmem:s1+$0xFFFFF010]  }
0x18e: {  	v2 =	vld [tilespmem:s1+$0xFFFFF020]  }
0x18f: {  	v5 =	vld [tilespmem:s1+$0xFFFFF030]  }
0x190: {  	v6 =	vld [tilespmem:s1+$0xFFFFF800]  }
0x191: {  	v61 =	vld [tilespmem:s1+$0xFFFFF810];
	v49 =	vmul.f32 v49, v51;
	v34 =	vmul.f32 v34, v51  }
0x192: {  	v62 =	vld [tilespmem:s1+$0xFFFFF820];
	v48 =	vmul.f32 v48, v51;
	v19 =	vadd.f32 v60, v19;
	v42 =	vadd.f32 v59, v42  }
0x193: {  	v63 =	vld [tilespmem:s1+$0xFFFFF830];
	v32 =	vmul.f32 v32, v51;
	v41 =	vadd.f32 v58, v41;
	v40 =	vadd.f32 v57, v40  }
0x194: {  	v59 =	vld [tilespmem:s8+$0xE300];
	v13 =	vmul.f32 v50, v13;
	v37 =	vadd.f32 v52, v37;
	v38 =	vadd.f32 v54, v38  }
0x195: {  	v51 =	vld [tilespmem:s1+$0x0];
	v39 =	vadd.f32 v56, v39;
	v35 =	vadd.f32 v53, v35;
	v47 =	vmul.f32 v47, v55  }
0x196: {  	v58 =	vld [tilespmem:s1+$0x10];
	v36 =	vadd.f32 v49, v36;
	v30 =	vmul.f32 v30, v55;
	v46 =	vmul.f32 v46, v55  }
0x197: {  	v57 =	vld [tilespmem:s1+$0x20];
	v33 =	vadd.f32 v34, v33;
	v29 =	vmul.f32 v29, v55;
	v44 =	vmul.f32 v44, v55  }
0x198: {  	v50 =	vld [tilespmem:s1+$0x30];
	v27 =	vmul.f32 v27, v55;
	v43 =	vmul.f32 v43, v55;
	v60 =	vshll.u32 v0, $0x10  }
0x199: {  	v54 =	vld [tilespmem:s1+$0x800];
	v31 =	vadd.f32 v48, v31;
	v0 =	vmul.f32 v0, v59;
	v56 =	vmul.f32 v60, v59  }
0x19a: {  	v52 =	vld [tilespmem:s1+$0x810];
	v15 =	vadd.f32 v44, v15;
	v14 =	vadd.f32 v27, v14;
	v60 =	vshll.u32 v1, $0x10  }
0x19b: {  	v1 =	vmul.f32 v1, v59;
	v0 =	vadd.f32 v0, v24;
	v23 =	vadd.f32 v56, v23;
	v56 =	vld [tilespmem:s8+$0xE500]  }
0x19c: {  	v53 =	vld [tilespmem:s1+$0x820];
	v34 =	vmul.f32 v60, v59;
	v24 =	vshll.u32 v2, $0x10;
	v2 =	vmul.f32 v2, v59  }
0x19d: {  	v60 =	vld [tilespmem:s8+$0xE700];
	v1 =	vadd.f32 v1, v22;
	[tilespmem:$0xF110] =	vst v0;
	v0 =	vshll.u32 v5, $0x10;
	v5 =	vmul.f32 v5, v59  }
0x19e: {  	v22 =	vshll.u32 v6, $0x10;
	v2 =	vadd.f32 v2, v42;
	[tilespmem:$0xF100] =	vst v23;
	v0 =	vmul.f32 v0, v59  }
0x19f: {  	v23 =	vmul.f32 v24, v59;
	[tilespmem:$0xF130] =	vst v1;
	v1 =	vshll.u32 v61, $0x10;
	v5 =	vadd.f32 v5, v40  }
0x1a0: {  	[tilespmem:$0xF150] =	vst v2;
	v2 =	vshll.u32 v62, $0x10;
	v0 =	vadd.f32 v0, v41;
	v6 =	vmul.f32 v6, v56  }
0x1a1: {  	v19 =	vadd.f32 v23, v19;
	v1 =	vmul.f32 v1, v56;
	[tilespmem:$0xF170] =	vst v5;
	v2 =	vmul.f32 v2, v56  }
0x1a2: {  	[tilespmem:$0xF160] =	vst v0;
	v0 =	vadd.f32 v30, v18;
	v18 =	vmul.f32 v61, v56;
	v6 =	vadd.f32 v6, v37  }
0x1a3: {  	v25 =	vmul.f32 v25, v55;
	v5 =	vadd.f32 v46, v17;
	[tilespmem:$0xF140] =	vst v19;
	v1 =	vadd.f32 v1, v38  }
0x1a4: {  	v17 =	vshll.u32 v63, $0x10;
	v2 =	vadd.f32 v2, v36;
	v18 =	vadd.f32 v18, v35;
	[tilespmem:$0xF190] =	vst v6  }
0x1a5: {  	v6 =	vadd.f32 v29, v16;
	v16 =	vmul.f32 v17, v56;
	[tilespmem:$0xF1A0] =	vst v1;
	v1 =	vshll.u32 v51, $0x10  }
0x1a6: {  	v19 =	vadd.f32 v47, v20;
	[tilespmem:$0xF1C0] =	vst v2;
	v2 =	vshll.u32 v58, $0x10;
	v1 =	vmul.f32 v1, v60  }
0x1a7: {  	[tilespmem:$0xF1B0] =	vst v18;
	v18 =	vmul.f32 v51, v60;
	v2 =	vmul.f32 v2, v60;
	v16 =	vadd.f32 v16, v31  }
0x1a8: {  	v12 =	vadd.f32 v43, v12;
	v22 =	vmul.f32 v22, v56;
	v1 =	vadd.f32 v1, v19  }
0x1a9: {  	v0 =	vadd.f32 v18, v0;
	v2 =	vadd.f32 v2, v5;
	v5 =	vmul.f32 v57, v60;
	[tilespmem:$0xF1E0] =	vst v16  }
0x1aa: {  	v20 =	vadd.f32 v22, v39;
	v19 =	vmul.f32 v58, v60;
	v16 =	vshll.u32 v57, $0x10;
	[tilespmem:$0xF200] =	vst v1  }
0x1ab: {  	v16 =	vmul.f32 v16, v60;
	v1 =	vshll.u32 v50, $0x10;
	[tilespmem:$0xF210] =	vst v0;
	v5 =	vadd.f32 v5, v14  }
0x1ac: {  	v6 =	vadd.f32 v19, v6;
	v0 =	vadd.f32 v25, v11;
	[tilespmem:$0xF220] =	vst v2;
	v1 =	vmul.f32 v1, v60  }
0x1ad: {  	v2 =	vshll.u32 v54, $0x10;
	v11 =	vadd.f32 v16, v15;
	v15 =	vmul.f32 v50, v60;
	[tilespmem:$0xF250] =	vst v5;
	v5 =	vld [tilespmem:$0x1FF20]  }
0x1ae: {  	[tilespmem:$0xF180] =	vst v20;
	v2 =	vmul.f32 v2, v26;
	v1 =	vadd.f32 v1, v12  }
0x1af: {  	[tilespmem:$0xF230] =	vst v6;
	v0 =	vadd.f32 v15, v0  }
0x1b0: {  	v6 =	vld [tilespmem:$0x1FF40];
	v2 =	vadd.f32 v2, v4;
	v4 =	vshll.u32 v53, $0x10;
	[tilespmem:$0xF260] =	vst v1  }
0x1b1: {  	v21 =	vadd.f32 v34, v21;
	v4 =	vmul.f32 v4, v26;
	[tilespmem:$0xF270] =	vst v0;
	v0 =	vadd.f32 v13, v8  }
0x1b2: {  	v20 =	vmul.f32 v62, v56;
	v1 =	vmul.f32 v52, v26;
	[tilespmem:$0xF280] =	vst v2;
	v2 =	vld [tilespmem:$0x1FF50];
	v5 =	vadd.f32 v5, v9  }
0x1b3: {  	v28 =	vadd.f32 v32, v28;
	[tilespmem:$0xF120] =	vst v21;
	v0 =	vadd.f32 v4, v0  }
0x1b4: {  	v17 =	vmul.f32 v63, v56;
	v20 =	vadd.f32 v20, v33;
	[tilespmem:$0xF240] =	vst v11;
	v1 =	vadd.f32 v1, v5  }
0x1b5: {  	v11 =	vshll.u32 v52, $0x10;
	v6 =	vadd.f32 v6, v10;
	v10 =	vmul.f32 v54, v26;
	[tilespmem:$0xF2C0] =	vst v0;
	v0 =	vld [tilespmem:$0x1FF10]  }
0x1b6: {  	v17 =	vadd.f32 v17, v28;
	v9 =	vmul.f32 v11, v26;
	[tilespmem:$0xF2B0] =	vst v1;
	v1 =	vld [tilespmem:$0x1FF30]  }
0x1b7: {  	[tilespmem:$0xF1D0] =	vst v20;
	v3 =	vadd.f32 v10, v3;
	v2 =	vadd.f32 v2, v7;
	v7 =	vmul.f32 v53, v26  }
0x1b8: {  	v21 =	vshll.u32 v45, $0x10;
	[tilespmem:$0xF1F0] =	vst v17;
	v4 =	vmul.f32 v45, v26;
	v6 =	vadd.f32 v9, v6  }
0x1b9: {  	[tilespmem:$0xF290] =	vst v3;
	v3 =	vmul.f32 v21, v26;
	v2 =	vadd.f32 v7, v2  }
0x1ba: {  	[tilespmem:$0xF2A0] =	vst v6;
	v0 =	vadd.f32 v4, v0  }
0x1bb: {  	[tilespmem:$0xF2D0] =	vst v2;
	v1 =	vadd.f32 v3, v1  }
0x1bc: {  	[tilespmem:$0xF2F0] =	vst v0  }
0x1bd: {  	[tilespmem:$0xF2E0] =	vst v1  }
0x1be: {  	[hbm4b:s23+s4] =	stream.linear.scatter [tilespmem:s17], [sflag:$0x7], $0x200, $0x38;
	[tilespmem:$0xF500] =	vst v63  }
0x1bf: {  	_ =	swait.ge [sflag:s18], $0x2000  }
0x1c0: {  	[sflag:s18] =	ssyncset.done $0x0  }
0x1c1: {  	[sflag:s18] =	ssyncadd.s32 $0xFFFFE000  }
0x1c2: {  	_ =	swait.ge [sflag:s19], $0x800  }
0x1c3: {  	[sflag:s19] =	ssyncset.done $0x0  }
0x1c4: {  	[sflag:s19] =	ssyncadd.s32 $0xFFFFF800  }
0x1c5: {  	_ =	swait.ge [sflag:s31], $0x80  }
0x1c6: {  	[sflag:s31] =	ssyncset.done $0x0  }
0x1c7: {  	s8 =	sshll.u32 s28, $0x6;
	s23 =	simm.s32 $0xA100;
	[sflag:s31] =	ssyncadd.s32 $0xFFFFFF80  }
0x1c8: {  	[tilespmem:s23], [sflag:$0x3] =	stream.indirect.gather [spmem:s3], $0x40, s29, s0, $0xb8;
	[tilespmem:$0xF500] =	vst v63  }
0x1c9: {  	s13 =	simm.s32 $0xE100;
	s1 =	sadd.s32 s5, s8;
	s23 =	sadd.s32 s26, s16  }
0x1ca: {  	[tilespmem:s13], [sflag:$0x5] =	stream.linear.gather [hbm4b:s1+s4], $0x800, $0x38;
	[tilespmem:$0xF500] =	vst v63  }
0x1cb: {  	s1 =	smin.u32 s23, $0x270C  }
0x1cc: {  	s1 =	sshll.u32 s1, $0x2  }
0x1cd: {  	s1 =	sadd.s32 s6, s1  }
0x1ce: {  	[tilespmem:s30], [sflag:$0x2] =	stream.linear.gather [hbm4b:s1+s4], $0x80, $0x38;
	[tilespmem:$0xF500] =	vst v63  }
0x1cf: {  	_ =	swait.ge [sflag:s22], $0x200  }
0x1d0: {  	[sflag:s22] =	ssyncset.done $0x0  }
0x1d1: {  	s26 =	simm.s32 $0xFFFFFE00;
	[sflag:s22] =	ssyncadd.s32 $0xFFFFFE00  }
0x1d2: {  	s28 =	simm.s32 $0xD930;
	v12 =	vld [tilespmem:s26+$0xF100]  }
0x1d3: {  	v0 =	vld [tilespmem:s28+$0x0]  }
0x1d4: {  	v2 =	vld [tilespmem:s28+$0xFFFFE7D0]  }
0x1d5: {  	v3 =	vld [tilespmem:s28+$0xFFFFE7E0]  }
0x1d6: {  	v7 =	vld [tilespmem:s28+$0xFFFFE7F0]  }
0x1d7: {  	v8 =	vld [tilespmem:s28+$0xFFFFE800]  }
0x1d8: {  	v9 =	vld [tilespmem:s28+$0xFFFFEFD0]  }
0x1d9: {  	v10 =	vld [tilespmem:s28+$0xFFFFEFE0]  }
0x1da: {  	v34 =	vld [tilespmem:s28+$0xFFFFEFF0]  }
0x1db: {  	v32 =	vld [tilespmem:s28+$0xFFFFF000]  }
0x1dc: {  	v42 =	vimm.f32 $0.0e+00;
	v30 =	vld [tilespmem:s28+$0xFFFFF7D0]  }
0x1dd: {  	v40 =	vimm.f32 $0.0e+00;
	v41 =	vimm.f32 $0.0e+00;
	v39 =	vimm.f32 $0.0e+00;
	v29 =	vld [tilespmem:s28+$0xFFFFF7E0]  }
0x1de: {  	v37 =	vimm.f32 $0.0e+00;
	v38 =	vimm.f32 $0.0e+00;
	v36 =	vimm.f32 $0.0e+00;
	v27 =	vld [tilespmem:s28+$0xFFFFF7F0]  }
0x1df: {  	v35 =	vimm.f32 $0.0e+00;
	v33 =	vimm.f32 $0.0e+00;
	v31 =	vimm.f32 $0.0e+00;
	v25 =	vld [tilespmem:s28+$0xFFFFF800]  }
0x1e0: {  	v28 =	vimm.f32 $0.0e+00;
	v18 =	vimm.f32 $0.0e+00;
	v4 =	vld [tilespmem:s28+$0xFFFFFFD0];
	v1 =	vmul.f32 v0, v12  }
0x1e1: {  	v19 =	vld [tilespmem:s26+$0xEB00];
	v0 =	vshll.u32 v0, $0x10;
	v11 =	vshll.u32 v2, $0x10;
	v13 =	vshll.u32 v3, $0x10  }
0x1e2: {  	v17 =	vld [tilespmem:s28+$0xFFFFFFF0];
	v14 =	vshll.u32 v7, $0x10;
	v15 =	vshll.u32 v8, $0x10;
	v16 =	vshll.u32 v9, $0x10  }
0x1e3: {  	v51 =	vld [tilespmem:s26+$0xED00];
	v23 =	vshll.u32 v10, $0x10;
	v49 =	vshll.u32 v34, $0x10;
	v48 =	vshll.u32 v32, $0x10  }
0x1e4: {  	v47 =	vshll.u32 v30, $0x10;
	v46 =	vshll.u32 v29, $0x10;
	v45 =	vshll.u32 v27, $0x10  }
0x1e5: {  	v43 =	vshll.u32 v25, $0x10;
	v6 =	vmul.f32 v0, v12;
	v0 =	vadd.f32 v1, v18;
	v1 =	vld [tilespmem:s28+$0xFFFFFFE0]  }
0x1e6: {  	v5 =	vshll.u32 v4, $0x10;
	v20 =	vmul.f32 v4, v12;
	v24 =	vmul.f32 v3, v19  }
0x1e7: {  	v50 =	vshll.u32 v17, $0x10;
	v59 =	vmul.f32 v7, v19;
	v57 =	vmul.f32 v8, v19  }
0x1e8: {  	v52 =	vmul.f32 v9, v51;
	v53 =	vmul.f32 v10, v51;
	v10 =	vimm.f32 $0.0e+00  }
0x1e9: {  	v9 =	vimm.f32 $0.0e+00;
	v21 =	vmul.f32 v5, v12;
	v11 =	vmul.f32 v11, v19  }
0x1ea: {  	v8 =	vimm.f32 $0.0e+00;
	v13 =	vmul.f32 v13, v19;
	[tilespmem:$0x1FEC0] =	vst v0;
	v0 =	vmul.f32 v1, v12  }
0x1eb: {  	v7 =	vimm.f32 $0.0e+00;
	v60 =	vmul.f32 v14, v19;
	v58 =	vmul.f32 v15, v19  }
0x1ec: {  	v56 =	vmul.f32 v16, v51;
	v55 =	vmul.f32 v23, v51;
	[tilespmem:$0x1FED0] =	vst v0;
	v0 =	vadd.f32 v6, v18  }
0x1ed: {  	v23 =	vimm.f32 $0.0e+00;
	v16 =	vimm.f32 $0.0e+00;
	v4 =	vshll.u32 v1, $0x10  }
0x1ee: {  	v15 =	vimm.f32 $0.0e+00;
	v14 =	vimm.f32 $0.0e+00;
	[tilespmem:$0x1FEE0] =	vst v0;
	v0 =	vmul.f32 v4, v12  }
0x1ef: {  	v3 =	vadd.f32 v20, v18;
	v20 =	vadd.f32 v24, v18;
	v24 =	vimm.f32 $0.0e+00  }
0x1f0: {  	[tilespmem:$0x1FEF0] =	vst v0;
	v0 =	vmul.f32 v17, v12;
	v17 =	vmul.f32 v2, v19;
	v2 =	vadd.f32 v21, v18  }
0x1f1: {  	s8 =	simm.s32 $0xFFFFFE10;
	s13 =	sshll.u32 s25, $0x4;
	v54 =	vld [tilespmem:s26+$0xEF00];
	v21 =	vadd.f32 v11, v18;
	v19 =	vadd.f32 v13, v18;
	v13 =	vimm.f32 $0.0e+00  }
0x1f2: {  	s23 =	sadd.s32 s2, s13;
	s13 =	simm.s32 $0xFFFFF880;
	s1 =	simm.s32 $0xD970;
	v26 =	vld [tilespmem:s8+$0xF100];
	v11 =	vimm.f32 $0.0e+00;
	[tilespmem:$0x1FF00] =	vst v0;
	v22 =	vadd.f32 v17, v18;
	v17 =	vimm.f32 $0.0e+00  }
.LBB2_9:
0x1f3: {  	v44 =	vld [tilespmem:s1+$0x0]  }
0x1f4: {  	v61 =	vld [tilespmem:s1+$0xFFFFE7D0]  }
0x1f5: {  	v62 =	vld [tilespmem:s1+$0xFFFFE7F0]  }
0x1f6: {  	v63 =	vld [tilespmem:s1+$0xFFFFE800]  }
0x1f7: {  	v49 =	vmul.f32 v49, v51;
	v4 =	vld [tilespmem:s1+$0xFFFFEFD0]  }
0x1f8: {  	v48 =	vmul.f32 v48, v51;
	v5 =	vld [tilespmem:s1+$0xFFFFEFE0];
	v50 =	vmul.f32 v50, v12;
	v18 =	vadd.f32 v60, v18  }
0x1f9: {  	v0 =	vld [tilespmem:$0x1FEC0];
	v60 =	vmul.f32 v34, v51;
	v42 =	vadd.f32 v59, v42;
	v41 =	vadd.f32 v58, v41  }
0x1fa: {  	v1 =	vld [tilespmem:$0x1FEF0];
	v51 =	vmul.f32 v32, v51;
	v40 =	vadd.f32 v57, v40;
	v39 =	vadd.f32 v56, v39  }
0x1fb: {  	v59 =	vld [tilespmem:s1+$0xFFFFE7E0];
	v37 =	vadd.f32 v52, v37;
	v47 =	vmul.f32 v47, v54;
	v58 =	vmul.f32 v30, v54  }
0x1fc: {  	v34 =	vld [tilespmem:s1+$0xFFFFEFF0];
	v38 =	vadd.f32 v55, v38;
	v46 =	vmul.f32 v46, v54;
	v57 =	vmul.f32 v29, v54  }
0x1fd: {  	v32 =	vld [tilespmem:s1+$0xFFFFF000];
	v35 =	vadd.f32 v53, v35;
	v45 =	vmul.f32 v45, v54;
	v56 =	vmul.f32 v27, v54  }
0x1fe: {  	v36 =	vadd.f32 v49, v36;
	v43 =	vmul.f32 v43, v54;
	v54 =	vmul.f32 v25, v54;
	v30 =	vld [tilespmem:s1+$0xFFFFF7D0]  }
0x1ff: {  	v31 =	vadd.f32 v48, v31;
	v8 =	vadd.f32 v50, v8;
	v25 =	vld [tilespmem:s1+$0xFFFFF800]  }
0x200: {  	v33 =	vadd.f32 v60, v33;
	v11 =	vadd.f32 v54, v11;
	v54 =	vld [tilespmem:$0x1FEE0]  }
0x201: {  	v28 =	vadd.f32 v51, v28;
	v60 =	vld [tilespmem:s1+$0xFFFFFFD0];
	v27 =	vshll.u32 v44, $0x10;
	v29 =	vmul.f32 v44, v26  }
0x202: {  	v51 =	vld [tilespmem:$0x1FED0];
	v12 =	vmovc v26;
	v44 =	vshll.u32 v61, $0x10;
	v52 =	vshll.u32 v63, $0x10;
	v24 =	vadd.f32 v47, v24  }
0x203: {  	v23 =	vadd.f32 v58, v23;
	v16 =	vadd.f32 v57, v16;
	v57 =	vld [tilespmem:s1+$0xFFFFFFE0];
	v6 =	vmul.f32 v27, v12  }
0x204: {  	v53 =	vshll.u32 v4, $0x10;
	v17 =	vadd.f32 v46, v17;
	v10 =	vadd.f32 v1, v10;
	v1 =	vld [tilespmem:s8+$0xEB00]  }
0x205: {  	v55 =	vshll.u32 v5, $0x10;
	v15 =	vadd.f32 v45, v15;
	v50 =	vadd.f32 v6, v54;
	v6 =	vld [tilespmem:$0x1FF00]  }
0x206: {  	v14 =	vadd.f32 v56, v14;
	v13 =	vadd.f32 v43, v13;
	v26 =	vshll.u32 v59, $0x10;
	v27 =	vld [tilespmem:s1+$0xFFFFF7F0]  }
0x207: {  	v49 =	vshll.u32 v34, $0x10;
	v0 =	vadd.f32 v29, v0;
	v9 =	vadd.f32 v51, v9;
	v51 =	vld [tilespmem:s8+$0xED00]  }
0x208: {  	v56 =	vld [tilespmem:s1+$0xFFFFFFF0];
	v48 =	vshll.u32 v32, $0x10;
	v47 =	vshll.u32 v30, $0x10;
	v43 =	vshll.u32 v25, $0x10  }
0x209: {  	v29 =	vld [tilespmem:s1+$0xFFFFF7E0];
	v58 =	vmul.f32 v60, v12;
	[tilespmem:$0x1FEC0] =	vst v0;
	v0 =	vshll.u32 v62, $0x10;
	v44 =	vmul.f32 v44, v1  }
0x20a: {  	v7 =	vadd.f32 v6, v7;
	v6 =	vshll.u32 v60, $0x10;
	v60 =	vshll.u32 v57, $0x10  }
0x20b: {  	v3 =	vadd.f32 v58, v3;
	v58 =	vmul.f32 v52, v1;
	[tilespmem:$0x1FEE0] =	vst v50;
	v50 =	vmul.f32 v60, v12  }
0x20c: {  	v45 =	vshll.u32 v27, $0x10;
	v52 =	vmul.f32 v4, v51;
	v55 =	vmul.f32 v55, v51  }
0x20d: {  	p0 =	sne.s32 s13, $0xFFFFFFC0;
	v6 =	vmul.f32 v6, v12;
	[tilespmem:$0x1FEF0] =	vst v50;
	v50 =	vshll.u32 v56, $0x10;
	v56 =	vmul.f32 v56, v12  }
.Ltmp3:
0x20e: {  	v46 =	vshll.u32 v29, $0x10;
	v57 =	vmul.f32 v57, v12;
	v60 =	vmul.f32 v0, v1;
	(pc) =	sbr.rel @p0 .LBB2_9-.Ltmp3, $4  }
0x20f: {  	v2 =	vadd.f32 v6, v2;
	v6 =	vmul.f32 v26, v1;
	[tilespmem:$0x1FF00] =	vst v56;
	v56 =	vmul.f32 v61, v1  }
0x210: {  	v21 =	vadd.f32 v44, v21;
	[tilespmem:$0x1FED0] =	vst v57;
	v57 =	vmul.f32 v63, v1;
	v61 =	vmul.f32 v59, v1  }
0x211: {  	v54 =	vld [tilespmem:s8+$0xEF00];
	s8 =	sshra.s32 s13, $0x2;
	v59 =	vmul.f32 v62, v1;
	v19 =	vadd.f32 v6, v19;
	v22 =	vadd.f32 v56, v22  }
0x212: {  	s1 =	sadd.s32 $0x40, s1;
	s13 =	sadd.s32 $0x40, s13;
	v26 =	vld [tilespmem:s8+$0xF100];
	v56 =	vmul.f32 v53, v51;
	v20 =	vadd.f32 v61, v20;
	v53 =	vmul.f32 v5, v51  }
0x213: {  	v44 =	vld [tilespmem:s1+$0x0]  }
0x214: {  	v0 =	vld [tilespmem:s1+$0xFFFFE7D0]  }
0x215: {  	v1 =	vld [tilespmem:s1+$0xFFFFE7E0]  }
0x216: {  	v4 =	vld [tilespmem:s1+$0xFFFFE7F0]  }
0x217: {  	v5 =	vld [tilespmem:s1+$0xFFFFE800]  }
0x218: {  	v6 =	vld [tilespmem:s1+$0xFFFFEFD0]  }
0x219: {  	v61 =	vld [tilespmem:s1+$0xFFFFEFE0]  }
0x21a: {  	v49 =	vmul.f32 v49, v51;
	v62 =	vld [tilespmem:s1+$0xFFFFEFF0];
	v18 =	vadd.f32 v60, v18;
	v42 =	vadd.f32 v59, v42  }
0x21b: {  	v34 =	vmul.f32 v34, v51;
	v63 =	vld [tilespmem:s1+$0xFFFFF000];
	v41 =	vadd.f32 v58, v41;
	v40 =	vadd.f32 v57, v40  }
0x21c: {  	v48 =	vmul.f32 v48, v51;
	v59 =	vld [tilespmem:s8+$0xEB00];
	v37 =	vadd.f32 v52, v37;
	v38 =	vadd.f32 v55, v38  }
0x21d: {  	v32 =	vmul.f32 v32, v51;
	v51 =	vld [tilespmem:s1+$0xFFFFF7D0];
	v39 =	vadd.f32 v56, v39;
	v35 =	vadd.f32 v53, v35  }
0x21e: {  	v58 =	vld [tilespmem:s1+$0xFFFFF7E0];
	v12 =	vmul.f32 v50, v12;
	v36 =	vadd.f32 v49, v36;
	v33 =	vadd.f32 v34, v33  }
0x21f: {  	v57 =	vld [tilespmem:s1+$0xFFFFF7F0];
	v31 =	vadd.f32 v48, v31;
	v47 =	vmul.f32 v47, v54;
	v30 =	vmul.f32 v30, v54  }
0x220: {  	v50 =	vld [tilespmem:s1+$0xFFFFF800];
	v28 =	vadd.f32 v32, v28;
	v46 =	vmul.f32 v46, v54;
	v29 =	vmul.f32 v29, v54  }
0x221: {  	v52 =	vld [tilespmem:s1+$0xFFFFFFE0];
	v45 =	vmul.f32 v45, v54;
	v60 =	vshll.u32 v0, $0x10;
	v0 =	vmul.f32 v0, v59  }
0x222: {  	v48 =	vld [tilespmem:s8+$0xED00];
	v27 =	vmul.f32 v27, v54;
	v55 =	vshll.u32 v4, $0x10;
	v4 =	vmul.f32 v4, v59  }
0x223: {  	v53 =	vld [tilespmem:s1+$0xFFFFFFF0];
	v43 =	vmul.f32 v43, v54;
	v56 =	vmul.f32 v60, v59;
	v0 =	vadd.f32 v0, v22  }
0x224: {  	v49 =	vld [tilespmem:s8+$0xEF00];
	v60 =	vshll.u32 v1, $0x10;
	v1 =	vmul.f32 v1, v59;
	v4 =	vadd.f32 v4, v42  }
0x225: {  	v25 =	vmul.f32 v25, v54;
	v54 =	vld [tilespmem:s1+$0xFFFFFFD0];
	v34 =	vmul.f32 v60, v59;
	v21 =	vadd.f32 v56, v21;
	[tilespmem:$0xF310] =	vst v0  }
0x226: {  	v60 =	vshll.u32 v5, $0x10;
	v5 =	vmul.f32 v5, v59;
	v1 =	vadd.f32 v1, v20;
	[tilespmem:$0xF350] =	vst v4  }
0x227: {  	v32 =	vshll.u32 v6, $0x10;
	v6 =	vmul.f32 v6, v48;
	v19 =	vadd.f32 v34, v19;
	[tilespmem:$0xF300] =	vst v21  }
0x228: {  	v8 =	vadd.f32 v12, v8;
	v56 =	vmul.f32 v55, v59;
	v5 =	vadd.f32 v5, v40;
	[tilespmem:$0xF330] =	vst v1  }
0x229: {  	v16 =	vadd.f32 v29, v16;
	v0 =	vmul.f32 v60, v59;
	v55 =	vadd.f32 v6, v37;
	[tilespmem:$0xF320] =	vst v19  }
0x22a: {  	v15 =	vadd.f32 v45, v15;
	v59 =	vmul.f32 v61, v48;
	v18 =	vadd.f32 v56, v18;
	[tilespmem:$0xF370] =	vst v5  }
0x22b: {  	v34 =	vadd.f32 v30, v23;
	v23 =	vmul.f32 v63, v48;
	v0 =	vadd.f32 v0, v41;
	[tilespmem:$0xF390] =	vst v55  }
0x22c: {  	v42 =	vshll.u32 v61, $0x10;
	v1 =	vmul.f32 v32, v48;
	v61 =	vadd.f32 v59, v35;
	[tilespmem:$0xF340] =	vst v18  }
0x22d: {  	v14 =	vadd.f32 v27, v14;
	v21 =	vmul.f32 v62, v48;
	v4 =	vadd.f32 v23, v28;
	[tilespmem:$0xF360] =	vst v0  }
0x22e: {  	v20 =	vadd.f32 v47, v24;
	v47 =	vmul.f32 v42, v48;
	v1 =	vadd.f32 v1, v39;
	[tilespmem:$0xF3B0] =	vst v61  }
0x22f: {  	v11 =	vadd.f32 v25, v11;
	v35 =	vmul.f32 v58, v49;
	v6 =	vadd.f32 v21, v33;
	[tilespmem:$0xF3F0] =	vst v4  }
0x230: {  	v45 =	vld [tilespmem:$0x1FED0];
	v42 =	vmul.f32 v50, v49;
	v56 =	vshll.u32 v62, $0x10;
	v0 =	vadd.f32 v47, v38;
	[tilespmem:$0xF380] =	vst v1  }
0x231: {  	v13 =	vadd.f32 v43, v13;
	v60 =	vmul.f32 v56, v48;
	v37 =	vadd.f32 v35, v16;
	[tilespmem:$0xF3D0] =	vst v6  }
0x232: {  	v18 =	vshll.u32 v63, $0x10;
	v39 =	vmul.f32 v57, v49;
	v47 =	vadd.f32 v42, v11;
	[tilespmem:$0xF3A0] =	vst v0  }
0x233: {  	v24 =	vshll.u32 v51, $0x10;
	v22 =	vmul.f32 v18, v48;
	v1 =	vadd.f32 v60, v36;
	[tilespmem:$0xF430] =	vst v37  }
0x234: {  	v43 =	vshll.u32 v54, $0x10;
	v56 =	vld [tilespmem:$0x1FF00];
	v48 =	vmul.f32 v54, v26;
	v6 =	vadd.f32 v39, v14;
	[tilespmem:$0xF470] =	vst v47  }
0x235: {  	v9 =	vadd.f32 v45, v9;
	v54 =	vmul.f32 v52, v26;
	v0 =	vadd.f32 v22, v31;
	[tilespmem:$0xF3C0] =	vst v1  }
0x236: {  	v29 =	vmul.f32 v24, v49;
	v31 =	vmul.f32 v51, v49;
	v51 =	vadd.f32 v48, v3;
	[tilespmem:$0xF450] =	vst v6  }
0x237: {  	v17 =	vadd.f32 v46, v17;
	v30 =	vshll.u32 v58, $0x10;
	v3 =	vadd.f32 v54, v9;
	[tilespmem:$0xF3E0] =	vst v0  }
0x238: {  	v40 =	vld [tilespmem:$0x1FEF0];
	v32 =	vmul.f32 v30, v49;
	v59 =	vmul.f32 v53, v26;
	v1 =	vadd.f32 v29, v20;
	[tilespmem:$0xF490] =	vst v51  }
0x239: {  	v5 =	vadd.f32 v56, v7;
	v33 =	vadd.f32 v31, v34;
	v34 =	vshll.u32 v57, $0x10;
	[tilespmem:$0xF4B0] =	vst v3  }
0x23a: {  	v38 =	vshll.u32 v50, $0x10;
	v0 =	vadd.f32 v32, v17;
	[tilespmem:$0xF400] =	vst v1;
	v36 =	vmul.f32 v34, v49  }
0x23b: {  	v46 =	vmul.f32 v43, v26;
	v41 =	vmul.f32 v38, v49;
	v4 =	vadd.f32 v59, v5;
	[tilespmem:$0xF410] =	vst v33  }
0x23c: {  	v62 =	vld [tilespmem:$0x1FEE0];
	v55 =	vshll.u32 v53, $0x10;
	v49 =	vshll.u32 v52, $0x10;
	[tilespmem:$0xF420] =	vst v0;
	v1 =	vadd.f32 v36, v15  }
0x23d: {  	v63 =	vld [tilespmem:$0x1FEC0];
	v10 =	vadd.f32 v40, v10;
	v0 =	vadd.f32 v41, v13;
	v50 =	vmul.f32 v49, v26;
	[tilespmem:$0xF4D0] =	vst v4  }
0x23e: {  	v58 =	vshll.u32 v44, $0x10;
	v57 =	vmul.f32 v55, v26;
	[tilespmem:$0xF440] =	vst v1;
	v1 =	vadd.f32 v46, v2  }
0x23f: {  	s24 =	sadd.s32 $0x1, s24;
	v60 =	vmul.f32 v58, v26;
	[tilespmem:$0xF460] =	vst v0;
	v0 =	vadd.f32 v50, v10  }
0x240: {  	p0 =	sne.s32 s24, $0x27;
	v61 =	vmul.f32 v44, v26;
	[tilespmem:$0xF480] =	vst v1;
	v1 =	vadd.f32 v57, v8  }
.Ltmp4:
0x241: {  	[tilespmem:$0xF4A0] =	vst v0;
	v0 =	vadd.f32 v60, v62;
	(pc) =	sbr.rel @p0 .LBB2_6-.Ltmp4, $4  }
0x242: {  	[tilespmem:$0xF4C0] =	vst v1;
	v1 =	vadd.f32 v61, v63  }
0x243: {  	[tilespmem:$0xF4E0] =	vst v0  }
0x244: {  	[tilespmem:$0xF4F0] =	vst v1  }
0x245: {  	[hbm4b:s23+s4] =	stream.linear.scatter [tilespmem:s20], [sflag:$0x8], $0x200, $0x38;
	[tilespmem:$0xF500] =	vst v63  }
0x246: {  	_ =	swait.ge [sflag:s10], $0x2000  }
0x247: {  	[sflag:s10] =	ssyncset.done $0x0  }
0x248: {  	[sflag:s10] =	ssyncadd.s32 $0xFFFFE000  }
0x249: {  	_ =	swait.ge [sflag:s11], $0x800  }
0x24a: {  	[sflag:s11] =	ssyncset.done $0x0  }
0x24b: {  	[sflag:s11] =	ssyncadd.s32 $0xFFFFF800  }
0x24c: {  	_ =	swait.ge [sflag:s12], $0x80  }
0x24d: {  	[sflag:s12] =	ssyncset.done $0x0  }
0x24e: {  	s1 =	simm.s32 $0xC100;
	[sflag:s12] =	ssyncadd.s32 $0xFFFFFF80  }
0x24f: {  	[tilespmem:s1], [sflag:$0x4] =	stream.indirect.gather [spmem:s3], $0x40, s30, s0, $0xb8;
	[tilespmem:$0xF500] =	vst v63  }
0x250: {  	s26 =	rddreg [dreg:$0xf]  }
0x251: {  	[tilespmem:s14], [sflag:$0x6] =	stream.linear.gather [hbm4b:s26+s4], $0x800, $0x38;
	[tilespmem:$0xF500] =	vst v63  }
0x252: {  	_ =	swait.ge [sflag:s21], $0x200  }
0x253: {  	[sflag:s21] =	ssyncset.done $0x0  }
0x254: {  	s28 =	simm.s32 $0xFFFFFE00;
	[sflag:s21] =	ssyncadd.s32 $0xFFFFFE00  }
0x255: {  	s8 =	simm.s32 $0xB100;
	v13 =	vld [tilespmem:s28+$0xE900]  }
0x256: {  	v0 =	vld [tilespmem:s8+$0x830]  }
0x257: {  	v3 =	vld [tilespmem:s8+$0xFFFFF000]  }
0x258: {  	v7 =	vld [tilespmem:s8+$0xFFFFF010]  }
0x259: {  	v8 =	vld [tilespmem:s8+$0xFFFFF020]  }
0x25a: {  	v9 =	vld [tilespmem:s8+$0xFFFFF030]  }
0x25b: {  	v10 =	vld [tilespmem:s8+$0xFFFFF800]  }
0x25c: {  	v11 =	vld [tilespmem:s8+$0xFFFFF810]  }
0x25d: {  	v34 =	vld [tilespmem:s8+$0xFFFFF820]  }
0x25e: {  	v32 =	vld [tilespmem:s8+$0xFFFFF830]  }
0x25f: {  	v20 =	vimm.f32 $0.0e+00;
	v30 =	vld [tilespmem:s8+$0x0]  }
0x260: {  	v42 =	vimm.f32 $0.0e+00;
	v41 =	vimm.f32 $0.0e+00;
	v40 =	vimm.f32 $0.0e+00;
	v29 =	vld [tilespmem:s8+$0x10]  }
0x261: {  	v39 =	vimm.f32 $0.0e+00;
	v37 =	vimm.f32 $0.0e+00;
	v38 =	vimm.f32 $0.0e+00;
	v27 =	vld [tilespmem:s8+$0x20]  }
0x262: {  	v35 =	vimm.f32 $0.0e+00;
	v36 =	vimm.f32 $0.0e+00;
	v33 =	vimm.f32 $0.0e+00;
	v25 =	vld [tilespmem:s8+$0x30]  }
0x263: {  	v31 =	vimm.f32 $0.0e+00;
	v28 =	vimm.f32 $0.0e+00;
	v2 =	vld [tilespmem:s8+$0x800];
	v1 =	vmul.f32 v0, v13  }
0x264: {  	v19 =	vld [tilespmem:s28+$0xE300];
	v0 =	vshll.u32 v0, $0x10;
	v4 =	vshll.u32 v3, $0x10;
	v12 =	vshll.u32 v7, $0x10  }
0x265: {  	v17 =	vld [tilespmem:s8+$0x820];
	v14 =	vshll.u32 v8, $0x10;
	v15 =	vshll.u32 v9, $0x10;
	v16 =	vshll.u32 v10, $0x10  }
0x266: {  	v51 =	vld [tilespmem:s28+$0xE500];
	v18 =	vshll.u32 v11, $0x10;
	v49 =	vshll.u32 v34, $0x10;
	v48 =	vshll.u32 v32, $0x10  }
0x267: {  	v47 =	vshll.u32 v30, $0x10;
	v46 =	vshll.u32 v29, $0x10;
	v45 =	vshll.u32 v27, $0x10  }
0x268: {  	v21 =	vmul.f32 v2, v13;
	v6 =	vmul.f32 v0, v13;
	v0 =	vadd.f32 v1, v20;
	v1 =	vld [tilespmem:s8+$0x810]  }
0x269: {  	v43 =	vshll.u32 v25, $0x10;
	v24 =	vmul.f32 v3, v19;
	v7 =	vmul.f32 v7, v19  }
0x26a: {  	v5 =	vshll.u32 v2, $0x10;
	v59 =	vmul.f32 v8, v19;
	v57 =	vmul.f32 v9, v19  }
0x26b: {  	v50 =	vshll.u32 v17, $0x10;
	v52 =	vmul.f32 v10, v51;
	v53 =	vmul.f32 v11, v51  }
0x26c: {  	v11 =	vimm.f32 $0.0e+00;
	v10 =	vimm.f32 $0.0e+00;
	v22 =	vmul.f32 v5, v13  }
0x26d: {  	v9 =	vimm.f32 $0.0e+00;
	v12 =	vmul.f32 v12, v19;
	[tilespmem:$0x1FE70] =	vst v0;
	v0 =	vmul.f32 v1, v13  }
0x26e: {  	v8 =	vimm.f32 $0.0e+00;
	v60 =	vmul.f32 v14, v19;
	v58 =	vmul.f32 v15, v19  }
0x26f: {  	v56 =	vmul.f32 v16, v51;
	v55 =	vmul.f32 v18, v51;
	[tilespmem:$0x1FE80] =	vst v0;
	v0 =	vadd.f32 v6, v20  }
0x270: {  	v18 =	vimm.f32 $0.0e+00;
	v16 =	vimm.f32 $0.0e+00;
	v2 =	vshll.u32 v1, $0x10  }
0x271: {  	v15 =	vimm.f32 $0.0e+00;
	v3 =	vadd.f32 v21, v20;
	[tilespmem:$0x1FE90] =	vst v0;
	v0 =	vmul.f32 v2, v13  }
0x272: {  	v14 =	vimm.f32 $0.0e+00;
	v24 =	vadd.f32 v24, v20;
	v21 =	vadd.f32 v12, v20  }
0x273: {  	v12 =	vimm.f32 $0.0e+00;
	[tilespmem:$0x1FEA0] =	vst v0;
	v0 =	vmul.f32 v17, v13;
	v17 =	vmul.f32 v4, v19  }
0x274: {  	v54 =	vld [tilespmem:s28+$0xE700];
	s8 =	simm.s32 $0xFFFFFE10;
	v4 =	vadd.f32 v22, v20;
	v22 =	vadd.f32 v7, v20;
	v19 =	vimm.f32 $0.0e+00  }
0x275: {  	s13 =	simm.s32 $0xFFFFF880;
	s1 =	simm.s32 $0xB140;
	v26 =	vld [tilespmem:s8+$0xE900];
	v7 =	vimm.f32 $0.0e+00;
	[tilespmem:$0x1FEB0] =	vst v0;
	v23 =	vadd.f32 v17, v20;
	v17 =	vimm.f32 $0.0e+00  }
.LBB2_12:
0x276: {  	v44 =	vld [tilespmem:s1+$0x830]  }
0x277: {  	v61 =	vld [tilespmem:s1+$0xFFFFF000]  }
0x278: {  	v62 =	vld [tilespmem:s1+$0xFFFFF020]  }
0x279: {  	v63 =	vld [tilespmem:s1+$0xFFFFF030]  }
0x27a: {  	v49 =	vmul.f32 v49, v51;
	v2 =	vld [tilespmem:s1+$0xFFFFF800]  }
0x27b: {  	v48 =	vmul.f32 v48, v51;
	v5 =	vld [tilespmem:s1+$0xFFFFF810];
	v50 =	vmul.f32 v50, v13;
	v20 =	vadd.f32 v60, v20  }
0x27c: {  	v0 =	vld [tilespmem:$0x1FE70];
	v60 =	vmul.f32 v34, v51;
	v42 =	vadd.f32 v59, v42;
	v41 =	vadd.f32 v58, v41  }
0x27d: {  	v1 =	vld [tilespmem:$0x1FEA0];
	v51 =	vmul.f32 v32, v51;
	v40 =	vadd.f32 v57, v40;
	v39 =	vadd.f32 v56, v39  }
0x27e: {  	v59 =	vld [tilespmem:s1+$0xFFFFF010];
	v37 =	vadd.f32 v52, v37;
	v47 =	vmul.f32 v47, v54;
	v58 =	vmul.f32 v30, v54  }
0x27f: {  	v34 =	vld [tilespmem:s1+$0xFFFFF820];
	v38 =	vadd.f32 v55, v38;
	v46 =	vmul.f32 v46, v54;
	v57 =	vmul.f32 v29, v54  }
0x280: {  	v32 =	vld [tilespmem:s1+$0xFFFFF830];
	v35 =	vadd.f32 v53, v35;
	v45 =	vmul.f32 v45, v54;
	v56 =	vmul.f32 v27, v54  }
0x281: {  	v36 =	vadd.f32 v49, v36;
	v43 =	vmul.f32 v43, v54;
	v54 =	vmul.f32 v25, v54;
	v30 =	vld [tilespmem:s1+$0x0]  }
0x282: {  	v31 =	vadd.f32 v48, v31;
	v8 =	vadd.f32 v50, v8;
	v25 =	vld [tilespmem:s1+$0x30]  }
0x283: {  	v33 =	vadd.f32 v60, v33;
	v11 =	vadd.f32 v54, v11;
	v54 =	vld [tilespmem:$0x1FE90]  }
0x284: {  	v28 =	vadd.f32 v51, v28;
	v60 =	vld [tilespmem:s1+$0x800];
	v27 =	vshll.u32 v44, $0x10;
	v29 =	vmul.f32 v44, v26  }
0x285: {  	v51 =	vld [tilespmem:$0x1FE80];
	v13 =	vmovc v26;
	v44 =	vshll.u32 v61, $0x10;
	v52 =	vshll.u32 v63, $0x10;
	v19 =	vadd.f32 v47, v19  }
0x286: {  	v18 =	vadd.f32 v58, v18;
	v16 =	vadd.f32 v57, v16;
	v57 =	vld [tilespmem:s1+$0x810];
	v6 =	vmul.f32 v27, v13  }
0x287: {  	v53 =	vshll.u32 v2, $0x10;
	v17 =	vadd.f32 v46, v17;
	v10 =	vadd.f32 v1, v10;
	v1 =	vld [tilespmem:s8+$0xE300]  }
0x288: {  	v55 =	vshll.u32 v5, $0x10;
	v15 =	vadd.f32 v45, v15;
	v50 =	vadd.f32 v6, v54;
	v6 =	vld [tilespmem:$0x1FEB0]  }
0x289: {  	v14 =	vadd.f32 v56, v14;
	v12 =	vadd.f32 v43, v12;
	v26 =	vshll.u32 v59, $0x10;
	v27 =	vld [tilespmem:s1+$0x20]  }
0x28a: {  	v49 =	vshll.u32 v34, $0x10;
	v0 =	vadd.f32 v29, v0;
	v9 =	vadd.f32 v51, v9;
	v51 =	vld [tilespmem:s8+$0xE500]  }
0x28b: {  	v56 =	vld [tilespmem:s1+$0x820];
	v48 =	vshll.u32 v32, $0x10;
	v47 =	vshll.u32 v30, $0x10;
	v43 =	vshll.u32 v25, $0x10  }
0x28c: {  	v29 =	vld [tilespmem:s1+$0x10];
	v58 =	vmul.f32 v60, v13;
	[tilespmem:$0x1FE70] =	vst v0;
	v0 =	vshll.u32 v62, $0x10;
	v44 =	vmul.f32 v44, v1  }
0x28d: {  	v7 =	vadd.f32 v6, v7;
	v6 =	vshll.u32 v60, $0x10;
	v60 =	vshll.u32 v57, $0x10  }
0x28e: {  	v3 =	vadd.f32 v58, v3;
	v58 =	vmul.f32 v52, v1;
	[tilespmem:$0x1FE90] =	vst v50;
	v50 =	vmul.f32 v60, v13  }
0x28f: {  	v45 =	vshll.u32 v27, $0x10;
	v52 =	vmul.f32 v2, v51;
	v55 =	vmul.f32 v55, v51  }
0x290: {  	p0 =	sne.s32 s13, $0xFFFFFFC0;
	v6 =	vmul.f32 v6, v13;
	[tilespmem:$0x1FEA0] =	vst v50;
	v50 =	vshll.u32 v56, $0x10;
	v56 =	vmul.f32 v56, v13  }
.Ltmp5:
0x291: {  	v46 =	vshll.u32 v29, $0x10;
	v57 =	vmul.f32 v57, v13;
	v60 =	vmul.f32 v0, v1;
	(pc) =	sbr.rel @p0 .LBB2_12-.Ltmp5, $4  }
0x292: {  	v4 =	vadd.f32 v6, v4;
	v6 =	vmul.f32 v26, v1;
	[tilespmem:$0x1FEB0] =	vst v56;
	v56 =	vmul.f32 v61, v1  }
0x293: {  	v23 =	vadd.f32 v44, v23;
	[tilespmem:$0x1FE80] =	vst v57;
	v57 =	vmul.f32 v63, v1;
	v61 =	vmul.f32 v59, v1  }
0x294: {  	v54 =	vld [tilespmem:s8+$0xE700];
	s8 =	sshra.s32 s13, $0x2;
	v59 =	vmul.f32 v62, v1;
	v21 =	vadd.f32 v6, v21;
	v24 =	vadd.f32 v56, v24  }
0x295: {  	s1 =	sadd.s32 $0x40, s1;
	s13 =	sadd.s32 $0x40, s13;
	v26 =	vld [tilespmem:s8+$0xE900];
	v56 =	vmul.f32 v53, v51;
	v22 =	vadd.f32 v61, v22;
	v53 =	vmul.f32 v5, v51  }
0x296: {  	v44 =	vld [tilespmem:s1+$0x830]  }
0x297: {  	v0 =	vld [tilespmem:s1+$0xFFFFF000]  }
0x298: {  	v1 =	vld [tilespmem:s1+$0xFFFFF010]  }
0x299: {  	v2 =	vld [tilespmem:s1+$0xFFFFF020]  }
0x29a: {  	v5 =	vld [tilespmem:s1+$0xFFFFF030]  }
0x29b: {  	v6 =	vld [tilespmem:s1+$0xFFFFF800]  }
0x29c: {  	v61 =	vld [tilespmem:s1+$0xFFFFF810];
	v49 =	vmul.f32 v49, v51;
	v34 =	vmul.f32 v34, v51  }
0x29d: {  	v62 =	vld [tilespmem:s1+$0xFFFFF820];
	v48 =	vmul.f32 v48, v51;
	v20 =	vadd.f32 v60, v20;
	v42 =	vadd.f32 v59, v42  }
0x29e: {  	v63 =	vld [tilespmem:s1+$0xFFFFF830];
	v32 =	vmul.f32 v32, v51;
	v41 =	vadd.f32 v58, v41;
	v40 =	vadd.f32 v57, v40  }
0x29f: {  	v59 =	vld [tilespmem:s8+$0xE300];
	v13 =	vmul.f32 v50, v13;
	v37 =	vadd.f32 v52, v37;
	v38 =	vadd.f32 v55, v38  }
0x2a0: {  	v51 =	vld [tilespmem:s1+$0x0];
	v39 =	vadd.f32 v56, v39;
	v35 =	vadd.f32 v53, v35;
	v47 =	vmul.f32 v47, v54  }
0x2a1: {  	v58 =	vld [tilespmem:s1+$0x10];
	v36 =	vadd.f32 v49, v36;
	v30 =	vmul.f32 v30, v54;
	v46 =	vmul.f32 v46, v54  }
0x2a2: {  	v57 =	vld [tilespmem:s1+$0x20];
	v33 =	vadd.f32 v34, v33;
	v29 =	vmul.f32 v29, v54;
	v45 =	vmul.f32 v45, v54  }
0x2a3: {  	v50 =	vld [tilespmem:s1+$0x30];
	v27 =	vmul.f32 v27, v54;
	v43 =	vmul.f32 v43, v54;
	v60 =	vshll.u32 v0, $0x10  }
0x2a4: {  	v52 =	vld [tilespmem:s1+$0x810];
	v31 =	vadd.f32 v48, v31;
	v0 =	vmul.f32 v0, v59;
	v56 =	vmul.f32 v60, v59  }
0x2a5: {  	v53 =	vld [tilespmem:s1+$0x820];
	v25 =	vmul.f32 v25, v54;
	v19 =	vadd.f32 v47, v19;
	v60 =	vshll.u32 v1, $0x10  }
0x2a6: {  	v1 =	vmul.f32 v1, v59;
	v0 =	vadd.f32 v0, v24;
	v23 =	vadd.f32 v56, v23;
	v56 =	vld [tilespmem:s8+$0xE500]  }
0x2a7: {  	v54 =	vld [tilespmem:s1+$0x800];
	v15 =	vadd.f32 v45, v15;
	v24 =	vshll.u32 v2, $0x10;
	v2 =	vmul.f32 v2, v59  }
0x2a8: {  	v34 =	vmul.f32 v60, v59;
	v60 =	vld [tilespmem:s8+$0xE700];
	v1 =	vadd.f32 v1, v22;
	[tilespmem:$0xF110] =	vst v0;
	v0 =	vshll.u32 v5, $0x10  }
0x2a9: {  	v14 =	vadd.f32 v27, v14;
	v2 =	vadd.f32 v2, v42;
	v0 =	vmul.f32 v0, v59  }
0x2aa: {  	v22 =	vshll.u32 v6, $0x10;
	v5 =	vmul.f32 v5, v59;
	[tilespmem:$0xF130] =	vst v1;
	v1 =	vshll.u32 v61, $0x10  }
0x2ab: {  	[tilespmem:$0xF150] =	vst v2;
	v2 =	vshll.u32 v62, $0x10;
	v0 =	vadd.f32 v0, v41;
	v6 =	vmul.f32 v6, v56  }
0x2ac: {  	[tilespmem:$0xF100] =	vst v23;
	v5 =	vadd.f32 v5, v40;
	v1 =	vmul.f32 v1, v56;
	v2 =	vmul.f32 v2, v56  }
0x2ad: {  	[tilespmem:$0xF160] =	vst v0;
	v0 =	vadd.f32 v30, v18;
	v18 =	vmul.f32 v61, v56;
	v6 =	vadd.f32 v6, v37  }
0x2ae: {  	v23 =	vmul.f32 v24, v59;
	[tilespmem:$0xF170] =	vst v5;
	v5 =	vadd.f32 v46, v17;
	v1 =	vadd.f32 v1, v38  }
0x2af: {  	v17 =	vshll.u32 v63, $0x10;
	v2 =	vadd.f32 v2, v36;
	v18 =	vadd.f32 v18, v35;
	[tilespmem:$0xF190] =	vst v6  }
0x2b0: {  	v6 =	vadd.f32 v29, v16;
	v16 =	vmul.f32 v17, v56;
	[tilespmem:$0xF1A0] =	vst v1;
	v1 =	vshll.u32 v51, $0x10  }
0x2b1: {  	v20 =	vadd.f32 v23, v20;
	[tilespmem:$0xF1C0] =	vst v2;
	v2 =	vshll.u32 v58, $0x10;
	v1 =	vmul.f32 v1, v60  }
0x2b2: {  	[tilespmem:$0xF1B0] =	vst v18;
	v18 =	vmul.f32 v51, v60;
	v2 =	vmul.f32 v2, v60;
	v16 =	vadd.f32 v16, v31  }
0x2b3: {  	v12 =	vadd.f32 v43, v12;
	v22 =	vmul.f32 v22, v56;
	[tilespmem:$0xF140] =	vst v20;
	v1 =	vadd.f32 v1, v19  }
0x2b4: {  	v0 =	vadd.f32 v18, v0;
	v2 =	vadd.f32 v2, v5;
	v5 =	vmul.f32 v57, v60;
	[tilespmem:$0xF1E0] =	vst v16  }
0x2b5: {  	v20 =	vadd.f32 v22, v39;
	v19 =	vmul.f32 v58, v60;
	v16 =	vshll.u32 v57, $0x10;
	[tilespmem:$0xF200] =	vst v1  }
0x2b6: {  	v16 =	vmul.f32 v16, v60;
	v1 =	vshll.u32 v50, $0x10;
	[tilespmem:$0xF210] =	vst v0;
	v5 =	vadd.f32 v5, v14  }
0x2b7: {  	v6 =	vadd.f32 v19, v6;
	v0 =	vadd.f32 v25, v11;
	[tilespmem:$0xF220] =	vst v2;
	v1 =	vmul.f32 v1, v60  }
0x2b8: {  	v2 =	vshll.u32 v54, $0x10;
	v11 =	vadd.f32 v16, v15;
	v15 =	vmul.f32 v50, v60;
	[tilespmem:$0xF250] =	vst v5;
	v5 =	vld [tilespmem:$0x1FE80]  }
0x2b9: {  	[tilespmem:$0xF180] =	vst v20;
	v2 =	vmul.f32 v2, v26;
	v1 =	vadd.f32 v1, v12  }
0x2ba: {  	[tilespmem:$0xF230] =	vst v6;
	v0 =	vadd.f32 v15, v0  }
0x2bb: {  	v6 =	vld [tilespmem:$0x1FEA0];
	v2 =	vadd.f32 v2, v4;
	v4 =	vshll.u32 v53, $0x10;
	[tilespmem:$0xF260] =	vst v1  }
0x2bc: {  	v21 =	vadd.f32 v34, v21;
	v4 =	vmul.f32 v4, v26;
	[tilespmem:$0xF270] =	vst v0;
	v0 =	vadd.f32 v13, v8  }
0x2bd: {  	v20 =	vmul.f32 v62, v56;
	v1 =	vmul.f32 v52, v26;
	[tilespmem:$0xF280] =	vst v2;
	v2 =	vld [tilespmem:$0x1FEB0];
	v5 =	vadd.f32 v5, v9  }
0x2be: {  	v28 =	vadd.f32 v32, v28;
	[tilespmem:$0xF120] =	vst v21;
	v0 =	vadd.f32 v4, v0  }
0x2bf: {  	v17 =	vmul.f32 v63, v56;
	v20 =	vadd.f32 v20, v33;
	[tilespmem:$0xF240] =	vst v11;
	v1 =	vadd.f32 v1, v5  }
0x2c0: {  	v11 =	vshll.u32 v52, $0x10;
	v6 =	vadd.f32 v6, v10;
	v10 =	vmul.f32 v54, v26;
	[tilespmem:$0xF2C0] =	vst v0;
	v0 =	vld [tilespmem:$0x1FE70]  }
0x2c1: {  	v17 =	vadd.f32 v17, v28;
	v9 =	vmul.f32 v11, v26;
	[tilespmem:$0xF2B0] =	vst v1;
	v1 =	vld [tilespmem:$0x1FE90]  }
0x2c2: {  	[tilespmem:$0xF1D0] =	vst v20;
	v3 =	vadd.f32 v10, v3;
	v2 =	vadd.f32 v2, v7;
	v7 =	vmul.f32 v53, v26  }
0x2c3: {  	v21 =	vshll.u32 v44, $0x10;
	[tilespmem:$0xF1F0] =	vst v17;
	v4 =	vmul.f32 v44, v26;
	v6 =	vadd.f32 v9, v6  }
0x2c4: {  	[tilespmem:$0xF290] =	vst v3;
	v3 =	vmul.f32 v21, v26;
	v2 =	vadd.f32 v7, v2  }
0x2c5: {  	[tilespmem:$0xF2A0] =	vst v6;
	v0 =	vadd.f32 v4, v0  }
0x2c6: {  	[tilespmem:$0xF2D0] =	vst v2;
	v1 =	vadd.f32 v3, v1  }
0x2c7: {  	[tilespmem:$0xF2F0] =	vst v0  }
0x2c8: {  	s25 =	rddreg [dreg:$0x10];
	[tilespmem:$0xF2E0] =	vst v1  }
0x2c9: {  	[hbm4b:s25+s4] =	stream.linear.scatter [tilespmem:s17], [sflag:$0x7], $0x200, $0x38;
	[tilespmem:$0xF500] =	vst v63  }
0x2ca: {  	_ =	swait.ge [sflag:s18], $0x2000  }
0x2cb: {  	[sflag:s18] =	ssyncset.done $0x0  }
0x2cc: {  	[sflag:s18] =	ssyncadd.s32 $0xFFFFE000  }
0x2cd: {  	_ =	swait.ge [sflag:s19], $0x800  }
0x2ce: {  	[sflag:s19] =	ssyncset.done $0x0  }
0x2cf: {  	[sflag:s19] =	ssyncadd.s32 $0xFFFFF800  }
0x2d0: {  	_ =	swait.ge [sflag:s22], $0x200  }
0x2d1: {  	[sflag:s22] =	ssyncset.done $0x0  }
0x2d2: {  	s26 =	simm.s32 $0xFFFFFE00;
	[sflag:s22] =	ssyncadd.s32 $0xFFFFFE00  }
0x2d3: {  	s28 =	simm.s32 $0xD930;
	v12 =	vld [tilespmem:s26+$0xF100]  }
0x2d4: {  	v0 =	vld [tilespmem:s28+$0x0]  }
0x2d5: {  	v2 =	vld [tilespmem:s28+$0xFFFFE7D0]  }
0x2d6: {  	v3 =	vld [tilespmem:s28+$0xFFFFE7E0]  }
0x2d7: {  	v7 =	vld [tilespmem:s28+$0xFFFFE7F0]  }
0x2d8: {  	v8 =	vld [tilespmem:s28+$0xFFFFE800]  }
0x2d9: {  	v9 =	vld [tilespmem:s28+$0xFFFFEFD0]  }
0x2da: {  	v10 =	vld [tilespmem:s28+$0xFFFFEFE0]  }
0x2db: {  	v34 =	vld [tilespmem:s28+$0xFFFFEFF0]  }
0x2dc: {  	v32 =	vld [tilespmem:s28+$0xFFFFF000]  }
0x2dd: {  	v42 =	vimm.f32 $0.0e+00;
	v30 =	vld [tilespmem:s28+$0xFFFFF7D0]  }
0x2de: {  	v40 =	vimm.f32 $0.0e+00;
	v41 =	vimm.f32 $0.0e+00;
	v39 =	vimm.f32 $0.0e+00;
	v29 =	vld [tilespmem:s28+$0xFFFFF7E0]  }
0x2df: {  	v37 =	vimm.f32 $0.0e+00;
	v38 =	vimm.f32 $0.0e+00;
	v36 =	vimm.f32 $0.0e+00;
	v27 =	vld [tilespmem:s28+$0xFFFFF7F0]  }
0x2e0: {  	v35 =	vimm.f32 $0.0e+00;
	v33 =	vimm.f32 $0.0e+00;
	v31 =	vimm.f32 $0.0e+00;
	v25 =	vld [tilespmem:s28+$0xFFFFF800]  }
0x2e1: {  	v28 =	vimm.f32 $0.0e+00;
	v18 =	vimm.f32 $0.0e+00;
	v4 =	vld [tilespmem:s28+$0xFFFFFFD0];
	v1 =	vmul.f32 v0, v12  }
0x2e2: {  	v19 =	vld [tilespmem:s26+$0xEB00];
	v0 =	vshll.u32 v0, $0x10;
	v11 =	vshll.u32 v2, $0x10;
	v13 =	vshll.u32 v3, $0x10  }
0x2e3: {  	v17 =	vld [tilespmem:s28+$0xFFFFFFF0];
	v14 =	vshll.u32 v7, $0x10;
	v15 =	vshll.u32 v8, $0x10;
	v16 =	vshll.u32 v9, $0x10  }
0x2e4: {  	v51 =	vld [tilespmem:s26+$0xED00];
	v23 =	vshll.u32 v10, $0x10;
	v49 =	vshll.u32 v34, $0x10;
	v48 =	vshll.u32 v32, $0x10  }
0x2e5: {  	v47 =	vshll.u32 v30, $0x10;
	v46 =	vshll.u32 v29, $0x10;
	v45 =	vshll.u32 v27, $0x10  }
0x2e6: {  	v43 =	vshll.u32 v25, $0x10;
	v6 =	vmul.f32 v0, v12;
	v0 =	vadd.f32 v1, v18;
	v1 =	vld [tilespmem:s28+$0xFFFFFFE0]  }
0x2e7: {  	v5 =	vshll.u32 v4, $0x10;
	v20 =	vmul.f32 v4, v12;
	v24 =	vmul.f32 v3, v19  }
0x2e8: {  	v50 =	vshll.u32 v17, $0x10;
	v59 =	vmul.f32 v7, v19;
	v57 =	vmul.f32 v8, v19  }
0x2e9: {  	v52 =	vmul.f32 v9, v51;
	v53 =	vmul.f32 v10, v51;
	v10 =	vimm.f32 $0.0e+00  }
0x2ea: {  	v9 =	vimm.f32 $0.0e+00;
	v21 =	vmul.f32 v5, v12;
	v11 =	vmul.f32 v11, v19  }
0x2eb: {  	v8 =	vimm.f32 $0.0e+00;
	v13 =	vmul.f32 v13, v19;
	[tilespmem:$0x1FE20] =	vst v0;
	v0 =	vmul.f32 v1, v12  }
0x2ec: {  	v7 =	vimm.f32 $0.0e+00;
	v60 =	vmul.f32 v14, v19;
	v58 =	vmul.f32 v15, v19  }
0x2ed: {  	v56 =	vmul.f32 v16, v51;
	v55 =	vmul.f32 v23, v51;
	[tilespmem:$0x1FE30] =	vst v0;
	v0 =	vadd.f32 v6, v18  }
0x2ee: {  	v23 =	vimm.f32 $0.0e+00;
	v16 =	vimm.f32 $0.0e+00;
	v4 =	vshll.u32 v1, $0x10  }
0x2ef: {  	v15 =	vimm.f32 $0.0e+00;
	v14 =	vimm.f32 $0.0e+00;
	[tilespmem:$0x1FE40] =	vst v0;
	v0 =	vmul.f32 v4, v12  }
0x2f0: {  	v3 =	vadd.f32 v20, v18;
	v20 =	vadd.f32 v24, v18;
	v24 =	vimm.f32 $0.0e+00  }
0x2f1: {  	[tilespmem:$0x1FE50] =	vst v0;
	v0 =	vmul.f32 v17, v12;
	v17 =	vmul.f32 v2, v19;
	v2 =	vadd.f32 v21, v18  }
0x2f2: {  	s8 =	simm.s32 $0xFFFFFE10;
	v54 =	vld [tilespmem:s26+$0xEF00];
	v21 =	vadd.f32 v11, v18;
	v19 =	vadd.f32 v13, v18;
	v13 =	vimm.f32 $0.0e+00  }
0x2f3: {  	s13 =	simm.s32 $0xFFFFF880;
	s1 =	simm.s32 $0xD970;
	v26 =	vld [tilespmem:s8+$0xF100];
	v11 =	vimm.f32 $0.0e+00;
	[tilespmem:$0x1FE60] =	vst v0;
	v22 =	vadd.f32 v17, v18;
	v17 =	vimm.f32 $0.0e+00  }
.LBB2_14:
0x2f4: {  	v44 =	vld [tilespmem:s1+$0x0]  }
0x2f5: {  	v61 =	vld [tilespmem:s1+$0xFFFFE7D0]  }
0x2f6: {  	v62 =	vld [tilespmem:s1+$0xFFFFE7F0]  }
0x2f7: {  	v63 =	vld [tilespmem:s1+$0xFFFFE800]  }
0x2f8: {  	v49 =	vmul.f32 v49, v51;
	v4 =	vld [tilespmem:s1+$0xFFFFEFD0]  }
0x2f9: {  	v48 =	vmul.f32 v48, v51;
	v5 =	vld [tilespmem:s1+$0xFFFFEFE0];
	v50 =	vmul.f32 v50, v12;
	v18 =	vadd.f32 v60, v18  }
0x2fa: {  	v0 =	vld [tilespmem:$0x1FE20];
	v60 =	vmul.f32 v34, v51;
	v42 =	vadd.f32 v59, v42;
	v41 =	vadd.f32 v58, v41  }
0x2fb: {  	v1 =	vld [tilespmem:$0x1FE50];
	v51 =	vmul.f32 v32, v51;
	v40 =	vadd.f32 v57, v40;
	v39 =	vadd.f32 v56, v39  }
0x2fc: {  	v59 =	vld [tilespmem:s1+$0xFFFFE7E0];
	v37 =	vadd.f32 v52, v37;
	v47 =	vmul.f32 v47, v54;
	v58 =	vmul.f32 v30, v54  }
0x2fd: {  	v34 =	vld [tilespmem:s1+$0xFFFFEFF0];
	v38 =	vadd.f32 v55, v38;
	v46 =	vmul.f32 v46, v54;
	v57 =	vmul.f32 v29, v54  }
0x2fe: {  	v32 =	vld [tilespmem:s1+$0xFFFFF000];
	v35 =	vadd.f32 v53, v35;
	v45 =	vmul.f32 v45, v54;
	v56 =	vmul.f32 v27, v54  }
0x2ff: {  	v36 =	vadd.f32 v49, v36;
	v43 =	vmul.f32 v43, v54;
	v54 =	vmul.f32 v25, v54;
	v30 =	vld [tilespmem:s1+$0xFFFFF7D0]  }
0x300: {  	v31 =	vadd.f32 v48, v31;
	v8 =	vadd.f32 v50, v8;
	v25 =	vld [tilespmem:s1+$0xFFFFF800]  }
0x301: {  	v33 =	vadd.f32 v60, v33;
	v11 =	vadd.f32 v54, v11;
	v54 =	vld [tilespmem:$0x1FE40]  }
0x302: {  	v28 =	vadd.f32 v51, v28;
	v60 =	vld [tilespmem:s1+$0xFFFFFFD0];
	v27 =	vshll.u32 v44, $0x10;
	v29 =	vmul.f32 v44, v26  }
0x303: {  	v51 =	vld [tilespmem:$0x1FE30];
	v12 =	vmovc v26;
	v44 =	vshll.u32 v61, $0x10;
	v52 =	vshll.u32 v63, $0x10;
	v24 =	vadd.f32 v47, v24  }
0x304: {  	v23 =	vadd.f32 v58, v23;
	v16 =	vadd.f32 v57, v16;
	v57 =	vld [tilespmem:s1+$0xFFFFFFE0];
	v6 =	vmul.f32 v27, v12  }
0x305: {  	v53 =	vshll.u32 v4, $0x10;
	v17 =	vadd.f32 v46, v17;
	v10 =	vadd.f32 v1, v10;
	v1 =	vld [tilespmem:s8+$0xEB00]  }
0x306: {  	v55 =	vshll.u32 v5, $0x10;
	v15 =	vadd.f32 v45, v15;
	v50 =	vadd.f32 v6, v54;
	v6 =	vld [tilespmem:$0x1FE60]  }
0x307: {  	v14 =	vadd.f32 v56, v14;
	v13 =	vadd.f32 v43, v13;
	v26 =	vshll.u32 v59, $0x10;
	v27 =	vld [tilespmem:s1+$0xFFFFF7F0]  }
0x308: {  	v49 =	vshll.u32 v34, $0x10;
	v0 =	vadd.f32 v29, v0;
	v9 =	vadd.f32 v51, v9;
	v51 =	vld [tilespmem:s8+$0xED00]  }
0x309: {  	v56 =	vld [tilespmem:s1+$0xFFFFFFF0];
	v48 =	vshll.u32 v32, $0x10;
	v47 =	vshll.u32 v30, $0x10;
	v43 =	vshll.u32 v25, $0x10  }
0x30a: {  	v29 =	vld [tilespmem:s1+$0xFFFFF7E0];
	v58 =	vmul.f32 v60, v12;
	[tilespmem:$0x1FE20] =	vst v0;
	v0 =	vshll.u32 v62, $0x10;
	v44 =	vmul.f32 v44, v1  }
0x30b: {  	v7 =	vadd.f32 v6, v7;
	v6 =	vshll.u32 v60, $0x10;
	v60 =	vshll.u32 v57, $0x10  }
0x30c: {  	v3 =	vadd.f32 v58, v3;
	v58 =	vmul.f32 v52, v1;
	[tilespmem:$0x1FE40] =	vst v50;
	v50 =	vmul.f32 v60, v12  }
0x30d: {  	v45 =	vshll.u32 v27, $0x10;
	v52 =	vmul.f32 v4, v51;
	v55 =	vmul.f32 v55, v51  }
0x30e: {  	p0 =	sne.s32 s13, $0xFFFFFFC0;
	v6 =	vmul.f32 v6, v12;
	[tilespmem:$0x1FE50] =	vst v50;
	v50 =	vshll.u32 v56, $0x10;
	v56 =	vmul.f32 v56, v12  }
.Ltmp6:
0x30f: {  	v46 =	vshll.u32 v29, $0x10;
	v57 =	vmul.f32 v57, v12;
	v60 =	vmul.f32 v0, v1;
	(pc) =	sbr.rel @p0 .LBB2_14-.Ltmp6, $4  }
0x310: {  	v2 =	vadd.f32 v6, v2;
	v6 =	vmul.f32 v26, v1;
	[tilespmem:$0x1FE60] =	vst v56;
	v56 =	vmul.f32 v61, v1  }
0x311: {  	v21 =	vadd.f32 v44, v21;
	[tilespmem:$0x1FE30] =	vst v57;
	v57 =	vmul.f32 v63, v1;
	v61 =	vmul.f32 v59, v1  }
0x312: {  	v54 =	vld [tilespmem:s8+$0xEF00];
	s8 =	sshra.s32 s13, $0x2;
	v59 =	vmul.f32 v62, v1;
	v19 =	vadd.f32 v6, v19;
	v22 =	vadd.f32 v56, v22  }
0x313: {  	s1 =	sadd.s32 $0x40, s1;
	s13 =	sadd.s32 $0x40, s13;
	v26 =	vld [tilespmem:s8+$0xF100];
	v56 =	vmul.f32 v53, v51;
	v20 =	vadd.f32 v61, v20;
	v53 =	vmul.f32 v5, v51  }
0x314: {  	v44 =	vld [tilespmem:s1+$0x0]  }
0x315: {  	v0 =	vld [tilespmem:s1+$0xFFFFE7D0]  }
0x316: {  	v1 =	vld [tilespmem:s1+$0xFFFFE7E0]  }
0x317: {  	v4 =	vld [tilespmem:s1+$0xFFFFE7F0]  }
0x318: {  	v5 =	vld [tilespmem:s1+$0xFFFFE800]  }
0x319: {  	v6 =	vld [tilespmem:s1+$0xFFFFEFD0]  }
0x31a: {  	v61 =	vld [tilespmem:s1+$0xFFFFEFE0]  }
0x31b: {  	v49 =	vmul.f32 v49, v51;
	v62 =	vld [tilespmem:s1+$0xFFFFEFF0];
	v18 =	vadd.f32 v60, v18;
	v42 =	vadd.f32 v59, v42  }
0x31c: {  	v34 =	vmul.f32 v34, v51;
	v63 =	vld [tilespmem:s1+$0xFFFFF000];
	v41 =	vadd.f32 v58, v41;
	v40 =	vadd.f32 v57, v40  }
0x31d: {  	v48 =	vmul.f32 v48, v51;
	v59 =	vld [tilespmem:s8+$0xEB00];
	v37 =	vadd.f32 v52, v37;
	v38 =	vadd.f32 v55, v38  }
0x31e: {  	v32 =	vmul.f32 v32, v51;
	v51 =	vld [tilespmem:s1+$0xFFFFF7D0];
	v39 =	vadd.f32 v56, v39;
	v35 =	vadd.f32 v53, v35  }
0x31f: {  	v58 =	vld [tilespmem:s1+$0xFFFFF7E0];
	v12 =	vmul.f32 v50, v12;
	v36 =	vadd.f32 v49, v36;
	v33 =	vadd.f32 v34, v33  }
0x320: {  	v57 =	vld [tilespmem:s1+$0xFFFFF7F0];
	v31 =	vadd.f32 v48, v31;
	v47 =	vmul.f32 v47, v54;
	v30 =	vmul.f32 v30, v54  }
0x321: {  	v50 =	vld [tilespmem:s1+$0xFFFFF800];
	v28 =	vadd.f32 v32, v28;
	v46 =	vmul.f32 v46, v54;
	v29 =	vmul.f32 v29, v54  }
0x322: {  	v52 =	vld [tilespmem:s1+$0xFFFFFFE0];
	v45 =	vmul.f32 v45, v54;
	v60 =	vshll.u32 v0, $0x10;
	v0 =	vmul.f32 v0, v59  }
0x323: {  	v48 =	vld [tilespmem:s8+$0xED00];
	v27 =	vmul.f32 v27, v54;
	v55 =	vshll.u32 v4, $0x10;
	v4 =	vmul.f32 v4, v59  }
0x324: {  	v53 =	vld [tilespmem:s1+$0xFFFFFFF0];
	v43 =	vmul.f32 v43, v54;
	v56 =	vmul.f32 v60, v59;
	v0 =	vadd.f32 v0, v22  }
0x325: {  	v49 =	vld [tilespmem:s8+$0xEF00];
	v60 =	vshll.u32 v1, $0x10;
	v1 =	vmul.f32 v1, v59;
	v4 =	vadd.f32 v4, v42  }
0x326: {  	v25 =	vmul.f32 v25, v54;
	v54 =	vld [tilespmem:s1+$0xFFFFFFD0];
	v34 =	vmul.f32 v60, v59;
	v21 =	vadd.f32 v56, v21;
	[tilespmem:$0xF310] =	vst v0  }
0x327: {  	v60 =	vshll.u32 v5, $0x10;
	v5 =	vmul.f32 v5, v59;
	v1 =	vadd.f32 v1, v20;
	[tilespmem:$0xF350] =	vst v4  }
0x328: {  	v32 =	vshll.u32 v6, $0x10;
	v6 =	vmul.f32 v6, v48;
	v19 =	vadd.f32 v34, v19;
	[tilespmem:$0xF300] =	vst v21  }
0x329: {  	v8 =	vadd.f32 v12, v8;
	v56 =	vmul.f32 v55, v59;
	v5 =	vadd.f32 v5, v40;
	[tilespmem:$0xF330] =	vst v1  }
0x32a: {  	v16 =	vadd.f32 v29, v16;
	v0 =	vmul.f32 v60, v59;
	v55 =	vadd.f32 v6, v37;
	[tilespmem:$0xF320] =	vst v19  }
0x32b: {  	v15 =	vadd.f32 v45, v15;
	v59 =	vmul.f32 v61, v48;
	v18 =	vadd.f32 v56, v18;
	[tilespmem:$0xF370] =	vst v5  }
0x32c: {  	v34 =	vadd.f32 v30, v23;
	v23 =	vmul.f32 v63, v48;
	v0 =	vadd.f32 v0, v41;
	[tilespmem:$0xF390] =	vst v55  }
0x32d: {  	v42 =	vshll.u32 v61, $0x10;
	v1 =	vmul.f32 v32, v48;
	v61 =	vadd.f32 v59, v35;
	[tilespmem:$0xF340] =	vst v18  }
0x32e: {  	v14 =	vadd.f32 v27, v14;
	v21 =	vmul.f32 v62, v48;
	v4 =	vadd.f32 v23, v28;
	[tilespmem:$0xF360] =	vst v0  }
0x32f: {  	v20 =	vadd.f32 v47, v24;
	v47 =	vmul.f32 v42, v48;
	v1 =	vadd.f32 v1, v39;
	[tilespmem:$0xF3B0] =	vst v61  }
0x330: {  	v11 =	vadd.f32 v25, v11;
	v35 =	vmul.f32 v58, v49;
	v6 =	vadd.f32 v21, v33;
	[tilespmem:$0xF3F0] =	vst v4  }
0x331: {  	v45 =	vld [tilespmem:$0x1FE30];
	v42 =	vmul.f32 v50, v49;
	v56 =	vshll.u32 v62, $0x10;
	v0 =	vadd.f32 v47, v38;
	[tilespmem:$0xF380] =	vst v1  }
0x332: {  	v13 =	vadd.f32 v43, v13;
	v60 =	vmul.f32 v56, v48;
	v37 =	vadd.f32 v35, v16;
	[tilespmem:$0xF3D0] =	vst v6  }
0x333: {  	v18 =	vshll.u32 v63, $0x10;
	v39 =	vmul.f32 v57, v49;
	v47 =	vadd.f32 v42, v11;
	[tilespmem:$0xF3A0] =	vst v0  }
0x334: {  	v24 =	vshll.u32 v51, $0x10;
	v22 =	vmul.f32 v18, v48;
	v1 =	vadd.f32 v60, v36;
	[tilespmem:$0xF430] =	vst v37  }
0x335: {  	v43 =	vshll.u32 v54, $0x10;
	v56 =	vld [tilespmem:$0x1FE60];
	v48 =	vmul.f32 v54, v26;
	v6 =	vadd.f32 v39, v14;
	[tilespmem:$0xF470] =	vst v47  }
0x336: {  	v9 =	vadd.f32 v45, v9;
	v54 =	vmul.f32 v52, v26;
	v0 =	vadd.f32 v22, v31;
	[tilespmem:$0xF3C0] =	vst v1  }
0x337: {  	v29 =	vmul.f32 v24, v49;
	v31 =	vmul.f32 v51, v49;
	v51 =	vadd.f32 v48, v3;
	[tilespmem:$0xF450] =	vst v6  }
0x338: {  	v17 =	vadd.f32 v46, v17;
	v30 =	vshll.u32 v58, $0x10;
	v3 =	vadd.f32 v54, v9;
	[tilespmem:$0xF3E0] =	vst v0  }
0x339: {  	v40 =	vld [tilespmem:$0x1FE50];
	v32 =	vmul.f32 v30, v49;
	v59 =	vmul.f32 v53, v26;
	v1 =	vadd.f32 v29, v20;
	[tilespmem:$0xF490] =	vst v51  }
0x33a: {  	v5 =	vadd.f32 v56, v7;
	v33 =	vadd.f32 v31, v34;
	v34 =	vshll.u32 v57, $0x10;
	[tilespmem:$0xF4B0] =	vst v3  }
0x33b: {  	v38 =	vshll.u32 v50, $0x10;
	v0 =	vadd.f32 v32, v17;
	[tilespmem:$0xF400] =	vst v1;
	v36 =	vmul.f32 v34, v49  }
0x33c: {  	v46 =	vmul.f32 v43, v26;
	v41 =	vmul.f32 v38, v49;
	v4 =	vadd.f32 v59, v5;
	[tilespmem:$0xF410] =	vst v33  }
0x33d: {  	v62 =	vld [tilespmem:$0x1FE40];
	v55 =	vshll.u32 v53, $0x10;
	v49 =	vshll.u32 v52, $0x10;
	[tilespmem:$0xF420] =	vst v0;
	v1 =	vadd.f32 v36, v15  }
0x33e: {  	v63 =	vld [tilespmem:$0x1FE20];
	v10 =	vadd.f32 v40, v10;
	v0 =	vadd.f32 v41, v13;
	v50 =	vmul.f32 v49, v26;
	[tilespmem:$0xF4D0] =	vst v4  }
0x33f: {  	v58 =	vshll.u32 v44, $0x10;
	v57 =	vmul.f32 v55, v26;
	[tilespmem:$0xF440] =	vst v1;
	v1 =	vadd.f32 v46, v2  }
0x340: {  	v60 =	vmul.f32 v58, v26;
	[tilespmem:$0xF460] =	vst v0;
	v0 =	vadd.f32 v50, v10  }
0x341: {  	v61 =	vmul.f32 v44, v26;
	[tilespmem:$0xF480] =	vst v1;
	v1 =	vadd.f32 v57, v8  }
0x342: {  	[tilespmem:$0xF4A0] =	vst v0;
	v0 =	vadd.f32 v60, v62  }
0x343: {  	[tilespmem:$0xF4C0] =	vst v1;
	v1 =	vadd.f32 v61, v63  }
0x344: {  	[tilespmem:$0xF4E0] =	vst v0  }
0x345: {  	s25 =	rddreg [dreg:$0x11];
	[tilespmem:$0xF4F0] =	vst v1  }
0x346: {  	[hbm4b:s25+s4] =	stream.linear.scatter [tilespmem:s20], [sflag:$0x8], $0x200, $0x38;
	[tilespmem:$0xF500] =	vst v63  }
0x347: {  	_ =	swait.ge [sflag:s21], $0x200  }
0x348: {  	[sflag:s21] =	ssyncset.done $0x0  }
0x349: {  	[sflag:s21] =	ssyncadd.s32 $0xFFFFFE00  }
0x34a: {  	_ =	swait.ge [sflag:s22], $0x200  }
0x34b: {  	s26 =	rddreg [dreg:$0x14]  }
0x34c: {  	s28 =	rddreg [dreg:$0x12];
	s8 =	sadd.s32 $0x1, s26  }
0x34d: {  	p0 =	sne.s32 s8, s28  }
.Ltmp7:
0x34e: {  	_ = 	snop;
	(pc) =	sbr.rel @p0 .LBB2_1-.Ltmp7, $3  }
0x34f: {  	_ =	sdelay $0x1  }
0x350: {  	[sflag:s22] =	ssyncset.done $0x0  }
0x351: {  	[sflag:s22] =	ssyncadd.s32 $0xFFFFFE00  }
0x352: {  	_ =	sfence.sel $0x180000  }
0x353: {  	[bflag:$0x0] =	sbarrier.arrive $0xFFFF  }
0x354: {  	_ =	strace $0x90000047  }
0x355: {  	s0 =	stileid.u32;
	[bflag:$0x2] =	sbarrier.arrive $0xFFFF  }
0x356: {  	p0 =	sne.s32 s0, $0x0;
	s0 =	rddreg [dreg:$0x3]  }
0x357: {  	s0 =	sadd.s32 @!p0 $0x100000, s0  }
0x358: {  	[sflag:s0] =	ssyncadd.tile.s32 @!p0 $0x1;
	_ =	shalt  }
.Lfunc_end2:
_tile_overlayer_lowered:
.L_overlay_start_2:
0x359: {  	(tag) =	ssettag $0x2  }
0x35a: {  	s0 =	rddreg [dreg:$0x0];
	s2 =	stileid.u32  }
0x35b: {  	s1 =	rddreg [dreg:$0x1];
	p0 =	sne.s32 s2, $0x0  }
0x35c: {  	s3 =	rddreg [dreg:$0x2];
	[bflag:$0x3] =	sbarrier.arrive $0xFFFF;
	s2 =	simm.s32 @!p0 $0x1C09  }
0x35d: {  	[timem:s3], [sflag:s2] =	dma.local @!p0 [hbm:s0], s1  }
0x35e: {  	s0 =	simm.s32 @!p0 $0x9  }
0x35f: {  	_ =	swait.ge @!p0 [sflag:s0], s1  }
0x360: {  	s1 =	ssub.s32 @!p0 $0x0, s1;
	[sflag:s0] =	ssyncset.done @!p0 $0x0  }
0x361: {  	[sflag:s0] =	ssyncadd.s32 @!p0 s1  }
0x362: {  	[bflag:$0x3] =	sbarrier.arrive $0xFFFF  }
0x363: {  	_ =	shalt  }

</sc_bundles>
